<compile_context>
chip_gen: v7x
topology: tpu7x:2x2x1
jax: 0.10.2.dev20260603
libtpu: 0.0.44.dev20260713+nightly
codegen_flags: <defaults>
</compile_context>

<pallas_src>
import functools

import jax
import jax.numpy as jnp
from jax import lax
from jax.experimental import pallas as pl
from jax.experimental.pallas import tpu as pltpu
from jax.experimental.pallas import tpu_sc as plsc

NC, NS, L = 2, 16, 16
NW = NC * NS
G = 128


def _node_mlp_body(x_ref, w_ref, o_ref):
    o_ref[...] = jnp.dot(x_ref[...], w_ref[...],
                         preferred_element_type=jnp.float32)


def _node_mlp(p1, pp_w, block=2000):
    n, d = p1.shape
    return pl.pallas_call(
        _node_mlp_body,
        grid=(n // block,),
        in_specs=[pl.BlockSpec((block, d), lambda i: (i, 0)),
                  pl.BlockSpec((d, d), lambda i: (0, 0))],
        out_specs=pl.BlockSpec((block, d), lambda i: (i, 0)),
        out_shape=jax.ShapeDtypeStruct((n, d), jnp.float32),
    )(p1, pp_w)


def _wcomb_body(w4_ref, ii_ref, o_ref):
    o_ref[...] = jnp.dot(w4_ref[0], ii_ref[...],
                         preferred_element_type=jnp.float32
                         ).astype(jnp.bfloat16)


def _combined_weight(w4, ii_w):
    b, d, _ = w4.shape
    return pl.pallas_call(
        _wcomb_body,
        grid=(b,),
        in_specs=[pl.BlockSpec((1, d, d), lambda i: (i, 0, 0)),
                  pl.BlockSpec((d, d), lambda i: (0, 0))],
        out_specs=pl.BlockSpec((d, d), lambda i: (0, i)),
        out_shape=jax.ShapeDtypeStruct((d, b * d), jnp.bfloat16),
    )(w4, ii_w)


def _edge_mlp_body(nb, block, x_ref, basis_ref, w_ref, o_ref):
    d = x_ref.shape[1]
    y = jnp.dot(x_ref[...].astype(jnp.bfloat16), w_ref[...],
                preferred_element_type=jnp.float32)
    acc = y[:, 0:d] * basis_ref[:, 0:1]
    for b in range(1, nb):
        acc = acc + y[:, b * d:(b + 1) * d] * basis_ref[:, b:b + 1]
    o_ref[...] = acc


def _edge_mlp(x, basis, wcomb, block=8000):
    e, d = x.shape
    nb = basis.shape[1]
    return pl.pallas_call(
        functools.partial(_edge_mlp_body, nb, block),
        grid=(e // block,),
        in_specs=[pl.BlockSpec((block, d), lambda i: (i, 0)),
                  pl.BlockSpec((block, nb), lambda i: (i, 0)),
                  pl.BlockSpec((d, nb * d), lambda i: (0, 0))],
        out_specs=pl.BlockSpec((block, d), lambda i: (i, 0)),
        out_shape=jax.ShapeDtypeStruct((e, d), jnp.float32),
    )(x, basis, wcomb)


def _combine_body(k, p_ref, o_ref):
    acc = p_ref[0]
    for i in range(1, k):
        acc = acc + p_ref[i]
    o_ref[...] = acc


def _combine(parts, block=2000):
    k, n, d = parts.shape
    return pl.pallas_call(
        functools.partial(_combine_body, k),
        grid=(n // block,),
        in_specs=[pl.BlockSpec((k, block, d), lambda i: (0, i, 0))],
        out_specs=pl.BlockSpec((block, d), lambda i: (i, 0)),
        out_shape=jax.ShapeDtypeStruct((n, d), jnp.float32),
    )(parts)


def _gather_add(idx2, p):
    e = idx2.shape[1]
    n, d = p.shape
    ngroups = e // G
    tmain = ngroups // NW
    nrem = ngroups - tmain * NW
    T = tmain + 1
    T += (3 - (T - 4) % 3) % 3
    mesh = plsc.VectorSubcoreMesh(core_axis_name="c", subcore_axis_name="s")

    @functools.partial(
        pl.kernel,
        out_type=jax.ShapeDtypeStruct((e, d), jnp.float32),
        mesh=mesh,
        scratch_types=[
            pltpu.VMEM((3, 2, G), jnp.int32),
            pltpu.VMEM((3, G, d), jnp.float32),
            pltpu.VMEM((3, G, d), jnp.float32),
            [pltpu.SemaphoreType.DMA] * 3,
            [pltpu.SemaphoreType.DMA] * 3,
            [pltpu.SemaphoreType.DMA] * 3,
        ],
    )
    def gather_kernel(idx2_hbm, p_hbm, x_hbm, ib, ri, rj, s_ix, s_g, s_w):
        wid = lax.axis_index("s") * NC + lax.axis_index("c")

        def goff(u):
            gmain = wid + NW * jnp.minimum(u, tmain - 1)
            glast = jnp.where(wid < nrem, tmain * NW + wid, gmain)
            return jnp.where(u >= tmain, glast, gmain) * G

        def issue_idx(u, b):
            pltpu.async_copy(idx2_hbm.at[:, pl.ds(goff(u), G)],
                             ib.at[b], s_ix[b])

        def wait_idx(b):
            pltpu.make_async_copy(idx2_hbm.at[:, pl.ds(0, G)],
                                  ib.at[b], s_ix[b]).wait()

        def issue_gather(b):
            pltpu.async_copy(p_hbm.at[ib.at[b, 0]], ri.at[b], s_g[b])
            pltpu.async_copy(p_hbm.at[ib.at[b, 1]], rj.at[b], s_g[b])

        def wait_gather(b):
            pltpu.make_async_copy(p_hbm.at[ib.at[b, 0]],
                                  ri.at[b], s_g[b]).wait()
            pltpu.make_async_copy(p_hbm.at[ib.at[b, 1]],
                                  rj.at[b], s_g[b]).wait()

        def add_rows(b):
            def row(r, _):
                for q in range(d // L):
                    sl = pl.ds(q * L, L)
                    plsc.addupdate(ri.at[b, r, sl], rj[b, r, sl])
                return ()
            lax.fori_loop(0, G, row, (), unroll=2)

        def issue_write(u, b):
            pltpu.async_copy(ri.at[b], x_hbm.at[pl.ds(goff(u), G), :],
                             s_w[b])

        def wait_write(b):
            pltpu.make_async_copy(ri.at[b], x_hbm.at[pl.ds(0, G), :],
                                  s_w[b]).wait()

        def body(u, b):
            b2 = (b + 2) % 3
            wait_gather(b)
            issue_idx(u + 3, b)
            wait_write(b2)
            wait_idx(b2)
            issue_gather(b2)
            add_rows(b)
            issue_write(u, b)

        issue_idx(0, 0)
        issue_idx(1, 1)
        issue_idx(2, 2)
        wait_idx(0)
        issue_gather(0)
        wait_idx(1)
        issue_gather(1)
        wait_gather(0)
        issue_idx(3, 0)
        wait_idx(2)
        issue_gather(2)
        add_rows(0)
        issue_write(0, 0)
        wait_gather(1)
        issue_idx(4, 1)
        wait_write(0)
        wait_idx(0)
        issue_gather(0)
        add_rows(1)
        issue_write(1, 1)

        def triple(v, _):
            for i in (0, 1, 2):
                body(3 * v + 2 + i, (2 + i) % 3)
            return ()

        lax.fori_loop(0, (T - 4) // 3, triple, ())
        body(T - 2, (T - 2) % 3)
        body(T - 1, (T - 1) % 3)

        wait_gather(T % 3)
        wait_gather((T + 1) % 3)
        wait_idx((T + 2) % 3)
        wait_write((T - 1) % 3)

    return gather_kernel(idx2, p)


def _scatter_add(idx_i, i1, n):
    e, d = i1.shape
    ngroups = e // G
    tmain = ngroups // NW
    nrem = ngroups - tmain * NW
    RC = 80
    nrchunks = n // RC
    mesh = plsc.VectorSubcoreMesh(core_axis_name="c", subcore_axis_name="s")

    @functools.partial(
        pl.kernel,
        out_type=jax.ShapeDtypeStruct((NC, n, d), jnp.float32),
        mesh=mesh,
        scratch_types=[
            pltpu.VMEM((2, G), jnp.int32),
            pltpu.VMEM((2, G, d), jnp.float32),
            pltpu.VMEM_SHARED((n, d), jnp.float32),
            [pltpu.SemaphoreType.DMA] * 2,
        ],
    )
    def scatter_kernel(ii_hbm, i1_hbm, out_hbm, ib, rv, acc_sh, s_l):
        cid = lax.axis_index("c")
        sid = lax.axis_index("s")
        wid = sid * NC + cid

        def zrow(r, _):
            for q in range(d // L):
                rv[0, r, pl.ds(q * L, L)] = jnp.zeros((L,), jnp.float32)
            return ()

        lax.fori_loop(0, RC, zrow, ())
        nz = (nrchunks - sid + NS - 1) // NS

        def zchunk(t, _):
            roff = (sid + NS * t) * RC
            pltpu.sync_copy(rv.at[0, pl.ds(0, RC), :],
                            acc_sh.at[pl.ds(roff, RC), :])
            return ()

        lax.fori_loop(0, nz, zchunk, ())
        plsc.subcore_barrier()

        def goff(u):
            return (wid + NW * u) * G

        def issue_loads(u, b):
            pltpu.async_copy(ii_hbm.at[pl.ds(goff(u), G)], ib.at[b], s_l[b])
            pltpu.async_copy(i1_hbm.at[pl.ds(goff(u), G), :], rv.at[b],
                             s_l[b])

        def wait_loads(b):
            pltpu.make_async_copy(ii_hbm.at[pl.ds(0, G)],
                                  ib.at[b], s_l[b]).wait()
            pltpu.make_async_copy(i1_hbm.at[pl.ds(0, G), :],
                                  rv.at[b], s_l[b]).wait()

        def scat(b):
            pltpu.sync_copy(rv.at[b], acc_sh.at[ib.at[b]], add=True)

        issue_loads(0, 0)

        def pair(v, _):
            for b in (0, 1):
                u = 2 * v + b
                wait_loads(b)
                issue_loads(u + 1, 1 - b)
                scat(b)
            return ()

        lax.fori_loop(0, tmain // 2, pair, ())
        bl = (tmain - 1) % 2
        wait_loads(bl)
        scat(bl)

        @pl.when(wid < nrem)
        def _():
            off = (tmain * NW + wid) * G
            pltpu.sync_copy(ii_hbm.at[pl.ds(off, G)], ib.at[0])
            pltpu.async_copy(i1_hbm.at[pl.ds(off, G), :],
                             rv.at[0], s_l[0]).wait()
            pltpu.sync_copy(rv.at[0], acc_sh.at[ib.at[0]], add=True)

        plsc.subcore_barrier()

        def wchunk(t, _):
            roff = (sid + NS * t) * RC
            pltpu.sync_copy(acc_sh.at[pl.ds(roff, RC), :],
                            out_hbm.at[cid, pl.ds(roff, RC), :])
            return ()

        lax.fori_loop(0, nz, wchunk, ())

    return scatter_kernel(idx_i, i1)


def kernel(idx_i, idx_j, p1, basis, pp_w, pi_w, ii_w):
    n, d = p1.shape
    e = idx_i.shape[0]
    nb = basis.shape[1]
    idx_i = idx_i.astype(jnp.int32)
    idx_j = idx_j.astype(jnp.int32)
    idx2 = jnp.stack([idx_i, idx_j])

    p = _node_mlp(p1, pp_w)
    w4 = pi_w.reshape(d, d, nb).transpose(2, 0, 1)
    wcomb = _combined_weight(w4, ii_w)

    x = _gather_add(idx2, p)
    i1 = _edge_mlp(x, basis, wcomb)
    parts = _scatter_add(idx_i, i1, n)
    p_out = _combine(parts)
    return (p_out.reshape(n, 1, d), i1.reshape(e, 1, d))

# --- scband reference (transcript-rebuilt; emitter-appended) ---
"""Pipeline reference for scband-invar-layer-42039139893967 (READ-ONLY COPY).

The authoritative reference and input builder live on the scoring server;
editing this copy changes nothing except your own understanding.
"""

import jax, jax.numpy as jnp
import numpy as np


def _mlp(x, ws):
    # build_mlp: stack of bias-free Linear layers, tanh between layers (not on output)
    for w in ws[:-1]:
        x = jnp.tanh(x @ w)
    return x @ ws[-1]


def setup_inputs(seed: int = 0) -> dict:
    key = jax.random.key(seed)
    ks = jax.random.split(key, 7)
    N, E, D, B = 10000, 160000, 128, 4
    idx_i = jax.random.randint(ks[0], (E,), 0, N)
    idx_j = jax.random.randint(ks[1], (E,), 0, N)
    p1 = jax.random.normal(ks[2], (N, D), dtype=jnp.float32)
    basis = jax.random.normal(ks[3], (E, B), dtype=jnp.float32)
    s = 0.05
    pp_w = jax.random.normal(ks[4], (D, D), dtype=jnp.float32) * s   # PPLayer mlp: 128->128
    pi_w = jax.random.normal(ks[5], (D, D * B), dtype=jnp.float32) * s  # PILayer mlp: 128->512 (=128*4)
    ii_w = jax.random.normal(ks[6], (D, D), dtype=jnp.float32) * s   # IILayer mlp: 128->128
    return {"idx_i": idx_i, "idx_j": idx_j, "p1": p1, "basis": basis,
            "pp_w": pp_w, "pi_w": pi_w, "ii_w": ii_w}


def reference(idx_i, idx_j, p1, basis, pp_w, pi_w, ii_w):
    # PPLayer
    p = _mlp(p1, [pp_w])
    # PILayer: gather both endpoints, add, mlp, contract against radial basis
    prop_i = jnp.take(p, idx_i, axis=0)
    prop_j = jnp.take(p, idx_j, axis=0)
    inter = prop_i + prop_j
    inter = _mlp(inter, [pi_w])
    inter = jnp.einsum('pcb,pb->pc', inter.reshape(-1, prop_i.shape[-1], basis.shape[-1]), basis)
    i1 = inter[:, None, :]
    # IILayer
    i1 = _mlp(i1, [ii_w])
    # IPLayer: scatter_add over destination node index
    p_out = jax.ops.segment_sum(i1, idx_i, num_segments=p1.shape[0])
    return (p_out, i1)

if __name__ == "__main__":
    import jax
    _d = setup_inputs()
    print(jax.jit(kernel)(*tuple(_d.values())))

</pallas_src>

<mosaic_0001>
#map = affine_map<(d0, d1) -> (0, 0)>
module attributes {stable_mosaic.version = 14 : i64} {
  func.func @gather_kernel(%arg0: i32, %arg1: i32, %arg2: memref<2x160000xi32, #tpu.memory_space<hbm>>, %arg3: memref<10000x128xf32, #tpu.memory_space<hbm>>, %arg4: memref<160000x128xf32, #tpu.memory_space<hbm>>, %arg5: memref<3x2x128xi32, #tpu.memory_space<vmem>>, %arg6: memref<3x128x128xf32, #tpu.memory_space<vmem>>, %arg7: memref<3x128x128xf32, #tpu.memory_space<vmem>>, %arg8: memref<!tpu.dma_semaphore, #tpu.memory_space<semaphore_mem>>, %arg9: memref<!tpu.dma_semaphore, #tpu.memory_space<semaphore_mem>>, %arg10: memref<!tpu.dma_semaphore, #tpu.memory_space<semaphore_mem>>, %arg11: memref<!tpu.dma_semaphore, #tpu.memory_space<semaphore_mem>>, %arg12: memref<!tpu.dma_semaphore, #tpu.memory_space<semaphore_mem>>, %arg13: memref<!tpu.dma_semaphore, #tpu.memory_space<semaphore_mem>>, %arg14: memref<!tpu.dma_semaphore, #tpu.memory_space<semaphore_mem>>, %arg15: memref<!tpu.dma_semaphore, #tpu.memory_space<semaphore_mem>>, %arg16: memref<!tpu.dma_semaphore, #tpu.memory_space<semaphore_mem>>) attributes {dimension_semantics = [#tpu.dimension_semantics<core_parallel>, #tpu.dimension_semantics<subcore_parallel>], iteration_bounds = array<i64: 2, 16>, scalar_prefetch = 0 : i64, scratch_operands = 12 : i64, tpu.core_type = #tpu.core_type<sc_vector_subcore>, window_params = [{transform_indices = #map}, {transform_indices = #map}, {transform_indices = #map}]} {
    %mul3A = arith.constant 2 : i32
    %mul3A_0 = arith.muli %arg1, %mul3A : i32
    %add3A = arith.addi %mul3A_0, %arg0 : i32
    %min3A = arith.constant 0 : i32
    %min3A_1 = arith.constant 38 : i32
    %min3A_2 = arith.minsi %min3A, %min3A_1 : i32
    %mul3A_3 = arith.constant 32 : i32
    %mul3A_4 = arith.muli %mul3A_3, %min3A_2 : i32
    %add3A_5 = arith.addi %add3A, %mul3A_4 : i32
    %lt3A = arith.constant 2 : i32
    %lt3A_6 = arith.cmpi slt, %add3A, %lt3A : i32
    %add3A_7 = arith.constant 1248 : i32
    %add3A_8 = arith.addi %add3A_7, %add3A : i32
    %select_n3A = arith.select %lt3A_6, %add3A_8, %add3A_5 : i32
    %jit3A = arith.constant false
    %select_n3A_9 = arith.select %jit3A, %select_n3A, %add3A_5 : i32
    %mul3A_10 = arith.constant 128 : i32
    %mul3A_11 = arith.muli %select_n3A_9, %mul3A_10 : i32
    %dma_start3A = arith.constant 0 : i32
    %dma_start3A_12 = arith.constant 0 : i32
    %dma_start3A_13 = arith.constant 0 : i32
    %dma_start3A_14 = tpu.memref_slice %arg5[%dma_start3A, %dma_start3A_12, %dma_start3A_13] : memref<3x2x128xi32, #tpu.memory_space<vmem>> -> memref<1x2x128xi32, #tpu.memory_space<vmem>>
    %dma_start3A_15 = tpu.memref_squeeze %dma_start3A_14 : memref<1x2x128xi32, #tpu.memory_space<vmem>> -> memref<2x128xi32, #tpu.memory_space<vmem>>
    %dma_start3A_16 = arith.constant 0 : i32
    %dma_start3A_17 = tpu.memref_slice %arg2[%dma_start3A_16, %mul3A_11] : memref<2x160000xi32, #tpu.memory_space<hbm>> -> memref<2x128xi32, #tpu.memory_space<hbm>>
    %dma_start3A_18 = arith.constant 0 : i32
    %dma_start3A_19 = arith.constant 0 : i32
    %dma_start3A_20 = tpu.memref_slice %arg5[%dma_start3A, %dma_start3A_18, %dma_start3A_19] : memref<3x2x128xi32, #tpu.memory_space<vmem>> -> memref<1x2x128xi32, #tpu.memory_space<vmem>>
    %dma_start3A_21 = tpu.memref_squeeze %dma_start3A_20 : memref<1x2x128xi32, #tpu.memory_space<vmem>> -> memref<2x128xi32, #tpu.memory_space<vmem>>
    %dma_start3A_22 = arith.constant 0 : i32
    %dma_start3A_23 = tpu.memref_slice %arg2[%dma_start3A_22, %mul3A_11] : memref<2x160000xi32, #tpu.memory_space<hbm>> -> memref<2x128xi32, #tpu.memory_space<hbm>>
    tpu.enqueue_dma source(%dma_start3A_23 : memref<2x128xi32, #tpu.memory_space<hbm>>) target(%dma_start3A_21 : memref<2x128xi32, #tpu.memory_space<vmem>>) target_semaphore(%arg8 : memref<!tpu.dma_semaphore, #tpu.memory_space<semaphore_mem>>)
    %min3A_24 = arith.constant 1 : i32
    %min3A_25 = arith.constant 38 : i32
    %min3A_26 = arith.minsi %min3A_24, %min3A_25 : i32
    %mul3A_27 = arith.constant 32 : i32
    %mul3A_28 = arith.muli %mul3A_27, %min3A_26 : i32
    %add3A_29 = arith.addi %add3A, %mul3A_28 : i32
    %lt3A_30 = arith.constant 2 : i32
    %lt3A_31 = arith.cmpi slt, %add3A, %lt3A_30 : i32
    %add3A_32 = arith.constant 1248 : i32
    %add3A_33 = arith.addi %add3A_32, %add3A : i32
    %select_n3A_34 = arith.select %lt3A_31, %add3A_33, %add3A_29 : i32
    %jit3A_35 = arith.constant false
    %select_n3A_36 = arith.select %jit3A_35, %select_n3A_34, %add3A_29 : i32
    %mul3A_37 = arith.constant 128 : i32
    %mul3A_38 = arith.muli %select_n3A_36, %mul3A_37 : i32
    %dma_start3A_39 = arith.constant 1 : i32
    %dma_start3A_40 = arith.constant 0 : i32
    %dma_start3A_41 = arith.constant 0 : i32
    %dma_start3A_42 = tpu.memref_slice %arg5[%dma_start3A_39, %dma_start3A_40, %dma_start3A_41] : memref<3x2x128xi32, #tpu.memory_space<vmem>> -> memref<1x2x128xi32, #tpu.memory_space<vmem>>
    %dma_start3A_43 = tpu.memref_squeeze %dma_start3A_42 : memref<1x2x128xi32, #tpu.memory_space<vmem>> -> memref<2x128xi32, #tpu.memory_space<vmem>>
    %dma_start3A_44 = arith.constant 0 : i32
    %dma_start3A_45 = tpu.memref_slice %arg2[%dma_start3A_44, %mul3A_38] : memref<2x160000xi32, #tpu.memory_space<hbm>> -> memref<2x128xi32, #tpu.memory_space<hbm>>
    %dma_start3A_46 = arith.constant 0 : i32
    %dma_start3A_47 = arith.constant 0 : i32
    %dma_start3A_48 = tpu.memref_slice %arg5[%dma_start3A_39, %dma_start3A_46, %dma_start3A_47] : memref<3x2x128xi32, #tpu.memory_space<vmem>> -> memref<1x2x128xi32, #tpu.memory_space<vmem>>
    %dma_start3A_49 = tpu.memref_squeeze %dma_start3A_48 : memref<1x2x128xi32, #tpu.memory_space<vmem>> -> memref<2x128xi32, #tpu.memory_space<vmem>>
    %dma_start3A_50 = arith.constant 0 : i32
    %dma_start3A_51 = tpu.memref_slice %arg2[%dma_start3A_50, %mul3A_38] : memref<2x160000xi32, #tpu.memory_space<hbm>> -> memref<2x128xi32, #tpu.memory_space<hbm>>
    tpu.enqueue_dma source(%dma_start3A_51 : memref<2x128xi32, #tpu.memory_space<hbm>>) target(%dma_start3A_49 : memref<2x128xi32, #tpu.memory_space<vmem>>) target_semaphore(%arg9 : memref<!tpu.dma_semaphore, #tpu.memory_space<semaphore_mem>>)
    %min3A_52 = arith.constant 2 : i32
    %min3A_53 = arith.constant 38 : i32
    %min3A_54 = arith.minsi %min3A_52, %min3A_53 : i32
    %mul3A_55 = arith.constant 32 : i32
    %mul3A_56 = arith.muli %mul3A_55, %min3A_54 : i32
    %add3A_57 = arith.addi %add3A, %mul3A_56 : i32
    %lt3A_58 = arith.constant 2 : i32
    %lt3A_59 = arith.cmpi slt, %add3A, %lt3A_58 : i32
    %add3A_60 = arith.constant 1248 : i32
    %add3A_61 = arith.addi %add3A_60, %add3A : i32
    %select_n3A_62 = arith.select %lt3A_59, %add3A_61, %add3A_57 : i32
    %jit3A_63 = arith.constant false
    %select_n3A_64 = arith.select %jit3A_63, %select_n3A_62, %add3A_57 : i32
    %mul3A_65 = arith.constant 128 : i32
    %mul3A_66 = arith.muli %select_n3A_64, %mul3A_65 : i32
    %dma_start3A_67 = arith.constant 2 : i32
    %dma_start3A_68 = arith.constant 0 : i32
    %dma_start3A_69 = arith.constant 0 : i32
    %dma_start3A_70 = tpu.memref_slice %arg5[%dma_start3A_67, %dma_start3A_68, %dma_start3A_69] : memref<3x2x128xi32, #tpu.memory_space<vmem>> -> memref<1x2x128xi32, #tpu.memory_space<vmem>>
    %dma_start3A_71 = tpu.memref_squeeze %dma_start3A_70 : memref<1x2x128xi32, #tpu.memory_space<vmem>> -> memref<2x128xi32, #tpu.memory_space<vmem>>
    %dma_start3A_72 = arith.constant 0 : i32
    %dma_start3A_73 = tpu.memref_slice %arg2[%dma_start3A_72, %mul3A_66] : memref<2x160000xi32, #tpu.memory_space<hbm>> -> memref<2x128xi32, #tpu.memory_space<hbm>>
    %dma_start3A_74 = arith.constant 0 : i32
    %dma_start3A_75 = arith.constant 0 : i32
    %dma_start3A_76 = tpu.memref_slice %arg5[%dma_start3A_67, %dma_start3A_74, %dma_start3A_75] : memref<3x2x128xi32, #tpu.memory_space<vmem>> -> memref<1x2x128xi32, #tpu.memory_space<vmem>>
    %dma_start3A_77 = tpu.memref_squeeze %dma_start3A_76 : memref<1x2x128xi32, #tpu.memory_space<vmem>> -> memref<2x128xi32, #tpu.memory_space<vmem>>
    %dma_start3A_78 = arith.constant 0 : i32
    %dma_start3A_79 = tpu.memref_slice %arg2[%dma_start3A_78, %mul3A_66] : memref<2x160000xi32, #tpu.memory_space<hbm>> -> memref<2x128xi32, #tpu.memory_space<hbm>>
    tpu.enqueue_dma source(%dma_start3A_79 : memref<2x128xi32, #tpu.memory_space<hbm>>) target(%dma_start3A_77 : memref<2x128xi32, #tpu.memory_space<vmem>>) target_semaphore(%arg10 : memref<!tpu.dma_semaphore, #tpu.memory_space<semaphore_mem>>)
    %dma_wait3A = arith.constant 0 : i32
    %dma_wait3A_80 = arith.constant 0 : i32
    %dma_wait3A_81 = arith.constant 0 : i32
    %dma_wait3A_82 = tpu.memref_slice %arg5[%dma_wait3A, %dma_wait3A_80, %dma_wait3A_81] : memref<3x2x128xi32, #tpu.memory_space<vmem>> -> memref<1x2x128xi32, #tpu.memory_space<vmem>>
    %dma_wait3A_83 = tpu.memref_squeeze %dma_wait3A_82 : memref<1x2x128xi32, #tpu.memory_space<vmem>> -> memref<2x128xi32, #tpu.memory_space<vmem>>
    %dma_wait3A_84 = arith.constant 0 : i32
    %dma_wait3A_85 = arith.constant 0 : i32
    %dma_wait3A_86 = tpu.memref_slice %arg2[%dma_wait3A_84, %dma_wait3A_85] : memref<2x160000xi32, #tpu.memory_space<hbm>> -> memref<2x128xi32, #tpu.memory_space<hbm>>
    %dma_wait3A_87 = arith.constant 0 : i32
    %dma_wait3A_88 = arith.constant 0 : i32
    %dma_wait3A_89 = tpu.memref_slice %arg5[%dma_wait3A, %dma_wait3A_87, %dma_wait3A_88] : memref<3x2x128xi32, #tpu.memory_space<vmem>> -> memref<1x2x128xi32, #tpu.memory_space<vmem>>
    %dma_wait3A_90 = tpu.memref_squeeze %dma_wait3A_89 : memref<1x2x128xi32, #tpu.memory_space<vmem>> -> memref<2x128xi32, #tpu.memory_space<vmem>>
    %dma_wait3A_91 = arith.constant 0 : i32
    %dma_wait3A_92 = arith.constant 0 : i32
    %dma_wait3A_93 = tpu.memref_slice %arg2[%dma_wait3A_91, %dma_wait3A_92] : memref<2x160000xi32, #tpu.memory_space<hbm>> -> memref<2x128xi32, #tpu.memory_space<hbm>>
    tpu.wait_dma2 semaphore(%arg8 : memref<!tpu.dma_semaphore, #tpu.memory_space<semaphore_mem>>) src(%dma_wait3A_93 : memref<2x128xi32, #tpu.memory_space<hbm>>) dst(%dma_wait3A_90 : memref<2x128xi32, #tpu.memory_space<vmem>>)
    %dma_start3A_94 = arith.constant 0 : i32
    %dma_start3A_95 = arith.constant 0 : i32
    %dma_start3A_96 = arith.constant 0 : i32
    %dma_start3A_97 = arith.constant 0 : i32
    %dma_start3A_98 = arith.constant 0 : i32
    %dma_start3A_99 = tpu.memref_slice %arg6[%dma_start3A_96, %dma_start3A_97, %dma_start3A_98] : memref<3x128x128xf32, #tpu.memory_space<vmem>> -> memref<1x128x128xf32, #tpu.memory_space<vmem>>
    %dma_start3A_100 = tpu.memref_squeeze %dma_start3A_99 : memref<1x128x128xf32, #tpu.memory_space<vmem>> -> memref<128x128xf32, #tpu.memory_space<vmem>>
    %dma_start3A_101 = arith.constant 0 : i32
    %dma_start3A_102 = tpu.memref_slice %arg5[%dma_start3A_94, %dma_start3A_95, %dma_start3A_101] : memref<3x2x128xi32, #tpu.memory_space<vmem>> -> memref<1x1x128xi32, #tpu.memory_space<vmem>>
    %dma_start3A_103 = tpu.memref_squeeze %dma_start3A_102 : memref<1x1x128xi32, #tpu.memory_space<vmem>> -> memref<128xi32, #tpu.memory_space<vmem>>
    %dma_start3A_104 = arith.constant 0 : i32
    %dma_start3A_105 = arith.constant 0 : i32
    %dma_start3A_106 = tpu.memref_slice %arg3[%dma_start3A_104, %dma_start3A_105] : memref<10000x128xf32, #tpu.memory_space<hbm>> -> memref<10000x128xf32, #tpu.memory_space<hbm>>
    tpu.enqueue_indirect_dma source(%dma_start3A_106 : memref<10000x128xf32, #tpu.memory_space<hbm>>) target(%dma_start3A_100 : memref<128x128xf32, #tpu.memory_space<vmem>>) offsets(%dma_start3A_103 : memref<128xi32, #tpu.memory_space<vmem>>) semaphore(%arg11 : memref<!tpu.dma_semaphore, #tpu.memory_space<semaphore_mem>>)
    %dma_start3A_107 = arith.constant 0 : i32
    %dma_start3A_108 = arith.constant 1 : i32
    %dma_start3A_109 = arith.constant 0 : i32
    %dma_start3A_110 = arith.constant 0 : i32
    %dma_start3A_111 = arith.constant 0 : i32
    %dma_start3A_112 = tpu.memref_slice %arg7[%dma_start3A_109, %dma_start3A_110, %dma_start3A_111] : memref<3x128x128xf32, #tpu.memory_space<vmem>> -> memref<1x128x128xf32, #tpu.memory_space<vmem>>
    %dma_start3A_113 = tpu.memref_squeeze %dma_start3A_112 : memref<1x128x128xf32, #tpu.memory_space<vmem>> -> memref<128x128xf32, #tpu.memory_space<vmem>>
    %dma_start3A_114 = arith.constant 0 : i32
    %dma_start3A_115 = tpu.memref_slice %arg5[%dma_start3A_107, %dma_start3A_108, %dma_start3A_114] : memref<3x2x128xi32, #tpu.memory_space<vmem>> -> memref<1x1x128xi32, #tpu.memory_space<vmem>>
    %dma_start3A_116 = tpu.memref_squeeze %dma_start3A_115 : memref<1x1x128xi32, #tpu.memory_space<vmem>> -> memref<128xi32, #tpu.memory_space<vmem>>
    %dma_start3A_117 = arith.constant 0 : i32
    %dma_start3A_118 = arith.constant 0 : i32
    %dma_start3A_119 = tpu.memref_slice %arg3[%dma_start3A_117, %dma_start3A_118] : memref<10000x128xf32, #tpu.memory_space<hbm>> -> memref<10000x128xf32, #tpu.memory_space<hbm>>
    tpu.enqueue_indirect_dma source(%dma_start3A_119 : memref<10000x128xf32, #tpu.memory_space<hbm>>) target(%dma_start3A_113 : memref<128x128xf32, #tpu.memory_space<vmem>>) offsets(%dma_start3A_116 : memref<128xi32, #tpu.memory_space<vmem>>) semaphore(%arg11 : memref<!tpu.dma_semaphore, #tpu.memory_space<semaphore_mem>>)
    %dma_wait3A_120 = arith.constant 1 : i32
    %dma_wait3A_121 = arith.constant 0 : i32
    %dma_wait3A_122 = arith.constant 0 : i32
    %dma_wait3A_123 = tpu.memref_slice %arg5[%dma_wait3A_120, %dma_wait3A_121, %dma_wait3A_122] : memref<3x2x128xi32, #tpu.memory_space<vmem>> -> memref<1x2x128xi32, #tpu.memory_space<vmem>>
    %dma_wait3A_124 = tpu.memref_squeeze %dma_wait3A_123 : memref<1x2x128xi32, #tpu.memory_space<vmem>> -> memref<2x128xi32, #tpu.memory_space<vmem>>
    %dma_wait3A_125 = arith.constant 0 : i32
    %dma_wait3A_126 = arith.constant 0 : i32
    %dma_wait3A_127 = tpu.memref_slice %arg2[%dma_wait3A_125, %dma_wait3A_126] : memref<2x160000xi32, #tpu.memory_space<hbm>> -> memref<2x128xi32, #tpu.memory_space<hbm>>
    %dma_wait3A_128 = arith.constant 0 : i32
    %dma_wait3A_129 = arith.constant 0 : i32
    %dma_wait3A_130 = tpu.memref_slice %arg5[%dma_wait3A_120, %dma_wait3A_128, %dma_wait3A_129] : memref<3x2x128xi32, #tpu.memory_space<vmem>> -> memref<1x2x128xi32, #tpu.memory_space<vmem>>
    %dma_wait3A_131 = tpu.memref_squeeze %dma_wait3A_130 : memref<1x2x128xi32, #tpu.memory_space<vmem>> -> memref<2x128xi32, #tpu.memory_space<vmem>>
    %dma_wait3A_132 = arith.constant 0 : i32
    %dma_wait3A_133 = arith.constant 0 : i32
    %dma_wait3A_134 = tpu.memref_slice %arg2[%dma_wait3A_132, %dma_wait3A_133] : memref<2x160000xi32, #tpu.memory_space<hbm>> -> memref<2x128xi32, #tpu.memory_space<hbm>>
    tpu.wait_dma2 semaphore(%arg9 : memref<!tpu.dma_semaphore, #tpu.memory_space<semaphore_mem>>) src(%dma_wait3A_134 : memref<2x128xi32, #tpu.memory_space<hbm>>) dst(%dma_wait3A_131 : memref<2x128xi32, #tpu.memory_space<vmem>>)
    %dma_start3A_135 = arith.constant 1 : i32
    %dma_start3A_136 = arith.constant 0 : i32
    %dma_start3A_137 = arith.constant 1 : i32
    %dma_start3A_138 = arith.constant 0 : i32
    %dma_start3A_139 = arith.constant 0 : i32
    %dma_start3A_140 = tpu.memref_slice %arg6[%dma_start3A_137, %dma_start3A_138, %dma_start3A_139] : memref<3x128x128xf32, #tpu.memory_space<vmem>> -> memref<1x128x128xf32, #tpu.memory_space<vmem>>
    %dma_start3A_141 = tpu.memref_squeeze %dma_start3A_140 : memref<1x128x128xf32, #tpu.memory_space<vmem>> -> memref<128x128xf32, #tpu.memory_space<vmem>>
    %dma_start3A_142 = arith.constant 0 : i32
    %dma_start3A_143 = tpu.memref_slice %arg5[%dma_start3A_135, %dma_start3A_136, %dma_start3A_142] : memref<3x2x128xi32, #tpu.memory_space<vmem>> -> memref<1x1x128xi32, #tpu.memory_space<vmem>>
    %dma_start3A_144 = tpu.memref_squeeze %dma_start3A_143 : memref<1x1x128xi32, #tpu.memory_space<vmem>> -> memref<128xi32, #tpu.memory_space<vmem>>
    %dma_start3A_145 = arith.constant 0 : i32
    %dma_start3A_146 = arith.constant 0 : i32
    %dma_start3A_147 = tpu.memref_slice %arg3[%dma_start3A_145, %dma_start3A_146] : memref<10000x128xf32, #tpu.memory_space<hbm>> -> memref<10000x128xf32, #tpu.memory_space<hbm>>
    tpu.enqueue_indirect_dma source(%dma_start3A_147 : memref<10000x128xf32, #tpu.memory_space<hbm>>) target(%dma_start3A_141 : memref<128x128xf32, #tpu.memory_space<vmem>>) offsets(%dma_start3A_144 : memref<128xi32, #tpu.memory_space<vmem>>) semaphore(%arg12 : memref<!tpu.dma_semaphore, #tpu.memory_space<semaphore_mem>>)
    %dma_start3A_148 = arith.constant 1 : i32
    %dma_start3A_149 = arith.constant 1 : i32
    %dma_start3A_150 = arith.constant 1 : i32
    %dma_start3A_151 = arith.constant 0 : i32
    %dma_start3A_152 = arith.constant 0 : i32
    %dma_start3A_153 = tpu.memref_slice %arg7[%dma_start3A_150, %dma_start3A_151, %dma_start3A_152] : memref<3x128x128xf32, #tpu.memory_space<vmem>> -> memref<1x128x128xf32, #tpu.memory_space<vmem>>
    %dma_start3A_154 = tpu.memref_squeeze %dma_start3A_153 : memref<1x128x128xf32, #tpu.memory_space<vmem>> -> memref<128x128xf32, #tpu.memory_space<vmem>>
    %dma_start3A_155 = arith.constant 0 : i32
    %dma_start3A_156 = tpu.memref_slice %arg5[%dma_start3A_148, %dma_start3A_149, %dma_start3A_155] : memref<3x2x128xi32, #tpu.memory_space<vmem>> -> memref<1x1x128xi32, #tpu.memory_space<vmem>>
    %dma_start3A_157 = tpu.memref_squeeze %dma_start3A_156 : memref<1x1x128xi32, #tpu.memory_space<vmem>> -> memref<128xi32, #tpu.memory_space<vmem>>
    %dma_start3A_158 = arith.constant 0 : i32
    %dma_start3A_159 = arith.constant 0 : i32
    %dma_start3A_160 = tpu.memref_slice %arg3[%dma_start3A_158, %dma_start3A_159] : memref<10000x128xf32, #tpu.memory_space<hbm>> -> memref<10000x128xf32, #tpu.memory_space<hbm>>
    tpu.enqueue_indirect_dma source(%dma_start3A_160 : memref<10000x128xf32, #tpu.memory_space<hbm>>) target(%dma_start3A_154 : memref<128x128xf32, #tpu.memory_space<vmem>>) offsets(%dma_start3A_157 : memref<128xi32, #tpu.memory_space<vmem>>) semaphore(%arg12 : memref<!tpu.dma_semaphore, #tpu.memory_space<semaphore_mem>>)
    %dma_wait3A_161 = arith.constant 0 : i32
    %dma_wait3A_162 = arith.constant 0 : i32
    %dma_wait3A_163 = arith.constant 0 : i32
    %dma_wait3A_164 = arith.constant 0 : i32
    %dma_wait3A_165 = arith.constant 0 : i32
    %dma_wait3A_166 = tpu.memref_slice %arg6[%dma_wait3A_163, %dma_wait3A_164, %dma_wait3A_165] : memref<3x128x128xf32, #tpu.memory_space<vmem>> -> memref<1x128x128xf32, #tpu.memory_space<vmem>>
    %dma_wait3A_167 = tpu.memref_squeeze %dma_wait3A_166 : memref<1x128x128xf32, #tpu.memory_space<vmem>> -> memref<128x128xf32, #tpu.memory_space<vmem>>
    %dma_wait3A_168 = arith.constant 0 : i32
    %dma_wait3A_169 = tpu.memref_slice %arg5[%dma_wait3A_161, %dma_wait3A_162, %dma_wait3A_168] : memref<3x2x128xi32, #tpu.memory_space<vmem>> -> memref<1x1x128xi32, #tpu.memory_space<vmem>>
    %dma_wait3A_170 = tpu.memref_squeeze %dma_wait3A_169 : memref<1x1x128xi32, #tpu.memory_space<vmem>> -> memref<128xi32, #tpu.memory_space<vmem>>
    %dma_wait3A_171 = arith.constant 0 : i32
    %dma_wait3A_172 = arith.constant 0 : i32
    %dma_wait3A_173 = tpu.memref_slice %arg3[%dma_wait3A_171, %dma_wait3A_172] : memref<10000x128xf32, #tpu.memory_space<hbm>> -> memref<10000x128xf32, #tpu.memory_space<hbm>>
    tpu.wait_indirect_dma semaphore(%arg11 : memref<!tpu.dma_semaphore, #tpu.memory_space<semaphore_mem>>) src(%dma_wait3A_173 : memref<10000x128xf32, #tpu.memory_space<hbm>>) dst(%dma_wait3A_167 : memref<128x128xf32, #tpu.memory_space<vmem>>)
    %dma_wait3A_174 = arith.constant 0 : i32
    %dma_wait3A_175 = arith.constant 1 : i32
    %dma_wait3A_176 = arith.constant 0 : i32
    %dma_wait3A_177 = arith.constant 0 : i32
    %dma_wait3A_178 = arith.constant 0 : i32
    %dma_wait3A_179 = tpu.memref_slice %arg7[%dma_wait3A_176, %dma_wait3A_177, %dma_wait3A_178] : memref<3x128x128xf32, #tpu.memory_space<vmem>> -> memref<1x128x128xf32, #tpu.memory_space<vmem>>
    %dma_wait3A_180 = tpu.memref_squeeze %dma_wait3A_179 : memref<1x128x128xf32, #tpu.memory_space<vmem>> -> memref<128x128xf32, #tpu.memory_space<vmem>>
    %dma_wait3A_181 = arith.constant 0 : i32
    %dma_wait3A_182 = tpu.memref_slice %arg5[%dma_wait3A_174, %dma_wait3A_175, %dma_wait3A_181] : memref<3x2x128xi32, #tpu.memory_space<vmem>> -> memref<1x1x128xi32, #tpu.memory_space<vmem>>
    %dma_wait3A_183 = tpu.memref_squeeze %dma_wait3A_182 : memref<1x1x128xi32, #tpu.memory_space<vmem>> -> memref<128xi32, #tpu.memory_space<vmem>>
    %dma_wait3A_184 = arith.constant 0 : i32
    %dma_wait3A_185 = arith.constant 0 : i32
    %dma_wait3A_186 = tpu.memref_slice %arg3[%dma_wait3A_184, %dma_wait3A_185] : memref<10000x128xf32, #tpu.memory_space<hbm>> -> memref<10000x128xf32, #tpu.memory_space<hbm>>
    tpu.wait_indirect_dma semaphore(%arg11 : memref<!tpu.dma_semaphore, #tpu.memory_space<semaphore_mem>>) src(%dma_wait3A_186 : memref<10000x128xf32, #tpu.memory_space<hbm>>) dst(%dma_wait3A_180 : memref<128x128xf32, #tpu.memory_space<vmem>>)
    %min3A_187 = arith.constant 3 : i32
    %min3A_188 = arith.constant 38 : i32
    %min3A_189 = arith.minsi %min3A_187, %min3A_188 : i32
    %mul3A_190 = arith.constant 32 : i32
    %mul3A_191 = arith.muli %mul3A_190, %min3A_189 : i32
    %add3A_192 = arith.addi %add3A, %mul3A_191 : i32
    %lt3A_193 = arith.constant 2 : i32
    %lt3A_194 = arith.cmpi slt, %add3A, %lt3A_193 : i32
    %add3A_195 = arith.constant 1248 : i32
    %add3A_196 = arith.addi %add3A_195, %add3A : i32
    %select_n3A_197 = arith.select %lt3A_194, %add3A_196, %add3A_192 : i32
    %jit3A_198 = arith.constant false
    %select_n3A_199 = arith.select %jit3A_198, %select_n3A_197, %add3A_192 : i32
    %mul3A_200 = arith.constant 128 : i32
    %mul3A_201 = arith.muli %select_n3A_199, %mul3A_200 : i32
    %dma_start3A_202 = arith.constant 0 : i32
    %dma_start3A_203 = arith.constant 0 : i32
    %dma_start3A_204 = arith.constant 0 : i32
    %dma_start3A_205 = tpu.memref_slice %arg5[%dma_start3A_202, %dma_start3A_203, %dma_start3A_204] : memref<3x2x128xi32, #tpu.memory_space<vmem>> -> memref<1x2x128xi32, #tpu.memory_space<vmem>>
    %dma_start3A_206 = tpu.memref_squeeze %dma_start3A_205 : memref<1x2x128xi32, #tpu.memory_space<vmem>> -> memref<2x128xi32, #tpu.memory_space<vmem>>
    %dma_start3A_207 = arith.constant 0 : i32
    %dma_start3A_208 = tpu.memref_slice %arg2[%dma_start3A_207, %mul3A_201] : memref<2x160000xi32, #tpu.memory_space<hbm>> -> memref<2x128xi32, #tpu.memory_space<hbm>>
    %dma_start3A_209 = arith.constant 0 : i32
    %dma_start3A_210 = arith.constant 0 : i32
    %dma_start3A_211 = tpu.memref_slice %arg5[%dma_start3A_202, %dma_start3A_209, %dma_start3A_210] : memref<3x2x128xi32, #tpu.memory_space<vmem>> -> memref<1x2x128xi32, #tpu.memory_space<vmem>>
    %dma_start3A_212 = tpu.memref_squeeze %dma_start3A_211 : memref<1x2x128xi32, #tpu.memory_space<vmem>> -> memref<2x128xi32, #tpu.memory_space<vmem>>
    %dma_start3A_213 = arith.constant 0 : i32
    %dma_start3A_214 = tpu.memref_slice %arg2[%dma_start3A_213, %mul3A_201] : memref<2x160000xi32, #tpu.memory_space<hbm>> -> memref<2x128xi32, #tpu.memory_space<hbm>>
    tpu.enqueue_dma source(%dma_start3A_214 : memref<2x128xi32, #tpu.memory_space<hbm>>) target(%dma_start3A_212 : memref<2x128xi32, #tpu.memory_space<vmem>>) target_semaphore(%arg8 : memref<!tpu.dma_semaphore, #tpu.memory_space<semaphore_mem>>)
    %dma_wait3A_215 = arith.constant 2 : i32
    %dma_wait3A_216 = arith.constant 0 : i32
    %dma_wait3A_217 = arith.constant 0 : i32
    %dma_wait3A_218 = tpu.memref_slice %arg5[%dma_wait3A_215, %dma_wait3A_216, %dma_wait3A_217] : memref<3x2x128xi32, #tpu.memory_space<vmem>> -> memref<1x2x128xi32, #tpu.memory_space<vmem>>
    %dma_wait3A_219 = tpu.memref_squeeze %dma_wait3A_218 : memref<1x2x128xi32, #tpu.memory_space<vmem>> -> memref<2x128xi32, #tpu.memory_space<vmem>>
    %dma_wait3A_220 = arith.constant 0 : i32
    %dma_wait3A_221 = arith.constant 0 : i32
    %dma_wait3A_222 = tpu.memref_slice %arg2[%dma_wait3A_220, %dma_wait3A_221] : memref<2x160000xi32, #tpu.memory_space<hbm>> -> memref<2x128xi32, #tpu.memory_space<hbm>>
    %dma_wait3A_223 = arith.constant 0 : i32
    %dma_wait3A_224 = arith.constant 0 : i32
    %dma_wait3A_225 = tpu.memref_slice %arg5[%dma_wait3A_215, %dma_wait3A_223, %dma_wait3A_224] : memref<3x2x128xi32, #tpu.memory_space<vmem>> -> memref<1x2x128xi32, #tpu.memory_space<vmem>>
    %dma_wait3A_226 = tpu.memref_squeeze %dma_wait3A_225 : memref<1x2x128xi32, #tpu.memory_space<vmem>> -> memref<2x128xi32, #tpu.memory_space<vmem>>
    %dma_wait3A_227 = arith.constant 0 : i32
    %dma_wait3A_228 = arith.constant 0 : i32
    %dma_wait3A_229 = tpu.memref_slice %arg2[%dma_wait3A_227, %dma_wait3A_228] : memref<2x160000xi32, #tpu.memory_space<hbm>> -> memref<2x128xi32, #tpu.memory_space<hbm>>
    tpu.wait_dma2 semaphore(%arg10 : memref<!tpu.dma_semaphore, #tpu.memory_space<semaphore_mem>>) src(%dma_wait3A_229 : memref<2x128xi32, #tpu.memory_space<hbm>>) dst(%dma_wait3A_226 : memref<2x128xi32, #tpu.memory_space<vmem>>)
    %dma_start3A_230 = arith.constant 2 : i32
    %dma_start3A_231 = arith.constant 0 : i32
    %dma_start3A_232 = arith.constant 2 : i32
    %dma_start3A_233 = arith.constant 0 : i32
    %dma_start3A_234 = arith.constant 0 : i32
    %dma_start3A_235 = tpu.memref_slice %arg6[%dma_start3A_232, %dma_start3A_233, %dma_start3A_234] : memref<3x128x128xf32, #tpu.memory_space<vmem>> -> memref<1x128x128xf32, #tpu.memory_space<vmem>>
    %dma_start3A_236 = tpu.memref_squeeze %dma_start3A_235 : memref<1x128x128xf32, #tpu.memory_space<vmem>> -> memref<128x128xf32, #tpu.memory_space<vmem>>
    %dma_start3A_237 = arith.constant 0 : i32
    %dma_start3A_238 = tpu.memref_slice %arg5[%dma_start3A_230, %dma_start3A_231, %dma_start3A_237] : memref<3x2x128xi32, #tpu.memory_space<vmem>> -> memref<1x1x128xi32, #tpu.memory_space<vmem>>
    %dma_start3A_239 = tpu.memref_squeeze %dma_start3A_238 : memref<1x1x128xi32, #tpu.memory_space<vmem>> -> memref<128xi32, #tpu.memory_space<vmem>>
    %dma_start3A_240 = arith.constant 0 : i32
    %dma_start3A_241 = arith.constant 0 : i32
    %dma_start3A_242 = tpu.memref_slice %arg3[%dma_start3A_240, %dma_start3A_241] : memref<10000x128xf32, #tpu.memory_space<hbm>> -> memref<10000x128xf32, #tpu.memory_space<hbm>>
    tpu.enqueue_indirect_dma source(%dma_start3A_242 : memref<10000x128xf32, #tpu.memory_space<hbm>>) target(%dma_start3A_236 : memref<128x128xf32, #tpu.memory_space<vmem>>) offsets(%dma_start3A_239 : memref<128xi32, #tpu.memory_space<vmem>>) semaphore(%arg13 : memref<!tpu.dma_semaphore, #tpu.memory_space<semaphore_mem>>)
    %dma_start3A_243 = arith.constant 2 : i32
    %dma_start3A_244 = arith.constant 1 : i32
    %dma_start3A_245 = arith.constant 2 : i32
    %dma_start3A_246 = arith.constant 0 : i32
    %dma_start3A_247 = arith.constant 0 : i32
    %dma_start3A_248 = tpu.memref_slice %arg7[%dma_start3A_245, %dma_start3A_246, %dma_start3A_247] : memref<3x128x128xf32, #tpu.memory_space<vmem>> -> memref<1x128x128xf32, #tpu.memory_space<vmem>>
    %dma_start3A_249 = tpu.memref_squeeze %dma_start3A_248 : memref<1x128x128xf32, #tpu.memory_space<vmem>> -> memref<128x128xf32, #tpu.memory_space<vmem>>
    %dma_start3A_250 = arith.constant 0 : i32
    %dma_start3A_251 = tpu.memref_slice %arg5[%dma_start3A_243, %dma_start3A_244, %dma_start3A_250] : memref<3x2x128xi32, #tpu.memory_space<vmem>> -> memref<1x1x128xi32, #tpu.memory_space<vmem>>
    %dma_start3A_252 = tpu.memref_squeeze %dma_start3A_251 : memref<1x1x128xi32, #tpu.memory_space<vmem>> -> memref<128xi32, #tpu.memory_space<vmem>>
    %dma_start3A_253 = arith.constant 0 : i32
    %dma_start3A_254 = arith.constant 0 : i32
    %dma_start3A_255 = tpu.memref_slice %arg3[%dma_start3A_253, %dma_start3A_254] : memref<10000x128xf32, #tpu.memory_space<hbm>> -> memref<10000x128xf32, #tpu.memory_space<hbm>>
    tpu.enqueue_indirect_dma source(%dma_start3A_255 : memref<10000x128xf32, #tpu.memory_space<hbm>>) target(%dma_start3A_249 : memref<128x128xf32, #tpu.memory_space<vmem>>) offsets(%dma_start3A_252 : memref<128xi32, #tpu.memory_space<vmem>>) semaphore(%arg13 : memref<!tpu.dma_semaphore, #tpu.memory_space<semaphore_mem>>)
    %scan3A = arith.constant 0 : i32
    %scan3A_256 = arith.constant 128 : i32
    %scan3A_257 = arith.addi %scan3A, %scan3A_256 : i32
    %scan3A_258 = arith.constant 2 : i32
    scf.for %scan3A_804 = %scan3A to %scan3A_257 step %scan3A_258  : i32 {
      %get3A = arith.constant 0 : i32
      %get3A_805 = arith.index_cast %get3A : i32 to index
      %get3A_806 = arith.index_cast %scan3A_804 : i32 to index
      %get3A_807 = arith.constant 0 : index
      %get3A_808 = tpu.vector_load %arg7[%get3A_805, %get3A_806, %get3A_807] {strides = array<i32>} : memref<3x128x128xf32, #tpu.memory_space<vmem>>, vector<1x1x16xf32>,
      %get3A_809 = vector.shape_cast %get3A_808 : vector<1x1x16xf32> to vector<16xf32>
      %swap3A = arith.constant 0 : i32
      %swap3A_810 = arith.index_cast %swap3A : i32 to index
      %swap3A_811 = arith.index_cast %scan3A_804 : i32 to index
      %swap3A_812 = arith.constant 0 : index
      %swap3A_813 = tpu.vector_load %arg6[%swap3A_810, %swap3A_811, %swap3A_812] {strides = array<i32>} : memref<3x128x128xf32, #tpu.memory_space<vmem>>, vector<1x1x16xf32>,
      %swap3A_814 = vector.shape_cast %swap3A_813 : vector<1x1x16xf32> to vector<16xf32>
      %swap3A_815 = vector.shape_cast %get3A_809 : vector<16xf32> to vector<1x1x16xf32>
      tpu.vector_store %arg6[%swap3A_810, %swap3A_811, %swap3A_812], %swap3A_815 {add = true, strides = array<i32>} : memref<3x128x128xf32, #tpu.memory_space<vmem>>, vector<1x1x16xf32>,
      %get3A_816 = arith.constant 0 : i32
      %get3A_817 = arith.index_cast %get3A_816 : i32 to index
      %get3A_818 = arith.index_cast %scan3A_804 : i32 to index
      %get3A_819 = arith.constant 16 : index
      %get3A_820 = tpu.vector_load %arg7[%get3A_817, %get3A_818, %get3A_819] {strides = array<i32>} : memref<3x128x128xf32, #tpu.memory_space<vmem>>, vector<1x1x16xf32>,
      %get3A_821 = vector.shape_cast %get3A_820 : vector<1x1x16xf32> to vector<16xf32>
      %swap3A_822 = arith.constant 0 : i32
      %swap3A_823 = arith.index_cast %swap3A_822 : i32 to index
      %swap3A_824 = arith.index_cast %scan3A_804 : i32 to index
      %swap3A_825 = arith.constant 16 : index
      %swap3A_826 = tpu.vector_load %arg6[%swap3A_823, %swap3A_824, %swap3A_825] {strides = array<i32>} : memref<3x128x128xf32, #tpu.memory_space<vmem>>, vector<1x1x16xf32>,
      %swap3A_827 = vector.shape_cast %swap3A_826 : vector<1x1x16xf32> to vector<16xf32>
      %swap3A_828 = vector.shape_cast %get3A_821 : vector<16xf32> to vector<1x1x16xf32>
      tpu.vector_store %arg6[%swap3A_823, %swap3A_824, %swap3A_825], %swap3A_828 {add = true, strides = array<i32>} : memref<3x128x128xf32, #tpu.memory_space<vmem>>, vector<1x1x16xf32>,
      %get3A_829 = arith.constant 0 : i32
      %get3A_830 = arith.index_cast %get3A_829 : i32 to index
      %get3A_831 = arith.index_cast %scan3A_804 : i32 to index
      %get3A_832 = arith.constant 32 : index
      %get3A_833 = tpu.vector_load %arg7[%get3A_830, %get3A_831, %get3A_832] {strides = array<i32>} : memref<3x128x128xf32, #tpu.memory_space<vmem>>, vector<1x1x16xf32>,
      %get3A_834 = vector.shape_cast %get3A_833 : vector<1x1x16xf32> to vector<16xf32>
      %swap3A_835 = arith.constant 0 : i32
      %swap3A_836 = arith.index_cast %swap3A_835 : i32 to index
      %swap3A_837 = arith.index_cast %scan3A_804 : i32 to index
      %swap3A_838 = arith.constant 32 : index
      %swap3A_839 = tpu.vector_load %arg6[%swap3A_836, %swap3A_837, %swap3A_838] {strides = array<i32>} : memref<3x128x128xf32, #tpu.memory_space<vmem>>, vector<1x1x16xf32>,
      %swap3A_840 = vector.shape_cast %swap3A_839 : vector<1x1x16xf32> to vector<16xf32>
      %swap3A_841 = vector.shape_cast %get3A_834 : vector<16xf32> to vector<1x1x16xf32>
      tpu.vector_store %arg6[%swap3A_836, %swap3A_837, %swap3A_838], %swap3A_841 {add = true, strides = array<i32>} : memref<3x128x128xf32, #tpu.memory_space<vmem>>, vector<1x1x16xf32>,
      %get3A_842 = arith.constant 0 : i32
      %get3A_843 = arith.index_cast %get3A_842 : i32 to index
      %get3A_844 = arith.index_cast %scan3A_804 : i32 to index
      %get3A_845 = arith.constant 48 : index
      %get3A_846 = tpu.vector_load %arg7[%get3A_843, %get3A_844, %get3A_845] {strides = array<i32>} : memref<3x128x128xf32, #tpu.memory_space<vmem>>, vector<1x1x16xf32>,
      %get3A_847 = vector.shape_cast %get3A_846 : vector<1x1x16xf32> to vector<16xf32>
      %swap3A_848 = arith.constant 0 : i32
      %swap3A_849 = arith.index_cast %swap3A_848 : i32 to index
      %swap3A_850 = arith.index_cast %scan3A_804 : i32 to index
      %swap3A_851 = arith.constant 48 : index
      %swap3A_852 = tpu.vector_load %arg6[%swap3A_849, %swap3A_850, %swap3A_851] {strides = array<i32>} : memref<3x128x128xf32, #tpu.memory_space<vmem>>, vector<1x1x16xf32>,
      %swap3A_853 = vector.shape_cast %swap3A_852 : vector<1x1x16xf32> to vector<16xf32>
      %swap3A_854 = vector.shape_cast %get3A_847 : vector<16xf32> to vector<1x1x16xf32>
      tpu.vector_store %arg6[%swap3A_849, %swap3A_850, %swap3A_851], %swap3A_854 {add = true, strides = array<i32>} : memref<3x128x128xf32, #tpu.memory_space<vmem>>, vector<1x1x16xf32>,
      %get3A_855 = arith.constant 0 : i32
      %get3A_856 = arith.index_cast %get3A_855 : i32 to index
      %get3A_857 = arith.index_cast %scan3A_804 : i32 to index
      %get3A_858 = arith.constant 64 : index
      %get3A_859 = tpu.vector_load %arg7[%get3A_856, %get3A_857, %get3A_858] {strides = array<i32>} : memref<3x128x128xf32, #tpu.memory_space<vmem>>, vector<1x1x16xf32>,
      %get3A_860 = vector.shape_cast %get3A_859 : vector<1x1x16xf32> to vector<16xf32>
      %swap3A_861 = arith.constant 0 : i32
      %swap3A_862 = arith.index_cast %swap3A_861 : i32 to index
      %swap3A_863 = arith.index_cast %scan3A_804 : i32 to index
      %swap3A_864 = arith.constant 64 : index
      %swap3A_865 = tpu.vector_load %arg6[%swap3A_862, %swap3A_863, %swap3A_864] {strides = array<i32>} : memref<3x128x128xf32, #tpu.memory_space<vmem>>, vector<1x1x16xf32>,
      %swap3A_866 = vector.shape_cast %swap3A_865 : vector<1x1x16xf32> to vector<16xf32>
      %swap3A_867 = vector.shape_cast %get3A_860 : vector<16xf32> to vector<1x1x16xf32>
      tpu.vector_store %arg6[%swap3A_862, %swap3A_863, %swap3A_864], %swap3A_867 {add = true, strides = array<i32>} : memref<3x128x128xf32, #tpu.memory_space<vmem>>, vector<1x1x16xf32>,
      %get3A_868 = arith.constant 0 : i32
      %get3A_869 = arith.index_cast %get3A_868 : i32 to index
      %get3A_870 = arith.index_cast %scan3A_804 : i32 to index
      %get3A_871 = arith.constant 80 : index
      %get3A_872 = tpu.vector_load %arg7[%get3A_869, %get3A_870, %get3A_871] {strides = array<i32>} : memref<3x128x128xf32, #tpu.memory_space<vmem>>, vector<1x1x16xf32>,
      %get3A_873 = vector.shape_cast %get3A_872 : vector<1x1x16xf32> to vector<16xf32>
      %swap3A_874 = arith.constant 0 : i32
      %swap3A_875 = arith.index_cast %swap3A_874 : i32 to index
      %swap3A_876 = arith.index_cast %scan3A_804 : i32 to index
      %swap3A_877 = arith.constant 80 : index
      %swap3A_878 = tpu.vector_load %arg6[%swap3A_875, %swap3A_876, %swap3A_877] {strides = array<i32>} : memref<3x128x128xf32, #tpu.memory_space<vmem>>, vector<1x1x16xf32>,
      %swap3A_879 = vector.shape_cast %swap3A_878 : vector<1x1x16xf32> to vector<16xf32>
      %swap3A_880 = vector.shape_cast %get3A_873 : vector<16xf32> to vector<1x1x16xf32>
      tpu.vector_store %arg6[%swap3A_875, %swap3A_876, %swap3A_877], %swap3A_880 {add = true, strides = array<i32>} : memref<3x128x128xf32, #tpu.memory_space<vmem>>, vector<1x1x16xf32>,
      %get3A_881 = arith.constant 0 : i32
      %get3A_882 = arith.index_cast %get3A_881 : i32 to index
      %get3A_883 = arith.index_cast %scan3A_804 : i32 to index
      %get3A_884 = arith.constant 96 : index
      %get3A_885 = tpu.vector_load %arg7[%get3A_882, %get3A_883, %get3A_884] {strides = array<i32>} : memref<3x128x128xf32, #tpu.memory_space<vmem>>, vector<1x1x16xf32>,
      %get3A_886 = vector.shape_cast %get3A_885 : vector<1x1x16xf32> to vector<16xf32>
      %swap3A_887 = arith.constant 0 : i32
      %swap3A_888 = arith.index_cast %swap3A_887 : i32 to index
      %swap3A_889 = arith.index_cast %scan3A_804 : i32 to index
      %swap3A_890 = arith.constant 96 : index
      %swap3A_891 = tpu.vector_load %arg6[%swap3A_888, %swap3A_889, %swap3A_890] {strides = array<i32>} : memref<3x128x128xf32, #tpu.memory_space<vmem>>, vector<1x1x16xf32>,
      %swap3A_892 = vector.shape_cast %swap3A_891 : vector<1x1x16xf32> to vector<16xf32>
      %swap3A_893 = vector.shape_cast %get3A_886 : vector<16xf32> to vector<1x1x16xf32>
      tpu.vector_store %arg6[%swap3A_888, %swap3A_889, %swap3A_890], %swap3A_893 {add = true, strides = array<i32>} : memref<3x128x128xf32, #tpu.memory_space<vmem>>, vector<1x1x16xf32>,
      %get3A_894 = arith.constant 0 : i32
      %get3A_895 = arith.index_cast %get3A_894 : i32 to index
      %get3A_896 = arith.index_cast %scan3A_804 : i32 to index
      %get3A_897 = arith.constant 112 : index
      %get3A_898 = tpu.vector_load %arg7[%get3A_895, %get3A_896, %get3A_897] {strides = array<i32>} : memref<3x128x128xf32, #tpu.memory_space<vmem>>, vector<1x1x16xf32>,
      %get3A_899 = vector.shape_cast %get3A_898 : vector<1x1x16xf32> to vector<16xf32>
      %swap3A_900 = arith.constant 0 : i32
      %swap3A_901 = arith.index_cast %swap3A_900 : i32 to index
      %swap3A_902 = arith.index_cast %scan3A_804 : i32 to index
      %swap3A_903 = arith.constant 112 : index
      %swap3A_904 = tpu.vector_load %arg6[%swap3A_901, %swap3A_902, %swap3A_903] {strides = array<i32>} : memref<3x128x128xf32, #tpu.memory_space<vmem>>, vector<1x1x16xf32>,
      %swap3A_905 = vector.shape_cast %swap3A_904 : vector<1x1x16xf32> to vector<16xf32>
      %swap3A_906 = vector.shape_cast %get3A_899 : vector<16xf32> to vector<1x1x16xf32>
      tpu.vector_store %arg6[%swap3A_901, %swap3A_902, %swap3A_903], %swap3A_906 {add = true, strides = array<i32>} : memref<3x128x128xf32, #tpu.memory_space<vmem>>, vector<1x1x16xf32>,
      %scan3A_907 = arith.constant 1 : i32
      %scan3A_908 = arith.addi %scan3A_804, %scan3A_907 : i32
      %get3A_909 = arith.constant 0 : i32
      %get3A_910 = arith.index_cast %get3A_909 : i32 to index
      %get3A_911 = arith.index_cast %scan3A_908 : i32 to index
      %get3A_912 = arith.constant 0 : index
      %get3A_913 = tpu.vector_load %arg7[%get3A_910, %get3A_911, %get3A_912] {strides = array<i32>} : memref<3x128x128xf32, #tpu.memory_space<vmem>>, vector<1x1x16xf32>,
      %get3A_914 = vector.shape_cast %get3A_913 : vector<1x1x16xf32> to vector<16xf32>
      %swap3A_915 = arith.constant 0 : i32
      %swap3A_916 = arith.index_cast %swap3A_915 : i32 to index
      %swap3A_917 = arith.index_cast %scan3A_908 : i32 to index
      %swap3A_918 = arith.constant 0 : index
      %swap3A_919 = tpu.vector_load %arg6[%swap3A_916, %swap3A_917, %swap3A_918] {strides = array<i32>} : memref<3x128x128xf32, #tpu.memory_space<vmem>>, vector<1x1x16xf32>,
      %swap3A_920 = vector.shape_cast %swap3A_919 : vector<1x1x16xf32> to vector<16xf32>
      %swap3A_921 = vector.shape_cast %get3A_914 : vector<16xf32> to vector<1x1x16xf32>
      tpu.vector_store %arg6[%swap3A_916, %swap3A_917, %swap3A_918], %swap3A_921 {add = true, strides = array<i32>} : memref<3x128x128xf32, #tpu.memory_space<vmem>>, vector<1x1x16xf32>,
      %get3A_922 = arith.constant 0 : i32
      %get3A_923 = arith.index_cast %get3A_922 : i32 to index
      %get3A_924 = arith.index_cast %scan3A_908 : i32 to index
      %get3A_925 = arith.constant 16 : index
      %get3A_926 = tpu.vector_load %arg7[%get3A_923, %get3A_924, %get3A_925] {strides = array<i32>} : memref<3x128x128xf32, #tpu.memory_space<vmem>>, vector<1x1x16xf32>,
      %get3A_927 = vector.shape_cast %get3A_926 : vector<1x1x16xf32> to vector<16xf32>
      %swap3A_928 = arith.constant 0 : i32
      %swap3A_929 = arith.index_cast %swap3A_928 : i32 to index
      %swap3A_930 = arith.index_cast %scan3A_908 : i32 to index
      %swap3A_931 = arith.constant 16 : index
      %swap3A_932 = tpu.vector_load %arg6[%swap3A_929, %swap3A_930, %swap3A_931] {strides = array<i32>} : memref<3x128x128xf32, #tpu.memory_space<vmem>>, vector<1x1x16xf32>,
      %swap3A_933 = vector.shape_cast %swap3A_932 : vector<1x1x16xf32> to vector<16xf32>
      %swap3A_934 = vector.shape_cast %get3A_927 : vector<16xf32> to vector<1x1x16xf32>
      tpu.vector_store %arg6[%swap3A_929, %swap3A_930, %swap3A_931], %swap3A_934 {add = true, strides = array<i32>} : memref<3x128x128xf32, #tpu.memory_space<vmem>>, vector<1x1x16xf32>,
      %get3A_935 = arith.constant 0 : i32
      %get3A_936 = arith.index_cast %get3A_935 : i32 to index
      %get3A_937 = arith.index_cast %scan3A_908 : i32 to index
      %get3A_938 = arith.constant 32 : index
      %get3A_939 = tpu.vector_load %arg7[%get3A_936, %get3A_937, %get3A_938] {strides = array<i32>} : memref<3x128x128xf32, #tpu.memory_space<vmem>>, vector<1x1x16xf32>,
      %get3A_940 = vector.shape_cast %get3A_939 : vector<1x1x16xf32> to vector<16xf32>
      %swap3A_941 = arith.constant 0 : i32
      %swap3A_942 = arith.index_cast %swap3A_941 : i32 to index
      %swap3A_943 = arith.index_cast %scan3A_908 : i32 to index
      %swap3A_944 = arith.constant 32 : index
      %swap3A_945 = tpu.vector_load %arg6[%swap3A_942, %swap3A_943, %swap3A_944] {strides = array<i32>} : memref<3x128x128xf32, #tpu.memory_space<vmem>>, vector<1x1x16xf32>,
      %swap3A_946 = vector.shape_cast %swap3A_945 : vector<1x1x16xf32> to vector<16xf32>
      %swap3A_947 = vector.shape_cast %get3A_940 : vector<16xf32> to vector<1x1x16xf32>
      tpu.vector_store %arg6[%swap3A_942, %swap3A_943, %swap3A_944], %swap3A_947 {add = true, strides = array<i32>} : memref<3x128x128xf32, #tpu.memory_space<vmem>>, vector<1x1x16xf32>,
      %get3A_948 = arith.constant 0 : i32
      %get3A_949 = arith.index_cast %get3A_948 : i32 to index
      %get3A_950 = arith.index_cast %scan3A_908 : i32 to index
      %get3A_951 = arith.constant 48 : index
      %get3A_952 = tpu.vector_load %arg7[%get3A_949, %get3A_950, %get3A_951] {strides = array<i32>} : memref<3x128x128xf32, #tpu.memory_space<vmem>>, vector<1x1x16xf32>,
      %get3A_953 = vector.shape_cast %get3A_952 : vector<1x1x16xf32> to vector<16xf32>
      %swap3A_954 = arith.constant 0 : i32
      %swap3A_955 = arith.index_cast %swap3A_954 : i32 to index
      %swap3A_956 = arith.index_cast %scan3A_908 : i32 to index
      %swap3A_957 = arith.constant 48 : index
      %swap3A_958 = tpu.vector_load %arg6[%swap3A_955, %swap3A_956, %swap3A_957] {strides = array<i32>} : memref<3x128x128xf32, #tpu.memory_space<vmem>>, vector<1x1x16xf32>,
      %swap3A_959 = vector.shape_cast %swap3A_958 : vector<1x1x16xf32> to vector<16xf32>
      %swap3A_960 = vector.shape_cast %get3A_953 : vector<16xf32> to vector<1x1x16xf32>
      tpu.vector_store %arg6[%swap3A_955, %swap3A_956, %swap3A_957], %swap3A_960 {add = true, strides = array<i32>} : memref<3x128x128xf32, #tpu.memory_space<vmem>>, vector<1x1x16xf32>,
      %get3A_961 = arith.constant 0 : i32
      %get3A_962 = arith.index_cast %get3A_961 : i32 to index
      %get3A_963 = arith.index_cast %scan3A_908 : i32 to index
      %get3A_964 = arith.constant 64 : index
      %get3A_965 = tpu.vector_load %arg7[%get3A_962, %get3A_963, %get3A_964] {strides = array<i32>} : memref<3x128x128xf32, #tpu.memory_space<vmem>>, vector<1x1x16xf32>,
      %get3A_966 = vector.shape_cast %get3A_965 : vector<1x1x16xf32> to vector<16xf32>
      %swap3A_967 = arith.constant 0 : i32
      %swap3A_968 = arith.index_cast %swap3A_967 : i32 to index
      %swap3A_969 = arith.index_cast %scan3A_908 : i32 to index
      %swap3A_970 = arith.constant 64 : index
      %swap3A_971 = tpu.vector_load %arg6[%swap3A_968, %swap3A_969, %swap3A_970] {strides = array<i32>} : memref<3x128x128xf32, #tpu.memory_space<vmem>>, vector<1x1x16xf32>,
      %swap3A_972 = vector.shape_cast %swap3A_971 : vector<1x1x16xf32> to vector<16xf32>
      %swap3A_973 = vector.shape_cast %get3A_966 : vector<16xf32> to vector<1x1x16xf32>
      tpu.vector_store %arg6[%swap3A_968, %swap3A_969, %swap3A_970], %swap3A_973 {add = true, strides = array<i32>} : memref<3x128x128xf32, #tpu.memory_space<vmem>>, vector<1x1x16xf32>,
      %get3A_974 = arith.constant 0 : i32
      %get3A_975 = arith.index_cast %get3A_974 : i32 to index
      %get3A_976 = arith.index_cast %scan3A_908 : i32 to index
      %get3A_977 = arith.constant 80 : index
      %get3A_978 = tpu.vector_load %arg7[%get3A_975, %get3A_976, %get3A_977] {strides = array<i32>} : memref<3x128x128xf32, #tpu.memory_space<vmem>>, vector<1x1x16xf32>,
      %get3A_979 = vector.shape_cast %get3A_978 : vector<1x1x16xf32> to vector<16xf32>
      %swap3A_980 = arith.constant 0 : i32
      %swap3A_981 = arith.index_cast %swap3A_980 : i32 to index
      %swap3A_982 = arith.index_cast %scan3A_908 : i32 to index
      %swap3A_983 = arith.constant 80 : index
      %swap3A_984 = tpu.vector_load %arg6[%swap3A_981, %swap3A_982, %swap3A_983] {strides = array<i32>} : memref<3x128x128xf32, #tpu.memory_space<vmem>>, vector<1x1x16xf32>,
      %swap3A_985 = vector.shape_cast %swap3A_984 : vector<1x1x16xf32> to vector<16xf32>
      %swap3A_986 = vector.shape_cast %get3A_979 : vector<16xf32> to vector<1x1x16xf32>
      tpu.vector_store %arg6[%swap3A_981, %swap3A_982, %swap3A_983], %swap3A_986 {add = true, strides = array<i32>} : memref<3x128x128xf32, #tpu.memory_space<vmem>>, vector<1x1x16xf32>,
      %get3A_987 = arith.constant 0 : i32
      %get3A_988 = arith.index_cast %get3A_987 : i32 to index
      %get3A_989 = arith.index_cast %scan3A_908 : i32 to index
      %get3A_990 = arith.constant 96 : index
      %get3A_991 = tpu.vector_load %arg7[%get3A_988, %get3A_989, %get3A_990] {strides = array<i32>} : memref<3x128x128xf32, #tpu.memory_space<vmem>>, vector<1x1x16xf32>,
      %get3A_992 = vector.shape_cast %get3A_991 : vector<1x1x16xf32> to vector<16xf32>
      %swap3A_993 = arith.constant 0 : i32
      %swap3A_994 = arith.index_cast %swap3A_993 : i32 to index
      %swap3A_995 = arith.index_cast %scan3A_908 : i32 to index
      %swap3A_996 = arith.constant 96 : index
      %swap3A_997 = tpu.vector_load %arg6[%swap3A_994, %swap3A_995, %swap3A_996] {strides = array<i32>} : memref<3x128x128xf32, #tpu.memory_space<vmem>>, vector<1x1x16xf32>,
      %swap3A_998 = vector.shape_cast %swap3A_997 : vector<1x1x16xf32> to vector<16xf32>
      %swap3A_999 = vector.shape_cast %get3A_992 : vector<16xf32> to vector<1x1x16xf32>
      tpu.vector_store %arg6[%swap3A_994, %swap3A_995, %swap3A_996], %swap3A_999 {add = true, strides = array<i32>} : memref<3x128x128xf32, #tpu.memory_space<vmem>>, vector<1x1x16xf32>,
      %get3A_1000 = arith.constant 0 : i32
      %get3A_1001 = arith.index_cast %get3A_1000 : i32 to index
      %get3A_1002 = arith.index_cast %scan3A_908 : i32 to index
      %get3A_1003 = arith.constant 112 : index
      %get3A_1004 = tpu.vector_load %arg7[%get3A_1001, %get3A_1002, %get3A_1003] {strides = array<i32>} : memref<3x128x128xf32, #tpu.memory_space<vmem>>, vector<1x1x16xf32>,
      %get3A_1005 = vector.shape_cast %get3A_1004 : vector<1x1x16xf32> to vector<16xf32>
      %swap3A_1006 = arith.constant 0 : i32
      %swap3A_1007 = arith.index_cast %swap3A_1006 : i32 to index
      %swap3A_1008 = arith.index_cast %scan3A_908 : i32 to index
      %swap3A_1009 = arith.constant 112 : index
      %swap3A_1010 = tpu.vector_load %arg6[%swap3A_1007, %swap3A_1008, %swap3A_1009] {strides = array<i32>} : memref<3x128x128xf32, #tpu.memory_space<vmem>>, vector<1x1x16xf32>,
      %swap3A_1011 = vector.shape_cast %swap3A_1010 : vector<1x1x16xf32> to vector<16xf32>
      %swap3A_1012 = vector.shape_cast %get3A_1005 : vector<16xf32> to vector<1x1x16xf32>
      tpu.vector_store %arg6[%swap3A_1007, %swap3A_1008, %swap3A_1009], %swap3A_1012 {add = true, strides = array<i32>} : memref<3x128x128xf32, #tpu.memory_space<vmem>>, vector<1x1x16xf32>,
    }
    %scan3A_259 = arith.constant 128 : i32
    %min3A_260 = arith.constant 0 : i32
    %min3A_261 = arith.constant 38 : i32
    %min3A_262 = arith.minsi %min3A_260, %min3A_261 : i32
    %mul3A_263 = arith.constant 32 : i32
    %mul3A_264 = arith.muli %mul3A_263, %min3A_262 : i32
    %add3A_265 = arith.addi %add3A, %mul3A_264 : i32
    %lt3A_266 = arith.constant 2 : i32
    %lt3A_267 = arith.cmpi slt, %add3A, %lt3A_266 : i32
    %add3A_268 = arith.constant 1248 : i32
    %add3A_269 = arith.addi %add3A_268, %add3A : i32
    %select_n3A_270 = arith.select %lt3A_267, %add3A_269, %add3A_265 : i32
    %jit3A_271 = arith.constant false
    %select_n3A_272 = arith.select %jit3A_271, %select_n3A_270, %add3A_265 : i32
    %mul3A_273 = arith.constant 128 : i32
    %mul3A_274 = arith.muli %select_n3A_272, %mul3A_273 : i32
    %dma_start3A_275 = arith.constant 0 : i32
    %dma_start3A_276 = arith.constant 0 : i32
    %dma_start3A_277 = arith.constant 0 : i32
    %dma_start3A_278 = tpu.memref_slice %arg6[%dma_start3A_275, %dma_start3A_276, %dma_start3A_277] : memref<3x128x128xf32, #tpu.memory_space<vmem>> -> memref<1x128x128xf32, #tpu.memory_space<vmem>>
    %dma_start3A_279 = tpu.memref_squeeze %dma_start3A_278 : memref<1x128x128xf32, #tpu.memory_space<vmem>> -> memref<128x128xf32, #tpu.memory_space<vmem>>
    %dma_start3A_280 = arith.constant 0 : i32
    %dma_start3A_281 = tpu.memref_slice %arg4[%mul3A_274, %dma_start3A_280] : memref<160000x128xf32, #tpu.memory_space<hbm>> -> memref<128x128xf32, #tpu.memory_space<hbm>>
    %dma_start3A_282 = arith.constant 0 : i32
    %dma_start3A_283 = tpu.memref_slice %arg4[%mul3A_274, %dma_start3A_282] : memref<160000x128xf32, #tpu.memory_space<hbm>> -> memref<128x128xf32, #tpu.memory_space<hbm>>
    %dma_start3A_284 = arith.constant 0 : i32
    %dma_start3A_285 = arith.constant 0 : i32
    %dma_start3A_286 = tpu.memref_slice %arg6[%dma_start3A_275, %dma_start3A_284, %dma_start3A_285] : memref<3x128x128xf32, #tpu.memory_space<vmem>> -> memref<1x128x128xf32, #tpu.memory_space<vmem>>
    %dma_start3A_287 = tpu.memref_squeeze %dma_start3A_286 : memref<1x128x128xf32, #tpu.memory_space<vmem>> -> memref<128x128xf32, #tpu.memory_space<vmem>>
    tpu.enqueue_dma source(%dma_start3A_287 : memref<128x128xf32, #tpu.memory_space<vmem>>) target(%dma_start3A_283 : memref<128x128xf32, #tpu.memory_space<hbm>>) target_semaphore(%arg14 : memref<!tpu.dma_semaphore, #tpu.memory_space<semaphore_mem>>)
    %dma_wait3A_288 = arith.constant 1 : i32
    %dma_wait3A_289 = arith.constant 0 : i32
    %dma_wait3A_290 = arith.constant 1 : i32
    %dma_wait3A_291 = arith.constant 0 : i32
    %dma_wait3A_292 = arith.constant 0 : i32
    %dma_wait3A_293 = tpu.memref_slice %arg6[%dma_wait3A_290, %dma_wait3A_291, %dma_wait3A_292] : memref<3x128x128xf32, #tpu.memory_space<vmem>> -> memref<1x128x128xf32, #tpu.memory_space<vmem>>
    %dma_wait3A_294 = tpu.memref_squeeze %dma_wait3A_293 : memref<1x128x128xf32, #tpu.memory_space<vmem>> -> memref<128x128xf32, #tpu.memory_space<vmem>>
    %dma_wait3A_295 = arith.constant 0 : i32
    %dma_wait3A_296 = tpu.memref_slice %arg5[%dma_wait3A_288, %dma_wait3A_289, %dma_wait3A_295] : memref<3x2x128xi32, #tpu.memory_space<vmem>> -> memref<1x1x128xi32, #tpu.memory_space<vmem>>
    %dma_wait3A_297 = tpu.memref_squeeze %dma_wait3A_296 : memref<1x1x128xi32, #tpu.memory_space<vmem>> -> memref<128xi32, #tpu.memory_space<vmem>>
    %dma_wait3A_298 = arith.constant 0 : i32
    %dma_wait3A_299 = arith.constant 0 : i32
    %dma_wait3A_300 = tpu.memref_slice %arg3[%dma_wait3A_298, %dma_wait3A_299] : memref<10000x128xf32, #tpu.memory_space<hbm>> -> memref<10000x128xf32, #tpu.memory_space<hbm>>
    tpu.wait_indirect_dma semaphore(%arg12 : memref<!tpu.dma_semaphore, #tpu.memory_space<semaphore_mem>>) src(%dma_wait3A_300 : memref<10000x128xf32, #tpu.memory_space<hbm>>) dst(%dma_wait3A_294 : memref<128x128xf32, #tpu.memory_space<vmem>>)
    %dma_wait3A_301 = arith.constant 1 : i32
    %dma_wait3A_302 = arith.constant 1 : i32
    %dma_wait3A_303 = arith.constant 1 : i32
    %dma_wait3A_304 = arith.constant 0 : i32
    %dma_wait3A_305 = arith.constant 0 : i32
    %dma_wait3A_306 = tpu.memref_slice %arg7[%dma_wait3A_303, %dma_wait3A_304, %dma_wait3A_305] : memref<3x128x128xf32, #tpu.memory_space<vmem>> -> memref<1x128x128xf32, #tpu.memory_space<vmem>>
    %dma_wait3A_307 = tpu.memref_squeeze %dma_wait3A_306 : memref<1x128x128xf32, #tpu.memory_space<vmem>> -> memref<128x128xf32, #tpu.memory_space<vmem>>
    %dma_wait3A_308 = arith.constant 0 : i32
    %dma_wait3A_309 = tpu.memref_slice %arg5[%dma_wait3A_301, %dma_wait3A_302, %dma_wait3A_308] : memref<3x2x128xi32, #tpu.memory_space<vmem>> -> memref<1x1x128xi32, #tpu.memory_space<vmem>>
    %dma_wait3A_310 = tpu.memref_squeeze %dma_wait3A_309 : memref<1x1x128xi32, #tpu.memory_space<vmem>> -> memref<128xi32, #tpu.memory_space<vmem>>
    %dma_wait3A_311 = arith.constant 0 : i32
    %dma_wait3A_312 = arith.constant 0 : i32
    %dma_wait3A_313 = tpu.memref_slice %arg3[%dma_wait3A_311, %dma_wait3A_312] : memref<10000x128xf32, #tpu.memory_space<hbm>> -> memref<10000x128xf32, #tpu.memory_space<hbm>>
    tpu.wait_indirect_dma semaphore(%arg12 : memref<!tpu.dma_semaphore, #tpu.memory_space<semaphore_mem>>) src(%dma_wait3A_313 : memref<10000x128xf32, #tpu.memory_space<hbm>>) dst(%dma_wait3A_307 : memref<128x128xf32, #tpu.memory_space<vmem>>)
    %min3A_314 = arith.constant 4 : i32
    %min3A_315 = arith.constant 38 : i32
    %min3A_316 = arith.minsi %min3A_314, %min3A_315 : i32
    %mul3A_317 = arith.constant 32 : i32
    %mul3A_318 = arith.muli %mul3A_317, %min3A_316 : i32
    %add3A_319 = arith.addi %add3A, %mul3A_318 : i32
    %lt3A_320 = arith.constant 2 : i32
    %lt3A_321 = arith.cmpi slt, %add3A, %lt3A_320 : i32
    %add3A_322 = arith.constant 1248 : i32
    %add3A_323 = arith.addi %add3A_322, %add3A : i32
    %select_n3A_324 = arith.select %lt3A_321, %add3A_323, %add3A_319 : i32
    %jit3A_325 = arith.constant false
    %select_n3A_326 = arith.select %jit3A_325, %select_n3A_324, %add3A_319 : i32
    %mul3A_327 = arith.constant 128 : i32
    %mul3A_328 = arith.muli %select_n3A_326, %mul3A_327 : i32
    %dma_start3A_329 = arith.constant 1 : i32
    %dma_start3A_330 = arith.constant 0 : i32
    %dma_start3A_331 = arith.constant 0 : i32
    %dma_start3A_332 = tpu.memref_slice %arg5[%dma_start3A_329, %dma_start3A_330, %dma_start3A_331] : memref<3x2x128xi32, #tpu.memory_space<vmem>> -> memref<1x2x128xi32, #tpu.memory_space<vmem>>
    %dma_start3A_333 = tpu.memref_squeeze %dma_start3A_332 : memref<1x2x128xi32, #tpu.memory_space<vmem>> -> memref<2x128xi32, #tpu.memory_space<vmem>>
    %dma_start3A_334 = arith.constant 0 : i32
    %dma_start3A_335 = tpu.memref_slice %arg2[%dma_start3A_334, %mul3A_328] : memref<2x160000xi32, #tpu.memory_space<hbm>> -> memref<2x128xi32, #tpu.memory_space<hbm>>
    %dma_start3A_336 = arith.constant 0 : i32
    %dma_start3A_337 = arith.constant 0 : i32
    %dma_start3A_338 = tpu.memref_slice %arg5[%dma_start3A_329, %dma_start3A_336, %dma_start3A_337] : memref<3x2x128xi32, #tpu.memory_space<vmem>> -> memref<1x2x128xi32, #tpu.memory_space<vmem>>
    %dma_start3A_339 = tpu.memref_squeeze %dma_start3A_338 : memref<1x2x128xi32, #tpu.memory_space<vmem>> -> memref<2x128xi32, #tpu.memory_space<vmem>>
    %dma_start3A_340 = arith.constant 0 : i32
    %dma_start3A_341 = tpu.memref_slice %arg2[%dma_start3A_340, %mul3A_328] : memref<2x160000xi32, #tpu.memory_space<hbm>> -> memref<2x128xi32, #tpu.memory_space<hbm>>
    tpu.enqueue_dma source(%dma_start3A_341 : memref<2x128xi32, #tpu.memory_space<hbm>>) target(%dma_start3A_339 : memref<2x128xi32, #tpu.memory_space<vmem>>) target_semaphore(%arg9 : memref<!tpu.dma_semaphore, #tpu.memory_space<semaphore_mem>>)
    %dma_wait3A_342 = arith.constant 0 : i32
    %dma_wait3A_343 = arith.constant 0 : i32
    %dma_wait3A_344 = arith.constant 0 : i32
    %dma_wait3A_345 = tpu.memref_slice %arg6[%dma_wait3A_342, %dma_wait3A_343, %dma_wait3A_344] : memref<3x128x128xf32, #tpu.memory_space<vmem>> -> memref<1x128x128xf32, #tpu.memory_space<vmem>>
    %dma_wait3A_346 = tpu.memref_squeeze %dma_wait3A_345 : memref<1x128x128xf32, #tpu.memory_space<vmem>> -> memref<128x128xf32, #tpu.memory_space<vmem>>
    %dma_wait3A_347 = arith.constant 0 : i32
    %dma_wait3A_348 = arith.constant 0 : i32
    %dma_wait3A_349 = tpu.memref_slice %arg4[%dma_wait3A_347, %dma_wait3A_348] : memref<160000x128xf32, #tpu.memory_space<hbm>> -> memref<128x128xf32, #tpu.memory_space<hbm>>
    %dma_wait3A_350 = arith.constant 0 : i32
    %dma_wait3A_351 = arith.constant 0 : i32
    %dma_wait3A_352 = tpu.memref_slice %arg4[%dma_wait3A_350, %dma_wait3A_351] : memref<160000x128xf32, #tpu.memory_space<hbm>> -> memref<128x128xf32, #tpu.memory_space<hbm>>
    %dma_wait3A_353 = arith.constant 0 : i32
    %dma_wait3A_354 = arith.constant 0 : i32
    %dma_wait3A_355 = tpu.memref_slice %arg6[%dma_wait3A_342, %dma_wait3A_353, %dma_wait3A_354] : memref<3x128x128xf32, #tpu.memory_space<vmem>> -> memref<1x128x128xf32, #tpu.memory_space<vmem>>
    %dma_wait3A_356 = tpu.memref_squeeze %dma_wait3A_355 : memref<1x128x128xf32, #tpu.memory_space<vmem>> -> memref<128x128xf32, #tpu.memory_space<vmem>>
    tpu.wait_dma2 semaphore(%arg14 : memref<!tpu.dma_semaphore, #tpu.memory_space<semaphore_mem>>) src(%dma_wait3A_356 : memref<128x128xf32, #tpu.memory_space<vmem>>) dst(%dma_wait3A_352 : memref<128x128xf32, #tpu.memory_space<hbm>>)
    %dma_wait3A_357 = arith.constant 0 : i32
    %dma_wait3A_358 = arith.constant 0 : i32
    %dma_wait3A_359 = arith.constant 0 : i32
    %dma_wait3A_360 = tpu.memref_slice %arg5[%dma_wait3A_357, %dma_wait3A_358, %dma_wait3A_359] : memref<3x2x128xi32, #tpu.memory_space<vmem>> -> memref<1x2x128xi32, #tpu.memory_space<vmem>>
    %dma_wait3A_361 = tpu.memref_squeeze %dma_wait3A_360 : memref<1x2x128xi32, #tpu.memory_space<vmem>> -> memref<2x128xi32, #tpu.memory_space<vmem>>
    %dma_wait3A_362 = arith.constant 0 : i32
    %dma_wait3A_363 = arith.constant 0 : i32
    %dma_wait3A_364 = tpu.memref_slice %arg2[%dma_wait3A_362, %dma_wait3A_363] : memref<2x160000xi32, #tpu.memory_space<hbm>> -> memref<2x128xi32, #tpu.memory_space<hbm>>
    %dma_wait3A_365 = arith.constant 0 : i32
    %dma_wait3A_366 = arith.constant 0 : i32
    %dma_wait3A_367 = tpu.memref_slice %arg5[%dma_wait3A_357, %dma_wait3A_365, %dma_wait3A_366] : memref<3x2x128xi32, #tpu.memory_space<vmem>> -> memref<1x2x128xi32, #tpu.memory_space<vmem>>
    %dma_wait3A_368 = tpu.memref_squeeze %dma_wait3A_367 : memref<1x2x128xi32, #tpu.memory_space<vmem>> -> memref<2x128xi32, #tpu.memory_space<vmem>>
    %dma_wait3A_369 = arith.constant 0 : i32
    %dma_wait3A_370 = arith.constant 0 : i32
    %dma_wait3A_371 = tpu.memref_slice %arg2[%dma_wait3A_369, %dma_wait3A_370] : memref<2x160000xi32, #tpu.memory_space<hbm>> -> memref<2x128xi32, #tpu.memory_space<hbm>>
    tpu.wait_dma2 semaphore(%arg8 : memref<!tpu.dma_semaphore, #tpu.memory_space<semaphore_mem>>) src(%dma_wait3A_371 : memref<2x128xi32, #tpu.memory_space<hbm>>) dst(%dma_wait3A_368 : memref<2x128xi32, #tpu.memory_space<vmem>>)
    %dma_start3A_372 = arith.constant 0 : i32
    %dma_start3A_373 = arith.constant 0 : i32
    %dma_start3A_374 = arith.constant 0 : i32
    %dma_start3A_375 = arith.constant 0 : i32
    %dma_start3A_376 = arith.constant 0 : i32
    %dma_start3A_377 = tpu.memref_slice %arg6[%dma_start3A_374, %dma_start3A_375, %dma_start3A_376] : memref<3x128x128xf32, #tpu.memory_space<vmem>> -> memref<1x128x128xf32, #tpu.memory_space<vmem>>
    %dma_start3A_378 = tpu.memref_squeeze %dma_start3A_377 : memref<1x128x128xf32, #tpu.memory_space<vmem>> -> memref<128x128xf32, #tpu.memory_space<vmem>>
    %dma_start3A_379 = arith.constant 0 : i32
    %dma_start3A_380 = tpu.memref_slice %arg5[%dma_start3A_372, %dma_start3A_373, %dma_start3A_379] : memref<3x2x128xi32, #tpu.memory_space<vmem>> -> memref<1x1x128xi32, #tpu.memory_space<vmem>>
    %dma_start3A_381 = tpu.memref_squeeze %dma_start3A_380 : memref<1x1x128xi32, #tpu.memory_space<vmem>> -> memref<128xi32, #tpu.memory_space<vmem>>
    %dma_start3A_382 = arith.constant 0 : i32
    %dma_start3A_383 = arith.constant 0 : i32
    %dma_start3A_384 = tpu.memref_slice %arg3[%dma_start3A_382, %dma_start3A_383] : memref<10000x128xf32, #tpu.memory_space<hbm>> -> memref<10000x128xf32, #tpu.memory_space<hbm>>
    tpu.enqueue_indirect_dma source(%dma_start3A_384 : memref<10000x128xf32, #tpu.memory_space<hbm>>) target(%dma_start3A_378 : memref<128x128xf32, #tpu.memory_space<vmem>>) offsets(%dma_start3A_381 : memref<128xi32, #tpu.memory_space<vmem>>) semaphore(%arg11 : memref<!tpu.dma_semaphore, #tpu.memory_space<semaphore_mem>>)
    %dma_start3A_385 = arith.constant 0 : i32
    %dma_start3A_386 = arith.constant 1 : i32
    %dma_start3A_387 = arith.constant 0 : i32
    %dma_start3A_388 = arith.constant 0 : i32
    %dma_start3A_389 = arith.constant 0 : i32
    %dma_start3A_390 = tpu.memref_slice %arg7[%dma_start3A_387, %dma_start3A_388, %dma_start3A_389] : memref<3x128x128xf32, #tpu.memory_space<vmem>> -> memref<1x128x128xf32, #tpu.memory_space<vmem>>
    %dma_start3A_391 = tpu.memref_squeeze %dma_start3A_390 : memref<1x128x128xf32, #tpu.memory_space<vmem>> -> memref<128x128xf32, #tpu.memory_space<vmem>>
    %dma_start3A_392 = arith.constant 0 : i32
    %dma_start3A_393 = tpu.memref_slice %arg5[%dma_start3A_385, %dma_start3A_386, %dma_start3A_392] : memref<3x2x128xi32, #tpu.memory_space<vmem>> -> memref<1x1x128xi32, #tpu.memory_space<vmem>>
    %dma_start3A_394 = tpu.memref_squeeze %dma_start3A_393 : memref<1x1x128xi32, #tpu.memory_space<vmem>> -> memref<128xi32, #tpu.memory_space<vmem>>
    %dma_start3A_395 = arith.constant 0 : i32
    %dma_start3A_396 = arith.constant 0 : i32
    %dma_start3A_397 = tpu.memref_slice %arg3[%dma_start3A_395, %dma_start3A_396] : memref<10000x128xf32, #tpu.memory_space<hbm>> -> memref<10000x128xf32, #tpu.memory_space<hbm>>
    tpu.enqueue_indirect_dma source(%dma_start3A_397 : memref<10000x128xf32, #tpu.memory_space<hbm>>) target(%dma_start3A_391 : memref<128x128xf32, #tpu.memory_space<vmem>>) offsets(%dma_start3A_394 : memref<128xi32, #tpu.memory_space<vmem>>) semaphore(%arg11 : memref<!tpu.dma_semaphore, #tpu.memory_space<semaphore_mem>>)
    %scan3A_398 = arith.constant 0 : i32
    %scan3A_399 = arith.constant 128 : i32
    %scan3A_400 = arith.addi %scan3A_398, %scan3A_399 : i32
    %scan3A_401 = arith.constant 2 : i32
    scf.for %scan3A_804 = %scan3A_398 to %scan3A_400 step %scan3A_401  : i32 {
      %get3A = arith.constant 1 : i32
      %get3A_805 = arith.index_cast %get3A : i32 to index
      %get3A_806 = arith.index_cast %scan3A_804 : i32 to index
      %get3A_807 = arith.constant 0 : index
      %get3A_808 = tpu.vector_load %arg7[%get3A_805, %get3A_806, %get3A_807] {strides = array<i32>} : memref<3x128x128xf32, #tpu.memory_space<vmem>>, vector<1x1x16xf32>,
      %get3A_809 = vector.shape_cast %get3A_808 : vector<1x1x16xf32> to vector<16xf32>
      %swap3A = arith.constant 1 : i32
      %swap3A_810 = arith.index_cast %swap3A : i32 to index
      %swap3A_811 = arith.index_cast %scan3A_804 : i32 to index
      %swap3A_812 = arith.constant 0 : index
      %swap3A_813 = tpu.vector_load %arg6[%swap3A_810, %swap3A_811, %swap3A_812] {strides = array<i32>} : memref<3x128x128xf32, #tpu.memory_space<vmem>>, vector<1x1x16xf32>,
      %swap3A_814 = vector.shape_cast %swap3A_813 : vector<1x1x16xf32> to vector<16xf32>
      %swap3A_815 = vector.shape_cast %get3A_809 : vector<16xf32> to vector<1x1x16xf32>
      tpu.vector_store %arg6[%swap3A_810, %swap3A_811, %swap3A_812], %swap3A_815 {add = true, strides = array<i32>} : memref<3x128x128xf32, #tpu.memory_space<vmem>>, vector<1x1x16xf32>,
      %get3A_816 = arith.constant 1 : i32
      %get3A_817 = arith.index_cast %get3A_816 : i32 to index
      %get3A_818 = arith.index_cast %scan3A_804 : i32 to index
      %get3A_819 = arith.constant 16 : index
      %get3A_820 = tpu.vector_load %arg7[%get3A_817, %get3A_818, %get3A_819] {strides = array<i32>} : memref<3x128x128xf32, #tpu.memory_space<vmem>>, vector<1x1x16xf32>,
      %get3A_821 = vector.shape_cast %get3A_820 : vector<1x1x16xf32> to vector<16xf32>
      %swap3A_822 = arith.constant 1 : i32
      %swap3A_823 = arith.index_cast %swap3A_822 : i32 to index
      %swap3A_824 = arith.index_cast %scan3A_804 : i32 to index
      %swap3A_825 = arith.constant 16 : index
      %swap3A_826 = tpu.vector_load %arg6[%swap3A_823, %swap3A_824, %swap3A_825] {strides = array<i32>} : memref<3x128x128xf32, #tpu.memory_space<vmem>>, vector<1x1x16xf32>,
      %swap3A_827 = vector.shape_cast %swap3A_826 : vector<1x1x16xf32> to vector<16xf32>
      %swap3A_828 = vector.shape_cast %get3A_821 : vector<16xf32> to vector<1x1x16xf32>
      tpu.vector_store %arg6[%swap3A_823, %swap3A_824, %swap3A_825], %swap3A_828 {add = true, strides = array<i32>} : memref<3x128x128xf32, #tpu.memory_space<vmem>>, vector<1x1x16xf32>,
      %get3A_829 = arith.constant 1 : i32
      %get3A_830 = arith.index_cast %get3A_829 : i32 to index
      %get3A_831 = arith.index_cast %scan3A_804 : i32 to index
      %get3A_832 = arith.constant 32 : index
      %get3A_833 = tpu.vector_load %arg7[%get3A_830, %get3A_831, %get3A_832] {strides = array<i32>} : memref<3x128x128xf32, #tpu.memory_space<vmem>>, vector<1x1x16xf32>,
      %get3A_834 = vector.shape_cast %get3A_833 : vector<1x1x16xf32> to vector<16xf32>
      %swap3A_835 = arith.constant 1 : i32
      %swap3A_836 = arith.index_cast %swap3A_835 : i32 to index
      %swap3A_837 = arith.index_cast %scan3A_804 : i32 to index
      %swap3A_838 = arith.constant 32 : index
      %swap3A_839 = tpu.vector_load %arg6[%swap3A_836, %swap3A_837, %swap3A_838] {strides = array<i32>} : memref<3x128x128xf32, #tpu.memory_space<vmem>>, vector<1x1x16xf32>,
      %swap3A_840 = vector.shape_cast %swap3A_839 : vector<1x1x16xf32> to vector<16xf32>
      %swap3A_841 = vector.shape_cast %get3A_834 : vector<16xf32> to vector<1x1x16xf32>
      tpu.vector_store %arg6[%swap3A_836, %swap3A_837, %swap3A_838], %swap3A_841 {add = true, strides = array<i32>} : memref<3x128x128xf32, #tpu.memory_space<vmem>>, vector<1x1x16xf32>,
      %get3A_842 = arith.constant 1 : i32
      %get3A_843 = arith.index_cast %get3A_842 : i32 to index
      %get3A_844 = arith.index_cast %scan3A_804 : i32 to index
      %get3A_845 = arith.constant 48 : index
      %get3A_846 = tpu.vector_load %arg7[%get3A_843, %get3A_844, %get3A_845] {strides = array<i32>} : memref<3x128x128xf32, #tpu.memory_space<vmem>>, vector<1x1x16xf32>,
      %get3A_847 = vector.shape_cast %get3A_846 : vector<1x1x16xf32> to vector<16xf32>
      %swap3A_848 = arith.constant 1 : i32
      %swap3A_849 = arith.index_cast %swap3A_848 : i32 to index
      %swap3A_850 = arith.index_cast %scan3A_804 : i32 to index
      %swap3A_851 = arith.constant 48 : index
      %swap3A_852 = tpu.vector_load %arg6[%swap3A_849, %swap3A_850, %swap3A_851] {strides = array<i32>} : memref<3x128x128xf32, #tpu.memory_space<vmem>>, vector<1x1x16xf32>,
      %swap3A_853 = vector.shape_cast %swap3A_852 : vector<1x1x16xf32> to vector<16xf32>
      %swap3A_854 = vector.shape_cast %get3A_847 : vector<16xf32> to vector<1x1x16xf32>
      tpu.vector_store %arg6[%swap3A_849, %swap3A_850, %swap3A_851], %swap3A_854 {add = true, strides = array<i32>} : memref<3x128x128xf32, #tpu.memory_space<vmem>>, vector<1x1x16xf32>,
      %get3A_855 = arith.constant 1 : i32
      %get3A_856 = arith.index_cast %get3A_855 : i32 to index
      %get3A_857 = arith.index_cast %scan3A_804 : i32 to index
      %get3A_858 = arith.constant 64 : index
      %get3A_859 = tpu.vector_load %arg7[%get3A_856, %get3A_857, %get3A_858] {strides = array<i32>} : memref<3x128x128xf32, #tpu.memory_space<vmem>>, vector<1x1x16xf32>,
      %get3A_860 = vector.shape_cast %get3A_859 : vector<1x1x16xf32> to vector<16xf32>
      %swap3A_861 = arith.constant 1 : i32
      %swap3A_862 = arith.index_cast %swap3A_861 : i32 to index
      %swap3A_863 = arith.index_cast %scan3A_804 : i32 to index
      %swap3A_864 = arith.constant 64 : index
      %swap3A_865 = tpu.vector_load %arg6[%swap3A_862, %swap3A_863, %swap3A_864] {strides = array<i32>} : memref<3x128x128xf32, #tpu.memory_space<vmem>>, vector<1x1x16xf32>,
      %swap3A_866 = vector.shape_cast %swap3A_865 : vector<1x1x16xf32> to vector<16xf32>
      %swap3A_867 = vector.shape_cast %get3A_860 : vector<16xf32> to vector<1x1x16xf32>
      tpu.vector_store %arg6[%swap3A_862, %swap3A_863, %swap3A_864], %swap3A_867 {add = true, strides = array<i32>} : memref<3x128x128xf32, #tpu.memory_space<vmem>>, vector<1x1x16xf32>,
      %get3A_868 = arith.constant 1 : i32
      %get3A_869 = arith.index_cast %get3A_868 : i32 to index
      %get3A_870 = arith.index_cast %scan3A_804 : i32 to index
      %get3A_871 = arith.constant 80 : index
      %get3A_872 = tpu.vector_load %arg7[%get3A_869, %get3A_870, %get3A_871] {strides = array<i32>} : memref<3x128x128xf32, #tpu.memory_space<vmem>>, vector<1x1x16xf32>,
      %get3A_873 = vector.shape_cast %get3A_872 : vector<1x1x16xf32> to vector<16xf32>
      %swap3A_874 = arith.constant 1 : i32
      %swap3A_875 = arith.index_cast %swap3A_874 : i32 to index
      %swap3A_876 = arith.index_cast %scan3A_804 : i32 to index
      %swap3A_877 = arith.constant 80 : index
      %swap3A_878 = tpu.vector_load %arg6[%swap3A_875, %swap3A_876, %swap3A_877] {strides = array<i32>} : memref<3x128x128xf32, #tpu.memory_space<vmem>>, vector<1x1x16xf32>,
      %swap3A_879 = vector.shape_cast %swap3A_878 : vector<1x1x16xf32> to vector<16xf32>
      %swap3A_880 = vector.shape_cast %get3A_873 : vector<16xf32> to vector<1x1x16xf32>
      tpu.vector_store %arg6[%swap3A_875, %swap3A_876, %swap3A_877], %swap3A_880 {add = true, strides = array<i32>} : memref<3x128x128xf32, #tpu.memory_space<vmem>>, vector<1x1x16xf32>,
      %get3A_881 = arith.constant 1 : i32
      %get3A_882 = arith.index_cast %get3A_881 : i32 to index
      %get3A_883 = arith.index_cast %scan3A_804 : i32 to index
      %get3A_884 = arith.constant 96 : index
      %get3A_885 = tpu.vector_load %arg7[%get3A_882, %get3A_883, %get3A_884] {strides = array<i32>} : memref<3x128x128xf32, #tpu.memory_space<vmem>>, vector<1x1x16xf32>,
      %get3A_886 = vector.shape_cast %get3A_885 : vector<1x1x16xf32> to vector<16xf32>
      %swap3A_887 = arith.constant 1 : i32
      %swap3A_888 = arith.index_cast %swap3A_887 : i32 to index
      %swap3A_889 = arith.index_cast %scan3A_804 : i32 to index
      %swap3A_890 = arith.constant 96 : index
      %swap3A_891 = tpu.vector_load %arg6[%swap3A_888, %swap3A_889, %swap3A_890] {strides = array<i32>} : memref<3x128x128xf32, #tpu.memory_space<vmem>>, vector<1x1x16xf32>,
      %swap3A_892 = vector.shape_cast %swap3A_891 : vector<1x1x16xf32> to vector<16xf32>
      %swap3A_893 = vector.shape_cast %get3A_886 : vector<16xf32> to vector<1x1x16xf32>
      tpu.vector_store %arg6[%swap3A_888, %swap3A_889, %swap3A_890], %swap3A_893 {add = true, strides = array<i32>} : memref<3x128x128xf32, #tpu.memory_space<vmem>>, vector<1x1x16xf32>,
      %get3A_894 = arith.constant 1 : i32
      %get3A_895 = arith.index_cast %get3A_894 : i32 to index
      %get3A_896 = arith.index_cast %scan3A_804 : i32 to index
      %get3A_897 = arith.constant 112 : index
      %get3A_898 = tpu.vector_load %arg7[%get3A_895, %get3A_896, %get3A_897] {strides = array<i32>} : memref<3x128x128xf32, #tpu.memory_space<vmem>>, vector<1x1x16xf32>,
      %get3A_899 = vector.shape_cast %get3A_898 : vector<1x1x16xf32> to vector<16xf32>
      %swap3A_900 = arith.constant 1 : i32
      %swap3A_901 = arith.index_cast %swap3A_900 : i32 to index
      %swap3A_902 = arith.index_cast %scan3A_804 : i32 to index
      %swap3A_903 = arith.constant 112 : index
      %swap3A_904 = tpu.vector_load %arg6[%swap3A_901, %swap3A_902, %swap3A_903] {strides = array<i32>} : memref<3x128x128xf32, #tpu.memory_space<vmem>>, vector<1x1x16xf32>,
      %swap3A_905 = vector.shape_cast %swap3A_904 : vector<1x1x16xf32> to vector<16xf32>
      %swap3A_906 = vector.shape_cast %get3A_899 : vector<16xf32> to vector<1x1x16xf32>
      tpu.vector_store %arg6[%swap3A_901, %swap3A_902, %swap3A_903], %swap3A_906 {add = true, strides = array<i32>} : memref<3x128x128xf32, #tpu.memory_space<vmem>>, vector<1x1x16xf32>,
      %scan3A_907 = arith.constant 1 : i32
      %scan3A_908 = arith.addi %scan3A_804, %scan3A_907 : i32
      %get3A_909 = arith.constant 1 : i32
      %get3A_910 = arith.index_cast %get3A_909 : i32 to index
      %get3A_911 = arith.index_cast %scan3A_908 : i32 to index
      %get3A_912 = arith.constant 0 : index
      %get3A_913 = tpu.vector_load %arg7[%get3A_910, %get3A_911, %get3A_912] {strides = array<i32>} : memref<3x128x128xf32, #tpu.memory_space<vmem>>, vector<1x1x16xf32>,
      %get3A_914 = vector.shape_cast %get3A_913 : vector<1x1x16xf32> to vector<16xf32>
      %swap3A_915 = arith.constant 1 : i32
      %swap3A_916 = arith.index_cast %swap3A_915 : i32 to index
      %swap3A_917 = arith.index_cast %scan3A_908 : i32 to index
      %swap3A_918 = arith.constant 0 : index
      %swap3A_919 = tpu.vector_load %arg6[%swap3A_916, %swap3A_917, %swap3A_918] {strides = array<i32>} : memref<3x128x128xf32, #tpu.memory_space<vmem>>, vector<1x1x16xf32>,
      %swap3A_920 = vector.shape_cast %swap3A_919 : vector<1x1x16xf32> to vector<16xf32>
      %swap3A_921 = vector.shape_cast %get3A_914 : vector<16xf32> to vector<1x1x16xf32>
      tpu.vector_store %arg6[%swap3A_916, %swap3A_917, %swap3A_918], %swap3A_921 {add = true, strides = array<i32>} : memref<3x128x128xf32, #tpu.memory_space<vmem>>, vector<1x1x16xf32>,
      %get3A_922 = arith.constant 1 : i32
      %get3A_923 = arith.index_cast %get3A_922 : i32 to index
      %get3A_924 = arith.index_cast %scan3A_908 : i32 to index
      %get3A_925 = arith.constant 16 : index
      %get3A_926 = tpu.vector_load %arg7[%get3A_923, %get3A_924, %get3A_925] {strides = array<i32>} : memref<3x128x128xf32, #tpu.memory_space<vmem>>, vector<1x1x16xf32>,
      %get3A_927 = vector.shape_cast %get3A_926 : vector<1x1x16xf32> to vector<16xf32>
      %swap3A_928 = arith.constant 1 : i32
      %swap3A_929 = arith.index_cast %swap3A_928 : i32 to index
      %swap3A_930 = arith.index_cast %scan3A_908 : i32 to index
      %swap3A_931 = arith.constant 16 : index
      %swap3A_932 = tpu.vector_load %arg6[%swap3A_929, %swap3A_930, %swap3A_931] {strides = array<i32>} : memref<3x128x128xf32, #tpu.memory_space<vmem>>, vector<1x1x16xf32>,
      %swap3A_933 = vector.shape_cast %swap3A_932 : vector<1x1x16xf32> to vector<16xf32>
      %swap3A_934 = vector.shape_cast %get3A_927 : vector<16xf32> to vector<1x1x16xf32>
      tpu.vector_store %arg6[%swap3A_929, %swap3A_930, %swap3A_931], %swap3A_934 {add = true, strides = array<i32>} : memref<3x128x128xf32, #tpu.memory_space<vmem>>, vector<1x1x16xf32>,
      %get3A_935 = arith.constant 1 : i32
      %get3A_936 = arith.index_cast %get3A_935 : i32 to index
      %get3A_937 = arith.index_cast %scan3A_908 : i32 to index
      %get3A_938 = arith.constant 32 : index
      %get3A_939 = tpu.vector_load %arg7[%get3A_936, %get3A_937, %get3A_938] {strides = array<i32>} : memref<3x128x128xf32, #tpu.memory_space<vmem>>, vector<1x1x16xf32>,
      %get3A_940 = vector.shape_cast %get3A_939 : vector<1x1x16xf32> to vector<16xf32>
      %swap3A_941 = arith.constant 1 : i32
      %swap3A_942 = arith.index_cast %swap3A_941 : i32 to index
      %swap3A_943 = arith.index_cast %scan3A_908 : i32 to index
      %swap3A_944 = arith.constant 32 : index
      %swap3A_945 = tpu.vector_load %arg6[%swap3A_942, %swap3A_943, %swap3A_944] {strides = array<i32>} : memref<3x128x128xf32, #tpu.memory_space<vmem>>, vector<1x1x16xf32>,
      %swap3A_946 = vector.shape_cast %swap3A_945 : vector<1x1x16xf32> to vector<16xf32>
      %swap3A_947 = vector.shape_cast %get3A_940 : vector<16xf32> to vector<1x1x16xf32>
      tpu.vector_store %arg6[%swap3A_942, %swap3A_943, %swap3A_944], %swap3A_947 {add = true, strides = array<i32>} : memref<3x128x128xf32, #tpu.memory_space<vmem>>, vector<1x1x16xf32>,
      %get3A_948 = arith.constant 1 : i32
      %get3A_949 = arith.index_cast %get3A_948 : i32 to index
      %get3A_950 = arith.index_cast %scan3A_908 : i32 to index
      %get3A_951 = arith.constant 48 : index
      %get3A_952 = tpu.vector_load %arg7[%get3A_949, %get3A_950, %get3A_951] {strides = array<i32>} : memref<3x128x128xf32, #tpu.memory_space<vmem>>, vector<1x1x16xf32>,
      %get3A_953 = vector.shape_cast %get3A_952 : vector<1x1x16xf32> to vector<16xf32>
      %swap3A_954 = arith.constant 1 : i32
      %swap3A_955 = arith.index_cast %swap3A_954 : i32 to index
      %swap3A_956 = arith.index_cast %scan3A_908 : i32 to index
      %swap3A_957 = arith.constant 48 : index
      %swap3A_958 = tpu.vector_load %arg6[%swap3A_955, %swap3A_956, %swap3A_957] {strides = array<i32>} : memref<3x128x128xf32, #tpu.memory_space<vmem>>, vector<1x1x16xf32>,
      %swap3A_959 = vector.shape_cast %swap3A_958 : vector<1x1x16xf32> to vector<16xf32>
      %swap3A_960 = vector.shape_cast %get3A_953 : vector<16xf32> to vector<1x1x16xf32>
      tpu.vector_store %arg6[%swap3A_955, %swap3A_956, %swap3A_957], %swap3A_960 {add = true, strides = array<i32>} : memref<3x128x128xf32, #tpu.memory_space<vmem>>, vector<1x1x16xf32>,
      %get3A_961 = arith.constant 1 : i32
      %get3A_962 = arith.index_cast %get3A_961 : i32 to index
      %get3A_963 = arith.index_cast %scan3A_908 : i32 to index
      %get3A_964 = arith.constant 64 : index
      %get3A_965 = tpu.vector_load %arg7[%get3A_962, %get3A_963, %get3A_964] {strides = array<i32>} : memref<3x128x128xf32, #tpu.memory_space<vmem>>, vector<1x1x16xf32>,
      %get3A_966 = vector.shape_cast %get3A_965 : vector<1x1x16xf32> to vector<16xf32>
      %swap3A_967 = arith.constant 1 : i32
      %swap3A_968 = arith.index_cast %swap3A_967 : i32 to index
      %swap3A_969 = arith.index_cast %scan3A_908 : i32 to index
      %swap3A_970 = arith.constant 64 : index
      %swap3A_971 = tpu.vector_load %arg6[%swap3A_968, %swap3A_969, %swap3A_970] {strides = array<i32>} : memref<3x128x128xf32, #tpu.memory_space<vmem>>, vector<1x1x16xf32>,
      %swap3A_972 = vector.shape_cast %swap3A_971 : vector<1x1x16xf32> to vector<16xf32>
      %swap3A_973 = vector.shape_cast %get3A_966 : vector<16xf32> to vector<1x1x16xf32>
      tpu.vector_store %arg6[%swap3A_968, %swap3A_969, %swap3A_970], %swap3A_973 {add = true, strides = array<i32>} : memref<3x128x128xf32, #tpu.memory_space<vmem>>, vector<1x1x16xf32>,
      %get3A_974 = arith.constant 1 : i32
      %get3A_975 = arith.index_cast %get3A_974 : i32 to index
      %get3A_976 = arith.index_cast %scan3A_908 : i32 to index
      %get3A_977 = arith.constant 80 : index
      %get3A_978 = tpu.vector_load %arg7[%get3A_975, %get3A_976, %get3A_977] {strides = array<i32>} : memref<3x128x128xf32, #tpu.memory_space<vmem>>, vector<1x1x16xf32>,
      %get3A_979 = vector.shape_cast %get3A_978 : vector<1x1x16xf32> to vector<16xf32>
      %swap3A_980 = arith.constant 1 : i32
      %swap3A_981 = arith.index_cast %swap3A_980 : i32 to index
      %swap3A_982 = arith.index_cast %scan3A_908 : i32 to index
      %swap3A_983 = arith.constant 80 : index
      %swap3A_984 = tpu.vector_load %arg6[%swap3A_981, %swap3A_982, %swap3A_983] {strides = array<i32>} : memref<3x128x128xf32, #tpu.memory_space<vmem>>, vector<1x1x16xf32>,
      %swap3A_985 = vector.shape_cast %swap3A_984 : vector<1x1x16xf32> to vector<16xf32>
      %swap3A_986 = vector.shape_cast %get3A_979 : vector<16xf32> to vector<1x1x16xf32>
      tpu.vector_store %arg6[%swap3A_981, %swap3A_982, %swap3A_983], %swap3A_986 {add = true, strides = array<i32>} : memref<3x128x128xf32, #tpu.memory_space<vmem>>, vector<1x1x16xf32>,
      %get3A_987 = arith.constant 1 : i32
      %get3A_988 = arith.index_cast %get3A_987 : i32 to index
      %get3A_989 = arith.index_cast %scan3A_908 : i32 to index
      %get3A_990 = arith.constant 96 : index
      %get3A_991 = tpu.vector_load %arg7[%get3A_988, %get3A_989, %get3A_990] {strides = array<i32>} : memref<3x128x128xf32, #tpu.memory_space<vmem>>, vector<1x1x16xf32>,
      %get3A_992 = vector.shape_cast %get3A_991 : vector<1x1x16xf32> to vector<16xf32>
      %swap3A_993 = arith.constant 1 : i32
      %swap3A_994 = arith.index_cast %swap3A_993 : i32 to index
      %swap3A_995 = arith.index_cast %scan3A_908 : i32 to index
      %swap3A_996 = arith.constant 96 : index
      %swap3A_997 = tpu.vector_load %arg6[%swap3A_994, %swap3A_995, %swap3A_996] {strides = array<i32>} : memref<3x128x128xf32, #tpu.memory_space<vmem>>, vector<1x1x16xf32>,
      %swap3A_998 = vector.shape_cast %swap3A_997 : vector<1x1x16xf32> to vector<16xf32>
      %swap3A_999 = vector.shape_cast %get3A_992 : vector<16xf32> to vector<1x1x16xf32>
      tpu.vector_store %arg6[%swap3A_994, %swap3A_995, %swap3A_996], %swap3A_999 {add = true, strides = array<i32>} : memref<3x128x128xf32, #tpu.memory_space<vmem>>, vector<1x1x16xf32>,
      %get3A_1000 = arith.constant 1 : i32
      %get3A_1001 = arith.index_cast %get3A_1000 : i32 to index
      %get3A_1002 = arith.index_cast %scan3A_908 : i32 to index
      %get3A_1003 = arith.constant 112 : index
      %get3A_1004 = tpu.vector_load %arg7[%get3A_1001, %get3A_1002, %get3A_1003] {strides = array<i32>} : memref<3x128x128xf32, #tpu.memory_space<vmem>>, vector<1x1x16xf32>,
      %get3A_1005 = vector.shape_cast %get3A_1004 : vector<1x1x16xf32> to vector<16xf32>
      %swap3A_1006 = arith.constant 1 : i32
      %swap3A_1007 = arith.index_cast %swap3A_1006 : i32 to index
      %swap3A_1008 = arith.index_cast %scan3A_908 : i32 to index
      %swap3A_1009 = arith.constant 112 : index
      %swap3A_1010 = tpu.vector_load %arg6[%swap3A_1007, %swap3A_1008, %swap3A_1009] {strides = array<i32>} : memref<3x128x128xf32, #tpu.memory_space<vmem>>, vector<1x1x16xf32>,
      %swap3A_1011 = vector.shape_cast %swap3A_1010 : vector<1x1x16xf32> to vector<16xf32>
      %swap3A_1012 = vector.shape_cast %get3A_1005 : vector<16xf32> to vector<1x1x16xf32>
      tpu.vector_store %arg6[%swap3A_1007, %swap3A_1008, %swap3A_1009], %swap3A_1012 {add = true, strides = array<i32>} : memref<3x128x128xf32, #tpu.memory_space<vmem>>, vector<1x1x16xf32>,
    }
    %scan3A_402 = arith.constant 128 : i32
    %min3A_403 = arith.constant 1 : i32
    %min3A_404 = arith.constant 38 : i32
    %min3A_405 = arith.minsi %min3A_403, %min3A_404 : i32
    %mul3A_406 = arith.constant 32 : i32
    %mul3A_407 = arith.muli %mul3A_406, %min3A_405 : i32
    %add3A_408 = arith.addi %add3A, %mul3A_407 : i32
    %lt3A_409 = arith.constant 2 : i32
    %lt3A_410 = arith.cmpi slt, %add3A, %lt3A_409 : i32
    %add3A_411 = arith.constant 1248 : i32
    %add3A_412 = arith.addi %add3A_411, %add3A : i32
    %select_n3A_413 = arith.select %lt3A_410, %add3A_412, %add3A_408 : i32
    %jit3A_414 = arith.constant false
    %select_n3A_415 = arith.select %jit3A_414, %select_n3A_413, %add3A_408 : i32
    %mul3A_416 = arith.constant 128 : i32
    %mul3A_417 = arith.muli %select_n3A_415, %mul3A_416 : i32
    %dma_start3A_418 = arith.constant 1 : i32
    %dma_start3A_419 = arith.constant 0 : i32
    %dma_start3A_420 = arith.constant 0 : i32
    %dma_start3A_421 = tpu.memref_slice %arg6[%dma_start3A_418, %dma_start3A_419, %dma_start3A_420] : memref<3x128x128xf32, #tpu.memory_space<vmem>> -> memref<1x128x128xf32, #tpu.memory_space<vmem>>
    %dma_start3A_422 = tpu.memref_squeeze %dma_start3A_421 : memref<1x128x128xf32, #tpu.memory_space<vmem>> -> memref<128x128xf32, #tpu.memory_space<vmem>>
    %dma_start3A_423 = arith.constant 0 : i32
    %dma_start3A_424 = tpu.memref_slice %arg4[%mul3A_417, %dma_start3A_423] : memref<160000x128xf32, #tpu.memory_space<hbm>> -> memref<128x128xf32, #tpu.memory_space<hbm>>
    %dma_start3A_425 = arith.constant 0 : i32
    %dma_start3A_426 = tpu.memref_slice %arg4[%mul3A_417, %dma_start3A_425] : memref<160000x128xf32, #tpu.memory_space<hbm>> -> memref<128x128xf32, #tpu.memory_space<hbm>>
    %dma_start3A_427 = arith.constant 0 : i32
    %dma_start3A_428 = arith.constant 0 : i32
    %dma_start3A_429 = tpu.memref_slice %arg6[%dma_start3A_418, %dma_start3A_427, %dma_start3A_428] : memref<3x128x128xf32, #tpu.memory_space<vmem>> -> memref<1x128x128xf32, #tpu.memory_space<vmem>>
    %dma_start3A_430 = tpu.memref_squeeze %dma_start3A_429 : memref<1x128x128xf32, #tpu.memory_space<vmem>> -> memref<128x128xf32, #tpu.memory_space<vmem>>
    tpu.enqueue_dma source(%dma_start3A_430 : memref<128x128xf32, #tpu.memory_space<vmem>>) target(%dma_start3A_426 : memref<128x128xf32, #tpu.memory_space<hbm>>) target_semaphore(%arg15 : memref<!tpu.dma_semaphore, #tpu.memory_space<semaphore_mem>>)
    %scan3A_431 = arith.constant 0 : i32
    %scan3A_432 = arith.constant 12 : i32
    %scan3A_433 = arith.addi %scan3A_431, %scan3A_432 : i32
    %scan3A_434 = arith.constant 1 : i32
    scf.for %scan3A_804 = %scan3A_431 to %scan3A_433 step %scan3A_434  : i32 {
      %mul3A_805 = arith.constant 3 : i32
      %mul3A_806 = arith.muli %mul3A_805, %scan3A_804 : i32
      %add3A_807 = arith.constant 2 : i32
      %add3A_808 = arith.addi %mul3A_806, %add3A_807 : i32
      %add3A_809 = arith.constant 0 : i32
      %add3A_810 = arith.addi %add3A_808, %add3A_809 : i32
      %dma_wait3A_811 = arith.constant 2 : i32
      %dma_wait3A_812 = arith.constant 0 : i32
      %dma_wait3A_813 = arith.constant 2 : i32
      %dma_wait3A_814 = arith.constant 0 : i32
      %dma_wait3A_815 = arith.constant 0 : i32
      %dma_wait3A_816 = tpu.memref_slice %arg6[%dma_wait3A_813, %dma_wait3A_814, %dma_wait3A_815] : memref<3x128x128xf32, #tpu.memory_space<vmem>> -> memref<1x128x128xf32, #tpu.memory_space<vmem>>
      %dma_wait3A_817 = tpu.memref_squeeze %dma_wait3A_816 : memref<1x128x128xf32, #tpu.memory_space<vmem>> -> memref<128x128xf32, #tpu.memory_space<vmem>>
      %dma_wait3A_818 = arith.constant 0 : i32
      %dma_wait3A_819 = tpu.memref_slice %arg5[%dma_wait3A_811, %dma_wait3A_812, %dma_wait3A_818] : memref<3x2x128xi32, #tpu.memory_space<vmem>> -> memref<1x1x128xi32, #tpu.memory_space<vmem>>
      %dma_wait3A_820 = tpu.memref_squeeze %dma_wait3A_819 : memref<1x1x128xi32, #tpu.memory_space<vmem>> -> memref<128xi32, #tpu.memory_space<vmem>>
      %dma_wait3A_821 = arith.constant 0 : i32
      %dma_wait3A_822 = arith.constant 0 : i32
      %dma_wait3A_823 = tpu.memref_slice %arg3[%dma_wait3A_821, %dma_wait3A_822] : memref<10000x128xf32, #tpu.memory_space<hbm>> -> memref<10000x128xf32, #tpu.memory_space<hbm>>
      tpu.wait_indirect_dma semaphore(%arg13 : memref<!tpu.dma_semaphore, #tpu.memory_space<semaphore_mem>>) src(%dma_wait3A_823 : memref<10000x128xf32, #tpu.memory_space<hbm>>) dst(%dma_wait3A_817 : memref<128x128xf32, #tpu.memory_space<vmem>>)
      %dma_wait3A_824 = arith.constant 2 : i32
      %dma_wait3A_825 = arith.constant 1 : i32
      %dma_wait3A_826 = arith.constant 2 : i32
      %dma_wait3A_827 = arith.constant 0 : i32
      %dma_wait3A_828 = arith.constant 0 : i32
      %dma_wait3A_829 = tpu.memref_slice %arg7[%dma_wait3A_826, %dma_wait3A_827, %dma_wait3A_828] : memref<3x128x128xf32, #tpu.memory_space<vmem>> -> memref<1x128x128xf32, #tpu.memory_space<vmem>>
      %dma_wait3A_830 = tpu.memref_squeeze %dma_wait3A_829 : memref<1x128x128xf32, #tpu.memory_space<vmem>> -> memref<128x128xf32, #tpu.memory_space<vmem>>
      %dma_wait3A_831 = arith.constant 0 : i32
      %dma_wait3A_832 = tpu.memref_slice %arg5[%dma_wait3A_824, %dma_wait3A_825, %dma_wait3A_831] : memref<3x2x128xi32, #tpu.memory_space<vmem>> -> memref<1x1x128xi32, #tpu.memory_space<vmem>>
      %dma_wait3A_833 = tpu.memref_squeeze %dma_wait3A_832 : memref<1x1x128xi32, #tpu.memory_space<vmem>> -> memref<128xi32, #tpu.memory_space<vmem>>
      %dma_wait3A_834 = arith.constant 0 : i32
      %dma_wait3A_835 = arith.constant 0 : i32
      %dma_wait3A_836 = tpu.memref_slice %arg3[%dma_wait3A_834, %dma_wait3A_835] : memref<10000x128xf32, #tpu.memory_space<hbm>> -> memref<10000x128xf32, #tpu.memory_space<hbm>>
      tpu.wait_indirect_dma semaphore(%arg13 : memref<!tpu.dma_semaphore, #tpu.memory_space<semaphore_mem>>) src(%dma_wait3A_836 : memref<10000x128xf32, #tpu.memory_space<hbm>>) dst(%dma_wait3A_830 : memref<128x128xf32, #tpu.memory_space<vmem>>)
      %add3A_837 = arith.constant 3 : i32
      %add3A_838 = arith.addi %add3A_810, %add3A_837 : i32
      %min3A_839 = arith.constant 38 : i32
      %min3A_840 = arith.minsi %add3A_838, %min3A_839 : i32
      %mul3A_841 = arith.constant 32 : i32
      %mul3A_842 = arith.muli %mul3A_841, %min3A_840 : i32
      %add3A_843 = arith.addi %add3A, %mul3A_842 : i32
      %lt3A_844 = arith.constant 2 : i32
      %lt3A_845 = arith.cmpi slt, %add3A, %lt3A_844 : i32
      %add3A_846 = arith.constant 1248 : i32
      %add3A_847 = arith.addi %add3A_846, %add3A : i32
      %select_n3A_848 = arith.select %lt3A_845, %add3A_847, %add3A_843 : i32
      %ge3A = arith.constant 39 : i32
      %ge3A_849 = arith.cmpi sge, %add3A_838, %ge3A : i32
      %select_n3A_850 = arith.select %ge3A_849, %select_n3A_848, %add3A_843 : i32
      %mul3A_851 = arith.constant 128 : i32
      %mul3A_852 = arith.muli %select_n3A_850, %mul3A_851 : i32
      %dma_start3A_853 = arith.constant 2 : i32
      %dma_start3A_854 = arith.constant 0 : i32
      %dma_start3A_855 = arith.constant 0 : i32
      %dma_start3A_856 = tpu.memref_slice %arg5[%dma_start3A_853, %dma_start3A_854, %dma_start3A_855] : memref<3x2x128xi32, #tpu.memory_space<vmem>> -> memref<1x2x128xi32, #tpu.memory_space<vmem>>
      %dma_start3A_857 = tpu.memref_squeeze %dma_start3A_856 : memref<1x2x128xi32, #tpu.memory_space<vmem>> -> memref<2x128xi32, #tpu.memory_space<vmem>>
      %dma_start3A_858 = arith.constant 0 : i32
      %dma_start3A_859 = tpu.memref_slice %arg2[%dma_start3A_858, %mul3A_852] : memref<2x160000xi32, #tpu.memory_space<hbm>> -> memref<2x128xi32, #tpu.memory_space<hbm>>
      %dma_start3A_860 = arith.constant 0 : i32
      %dma_start3A_861 = arith.constant 0 : i32
      %dma_start3A_862 = tpu.memref_slice %arg5[%dma_start3A_853, %dma_start3A_860, %dma_start3A_861] : memref<3x2x128xi32, #tpu.memory_space<vmem>> -> memref<1x2x128xi32, #tpu.memory_space<vmem>>
      %dma_start3A_863 = tpu.memref_squeeze %dma_start3A_862 : memref<1x2x128xi32, #tpu.memory_space<vmem>> -> memref<2x128xi32, #tpu.memory_space<vmem>>
      %dma_start3A_864 = arith.constant 0 : i32
      %dma_start3A_865 = tpu.memref_slice %arg2[%dma_start3A_864, %mul3A_852] : memref<2x160000xi32, #tpu.memory_space<hbm>> -> memref<2x128xi32, #tpu.memory_space<hbm>>
      tpu.enqueue_dma source(%dma_start3A_865 : memref<2x128xi32, #tpu.memory_space<hbm>>) target(%dma_start3A_863 : memref<2x128xi32, #tpu.memory_space<vmem>>) target_semaphore(%arg10 : memref<!tpu.dma_semaphore, #tpu.memory_space<semaphore_mem>>)
      %dma_wait3A_866 = arith.constant 1 : i32
      %dma_wait3A_867 = arith.constant 0 : i32
      %dma_wait3A_868 = arith.constant 0 : i32
      %dma_wait3A_869 = tpu.memref_slice %arg6[%dma_wait3A_866, %dma_wait3A_867, %dma_wait3A_868] : memref<3x128x128xf32, #tpu.memory_space<vmem>> -> memref<1x128x128xf32, #tpu.memory_space<vmem>>
      %dma_wait3A_870 = tpu.memref_squeeze %dma_wait3A_869 : memref<1x128x128xf32, #tpu.memory_space<vmem>> -> memref<128x128xf32, #tpu.memory_space<vmem>>
      %dma_wait3A_871 = arith.constant 0 : i32
      %dma_wait3A_872 = arith.constant 0 : i32
      %dma_wait3A_873 = tpu.memref_slice %arg4[%dma_wait3A_871, %dma_wait3A_872] : memref<160000x128xf32, #tpu.memory_space<hbm>> -> memref<128x128xf32, #tpu.memory_space<hbm>>
      %dma_wait3A_874 = arith.constant 0 : i32
      %dma_wait3A_875 = arith.constant 0 : i32
      %dma_wait3A_876 = tpu.memref_slice %arg4[%dma_wait3A_874, %dma_wait3A_875] : memref<160000x128xf32, #tpu.memory_space<hbm>> -> memref<128x128xf32, #tpu.memory_space<hbm>>
      %dma_wait3A_877 = arith.constant 0 : i32
      %dma_wait3A_878 = arith.constant 0 : i32
      %dma_wait3A_879 = tpu.memref_slice %arg6[%dma_wait3A_866, %dma_wait3A_877, %dma_wait3A_878] : memref<3x128x128xf32, #tpu.memory_space<vmem>> -> memref<1x128x128xf32, #tpu.memory_space<vmem>>
      %dma_wait3A_880 = tpu.memref_squeeze %dma_wait3A_879 : memref<1x128x128xf32, #tpu.memory_space<vmem>> -> memref<128x128xf32, #tpu.memory_space<vmem>>
      tpu.wait_dma2 semaphore(%arg15 : memref<!tpu.dma_semaphore, #tpu.memory_space<semaphore_mem>>) src(%dma_wait3A_880 : memref<128x128xf32, #tpu.memory_space<vmem>>) dst(%dma_wait3A_876 : memref<128x128xf32, #tpu.memory_space<hbm>>)
      %dma_wait3A_881 = arith.constant 1 : i32
      %dma_wait3A_882 = arith.constant 0 : i32
      %dma_wait3A_883 = arith.constant 0 : i32
      %dma_wait3A_884 = tpu.memref_slice %arg5[%dma_wait3A_881, %dma_wait3A_882, %dma_wait3A_883] : memref<3x2x128xi32, #tpu.memory_space<vmem>> -> memref<1x2x128xi32, #tpu.memory_space<vmem>>
      %dma_wait3A_885 = tpu.memref_squeeze %dma_wait3A_884 : memref<1x2x128xi32, #tpu.memory_space<vmem>> -> memref<2x128xi32, #tpu.memory_space<vmem>>
      %dma_wait3A_886 = arith.constant 0 : i32
      %dma_wait3A_887 = arith.constant 0 : i32
      %dma_wait3A_888 = tpu.memref_slice %arg2[%dma_wait3A_886, %dma_wait3A_887] : memref<2x160000xi32, #tpu.memory_space<hbm>> -> memref<2x128xi32, #tpu.memory_space<hbm>>
      %dma_wait3A_889 = arith.constant 0 : i32
      %dma_wait3A_890 = arith.constant 0 : i32
      %dma_wait3A_891 = tpu.memref_slice %arg5[%dma_wait3A_881, %dma_wait3A_889, %dma_wait3A_890] : memref<3x2x128xi32, #tpu.memory_space<vmem>> -> memref<1x2x128xi32, #tpu.memory_space<vmem>>
      %dma_wait3A_892 = tpu.memref_squeeze %dma_wait3A_891 : memref<1x2x128xi32, #tpu.memory_space<vmem>> -> memref<2x128xi32, #tpu.memory_space<vmem>>
      %dma_wait3A_893 = arith.constant 0 : i32
      %dma_wait3A_894 = arith.constant 0 : i32
      %dma_wait3A_895 = tpu.memref_slice %arg2[%dma_wait3A_893, %dma_wait3A_894] : memref<2x160000xi32, #tpu.memory_space<hbm>> -> memref<2x128xi32, #tpu.memory_space<hbm>>
      tpu.wait_dma2 semaphore(%arg9 : memref<!tpu.dma_semaphore, #tpu.memory_space<semaphore_mem>>) src(%dma_wait3A_895 : memref<2x128xi32, #tpu.memory_space<hbm>>) dst(%dma_wait3A_892 : memref<2x128xi32, #tpu.memory_space<vmem>>)
      %dma_start3A_896 = arith.constant 1 : i32
      %dma_start3A_897 = arith.constant 0 : i32
      %dma_start3A_898 = arith.constant 1 : i32
      %dma_start3A_899 = arith.constant 0 : i32
      %dma_start3A_900 = arith.constant 0 : i32
      %dma_start3A_901 = tpu.memref_slice %arg6[%dma_start3A_898, %dma_start3A_899, %dma_start3A_900] : memref<3x128x128xf32, #tpu.memory_space<vmem>> -> memref<1x128x128xf32, #tpu.memory_space<vmem>>
      %dma_start3A_902 = tpu.memref_squeeze %dma_start3A_901 : memref<1x128x128xf32, #tpu.memory_space<vmem>> -> memref<128x128xf32, #tpu.memory_space<vmem>>
      %dma_start3A_903 = arith.constant 0 : i32
      %dma_start3A_904 = tpu.memref_slice %arg5[%dma_start3A_896, %dma_start3A_897, %dma_start3A_903] : memref<3x2x128xi32, #tpu.memory_space<vmem>> -> memref<1x1x128xi32, #tpu.memory_space<vmem>>
      %dma_start3A_905 = tpu.memref_squeeze %dma_start3A_904 : memref<1x1x128xi32, #tpu.memory_space<vmem>> -> memref<128xi32, #tpu.memory_space<vmem>>
      %dma_start3A_906 = arith.constant 0 : i32
      %dma_start3A_907 = arith.constant 0 : i32
      %dma_start3A_908 = tpu.memref_slice %arg3[%dma_start3A_906, %dma_start3A_907] : memref<10000x128xf32, #tpu.memory_space<hbm>> -> memref<10000x128xf32, #tpu.memory_space<hbm>>
      tpu.enqueue_indirect_dma source(%dma_start3A_908 : memref<10000x128xf32, #tpu.memory_space<hbm>>) target(%dma_start3A_902 : memref<128x128xf32, #tpu.memory_space<vmem>>) offsets(%dma_start3A_905 : memref<128xi32, #tpu.memory_space<vmem>>) semaphore(%arg12 : memref<!tpu.dma_semaphore, #tpu.memory_space<semaphore_mem>>)
      %dma_start3A_909 = arith.constant 1 : i32
      %dma_start3A_910 = arith.constant 1 : i32
      %dma_start3A_911 = arith.constant 1 : i32
      %dma_start3A_912 = arith.constant 0 : i32
      %dma_start3A_913 = arith.constant 0 : i32
      %dma_start3A_914 = tpu.memref_slice %arg7[%dma_start3A_911, %dma_start3A_912, %dma_start3A_913] : memref<3x128x128xf32, #tpu.memory_space<vmem>> -> memref<1x128x128xf32, #tpu.memory_space<vmem>>
      %dma_start3A_915 = tpu.memref_squeeze %dma_start3A_914 : memref<1x128x128xf32, #tpu.memory_space<vmem>> -> memref<128x128xf32, #tpu.memory_space<vmem>>
      %dma_start3A_916 = arith.constant 0 : i32
      %dma_start3A_917 = tpu.memref_slice %arg5[%dma_start3A_909, %dma_start3A_910, %dma_start3A_916] : memref<3x2x128xi32, #tpu.memory_space<vmem>> -> memref<1x1x128xi32, #tpu.memory_space<vmem>>
      %dma_start3A_918 = tpu.memref_squeeze %dma_start3A_917 : memref<1x1x128xi32, #tpu.memory_space<vmem>> -> memref<128xi32, #tpu.memory_space<vmem>>
      %dma_start3A_919 = arith.constant 0 : i32
      %dma_start3A_920 = arith.constant 0 : i32
      %dma_start3A_921 = tpu.memref_slice %arg3[%dma_start3A_919, %dma_start3A_920] : memref<10000x128xf32, #tpu.memory_space<hbm>> -> memref<10000x128xf32, #tpu.memory_space<hbm>>
      tpu.enqueue_indirect_dma source(%dma_start3A_921 : memref<10000x128xf32, #tpu.memory_space<hbm>>) target(%dma_start3A_915 : memref<128x128xf32, #tpu.memory_space<vmem>>) offsets(%dma_start3A_918 : memref<128xi32, #tpu.memory_space<vmem>>) semaphore(%arg12 : memref<!tpu.dma_semaphore, #tpu.memory_space<semaphore_mem>>)
      %scan3A_922 = arith.constant 0 : i32
      %scan3A_923 = arith.constant 128 : i32
      %scan3A_924 = arith.addi %scan3A_922, %scan3A_923 : i32
      %scan3A_925 = arith.constant 2 : i32
      scf.for %scan3A_1257 = %scan3A_922 to %scan3A_924 step %scan3A_925  : i32 {
        %get3A = arith.constant 2 : i32
        %get3A_1258 = arith.index_cast %get3A : i32 to index
        %get3A_1259 = arith.index_cast %scan3A_1257 : i32 to index
        %get3A_1260 = arith.constant 0 : index
        %get3A_1261 = tpu.vector_load %arg7[%get3A_1258, %get3A_1259, %get3A_1260] {strides = array<i32>} : memref<3x128x128xf32, #tpu.memory_space<vmem>>, vector<1x1x16xf32>,
        %get3A_1262 = vector.shape_cast %get3A_1261 : vector<1x1x16xf32> to vector<16xf32>
        %swap3A = arith.constant 2 : i32
        %swap3A_1263 = arith.index_cast %swap3A : i32 to index
        %swap3A_1264 = arith.index_cast %scan3A_1257 : i32 to index
        %swap3A_1265 = arith.constant 0 : index
        %swap3A_1266 = tpu.vector_load %arg6[%swap3A_1263, %swap3A_1264, %swap3A_1265] {strides = array<i32>} : memref<3x128x128xf32, #tpu.memory_space<vmem>>, vector<1x1x16xf32>,
        %swap3A_1267 = vector.shape_cast %swap3A_1266 : vector<1x1x16xf32> to vector<16xf32>
        %swap3A_1268 = vector.shape_cast %get3A_1262 : vector<16xf32> to vector<1x1x16xf32>
        tpu.vector_store %arg6[%swap3A_1263, %swap3A_1264, %swap3A_1265], %swap3A_1268 {add = true, strides = array<i32>} : memref<3x128x128xf32, #tpu.memory_space<vmem>>, vector<1x1x16xf32>,
        %get3A_1269 = arith.constant 2 : i32
        %get3A_1270 = arith.index_cast %get3A_1269 : i32 to index
        %get3A_1271 = arith.index_cast %scan3A_1257 : i32 to index
        %get3A_1272 = arith.constant 16 : index
        %get3A_1273 = tpu.vector_load %arg7[%get3A_1270, %get3A_1271, %get3A_1272] {strides = array<i32>} : memref<3x128x128xf32, #tpu.memory_space<vmem>>, vector<1x1x16xf32>,
        %get3A_1274 = vector.shape_cast %get3A_1273 : vector<1x1x16xf32> to vector<16xf32>
        %swap3A_1275 = arith.constant 2 : i32
        %swap3A_1276 = arith.index_cast %swap3A_1275 : i32 to index
        %swap3A_1277 = arith.index_cast %scan3A_1257 : i32 to index
        %swap3A_1278 = arith.constant 16 : index
        %swap3A_1279 = tpu.vector_load %arg6[%swap3A_1276, %swap3A_1277, %swap3A_1278] {strides = array<i32>} : memref<3x128x128xf32, #tpu.memory_space<vmem>>, vector<1x1x16xf32>,
        %swap3A_1280 = vector.shape_cast %swap3A_1279 : vector<1x1x16xf32> to vector<16xf32>
        %swap3A_1281 = vector.shape_cast %get3A_1274 : vector<16xf32> to vector<1x1x16xf32>
        tpu.vector_store %arg6[%swap3A_1276, %swap3A_1277, %swap3A_1278], %swap3A_1281 {add = true, strides = array<i32>} : memref<3x128x128xf32, #tpu.memory_space<vmem>>, vector<1x1x16xf32>,
        %get3A_1282 = arith.constant 2 : i32
        %get3A_1283 = arith.index_cast %get3A_1282 : i32 to index
        %get3A_1284 = arith.index_cast %scan3A_1257 : i32 to index
        %get3A_1285 = arith.constant 32 : index
        %get3A_1286 = tpu.vector_load %arg7[%get3A_1283, %get3A_1284, %get3A_1285] {strides = array<i32>} : memref<3x128x128xf32, #tpu.memory_space<vmem>>, vector<1x1x16xf32>,
        %get3A_1287 = vector.shape_cast %get3A_1286 : vector<1x1x16xf32> to vector<16xf32>
        %swap3A_1288 = arith.constant 2 : i32
        %swap3A_1289 = arith.index_cast %swap3A_1288 : i32 to index
        %swap3A_1290 = arith.index_cast %scan3A_1257 : i32 to index
        %swap3A_1291 = arith.constant 32 : index
        %swap3A_1292 = tpu.vector_load %arg6[%swap3A_1289, %swap3A_1290, %swap3A_1291] {strides = array<i32>} : memref<3x128x128xf32, #tpu.memory_space<vmem>>, vector<1x1x16xf32>,
        %swap3A_1293 = vector.shape_cast %swap3A_1292 : vector<1x1x16xf32> to vector<16xf32>
        %swap3A_1294 = vector.shape_cast %get3A_1287 : vector<16xf32> to vector<1x1x16xf32>
        tpu.vector_store %arg6[%swap3A_1289, %swap3A_1290, %swap3A_1291], %swap3A_1294 {add = true, strides = array<i32>} : memref<3x128x128xf32, #tpu.memory_space<vmem>>, vector<1x1x16xf32>,
        %get3A_1295 = arith.constant 2 : i32
        %get3A_1296 = arith.index_cast %get3A_1295 : i32 to index
        %get3A_1297 = arith.index_cast %scan3A_1257 : i32 to index
        %get3A_1298 = arith.constant 48 : index
        %get3A_1299 = tpu.vector_load %arg7[%get3A_1296, %get3A_1297, %get3A_1298] {strides = array<i32>} : memref<3x128x128xf32, #tpu.memory_space<vmem>>, vector<1x1x16xf32>,
        %get3A_1300 = vector.shape_cast %get3A_1299 : vector<1x1x16xf32> to vector<16xf32>
        %swap3A_1301 = arith.constant 2 : i32
        %swap3A_1302 = arith.index_cast %swap3A_1301 : i32 to index
        %swap3A_1303 = arith.index_cast %scan3A_1257 : i32 to index
        %swap3A_1304 = arith.constant 48 : index
        %swap3A_1305 = tpu.vector_load %arg6[%swap3A_1302, %swap3A_1303, %swap3A_1304] {strides = array<i32>} : memref<3x128x128xf32, #tpu.memory_space<vmem>>, vector<1x1x16xf32>,
        %swap3A_1306 = vector.shape_cast %swap3A_1305 : vector<1x1x16xf32> to vector<16xf32>
        %swap3A_1307 = vector.shape_cast %get3A_1300 : vector<16xf32> to vector<1x1x16xf32>
        tpu.vector_store %arg6[%swap3A_1302, %swap3A_1303, %swap3A_1304], %swap3A_1307 {add = true, strides = array<i32>} : memref<3x128x128xf32, #tpu.memory_space<vmem>>, vector<1x1x16xf32>,
        %get3A_1308 = arith.constant 2 : i32
        %get3A_1309 = arith.index_cast %get3A_1308 : i32 to index
        %get3A_1310 = arith.index_cast %scan3A_1257 : i32 to index
        %get3A_1311 = arith.constant 64 : index
        %get3A_1312 = tpu.vector_load %arg7[%get3A_1309, %get3A_1310, %get3A_1311] {strides = array<i32>} : memref<3x128x128xf32, #tpu.memory_space<vmem>>, vector<1x1x16xf32>,
        %get3A_1313 = vector.shape_cast %get3A_1312 : vector<1x1x16xf32> to vector<16xf32>
        %swap3A_1314 = arith.constant 2 : i32
        %swap3A_1315 = arith.index_cast %swap3A_1314 : i32 to index
        %swap3A_1316 = arith.index_cast %scan3A_1257 : i32 to index
        %swap3A_1317 = arith.constant 64 : index
        %swap3A_1318 = tpu.vector_load %arg6[%swap3A_1315, %swap3A_1316, %swap3A_1317] {strides = array<i32>} : memref<3x128x128xf32, #tpu.memory_space<vmem>>, vector<1x1x16xf32>,
        %swap3A_1319 = vector.shape_cast %swap3A_1318 : vector<1x1x16xf32> to vector<16xf32>
        %swap3A_1320 = vector.shape_cast %get3A_1313 : vector<16xf32> to vector<1x1x16xf32>
        tpu.vector_store %arg6[%swap3A_1315, %swap3A_1316, %swap3A_1317], %swap3A_1320 {add = true, strides = array<i32>} : memref<3x128x128xf32, #tpu.memory_space<vmem>>, vector<1x1x16xf32>,
        %get3A_1321 = arith.constant 2 : i32
        %get3A_1322 = arith.index_cast %get3A_1321 : i32 to index
        %get3A_1323 = arith.index_cast %scan3A_1257 : i32 to index
        %get3A_1324 = arith.constant 80 : index
        %get3A_1325 = tpu.vector_load %arg7[%get3A_1322, %get3A_1323, %get3A_1324] {strides = array<i32>} : memref<3x128x128xf32, #tpu.memory_space<vmem>>, vector<1x1x16xf32>,
        %get3A_1326 = vector.shape_cast %get3A_1325 : vector<1x1x16xf32> to vector<16xf32>
        %swap3A_1327 = arith.constant 2 : i32
        %swap3A_1328 = arith.index_cast %swap3A_1327 : i32 to index
        %swap3A_1329 = arith.index_cast %scan3A_1257 : i32 to index
        %swap3A_1330 = arith.constant 80 : index
        %swap3A_1331 = tpu.vector_load %arg6[%swap3A_1328, %swap3A_1329, %swap3A_1330] {strides = array<i32>} : memref<3x128x128xf32, #tpu.memory_space<vmem>>, vector<1x1x16xf32>,
        %swap3A_1332 = vector.shape_cast %swap3A_1331 : vector<1x1x16xf32> to vector<16xf32>
        %swap3A_1333 = vector.shape_cast %get3A_1326 : vector<16xf32> to vector<1x1x16xf32>
        tpu.vector_store %arg6[%swap3A_1328, %swap3A_1329, %swap3A_1330], %swap3A_1333 {add = true, strides = array<i32>} : memref<3x128x128xf32, #tpu.memory_space<vmem>>, vector<1x1x16xf32>,
        %get3A_1334 = arith.constant 2 : i32
        %get3A_1335 = arith.index_cast %get3A_1334 : i32 to index
        %get3A_1336 = arith.index_cast %scan3A_1257 : i32 to index
        %get3A_1337 = arith.constant 96 : index
        %get3A_1338 = tpu.vector_load %arg7[%get3A_1335, %get3A_1336, %get3A_1337] {strides = array<i32>} : memref<3x128x128xf32, #tpu.memory_space<vmem>>, vector<1x1x16xf32>,
        %get3A_1339 = vector.shape_cast %get3A_1338 : vector<1x1x16xf32> to vector<16xf32>
        %swap3A_1340 = arith.constant 2 : i32
        %swap3A_1341 = arith.index_cast %swap3A_1340 : i32 to index
        %swap3A_1342 = arith.index_cast %scan3A_1257 : i32 to index
        %swap3A_1343 = arith.constant 96 : index
        %swap3A_1344 = tpu.vector_load %arg6[%swap3A_1341, %swap3A_1342, %swap3A_1343] {strides = array<i32>} : memref<3x128x128xf32, #tpu.memory_space<vmem>>, vector<1x1x16xf32>,
        %swap3A_1345 = vector.shape_cast %swap3A_1344 : vector<1x1x16xf32> to vector<16xf32>
        %swap3A_1346 = vector.shape_cast %get3A_1339 : vector<16xf32> to vector<1x1x16xf32>
        tpu.vector_store %arg6[%swap3A_1341, %swap3A_1342, %swap3A_1343], %swap3A_1346 {add = true, strides = array<i32>} : memref<3x128x128xf32, #tpu.memory_space<vmem>>, vector<1x1x16xf32>,
        %get3A_1347 = arith.constant 2 : i32
        %get3A_1348 = arith.index_cast %get3A_1347 : i32 to index
        %get3A_1349 = arith.index_cast %scan3A_1257 : i32 to index
        %get3A_1350 = arith.constant 112 : index
        %get3A_1351 = tpu.vector_load %arg7[%get3A_1348, %get3A_1349, %get3A_1350] {strides = array<i32>} : memref<3x128x128xf32, #tpu.memory_space<vmem>>, vector<1x1x16xf32>,
        %get3A_1352 = vector.shape_cast %get3A_1351 : vector<1x1x16xf32> to vector<16xf32>
        %swap3A_1353 = arith.constant 2 : i32
        %swap3A_1354 = arith.index_cast %swap3A_1353 : i32 to index
        %swap3A_1355 = arith.index_cast %scan3A_1257 : i32 to index
        %swap3A_1356 = arith.constant 112 : index
        %swap3A_1357 = tpu.vector_load %arg6[%swap3A_1354, %swap3A_1355, %swap3A_1356] {strides = array<i32>} : memref<3x128x128xf32, #tpu.memory_space<vmem>>, vector<1x1x16xf32>,
        %swap3A_1358 = vector.shape_cast %swap3A_1357 : vector<1x1x16xf32> to vector<16xf32>
        %swap3A_1359 = vector.shape_cast %get3A_1352 : vector<16xf32> to vector<1x1x16xf32>
        tpu.vector_store %arg6[%swap3A_1354, %swap3A_1355, %swap3A_1356], %swap3A_1359 {add = true, strides = array<i32>} : memref<3x128x128xf32, #tpu.memory_space<vmem>>, vector<1x1x16xf32>,
        %scan3A_1360 = arith.constant 1 : i32
        %scan3A_1361 = arith.addi %scan3A_1257, %scan3A_1360 : i32
        %get3A_1362 = arith.constant 2 : i32
        %get3A_1363 = arith.index_cast %get3A_1362 : i32 to index
        %get3A_1364 = arith.index_cast %scan3A_1361 : i32 to index
        %get3A_1365 = arith.constant 0 : index
        %get3A_1366 = tpu.vector_load %arg7[%get3A_1363, %get3A_1364, %get3A_1365] {strides = array<i32>} : memref<3x128x128xf32, #tpu.memory_space<vmem>>, vector<1x1x16xf32>,
        %get3A_1367 = vector.shape_cast %get3A_1366 : vector<1x1x16xf32> to vector<16xf32>
        %swap3A_1368 = arith.constant 2 : i32
        %swap3A_1369 = arith.index_cast %swap3A_1368 : i32 to index
        %swap3A_1370 = arith.index_cast %scan3A_1361 : i32 to index
        %swap3A_1371 = arith.constant 0 : index
        %swap3A_1372 = tpu.vector_load %arg6[%swap3A_1369, %swap3A_1370, %swap3A_1371] {strides = array<i32>} : memref<3x128x128xf32, #tpu.memory_space<vmem>>, vector<1x1x16xf32>,
        %swap3A_1373 = vector.shape_cast %swap3A_1372 : vector<1x1x16xf32> to vector<16xf32>
        %swap3A_1374 = vector.shape_cast %get3A_1367 : vector<16xf32> to vector<1x1x16xf32>
        tpu.vector_store %arg6[%swap3A_1369, %swap3A_1370, %swap3A_1371], %swap3A_1374 {add = true, strides = array<i32>} : memref<3x128x128xf32, #tpu.memory_space<vmem>>, vector<1x1x16xf32>,
        %get3A_1375 = arith.constant 2 : i32
        %get3A_1376 = arith.index_cast %get3A_1375 : i32 to index
        %get3A_1377 = arith.index_cast %scan3A_1361 : i32 to index
        %get3A_1378 = arith.constant 16 : index
        %get3A_1379 = tpu.vector_load %arg7[%get3A_1376, %get3A_1377, %get3A_1378] {strides = array<i32>} : memref<3x128x128xf32, #tpu.memory_space<vmem>>, vector<1x1x16xf32>,
        %get3A_1380 = vector.shape_cast %get3A_1379 : vector<1x1x16xf32> to vector<16xf32>
        %swap3A_1381 = arith.constant 2 : i32
        %swap3A_1382 = arith.index_cast %swap3A_1381 : i32 to index
        %swap3A_1383 = arith.index_cast %scan3A_1361 : i32 to index
        %swap3A_1384 = arith.constant 16 : index
        %swap3A_1385 = tpu.vector_load %arg6[%swap3A_1382, %swap3A_1383, %swap3A_1384] {strides = array<i32>} : memref<3x128x128xf32, #tpu.memory_space<vmem>>, vector<1x1x16xf32>,
        %swap3A_1386 = vector.shape_cast %swap3A_1385 : vector<1x1x16xf32> to vector<16xf32>
        %swap3A_1387 = vector.shape_cast %get3A_1380 : vector<16xf32> to vector<1x1x16xf32>
        tpu.vector_store %arg6[%swap3A_1382, %swap3A_1383, %swap3A_1384], %swap3A_1387 {add = true, strides = array<i32>} : memref<3x128x128xf32, #tpu.memory_space<vmem>>, vector<1x1x16xf32>,
        %get3A_1388 = arith.constant 2 : i32
        %get3A_1389 = arith.index_cast %get3A_1388 : i32 to index
        %get3A_1390 = arith.index_cast %scan3A_1361 : i32 to index
        %get3A_1391 = arith.constant 32 : index
        %get3A_1392 = tpu.vector_load %arg7[%get3A_1389, %get3A_1390, %get3A_1391] {strides = array<i32>} : memref<3x128x128xf32, #tpu.memory_space<vmem>>, vector<1x1x16xf32>,
        %get3A_1393 = vector.shape_cast %get3A_1392 : vector<1x1x16xf32> to vector<16xf32>
        %swap3A_1394 = arith.constant 2 : i32
        %swap3A_1395 = arith.index_cast %swap3A_1394 : i32 to index
        %swap3A_1396 = arith.index_cast %scan3A_1361 : i32 to index
        %swap3A_1397 = arith.constant 32 : index
        %swap3A_1398 = tpu.vector_load %arg6[%swap3A_1395, %swap3A_1396, %swap3A_1397] {strides = array<i32>} : memref<3x128x128xf32, #tpu.memory_space<vmem>>, vector<1x1x16xf32>,
        %swap3A_1399 = vector.shape_cast %swap3A_1398 : vector<1x1x16xf32> to vector<16xf32>
        %swap3A_1400 = vector.shape_cast %get3A_1393 : vector<16xf32> to vector<1x1x16xf32>
        tpu.vector_store %arg6[%swap3A_1395, %swap3A_1396, %swap3A_1397], %swap3A_1400 {add = true, strides = array<i32>} : memref<3x128x128xf32, #tpu.memory_space<vmem>>, vector<1x1x16xf32>,
        %get3A_1401 = arith.constant 2 : i32
        %get3A_1402 = arith.index_cast %get3A_1401 : i32 to index
        %get3A_1403 = arith.index_cast %scan3A_1361 : i32 to index
        %get3A_1404 = arith.constant 48 : index
        %get3A_1405 = tpu.vector_load %arg7[%get3A_1402, %get3A_1403, %get3A_1404] {strides = array<i32>} : memref<3x128x128xf32, #tpu.memory_space<vmem>>, vector<1x1x16xf32>,
        %get3A_1406 = vector.shape_cast %get3A_1405 : vector<1x1x16xf32> to vector<16xf32>
        %swap3A_1407 = arith.constant 2 : i32
        %swap3A_1408 = arith.index_cast %swap3A_1407 : i32 to index
        %swap3A_1409 = arith.index_cast %scan3A_1361 : i32 to index
        %swap3A_1410 = arith.constant 48 : index
        %swap3A_1411 = tpu.vector_load %arg6[%swap3A_1408, %swap3A_1409, %swap3A_1410] {strides = array<i32>} : memref<3x128x128xf32, #tpu.memory_space<vmem>>, vector<1x1x16xf32>,
        %swap3A_1412 = vector.shape_cast %swap3A_1411 : vector<1x1x16xf32> to vector<16xf32>
        %swap3A_1413 = vector.shape_cast %get3A_1406 : vector<16xf32> to vector<1x1x16xf32>
        tpu.vector_store %arg6[%swap3A_1408, %swap3A_1409, %swap3A_1410], %swap3A_1413 {add = true, strides = array<i32>} : memref<3x128x128xf32, #tpu.memory_space<vmem>>, vector<1x1x16xf32>,
        %get3A_1414 = arith.constant 2 : i32
        %get3A_1415 = arith.index_cast %get3A_1414 : i32 to index
        %get3A_1416 = arith.index_cast %scan3A_1361 : i32 to index
        %get3A_1417 = arith.constant 64 : index
        %get3A_1418 = tpu.vector_load %arg7[%get3A_1415, %get3A_1416, %get3A_1417] {strides = array<i32>} : memref<3x128x128xf32, #tpu.memory_space<vmem>>, vector<1x1x16xf32>,
        %get3A_1419 = vector.shape_cast %get3A_1418 : vector<1x1x16xf32> to vector<16xf32>
        %swap3A_1420 = arith.constant 2 : i32
        %swap3A_1421 = arith.index_cast %swap3A_1420 : i32 to index
        %swap3A_1422 = arith.index_cast %scan3A_1361 : i32 to index
        %swap3A_1423 = arith.constant 64 : index
        %swap3A_1424 = tpu.vector_load %arg6[%swap3A_1421, %swap3A_1422, %swap3A_1423] {strides = array<i32>} : memref<3x128x128xf32, #tpu.memory_space<vmem>>, vector<1x1x16xf32>,
        %swap3A_1425 = vector.shape_cast %swap3A_1424 : vector<1x1x16xf32> to vector<16xf32>
        %swap3A_1426 = vector.shape_cast %get3A_1419 : vector<16xf32> to vector<1x1x16xf32>
        tpu.vector_store %arg6[%swap3A_1421, %swap3A_1422, %swap3A_1423], %swap3A_1426 {add = true, strides = array<i32>} : memref<3x128x128xf32, #tpu.memory_space<vmem>>, vector<1x1x16xf32>,
        %get3A_1427 = arith.constant 2 : i32
        %get3A_1428 = arith.index_cast %get3A_1427 : i32 to index
        %get3A_1429 = arith.index_cast %scan3A_1361 : i32 to index
        %get3A_1430 = arith.constant 80 : index
        %get3A_1431 = tpu.vector_load %arg7[%get3A_1428, %get3A_1429, %get3A_1430] {strides = array<i32>} : memref<3x128x128xf32, #tpu.memory_space<vmem>>, vector<1x1x16xf32>,
        %get3A_1432 = vector.shape_cast %get3A_1431 : vector<1x1x16xf32> to vector<16xf32>
        %swap3A_1433 = arith.constant 2 : i32
        %swap3A_1434 = arith.index_cast %swap3A_1433 : i32 to index
        %swap3A_1435 = arith.index_cast %scan3A_1361 : i32 to index
        %swap3A_1436 = arith.constant 80 : index
        %swap3A_1437 = tpu.vector_load %arg6[%swap3A_1434, %swap3A_1435, %swap3A_1436] {strides = array<i32>} : memref<3x128x128xf32, #tpu.memory_space<vmem>>, vector<1x1x16xf32>,
        %swap3A_1438 = vector.shape_cast %swap3A_1437 : vector<1x1x16xf32> to vector<16xf32>
        %swap3A_1439 = vector.shape_cast %get3A_1432 : vector<16xf32> to vector<1x1x16xf32>
        tpu.vector_store %arg6[%swap3A_1434, %swap3A_1435, %swap3A_1436], %swap3A_1439 {add = true, strides = array<i32>} : memref<3x128x128xf32, #tpu.memory_space<vmem>>, vector<1x1x16xf32>,
        %get3A_1440 = arith.constant 2 : i32
        %get3A_1441 = arith.index_cast %get3A_1440 : i32 to index
        %get3A_1442 = arith.index_cast %scan3A_1361 : i32 to index
        %get3A_1443 = arith.constant 96 : index
        %get3A_1444 = tpu.vector_load %arg7[%get3A_1441, %get3A_1442, %get3A_1443] {strides = array<i32>} : memref<3x128x128xf32, #tpu.memory_space<vmem>>, vector<1x1x16xf32>,
        %get3A_1445 = vector.shape_cast %get3A_1444 : vector<1x1x16xf32> to vector<16xf32>
        %swap3A_1446 = arith.constant 2 : i32
        %swap3A_1447 = arith.index_cast %swap3A_1446 : i32 to index
        %swap3A_1448 = arith.index_cast %scan3A_1361 : i32 to index
        %swap3A_1449 = arith.constant 96 : index
        %swap3A_1450 = tpu.vector_load %arg6[%swap3A_1447, %swap3A_1448, %swap3A_1449] {strides = array<i32>} : memref<3x128x128xf32, #tpu.memory_space<vmem>>, vector<1x1x16xf32>,
        %swap3A_1451 = vector.shape_cast %swap3A_1450 : vector<1x1x16xf32> to vector<16xf32>
        %swap3A_1452 = vector.shape_cast %get3A_1445 : vector<16xf32> to vector<1x1x16xf32>
        tpu.vector_store %arg6[%swap3A_1447, %swap3A_1448, %swap3A_1449], %swap3A_1452 {add = true, strides = array<i32>} : memref<3x128x128xf32, #tpu.memory_space<vmem>>, vector<1x1x16xf32>,
        %get3A_1453 = arith.constant 2 : i32
        %get3A_1454 = arith.index_cast %get3A_1453 : i32 to index
        %get3A_1455 = arith.index_cast %scan3A_1361 : i32 to index
        %get3A_1456 = arith.constant 112 : index
        %get3A_1457 = tpu.vector_load %arg7[%get3A_1454, %get3A_1455, %get3A_1456] {strides = array<i32>} : memref<3x128x128xf32, #tpu.memory_space<vmem>>, vector<1x1x16xf32>,
        %get3A_1458 = vector.shape_cast %get3A_1457 : vector<1x1x16xf32> to vector<16xf32>
        %swap3A_1459 = arith.constant 2 : i32
        %swap3A_1460 = arith.index_cast %swap3A_1459 : i32 to index
        %swap3A_1461 = arith.index_cast %scan3A_1361 : i32 to index
        %swap3A_1462 = arith.constant 112 : index
        %swap3A_1463 = tpu.vector_load %arg6[%swap3A_1460, %swap3A_1461, %swap3A_1462] {strides = array<i32>} : memref<3x128x128xf32, #tpu.memory_space<vmem>>, vector<1x1x16xf32>,
        %swap3A_1464 = vector.shape_cast %swap3A_1463 : vector<1x1x16xf32> to vector<16xf32>
        %swap3A_1465 = vector.shape_cast %get3A_1458 : vector<16xf32> to vector<1x1x16xf32>
        tpu.vector_store %arg6[%swap3A_1460, %swap3A_1461, %swap3A_1462], %swap3A_1465 {add = true, strides = array<i32>} : memref<3x128x128xf32, #tpu.memory_space<vmem>>, vector<1x1x16xf32>,
      }
      %scan3A_926 = arith.constant 128 : i32
      %min3A_927 = arith.constant 38 : i32
      %min3A_928 = arith.minsi %add3A_810, %min3A_927 : i32
      %mul3A_929 = arith.constant 32 : i32
      %mul3A_930 = arith.muli %mul3A_929, %min3A_928 : i32
      %add3A_931 = arith.addi %add3A, %mul3A_930 : i32
      %lt3A_932 = arith.constant 2 : i32
      %lt3A_933 = arith.cmpi slt, %add3A, %lt3A_932 : i32
      %add3A_934 = arith.constant 1248 : i32
      %add3A_935 = arith.addi %add3A_934, %add3A : i32
      %select_n3A_936 = arith.select %lt3A_933, %add3A_935, %add3A_931 : i32
      %ge3A_937 = arith.constant 39 : i32
      %ge3A_938 = arith.cmpi sge, %add3A_810, %ge3A_937 : i32
      %select_n3A_939 = arith.select %ge3A_938, %select_n3A_936, %add3A_931 : i32
      %mul3A_940 = arith.constant 128 : i32
      %mul3A_941 = arith.muli %select_n3A_939, %mul3A_940 : i32
      %dma_start3A_942 = arith.constant 2 : i32
      %dma_start3A_943 = arith.constant 0 : i32
      %dma_start3A_944 = arith.constant 0 : i32
      %dma_start3A_945 = tpu.memref_slice %arg6[%dma_start3A_942, %dma_start3A_943, %dma_start3A_944] : memref<3x128x128xf32, #tpu.memory_space<vmem>> -> memref<1x128x128xf32, #tpu.memory_space<vmem>>
      %dma_start3A_946 = tpu.memref_squeeze %dma_start3A_945 : memref<1x128x128xf32, #tpu.memory_space<vmem>> -> memref<128x128xf32, #tpu.memory_space<vmem>>
      %dma_start3A_947 = arith.constant 0 : i32
      %dma_start3A_948 = tpu.memref_slice %arg4[%mul3A_941, %dma_start3A_947] : memref<160000x128xf32, #tpu.memory_space<hbm>> -> memref<128x128xf32, #tpu.memory_space<hbm>>
      %dma_start3A_949 = arith.constant 0 : i32
      %dma_start3A_950 = tpu.memref_slice %arg4[%mul3A_941, %dma_start3A_949] : memref<160000x128xf32, #tpu.memory_space<hbm>> -> memref<128x128xf32, #tpu.memory_space<hbm>>
      %dma_start3A_951 = arith.constant 0 : i32
      %dma_start3A_952 = arith.constant 0 : i32
      %dma_start3A_953 = tpu.memref_slice %arg6[%dma_start3A_942, %dma_start3A_951, %dma_start3A_952] : memref<3x128x128xf32, #tpu.memory_space<vmem>> -> memref<1x128x128xf32, #tpu.memory_space<vmem>>
      %dma_start3A_954 = tpu.memref_squeeze %dma_start3A_953 : memref<1x128x128xf32, #tpu.memory_space<vmem>> -> memref<128x128xf32, #tpu.memory_space<vmem>>
      tpu.enqueue_dma source(%dma_start3A_954 : memref<128x128xf32, #tpu.memory_space<vmem>>) target(%dma_start3A_950 : memref<128x128xf32, #tpu.memory_space<hbm>>) target_semaphore(%arg16 : memref<!tpu.dma_semaphore, #tpu.memory_space<semaphore_mem>>)
      %mul3A_955 = arith.constant 3 : i32
      %mul3A_956 = arith.muli %mul3A_955, %scan3A_804 : i32
      %add3A_957 = arith.constant 2 : i32
      %add3A_958 = arith.addi %mul3A_956, %add3A_957 : i32
      %add3A_959 = arith.constant 1 : i32
      %add3A_960 = arith.addi %add3A_958, %add3A_959 : i32
      %dma_wait3A_961 = arith.constant 0 : i32
      %dma_wait3A_962 = arith.constant 0 : i32
      %dma_wait3A_963 = arith.constant 0 : i32
      %dma_wait3A_964 = arith.constant 0 : i32
      %dma_wait3A_965 = arith.constant 0 : i32
      %dma_wait3A_966 = tpu.memref_slice %arg6[%dma_wait3A_963, %dma_wait3A_964, %dma_wait3A_965] : memref<3x128x128xf32, #tpu.memory_space<vmem>> -> memref<1x128x128xf32, #tpu.memory_space<vmem>>
      %dma_wait3A_967 = tpu.memref_squeeze %dma_wait3A_966 : memref<1x128x128xf32, #tpu.memory_space<vmem>> -> memref<128x128xf32, #tpu.memory_space<vmem>>
      %dma_wait3A_968 = arith.constant 0 : i32
      %dma_wait3A_969 = tpu.memref_slice %arg5[%dma_wait3A_961, %dma_wait3A_962, %dma_wait3A_968] : memref<3x2x128xi32, #tpu.memory_space<vmem>> -> memref<1x1x128xi32, #tpu.memory_space<vmem>>
      %dma_wait3A_970 = tpu.memref_squeeze %dma_wait3A_969 : memref<1x1x128xi32, #tpu.memory_space<vmem>> -> memref<128xi32, #tpu.memory_space<vmem>>
      %dma_wait3A_971 = arith.constant 0 : i32
      %dma_wait3A_972 = arith.constant 0 : i32
      %dma_wait3A_973 = tpu.memref_slice %arg3[%dma_wait3A_971, %dma_wait3A_972] : memref<10000x128xf32, #tpu.memory_space<hbm>> -> memref<10000x128xf32, #tpu.memory_space<hbm>>
      tpu.wait_indirect_dma semaphore(%arg11 : memref<!tpu.dma_semaphore, #tpu.memory_space<semaphore_mem>>) src(%dma_wait3A_973 : memref<10000x128xf32, #tpu.memory_space<hbm>>) dst(%dma_wait3A_967 : memref<128x128xf32, #tpu.memory_space<vmem>>)
      %dma_wait3A_974 = arith.constant 0 : i32
      %dma_wait3A_975 = arith.constant 1 : i32
      %dma_wait3A_976 = arith.constant 0 : i32
      %dma_wait3A_977 = arith.constant 0 : i32
      %dma_wait3A_978 = arith.constant 0 : i32
      %dma_wait3A_979 = tpu.memref_slice %arg7[%dma_wait3A_976, %dma_wait3A_977, %dma_wait3A_978] : memref<3x128x128xf32, #tpu.memory_space<vmem>> -> memref<1x128x128xf32, #tpu.memory_space<vmem>>
      %dma_wait3A_980 = tpu.memref_squeeze %dma_wait3A_979 : memref<1x128x128xf32, #tpu.memory_space<vmem>> -> memref<128x128xf32, #tpu.memory_space<vmem>>
      %dma_wait3A_981 = arith.constant 0 : i32
      %dma_wait3A_982 = tpu.memref_slice %arg5[%dma_wait3A_974, %dma_wait3A_975, %dma_wait3A_981] : memref<3x2x128xi32, #tpu.memory_space<vmem>> -> memref<1x1x128xi32, #tpu.memory_space<vmem>>
      %dma_wait3A_983 = tpu.memref_squeeze %dma_wait3A_982 : memref<1x1x128xi32, #tpu.memory_space<vmem>> -> memref<128xi32, #tpu.memory_space<vmem>>
      %dma_wait3A_984 = arith.constant 0 : i32
      %dma_wait3A_985 = arith.constant 0 : i32
      %dma_wait3A_986 = tpu.memref_slice %arg3[%dma_wait3A_984, %dma_wait3A_985] : memref<10000x128xf32, #tpu.memory_space<hbm>> -> memref<10000x128xf32, #tpu.memory_space<hbm>>
      tpu.wait_indirect_dma semaphore(%arg11 : memref<!tpu.dma_semaphore, #tpu.memory_space<semaphore_mem>>) src(%dma_wait3A_986 : memref<10000x128xf32, #tpu.memory_space<hbm>>) dst(%dma_wait3A_980 : memref<128x128xf32, #tpu.memory_space<vmem>>)
      %add3A_987 = arith.constant 3 : i32
      %add3A_988 = arith.addi %add3A_960, %add3A_987 : i32
      %min3A_989 = arith.constant 38 : i32
      %min3A_990 = arith.minsi %add3A_988, %min3A_989 : i32
      %mul3A_991 = arith.constant 32 : i32
      %mul3A_992 = arith.muli %mul3A_991, %min3A_990 : i32
      %add3A_993 = arith.addi %add3A, %mul3A_992 : i32
      %lt3A_994 = arith.constant 2 : i32
      %lt3A_995 = arith.cmpi slt, %add3A, %lt3A_994 : i32
      %add3A_996 = arith.constant 1248 : i32
      %add3A_997 = arith.addi %add3A_996, %add3A : i32
      %select_n3A_998 = arith.select %lt3A_995, %add3A_997, %add3A_993 : i32
      %ge3A_999 = arith.constant 39 : i32
      %ge3A_1000 = arith.cmpi sge, %add3A_988, %ge3A_999 : i32
      %select_n3A_1001 = arith.select %ge3A_1000, %select_n3A_998, %add3A_993 : i32
      %mul3A_1002 = arith.constant 128 : i32
      %mul3A_1003 = arith.muli %select_n3A_1001, %mul3A_1002 : i32
      %dma_start3A_1004 = arith.constant 0 : i32
      %dma_start3A_1005 = arith.constant 0 : i32
      %dma_start3A_1006 = arith.constant 0 : i32
      %dma_start3A_1007 = tpu.memref_slice %arg5[%dma_start3A_1004, %dma_start3A_1005, %dma_start3A_1006] : memref<3x2x128xi32, #tpu.memory_space<vmem>> -> memref<1x2x128xi32, #tpu.memory_space<vmem>>
      %dma_start3A_1008 = tpu.memref_squeeze %dma_start3A_1007 : memref<1x2x128xi32, #tpu.memory_space<vmem>> -> memref<2x128xi32, #tpu.memory_space<vmem>>
      %dma_start3A_1009 = arith.constant 0 : i32
      %dma_start3A_1010 = tpu.memref_slice %arg2[%dma_start3A_1009, %mul3A_1003] : memref<2x160000xi32, #tpu.memory_space<hbm>> -> memref<2x128xi32, #tpu.memory_space<hbm>>
      %dma_start3A_1011 = arith.constant 0 : i32
      %dma_start3A_1012 = arith.constant 0 : i32
      %dma_start3A_1013 = tpu.memref_slice %arg5[%dma_start3A_1004, %dma_start3A_1011, %dma_start3A_1012] : memref<3x2x128xi32, #tpu.memory_space<vmem>> -> memref<1x2x128xi32, #tpu.memory_space<vmem>>
      %dma_start3A_1014 = tpu.memref_squeeze %dma_start3A_1013 : memref<1x2x128xi32, #tpu.memory_space<vmem>> -> memref<2x128xi32, #tpu.memory_space<vmem>>
      %dma_start3A_1015 = arith.constant 0 : i32
      %dma_start3A_1016 = tpu.memref_slice %arg2[%dma_start3A_1015, %mul3A_1003] : memref<2x160000xi32, #tpu.memory_space<hbm>> -> memref<2x128xi32, #tpu.memory_space<hbm>>
      tpu.enqueue_dma source(%dma_start3A_1016 : memref<2x128xi32, #tpu.memory_space<hbm>>) target(%dma_start3A_1014 : memref<2x128xi32, #tpu.memory_space<vmem>>) target_semaphore(%arg8 : memref<!tpu.dma_semaphore, #tpu.memory_space<semaphore_mem>>)
      %dma_wait3A_1017 = arith.constant 2 : i32
      %dma_wait3A_1018 = arith.constant 0 : i32
      %dma_wait3A_1019 = arith.constant 0 : i32
      %dma_wait3A_1020 = tpu.memref_slice %arg6[%dma_wait3A_1017, %dma_wait3A_1018, %dma_wait3A_1019] : memref<3x128x128xf32, #tpu.memory_space<vmem>> -> memref<1x128x128xf32, #tpu.memory_space<vmem>>
      %dma_wait3A_1021 = tpu.memref_squeeze %dma_wait3A_1020 : memref<1x128x128xf32, #tpu.memory_space<vmem>> -> memref<128x128xf32, #tpu.memory_space<vmem>>
      %dma_wait3A_1022 = arith.constant 0 : i32
      %dma_wait3A_1023 = arith.constant 0 : i32
      %dma_wait3A_1024 = tpu.memref_slice %arg4[%dma_wait3A_1022, %dma_wait3A_1023] : memref<160000x128xf32, #tpu.memory_space<hbm>> -> memref<128x128xf32, #tpu.memory_space<hbm>>
      %dma_wait3A_1025 = arith.constant 0 : i32
      %dma_wait3A_1026 = arith.constant 0 : i32
      %dma_wait3A_1027 = tpu.memref_slice %arg4[%dma_wait3A_1025, %dma_wait3A_1026] : memref<160000x128xf32, #tpu.memory_space<hbm>> -> memref<128x128xf32, #tpu.memory_space<hbm>>
      %dma_wait3A_1028 = arith.constant 0 : i32
      %dma_wait3A_1029 = arith.constant 0 : i32
      %dma_wait3A_1030 = tpu.memref_slice %arg6[%dma_wait3A_1017, %dma_wait3A_1028, %dma_wait3A_1029] : memref<3x128x128xf32, #tpu.memory_space<vmem>> -> memref<1x128x128xf32, #tpu.memory_space<vmem>>
      %dma_wait3A_1031 = tpu.memref_squeeze %dma_wait3A_1030 : memref<1x128x128xf32, #tpu.memory_space<vmem>> -> memref<128x128xf32, #tpu.memory_space<vmem>>
      tpu.wait_dma2 semaphore(%arg16 : memref<!tpu.dma_semaphore, #tpu.memory_space<semaphore_mem>>) src(%dma_wait3A_1031 : memref<128x128xf32, #tpu.memory_space<vmem>>) dst(%dma_wait3A_1027 : memref<128x128xf32, #tpu.memory_space<hbm>>)
      %dma_wait3A_1032 = arith.constant 2 : i32
      %dma_wait3A_1033 = arith.constant 0 : i32
      %dma_wait3A_1034 = arith.constant 0 : i32
      %dma_wait3A_1035 = tpu.memref_slice %arg5[%dma_wait3A_1032, %dma_wait3A_1033, %dma_wait3A_1034] : memref<3x2x128xi32, #tpu.memory_space<vmem>> -> memref<1x2x128xi32, #tpu.memory_space<vmem>>
      %dma_wait3A_1036 = tpu.memref_squeeze %dma_wait3A_1035 : memref<1x2x128xi32, #tpu.memory_space<vmem>> -> memref<2x128xi32, #tpu.memory_space<vmem>>
      %dma_wait3A_1037 = arith.constant 0 : i32
      %dma_wait3A_1038 = arith.constant 0 : i32
      %dma_wait3A_1039 = tpu.memref_slice %arg2[%dma_wait3A_1037, %dma_wait3A_1038] : memref<2x160000xi32, #tpu.memory_space<hbm>> -> memref<2x128xi32, #tpu.memory_space<hbm>>
      %dma_wait3A_1040 = arith.constant 0 : i32
      %dma_wait3A_1041 = arith.constant 0 : i32
      %dma_wait3A_1042 = tpu.memref_slice %arg5[%dma_wait3A_1032, %dma_wait3A_1040, %dma_wait3A_1041] : memref<3x2x128xi32, #tpu.memory_space<vmem>> -> memref<1x2x128xi32, #tpu.memory_space<vmem>>
      %dma_wait3A_1043 = tpu.memref_squeeze %dma_wait3A_1042 : memref<1x2x128xi32, #tpu.memory_space<vmem>> -> memref<2x128xi32, #tpu.memory_space<vmem>>
      %dma_wait3A_1044 = arith.constant 0 : i32
      %dma_wait3A_1045 = arith.constant 0 : i32
      %dma_wait3A_1046 = tpu.memref_slice %arg2[%dma_wait3A_1044, %dma_wait3A_1045] : memref<2x160000xi32, #tpu.memory_space<hbm>> -> memref<2x128xi32, #tpu.memory_space<hbm>>
      tpu.wait_dma2 semaphore(%arg10 : memref<!tpu.dma_semaphore, #tpu.memory_space<semaphore_mem>>) src(%dma_wait3A_1046 : memref<2x128xi32, #tpu.memory_space<hbm>>) dst(%dma_wait3A_1043 : memref<2x128xi32, #tpu.memory_space<vmem>>)
      %dma_start3A_1047 = arith.constant 2 : i32
      %dma_start3A_1048 = arith.constant 0 : i32
      %dma_start3A_1049 = arith.constant 2 : i32
      %dma_start3A_1050 = arith.constant 0 : i32
      %dma_start3A_1051 = arith.constant 0 : i32
      %dma_start3A_1052 = tpu.memref_slice %arg6[%dma_start3A_1049, %dma_start3A_1050, %dma_start3A_1051] : memref<3x128x128xf32, #tpu.memory_space<vmem>> -> memref<1x128x128xf32, #tpu.memory_space<vmem>>
      %dma_start3A_1053 = tpu.memref_squeeze %dma_start3A_1052 : memref<1x128x128xf32, #tpu.memory_space<vmem>> -> memref<128x128xf32, #tpu.memory_space<vmem>>
      %dma_start3A_1054 = arith.constant 0 : i32
      %dma_start3A_1055 = tpu.memref_slice %arg5[%dma_start3A_1047, %dma_start3A_1048, %dma_start3A_1054] : memref<3x2x128xi32, #tpu.memory_space<vmem>> -> memref<1x1x128xi32, #tpu.memory_space<vmem>>
      %dma_start3A_1056 = tpu.memref_squeeze %dma_start3A_1055 : memref<1x1x128xi32, #tpu.memory_space<vmem>> -> memref<128xi32, #tpu.memory_space<vmem>>
      %dma_start3A_1057 = arith.constant 0 : i32
      %dma_start3A_1058 = arith.constant 0 : i32
      %dma_start3A_1059 = tpu.memref_slice %arg3[%dma_start3A_1057, %dma_start3A_1058] : memref<10000x128xf32, #tpu.memory_space<hbm>> -> memref<10000x128xf32, #tpu.memory_space<hbm>>
      tpu.enqueue_indirect_dma source(%dma_start3A_1059 : memref<10000x128xf32, #tpu.memory_space<hbm>>) target(%dma_start3A_1053 : memref<128x128xf32, #tpu.memory_space<vmem>>) offsets(%dma_start3A_1056 : memref<128xi32, #tpu.memory_space<vmem>>) semaphore(%arg13 : memref<!tpu.dma_semaphore, #tpu.memory_space<semaphore_mem>>)
      %dma_start3A_1060 = arith.constant 2 : i32
      %dma_start3A_1061 = arith.constant 1 : i32
      %dma_start3A_1062 = arith.constant 2 : i32
      %dma_start3A_1063 = arith.constant 0 : i32
      %dma_start3A_1064 = arith.constant 0 : i32
      %dma_start3A_1065 = tpu.memref_slice %arg7[%dma_start3A_1062, %dma_start3A_1063, %dma_start3A_1064] : memref<3x128x128xf32, #tpu.memory_space<vmem>> -> memref<1x128x128xf32, #tpu.memory_space<vmem>>
      %dma_start3A_1066 = tpu.memref_squeeze %dma_start3A_1065 : memref<1x128x128xf32, #tpu.memory_space<vmem>> -> memref<128x128xf32, #tpu.memory_space<vmem>>
      %dma_start3A_1067 = arith.constant 0 : i32
      %dma_start3A_1068 = tpu.memref_slice %arg5[%dma_start3A_1060, %dma_start3A_1061, %dma_start3A_1067] : memref<3x2x128xi32, #tpu.memory_space<vmem>> -> memref<1x1x128xi32, #tpu.memory_space<vmem>>
      %dma_start3A_1069 = tpu.memref_squeeze %dma_start3A_1068 : memref<1x1x128xi32, #tpu.memory_space<vmem>> -> memref<128xi32, #tpu.memory_space<vmem>>
      %dma_start3A_1070 = arith.constant 0 : i32
      %dma_start3A_1071 = arith.constant 0 : i32
      %dma_start3A_1072 = tpu.memref_slice %arg3[%dma_start3A_1070, %dma_start3A_1071] : memref<10000x128xf32, #tpu.memory_space<hbm>> -> memref<10000x128xf32, #tpu.memory_space<hbm>>
      tpu.enqueue_indirect_dma source(%dma_start3A_1072 : memref<10000x128xf32, #tpu.memory_space<hbm>>) target(%dma_start3A_1066 : memref<128x128xf32, #tpu.memory_space<vmem>>) offsets(%dma_start3A_1069 : memref<128xi32, #tpu.memory_space<vmem>>) semaphore(%arg13 : memref<!tpu.dma_semaphore, #tpu.memory_space<semaphore_mem>>)
      %scan3A_1073 = arith.constant 0 : i32
      %scan3A_1074 = arith.constant 128 : i32
      %scan3A_1075 = arith.addi %scan3A_1073, %scan3A_1074 : i32
      %scan3A_1076 = arith.constant 2 : i32
      scf.for %scan3A_1257 = %scan3A_1073 to %scan3A_1075 step %scan3A_1076  : i32 {
        %get3A = arith.constant 0 : i32
        %get3A_1258 = arith.index_cast %get3A : i32 to index
        %get3A_1259 = arith.index_cast %scan3A_1257 : i32 to index
        %get3A_1260 = arith.constant 0 : index
        %get3A_1261 = tpu.vector_load %arg7[%get3A_1258, %get3A_1259, %get3A_1260] {strides = array<i32>} : memref<3x128x128xf32, #tpu.memory_space<vmem>>, vector<1x1x16xf32>,
        %get3A_1262 = vector.shape_cast %get3A_1261 : vector<1x1x16xf32> to vector<16xf32>
        %swap3A = arith.constant 0 : i32
        %swap3A_1263 = arith.index_cast %swap3A : i32 to index
        %swap3A_1264 = arith.index_cast %scan3A_1257 : i32 to index
        %swap3A_1265 = arith.constant 0 : index
        %swap3A_1266 = tpu.vector_load %arg6[%swap3A_1263, %swap3A_1264, %swap3A_1265] {strides = array<i32>} : memref<3x128x128xf32, #tpu.memory_space<vmem>>, vector<1x1x16xf32>,
        %swap3A_1267 = vector.shape_cast %swap3A_1266 : vector<1x1x16xf32> to vector<16xf32>
        %swap3A_1268 = vector.shape_cast %get3A_1262 : vector<16xf32> to vector<1x1x16xf32>
        tpu.vector_store %arg6[%swap3A_1263, %swap3A_1264, %swap3A_1265], %swap3A_1268 {add = true, strides = array<i32>} : memref<3x128x128xf32, #tpu.memory_space<vmem>>, vector<1x1x16xf32>,
        %get3A_1269 = arith.constant 0 : i32
        %get3A_1270 = arith.index_cast %get3A_1269 : i32 to index
        %get3A_1271 = arith.index_cast %scan3A_1257 : i32 to index
        %get3A_1272 = arith.constant 16 : index
        %get3A_1273 = tpu.vector_load %arg7[%get3A_1270, %get3A_1271, %get3A_1272] {strides = array<i32>} : memref<3x128x128xf32, #tpu.memory_space<vmem>>, vector<1x1x16xf32>,
        %get3A_1274 = vector.shape_cast %get3A_1273 : vector<1x1x16xf32> to vector<16xf32>
        %swap3A_1275 = arith.constant 0 : i32
        %swap3A_1276 = arith.index_cast %swap3A_1275 : i32 to index
        %swap3A_1277 = arith.index_cast %scan3A_1257 : i32 to index
        %swap3A_1278 = arith.constant 16 : index
        %swap3A_1279 = tpu.vector_load %arg6[%swap3A_1276, %swap3A_1277, %swap3A_1278] {strides = array<i32>} : memref<3x128x128xf32, #tpu.memory_space<vmem>>, vector<1x1x16xf32>,
        %swap3A_1280 = vector.shape_cast %swap3A_1279 : vector<1x1x16xf32> to vector<16xf32>
        %swap3A_1281 = vector.shape_cast %get3A_1274 : vector<16xf32> to vector<1x1x16xf32>
        tpu.vector_store %arg6[%swap3A_1276, %swap3A_1277, %swap3A_1278], %swap3A_1281 {add = true, strides = array<i32>} : memref<3x128x128xf32, #tpu.memory_space<vmem>>, vector<1x1x16xf32>,
        %get3A_1282 = arith.constant 0 : i32
        %get3A_1283 = arith.index_cast %get3A_1282 : i32 to index
        %get3A_1284 = arith.index_cast %scan3A_1257 : i32 to index
        %get3A_1285 = arith.constant 32 : index
        %get3A_1286 = tpu.vector_load %arg7[%get3A_1283, %get3A_1284, %get3A_1285] {strides = array<i32>} : memref<3x128x128xf32, #tpu.memory_space<vmem>>, vector<1x1x16xf32>,
        %get3A_1287 = vector.shape_cast %get3A_1286 : vector<1x1x16xf32> to vector<16xf32>
        %swap3A_1288 = arith.constant 0 : i32
        %swap3A_1289 = arith.index_cast %swap3A_1288 : i32 to index
        %swap3A_1290 = arith.index_cast %scan3A_1257 : i32 to index
        %swap3A_1291 = arith.constant 32 : index
        %swap3A_1292 = tpu.vector_load %arg6[%swap3A_1289, %swap3A_1290, %swap3A_1291] {strides = array<i32>} : memref<3x128x128xf32, #tpu.memory_space<vmem>>, vector<1x1x16xf32>,
        %swap3A_1293 = vector.shape_cast %swap3A_1292 : vector<1x1x16xf32> to vector<16xf32>
        %swap3A_1294 = vector.shape_cast %get3A_1287 : vector<16xf32> to vector<1x1x16xf32>
        tpu.vector_store %arg6[%swap3A_1289, %swap3A_1290, %swap3A_1291], %swap3A_1294 {add = true, strides = array<i32>} : memref<3x128x128xf32, #tpu.memory_space<vmem>>, vector<1x1x16xf32>,
        %get3A_1295 = arith.constant 0 : i32
        %get3A_1296 = arith.index_cast %get3A_1295 : i32 to index
        %get3A_1297 = arith.index_cast %scan3A_1257 : i32 to index
        %get3A_1298 = arith.constant 48 : index
        %get3A_1299 = tpu.vector_load %arg7[%get3A_1296, %get3A_1297, %get3A_1298] {strides = array<i32>} : memref<3x128x128xf32, #tpu.memory_space<vmem>>, vector<1x1x16xf32>,
        %get3A_1300 = vector.shape_cast %get3A_1299 : vector<1x1x16xf32> to vector<16xf32>
        %swap3A_1301 = arith.constant 0 : i32
        %swap3A_1302 = arith.index_cast %swap3A_1301 : i32 to index
        %swap3A_1303 = arith.index_cast %scan3A_1257 : i32 to index
        %swap3A_1304 = arith.constant 48 : index
        %swap3A_1305 = tpu.vector_load %arg6[%swap3A_1302, %swap3A_1303, %swap3A_1304] {strides = array<i32>} : memref<3x128x128xf32, #tpu.memory_space<vmem>>, vector<1x1x16xf32>,
        %swap3A_1306 = vector.shape_cast %swap3A_1305 : vector<1x1x16xf32> to vector<16xf32>
        %swap3A_1307 = vector.shape_cast %get3A_1300 : vector<16xf32> to vector<1x1x16xf32>
        tpu.vector_store %arg6[%swap3A_1302, %swap3A_1303, %swap3A_1304], %swap3A_1307 {add = true, strides = array<i32>} : memref<3x128x128xf32, #tpu.memory_space<vmem>>, vector<1x1x16xf32>,
        %get3A_1308 = arith.constant 0 : i32
        %get3A_1309 = arith.index_cast %get3A_1308 : i32 to index
        %get3A_1310 = arith.index_cast %scan3A_1257 : i32 to index
        %get3A_1311 = arith.constant 64 : index
        %get3A_1312 = tpu.vector_load %arg7[%get3A_1309, %get3A_1310, %get3A_1311] {strides = array<i32>} : memref<3x128x128xf32, #tpu.memory_space<vmem>>, vector<1x1x16xf32>,
        %get3A_1313 = vector.shape_cast %get3A_1312 : vector<1x1x16xf32> to vector<16xf32>
        %swap3A_1314 = arith.constant 0 : i32
        %swap3A_1315 = arith.index_cast %swap3A_1314 : i32 to index
        %swap3A_1316 = arith.index_cast %scan3A_1257 : i32 to index
        %swap3A_1317 = arith.constant 64 : index
        %swap3A_1318 = tpu.vector_load %arg6[%swap3A_1315, %swap3A_1316, %swap3A_1317] {strides = array<i32>} : memref<3x128x128xf32, #tpu.memory_space<vmem>>, vector<1x1x16xf32>,
        %swap3A_1319 = vector.shape_cast %swap3A_1318 : vector<1x1x16xf32> to vector<16xf32>
        %swap3A_1320 = vector.shape_cast %get3A_1313 : vector<16xf32> to vector<1x1x16xf32>
        tpu.vector_store %arg6[%swap3A_1315, %swap3A_1316, %swap3A_1317], %swap3A_1320 {add = true, strides = array<i32>} : memref<3x128x128xf32, #tpu.memory_space<vmem>>, vector<1x1x16xf32>,
        %get3A_1321 = arith.constant 0 : i32
        %get3A_1322 = arith.index_cast %get3A_1321 : i32 to index
        %get3A_1323 = arith.index_cast %scan3A_1257 : i32 to index
        %get3A_1324 = arith.constant 80 : index
        %get3A_1325 = tpu.vector_load %arg7[%get3A_1322, %get3A_1323, %get3A_1324] {strides = array<i32>} : memref<3x128x128xf32, #tpu.memory_space<vmem>>, vector<1x1x16xf32>,
        %get3A_1326 = vector.shape_cast %get3A_1325 : vector<1x1x16xf32> to vector<16xf32>
        %swap3A_1327 = arith.constant 0 : i32
        %swap3A_1328 = arith.index_cast %swap3A_1327 : i32 to index
        %swap3A_1329 = arith.index_cast %scan3A_1257 : i32 to index
        %swap3A_1330 = arith.constant 80 : index
        %swap3A_1331 = tpu.vector_load %arg6[%swap3A_1328, %swap3A_1329, %swap3A_1330] {strides = array<i32>} : memref<3x128x128xf32, #tpu.memory_space<vmem>>, vector<1x1x16xf32>,
        %swap3A_1332 = vector.shape_cast %swap3A_1331 : vector<1x1x16xf32> to vector<16xf32>
        %swap3A_1333 = vector.shape_cast %get3A_1326 : vector<16xf32> to vector<1x1x16xf32>
        tpu.vector_store %arg6[%swap3A_1328, %swap3A_1329, %swap3A_1330], %swap3A_1333 {add = true, strides = array<i32>} : memref<3x128x128xf32, #tpu.memory_space<vmem>>, vector<1x1x16xf32>,
        %get3A_1334 = arith.constant 0 : i32
        %get3A_1335 = arith.index_cast %get3A_1334 : i32 to index
        %get3A_1336 = arith.index_cast %scan3A_1257 : i32 to index
        %get3A_1337 = arith.constant 96 : index
        %get3A_1338 = tpu.vector_load %arg7[%get3A_1335, %get3A_1336, %get3A_1337] {strides = array<i32>} : memref<3x128x128xf32, #tpu.memory_space<vmem>>, vector<1x1x16xf32>,
        %get3A_1339 = vector.shape_cast %get3A_1338 : vector<1x1x16xf32> to vector<16xf32>
        %swap3A_1340 = arith.constant 0 : i32
        %swap3A_1341 = arith.index_cast %swap3A_1340 : i32 to index
        %swap3A_1342 = arith.index_cast %scan3A_1257 : i32 to index
        %swap3A_1343 = arith.constant 96 : index
        %swap3A_1344 = tpu.vector_load %arg6[%swap3A_1341, %swap3A_1342, %swap3A_1343] {strides = array<i32>} : memref<3x128x128xf32, #tpu.memory_space<vmem>>, vector<1x1x16xf32>,
        %swap3A_1345 = vector.shape_cast %swap3A_1344 : vector<1x1x16xf32> to vector<16xf32>
        %swap3A_1346 = vector.shape_cast %get3A_1339 : vector<16xf32> to vector<1x1x16xf32>
        tpu.vector_store %arg6[%swap3A_1341, %swap3A_1342, %swap3A_1343], %swap3A_1346 {add = true, strides = array<i32>} : memref<3x128x128xf32, #tpu.memory_space<vmem>>, vector<1x1x16xf32>,
        %get3A_1347 = arith.constant 0 : i32
        %get3A_1348 = arith.index_cast %get3A_1347 : i32 to index
        %get3A_1349 = arith.index_cast %scan3A_1257 : i32 to index
        %get3A_1350 = arith.constant 112 : index
        %get3A_1351 = tpu.vector_load %arg7[%get3A_1348, %get3A_1349, %get3A_1350] {strides = array<i32>} : memref<3x128x128xf32, #tpu.memory_space<vmem>>, vector<1x1x16xf32>,
        %get3A_1352 = vector.shape_cast %get3A_1351 : vector<1x1x16xf32> to vector<16xf32>
        %swap3A_1353 = arith.constant 0 : i32
        %swap3A_1354 = arith.index_cast %swap3A_1353 : i32 to index
        %swap3A_1355 = arith.index_cast %scan3A_1257 : i32 to index
        %swap3A_1356 = arith.constant 112 : index
        %swap3A_1357 = tpu.vector_load %arg6[%swap3A_1354, %swap3A_1355, %swap3A_1356] {strides = array<i32>} : memref<3x128x128xf32, #tpu.memory_space<vmem>>, vector<1x1x16xf32>,
        %swap3A_1358 = vector.shape_cast %swap3A_1357 : vector<1x1x16xf32> to vector<16xf32>
        %swap3A_1359 = vector.shape_cast %get3A_1352 : vector<16xf32> to vector<1x1x16xf32>
        tpu.vector_store %arg6[%swap3A_1354, %swap3A_1355, %swap3A_1356], %swap3A_1359 {add = true, strides = array<i32>} : memref<3x128x128xf32, #tpu.memory_space<vmem>>, vector<1x1x16xf32>,
        %scan3A_1360 = arith.constant 1 : i32
        %scan3A_1361 = arith.addi %scan3A_1257, %scan3A_1360 : i32
        %get3A_1362 = arith.constant 0 : i32
        %get3A_1363 = arith.index_cast %get3A_1362 : i32 to index
        %get3A_1364 = arith.index_cast %scan3A_1361 : i32 to index
        %get3A_1365 = arith.constant 0 : index
        %get3A_1366 = tpu.vector_load %arg7[%get3A_1363, %get3A_1364, %get3A_1365] {strides = array<i32>} : memref<3x128x128xf32, #tpu.memory_space<vmem>>, vector<1x1x16xf32>,
        %get3A_1367 = vector.shape_cast %get3A_1366 : vector<1x1x16xf32> to vector<16xf32>
        %swap3A_1368 = arith.constant 0 : i32
        %swap3A_1369 = arith.index_cast %swap3A_1368 : i32 to index
        %swap3A_1370 = arith.index_cast %scan3A_1361 : i32 to index
        %swap3A_1371 = arith.constant 0 : index
        %swap3A_1372 = tpu.vector_load %arg6[%swap3A_1369, %swap3A_1370, %swap3A_1371] {strides = array<i32>} : memref<3x128x128xf32, #tpu.memory_space<vmem>>, vector<1x1x16xf32>,
        %swap3A_1373 = vector.shape_cast %swap3A_1372 : vector<1x1x16xf32> to vector<16xf32>
        %swap3A_1374 = vector.shape_cast %get3A_1367 : vector<16xf32> to vector<1x1x16xf32>
        tpu.vector_store %arg6[%swap3A_1369, %swap3A_1370, %swap3A_1371], %swap3A_1374 {add = true, strides = array<i32>} : memref<3x128x128xf32, #tpu.memory_space<vmem>>, vector<1x1x16xf32>,
        %get3A_1375 = arith.constant 0 : i32
        %get3A_1376 = arith.index_cast %get3A_1375 : i32 to index
        %get3A_1377 = arith.index_cast %scan3A_1361 : i32 to index
        %get3A_1378 = arith.constant 16 : index
        %get3A_1379 = tpu.vector_load %arg7[%get3A_1376, %get3A_1377, %get3A_1378] {strides = array<i32>} : memref<3x128x128xf32, #tpu.memory_space<vmem>>, vector<1x1x16xf32>,
        %get3A_1380 = vector.shape_cast %get3A_1379 : vector<1x1x16xf32> to vector<16xf32>
        %swap3A_1381 = arith.constant 0 : i32
        %swap3A_1382 = arith.index_cast %swap3A_1381 : i32 to index
        %swap3A_1383 = arith.index_cast %scan3A_1361 : i32 to index
        %swap3A_1384 = arith.constant 16 : index
        %swap3A_1385 = tpu.vector_load %arg6[%swap3A_1382, %swap3A_1383, %swap3A_1384] {strides = array<i32>} : memref<3x128x128xf32, #tpu.memory_space<vmem>>, vector<1x1x16xf32>,
        %swap3A_1386 = vector.shape_cast %swap3A_1385 : vector<1x1x16xf32> to vector<16xf32>
        %swap3A_1387 = vector.shape_cast %get3A_1380 : vector<16xf32> to vector<1x1x16xf32>
        tpu.vector_store %arg6[%swap3A_1382, %swap3A_1383, %swap3A_1384], %swap3A_1387 {add = true, strides = array<i32>} : memref<3x128x128xf32, #tpu.memory_space<vmem>>, vector<1x1x16xf32>,
        %get3A_1388 = arith.constant 0 : i32
        %get3A_1389 = arith.index_cast %get3A_1388 : i32 to index
        %get3A_1390 = arith.index_cast %scan3A_1361 : i32 to index
        %get3A_1391 = arith.constant 32 : index
        %get3A_1392 = tpu.vector_load %arg7[%get3A_1389, %get3A_1390, %get3A_1391] {strides = array<i32>} : memref<3x128x128xf32, #tpu.memory_space<vmem>>, vector<1x1x16xf32>,
        %get3A_1393 = vector.shape_cast %get3A_1392 : vector<1x1x16xf32> to vector<16xf32>
        %swap3A_1394 = arith.constant 0 : i32
        %swap3A_1395 = arith.index_cast %swap3A_1394 : i32 to index
        %swap3A_1396 = arith.index_cast %scan3A_1361 : i32 to index
        %swap3A_1397 = arith.constant 32 : index
        %swap3A_1398 = tpu.vector_load %arg6[%swap3A_1395, %swap3A_1396, %swap3A_1397] {strides = array<i32>} : memref<3x128x128xf32, #tpu.memory_space<vmem>>, vector<1x1x16xf32>,
        %swap3A_1399 = vector.shape_cast %swap3A_1398 : vector<1x1x16xf32> to vector<16xf32>
        %swap3A_1400 = vector.shape_cast %get3A_1393 : vector<16xf32> to vector<1x1x16xf32>
        tpu.vector_store %arg6[%swap3A_1395, %swap3A_1396, %swap3A_1397], %swap3A_1400 {add = true, strides = array<i32>} : memref<3x128x128xf32, #tpu.memory_space<vmem>>, vector<1x1x16xf32>,
        %get3A_1401 = arith.constant 0 : i32
        %get3A_1402 = arith.index_cast %get3A_1401 : i32 to index
        %get3A_1403 = arith.index_cast %scan3A_1361 : i32 to index
        %get3A_1404 = arith.constant 48 : index
        %get3A_1405 = tpu.vector_load %arg7[%get3A_1402, %get3A_1403, %get3A_1404] {strides = array<i32>} : memref<3x128x128xf32, #tpu.memory_space<vmem>>, vector<1x1x16xf32>,
        %get3A_1406 = vector.shape_cast %get3A_1405 : vector<1x1x16xf32> to vector<16xf32>
        %swap3A_1407 = arith.constant 0 : i32
        %swap3A_1408 = arith.index_cast %swap3A_1407 : i32 to index
        %swap3A_1409 = arith.index_cast %scan3A_1361 : i32 to index
        %swap3A_1410 = arith.constant 48 : index
        %swap3A_1411 = tpu.vector_load %arg6[%swap3A_1408, %swap3A_1409, %swap3A_1410] {strides = array<i32>} : memref<3x128x128xf32, #tpu.memory_space<vmem>>, vector<1x1x16xf32>,
        %swap3A_1412 = vector.shape_cast %swap3A_1411 : vector<1x1x16xf32> to vector<16xf32>
        %swap3A_1413 = vector.shape_cast %get3A_1406 : vector<16xf32> to vector<1x1x16xf32>
        tpu.vector_store %arg6[%swap3A_1408, %swap3A_1409, %swap3A_1410], %swap3A_1413 {add = true, strides = array<i32>} : memref<3x128x128xf32, #tpu.memory_space<vmem>>, vector<1x1x16xf32>,
        %get3A_1414 = arith.constant 0 : i32
        %get3A_1415 = arith.index_cast %get3A_1414 : i32 to index
        %get3A_1416 = arith.index_cast %scan3A_1361 : i32 to index
        %get3A_1417 = arith.constant 64 : index
        %get3A_1418 = tpu.vector_load %arg7[%get3A_1415, %get3A_1416, %get3A_1417] {strides = array<i32>} : memref<3x128x128xf32, #tpu.memory_space<vmem>>, vector<1x1x16xf32>,
        %get3A_1419 = vector.shape_cast %get3A_1418 : vector<1x1x16xf32> to vector<16xf32>
        %swap3A_1420 = arith.constant 0 : i32
        %swap3A_1421 = arith.index_cast %swap3A_1420 : i32 to index
        %swap3A_1422 = arith.index_cast %scan3A_1361 : i32 to index
        %swap3A_1423 = arith.constant 64 : index
        %swap3A_1424 = tpu.vector_load %arg6[%swap3A_1421, %swap3A_1422, %swap3A_1423] {strides = array<i32>} : memref<3x128x128xf32, #tpu.memory_space<vmem>>, vector<1x1x16xf32>,
        %swap3A_1425 = vector.shape_cast %swap3A_1424 : vector<1x1x16xf32> to vector<16xf32>
        %swap3A_1426 = vector.shape_cast %get3A_1419 : vector<16xf32> to vector<1x1x16xf32>
        tpu.vector_store %arg6[%swap3A_1421, %swap3A_1422, %swap3A_1423], %swap3A_1426 {add = true, strides = array<i32>} : memref<3x128x128xf32, #tpu.memory_space<vmem>>, vector<1x1x16xf32>,
        %get3A_1427 = arith.constant 0 : i32
        %get3A_1428 = arith.index_cast %get3A_1427 : i32 to index
        %get3A_1429 = arith.index_cast %scan3A_1361 : i32 to index
        %get3A_1430 = arith.constant 80 : index
        %get3A_1431 = tpu.vector_load %arg7[%get3A_1428, %get3A_1429, %get3A_1430] {strides = array<i32>} : memref<3x128x128xf32, #tpu.memory_space<vmem>>, vector<1x1x16xf32>,
        %get3A_1432 = vector.shape_cast %get3A_1431 : vector<1x1x16xf32> to vector<16xf32>
        %swap3A_1433 = arith.constant 0 : i32
        %swap3A_1434 = arith.index_cast %swap3A_1433 : i32 to index
        %swap3A_1435 = arith.index_cast %scan3A_1361 : i32 to index
        %swap3A_1436 = arith.constant 80 : index
        %swap3A_1437 = tpu.vector_load %arg6[%swap3A_1434, %swap3A_1435, %swap3A_1436] {strides = array<i32>} : memref<3x128x128xf32, #tpu.memory_space<vmem>>, vector<1x1x16xf32>,
        %swap3A_1438 = vector.shape_cast %swap3A_1437 : vector<1x1x16xf32> to vector<16xf32>
        %swap3A_1439 = vector.shape_cast %get3A_1432 : vector<16xf32> to vector<1x1x16xf32>
        tpu.vector_store %arg6[%swap3A_1434, %swap3A_1435, %swap3A_1436], %swap3A_1439 {add = true, strides = array<i32>} : memref<3x128x128xf32, #tpu.memory_space<vmem>>, vector<1x1x16xf32>,
        %get3A_1440 = arith.constant 0 : i32
        %get3A_1441 = arith.index_cast %get3A_1440 : i32 to index
        %get3A_1442 = arith.index_cast %scan3A_1361 : i32 to index
        %get3A_1443 = arith.constant 96 : index
        %get3A_1444 = tpu.vector_load %arg7[%get3A_1441, %get3A_1442, %get3A_1443] {strides = array<i32>} : memref<3x128x128xf32, #tpu.memory_space<vmem>>, vector<1x1x16xf32>,
        %get3A_1445 = vector.shape_cast %get3A_1444 : vector<1x1x16xf32> to vector<16xf32>
        %swap3A_1446 = arith.constant 0 : i32
        %swap3A_1447 = arith.index_cast %swap3A_1446 : i32 to index
        %swap3A_1448 = arith.index_cast %scan3A_1361 : i32 to index
        %swap3A_1449 = arith.constant 96 : index
        %swap3A_1450 = tpu.vector_load %arg6[%swap3A_1447, %swap3A_1448, %swap3A_1449] {strides = array<i32>} : memref<3x128x128xf32, #tpu.memory_space<vmem>>, vector<1x1x16xf32>,
        %swap3A_1451 = vector.shape_cast %swap3A_1450 : vector<1x1x16xf32> to vector<16xf32>
        %swap3A_1452 = vector.shape_cast %get3A_1445 : vector<16xf32> to vector<1x1x16xf32>
        tpu.vector_store %arg6[%swap3A_1447, %swap3A_1448, %swap3A_1449], %swap3A_1452 {add = true, strides = array<i32>} : memref<3x128x128xf32, #tpu.memory_space<vmem>>, vector<1x1x16xf32>,
        %get3A_1453 = arith.constant 0 : i32
        %get3A_1454 = arith.index_cast %get3A_1453 : i32 to index
        %get3A_1455 = arith.index_cast %scan3A_1361 : i32 to index
        %get3A_1456 = arith.constant 112 : index
        %get3A_1457 = tpu.vector_load %arg7[%get3A_1454, %get3A_1455, %get3A_1456] {strides = array<i32>} : memref<3x128x128xf32, #tpu.memory_space<vmem>>, vector<1x1x16xf32>,
        %get3A_1458 = vector.shape_cast %get3A_1457 : vector<1x1x16xf32> to vector<16xf32>
        %swap3A_1459 = arith.constant 0 : i32
        %swap3A_1460 = arith.index_cast %swap3A_1459 : i32 to index
        %swap3A_1461 = arith.index_cast %scan3A_1361 : i32 to index
        %swap3A_1462 = arith.constant 112 : index
        %swap3A_1463 = tpu.vector_load %arg6[%swap3A_1460, %swap3A_1461, %swap3A_1462] {strides = array<i32>} : memref<3x128x128xf32, #tpu.memory_space<vmem>>, vector<1x1x16xf32>,
        %swap3A_1464 = vector.shape_cast %swap3A_1463 : vector<1x1x16xf32> to vector<16xf32>
        %swap3A_1465 = vector.shape_cast %get3A_1458 : vector<16xf32> to vector<1x1x16xf32>
        tpu.vector_store %arg6[%swap3A_1460, %swap3A_1461, %swap3A_1462], %swap3A_1465 {add = true, strides = array<i32>} : memref<3x128x128xf32, #tpu.memory_space<vmem>>, vector<1x1x16xf32>,
      }
      %scan3A_1077 = arith.constant 128 : i32
      %min3A_1078 = arith.constant 38 : i32
      %min3A_1079 = arith.minsi %add3A_960, %min3A_1078 : i32
      %mul3A_1080 = arith.constant 32 : i32
      %mul3A_1081 = arith.muli %mul3A_1080, %min3A_1079 : i32
      %add3A_1082 = arith.addi %add3A, %mul3A_1081 : i32
      %lt3A_1083 = arith.constant 2 : i32
      %lt3A_1084 = arith.cmpi slt, %add3A, %lt3A_1083 : i32
      %add3A_1085 = arith.constant 1248 : i32
      %add3A_1086 = arith.addi %add3A_1085, %add3A : i32
      %select_n3A_1087 = arith.select %lt3A_1084, %add3A_1086, %add3A_1082 : i32
      %ge3A_1088 = arith.constant 39 : i32
      %ge3A_1089 = arith.cmpi sge, %add3A_960, %ge3A_1088 : i32
      %select_n3A_1090 = arith.select %ge3A_1089, %select_n3A_1087, %add3A_1082 : i32
      %mul3A_1091 = arith.constant 128 : i32
      %mul3A_1092 = arith.muli %select_n3A_1090, %mul3A_1091 : i32
      %dma_start3A_1093 = arith.constant 0 : i32
      %dma_start3A_1094 = arith.constant 0 : i32
      %dma_start3A_1095 = arith.constant 0 : i32
      %dma_start3A_1096 = tpu.memref_slice %arg6[%dma_start3A_1093, %dma_start3A_1094, %dma_start3A_1095] : memref<3x128x128xf32, #tpu.memory_space<vmem>> -> memref<1x128x128xf32, #tpu.memory_space<vmem>>
      %dma_start3A_1097 = tpu.memref_squeeze %dma_start3A_1096 : memref<1x128x128xf32, #tpu.memory_space<vmem>> -> memref<128x128xf32, #tpu.memory_space<vmem>>
      %dma_start3A_1098 = arith.constant 0 : i32
      %dma_start3A_1099 = tpu.memref_slice %arg4[%mul3A_1092, %dma_start3A_1098] : memref<160000x128xf32, #tpu.memory_space<hbm>> -> memref<128x128xf32, #tpu.memory_space<hbm>>
      %dma_start3A_1100 = arith.constant 0 : i32
      %dma_start3A_1101 = tpu.memref_slice %arg4[%mul3A_1092, %dma_start3A_1100] : memref<160000x128xf32, #tpu.memory_space<hbm>> -> memref<128x128xf32, #tpu.memory_space<hbm>>
      %dma_start3A_1102 = arith.constant 0 : i32
      %dma_start3A_1103 = arith.constant 0 : i32
      %dma_start3A_1104 = tpu.memref_slice %arg6[%dma_start3A_1093, %dma_start3A_1102, %dma_start3A_1103] : memref<3x128x128xf32, #tpu.memory_space<vmem>> -> memref<1x128x128xf32, #tpu.memory_space<vmem>>
      %dma_start3A_1105 = tpu.memref_squeeze %dma_start3A_1104 : memref<1x128x128xf32, #tpu.memory_space<vmem>> -> memref<128x128xf32, #tpu.memory_space<vmem>>
      tpu.enqueue_dma source(%dma_start3A_1105 : memref<128x128xf32, #tpu.memory_space<vmem>>) target(%dma_start3A_1101 : memref<128x128xf32, #tpu.memory_space<hbm>>) target_semaphore(%arg14 : memref<!tpu.dma_semaphore, #tpu.memory_space<semaphore_mem>>)
      %mul3A_1106 = arith.constant 3 : i32
      %mul3A_1107 = arith.muli %mul3A_1106, %scan3A_804 : i32
      %add3A_1108 = arith.constant 2 : i32
      %add3A_1109 = arith.addi %mul3A_1107, %add3A_1108 : i32
      %add3A_1110 = arith.constant 2 : i32
      %add3A_1111 = arith.addi %add3A_1109, %add3A_1110 : i32
      %dma_wait3A_1112 = arith.constant 1 : i32
      %dma_wait3A_1113 = arith.constant 0 : i32
      %dma_wait3A_1114 = arith.constant 1 : i32
      %dma_wait3A_1115 = arith.constant 0 : i32
      %dma_wait3A_1116 = arith.constant 0 : i32
      %dma_wait3A_1117 = tpu.memref_slice %arg6[%dma_wait3A_1114, %dma_wait3A_1115, %dma_wait3A_1116] : memref<3x128x128xf32, #tpu.memory_space<vmem>> -> memref<1x128x128xf32, #tpu.memory_space<vmem>>
      %dma_wait3A_1118 = tpu.memref_squeeze %dma_wait3A_1117 : memref<1x128x128xf32, #tpu.memory_space<vmem>> -> memref<128x128xf32, #tpu.memory_space<vmem>>
      %dma_wait3A_1119 = arith.constant 0 : i32
      %dma_wait3A_1120 = tpu.memref_slice %arg5[%dma_wait3A_1112, %dma_wait3A_1113, %dma_wait3A_1119] : memref<3x2x128xi32, #tpu.memory_space<vmem>> -> memref<1x1x128xi32, #tpu.memory_space<vmem>>
      %dma_wait3A_1121 = tpu.memref_squeeze %dma_wait3A_1120 : memref<1x1x128xi32, #tpu.memory_space<vmem>> -> memref<128xi32, #tpu.memory_space<vmem>>
      %dma_wait3A_1122 = arith.constant 0 : i32
      %dma_wait3A_1123 = arith.constant 0 : i32
      %dma_wait3A_1124 = tpu.memref_slice %arg3[%dma_wait3A_1122, %dma_wait3A_1123] : memref<10000x128xf32, #tpu.memory_space<hbm>> -> memref<10000x128xf32, #tpu.memory_space<hbm>>
      tpu.wait_indirect_dma semaphore(%arg12 : memref<!tpu.dma_semaphore, #tpu.memory_space<semaphore_mem>>) src(%dma_wait3A_1124 : memref<10000x128xf32, #tpu.memory_space<hbm>>) dst(%dma_wait3A_1118 : memref<128x128xf32, #tpu.memory_space<vmem>>)
      %dma_wait3A_1125 = arith.constant 1 : i32
      %dma_wait3A_1126 = arith.constant 1 : i32
      %dma_wait3A_1127 = arith.constant 1 : i32
      %dma_wait3A_1128 = arith.constant 0 : i32
      %dma_wait3A_1129 = arith.constant 0 : i32
      %dma_wait3A_1130 = tpu.memref_slice %arg7[%dma_wait3A_1127, %dma_wait3A_1128, %dma_wait3A_1129] : memref<3x128x128xf32, #tpu.memory_space<vmem>> -> memref<1x128x128xf32, #tpu.memory_space<vmem>>
      %dma_wait3A_1131 = tpu.memref_squeeze %dma_wait3A_1130 : memref<1x128x128xf32, #tpu.memory_space<vmem>> -> memref<128x128xf32, #tpu.memory_space<vmem>>
      %dma_wait3A_1132 = arith.constant 0 : i32
      %dma_wait3A_1133 = tpu.memref_slice %arg5[%dma_wait3A_1125, %dma_wait3A_1126, %dma_wait3A_1132] : memref<3x2x128xi32, #tpu.memory_space<vmem>> -> memref<1x1x128xi32, #tpu.memory_space<vmem>>
      %dma_wait3A_1134 = tpu.memref_squeeze %dma_wait3A_1133 : memref<1x1x128xi32, #tpu.memory_space<vmem>> -> memref<128xi32, #tpu.memory_space<vmem>>
      %dma_wait3A_1135 = arith.constant 0 : i32
      %dma_wait3A_1136 = arith.constant 0 : i32
      %dma_wait3A_1137 = tpu.memref_slice %arg3[%dma_wait3A_1135, %dma_wait3A_1136] : memref<10000x128xf32, #tpu.memory_space<hbm>> -> memref<10000x128xf32, #tpu.memory_space<hbm>>
      tpu.wait_indirect_dma semaphore(%arg12 : memref<!tpu.dma_semaphore, #tpu.memory_space<semaphore_mem>>) src(%dma_wait3A_1137 : memref<10000x128xf32, #tpu.memory_space<hbm>>) dst(%dma_wait3A_1131 : memref<128x128xf32, #tpu.memory_space<vmem>>)
      %add3A_1138 = arith.constant 3 : i32
      %add3A_1139 = arith.addi %add3A_1111, %add3A_1138 : i32
      %min3A_1140 = arith.constant 38 : i32
      %min3A_1141 = arith.minsi %add3A_1139, %min3A_1140 : i32
      %mul3A_1142 = arith.constant 32 : i32
      %mul3A_1143 = arith.muli %mul3A_1142, %min3A_1141 : i32
      %add3A_1144 = arith.addi %add3A, %mul3A_1143 : i32
      %lt3A_1145 = arith.constant 2 : i32
      %lt3A_1146 = arith.cmpi slt, %add3A, %lt3A_1145 : i32
      %add3A_1147 = arith.constant 1248 : i32
      %add3A_1148 = arith.addi %add3A_1147, %add3A : i32
      %select_n3A_1149 = arith.select %lt3A_1146, %add3A_1148, %add3A_1144 : i32
      %ge3A_1150 = arith.constant 39 : i32
      %ge3A_1151 = arith.cmpi sge, %add3A_1139, %ge3A_1150 : i32
      %select_n3A_1152 = arith.select %ge3A_1151, %select_n3A_1149, %add3A_1144 : i32
      %mul3A_1153 = arith.constant 128 : i32
      %mul3A_1154 = arith.muli %select_n3A_1152, %mul3A_1153 : i32
      %dma_start3A_1155 = arith.constant 1 : i32
      %dma_start3A_1156 = arith.constant 0 : i32
      %dma_start3A_1157 = arith.constant 0 : i32
      %dma_start3A_1158 = tpu.memref_slice %arg5[%dma_start3A_1155, %dma_start3A_1156, %dma_start3A_1157] : memref<3x2x128xi32, #tpu.memory_space<vmem>> -> memref<1x2x128xi32, #tpu.memory_space<vmem>>
      %dma_start3A_1159 = tpu.memref_squeeze %dma_start3A_1158 : memref<1x2x128xi32, #tpu.memory_space<vmem>> -> memref<2x128xi32, #tpu.memory_space<vmem>>
      %dma_start3A_1160 = arith.constant 0 : i32
      %dma_start3A_1161 = tpu.memref_slice %arg2[%dma_start3A_1160, %mul3A_1154] : memref<2x160000xi32, #tpu.memory_space<hbm>> -> memref<2x128xi32, #tpu.memory_space<hbm>>
      %dma_start3A_1162 = arith.constant 0 : i32
      %dma_start3A_1163 = arith.constant 0 : i32
      %dma_start3A_1164 = tpu.memref_slice %arg5[%dma_start3A_1155, %dma_start3A_1162, %dma_start3A_1163] : memref<3x2x128xi32, #tpu.memory_space<vmem>> -> memref<1x2x128xi32, #tpu.memory_space<vmem>>
      %dma_start3A_1165 = tpu.memref_squeeze %dma_start3A_1164 : memref<1x2x128xi32, #tpu.memory_space<vmem>> -> memref<2x128xi32, #tpu.memory_space<vmem>>
      %dma_start3A_1166 = arith.constant 0 : i32
      %dma_start3A_1167 = tpu.memref_slice %arg2[%dma_start3A_1166, %mul3A_1154] : memref<2x160000xi32, #tpu.memory_space<hbm>> -> memref<2x128xi32, #tpu.memory_space<hbm>>
      tpu.enqueue_dma source(%dma_start3A_1167 : memref<2x128xi32, #tpu.memory_space<hbm>>) target(%dma_start3A_1165 : memref<2x128xi32, #tpu.memory_space<vmem>>) target_semaphore(%arg9 : memref<!tpu.dma_semaphore, #tpu.memory_space<semaphore_mem>>)
      %dma_wait3A_1168 = arith.constant 0 : i32
      %dma_wait3A_1169 = arith.constant 0 : i32
      %dma_wait3A_1170 = arith.constant 0 : i32
      %dma_wait3A_1171 = tpu.memref_slice %arg6[%dma_wait3A_1168, %dma_wait3A_1169, %dma_wait3A_1170] : memref<3x128x128xf32, #tpu.memory_space<vmem>> -> memref<1x128x128xf32, #tpu.memory_space<vmem>>
      %dma_wait3A_1172 = tpu.memref_squeeze %dma_wait3A_1171 : memref<1x128x128xf32, #tpu.memory_space<vmem>> -> memref<128x128xf32, #tpu.memory_space<vmem>>
      %dma_wait3A_1173 = arith.constant 0 : i32
      %dma_wait3A_1174 = arith.constant 0 : i32
      %dma_wait3A_1175 = tpu.memref_slice %arg4[%dma_wait3A_1173, %dma_wait3A_1174] : memref<160000x128xf32, #tpu.memory_space<hbm>> -> memref<128x128xf32, #tpu.memory_space<hbm>>
      %dma_wait3A_1176 = arith.constant 0 : i32
      %dma_wait3A_1177 = arith.constant 0 : i32
      %dma_wait3A_1178 = tpu.memref_slice %arg4[%dma_wait3A_1176, %dma_wait3A_1177] : memref<160000x128xf32, #tpu.memory_space<hbm>> -> memref<128x128xf32, #tpu.memory_space<hbm>>
      %dma_wait3A_1179 = arith.constant 0 : i32
      %dma_wait3A_1180 = arith.constant 0 : i32
      %dma_wait3A_1181 = tpu.memref_slice %arg6[%dma_wait3A_1168, %dma_wait3A_1179, %dma_wait3A_1180] : memref<3x128x128xf32, #tpu.memory_space<vmem>> -> memref<1x128x128xf32, #tpu.memory_space<vmem>>
      %dma_wait3A_1182 = tpu.memref_squeeze %dma_wait3A_1181 : memref<1x128x128xf32, #tpu.memory_space<vmem>> -> memref<128x128xf32, #tpu.memory_space<vmem>>
      tpu.wait_dma2 semaphore(%arg14 : memref<!tpu.dma_semaphore, #tpu.memory_space<semaphore_mem>>) src(%dma_wait3A_1182 : memref<128x128xf32, #tpu.memory_space<vmem>>) dst(%dma_wait3A_1178 : memref<128x128xf32, #tpu.memory_space<hbm>>)
      %dma_wait3A_1183 = arith.constant 0 : i32
      %dma_wait3A_1184 = arith.constant 0 : i32
      %dma_wait3A_1185 = arith.constant 0 : i32
      %dma_wait3A_1186 = tpu.memref_slice %arg5[%dma_wait3A_1183, %dma_wait3A_1184, %dma_wait3A_1185] : memref<3x2x128xi32, #tpu.memory_space<vmem>> -> memref<1x2x128xi32, #tpu.memory_space<vmem>>
      %dma_wait3A_1187 = tpu.memref_squeeze %dma_wait3A_1186 : memref<1x2x128xi32, #tpu.memory_space<vmem>> -> memref<2x128xi32, #tpu.memory_space<vmem>>
      %dma_wait3A_1188 = arith.constant 0 : i32
      %dma_wait3A_1189 = arith.constant 0 : i32
      %dma_wait3A_1190 = tpu.memref_slice %arg2[%dma_wait3A_1188, %dma_wait3A_1189] : memref<2x160000xi32, #tpu.memory_space<hbm>> -> memref<2x128xi32, #tpu.memory_space<hbm>>
      %dma_wait3A_1191 = arith.constant 0 : i32
      %dma_wait3A_1192 = arith.constant 0 : i32
      %dma_wait3A_1193 = tpu.memref_slice %arg5[%dma_wait3A_1183, %dma_wait3A_1191, %dma_wait3A_1192] : memref<3x2x128xi32, #tpu.memory_space<vmem>> -> memref<1x2x128xi32, #tpu.memory_space<vmem>>
      %dma_wait3A_1194 = tpu.memref_squeeze %dma_wait3A_1193 : memref<1x2x128xi32, #tpu.memory_space<vmem>> -> memref<2x128xi32, #tpu.memory_space<vmem>>
      %dma_wait3A_1195 = arith.constant 0 : i32
      %dma_wait3A_1196 = arith.constant 0 : i32
      %dma_wait3A_1197 = tpu.memref_slice %arg2[%dma_wait3A_1195, %dma_wait3A_1196] : memref<2x160000xi32, #tpu.memory_space<hbm>> -> memref<2x128xi32, #tpu.memory_space<hbm>>
      tpu.wait_dma2 semaphore(%arg8 : memref<!tpu.dma_semaphore, #tpu.memory_space<semaphore_mem>>) src(%dma_wait3A_1197 : memref<2x128xi32, #tpu.memory_space<hbm>>) dst(%dma_wait3A_1194 : memref<2x128xi32, #tpu.memory_space<vmem>>)
      %dma_start3A_1198 = arith.constant 0 : i32
      %dma_start3A_1199 = arith.constant 0 : i32
      %dma_start3A_1200 = arith.constant 0 : i32
      %dma_start3A_1201 = arith.constant 0 : i32
      %dma_start3A_1202 = arith.constant 0 : i32
      %dma_start3A_1203 = tpu.memref_slice %arg6[%dma_start3A_1200, %dma_start3A_1201, %dma_start3A_1202] : memref<3x128x128xf32, #tpu.memory_space<vmem>> -> memref<1x128x128xf32, #tpu.memory_space<vmem>>
      %dma_start3A_1204 = tpu.memref_squeeze %dma_start3A_1203 : memref<1x128x128xf32, #tpu.memory_space<vmem>> -> memref<128x128xf32, #tpu.memory_space<vmem>>
      %dma_start3A_1205 = arith.constant 0 : i32
      %dma_start3A_1206 = tpu.memref_slice %arg5[%dma_start3A_1198, %dma_start3A_1199, %dma_start3A_1205] : memref<3x2x128xi32, #tpu.memory_space<vmem>> -> memref<1x1x128xi32, #tpu.memory_space<vmem>>
      %dma_start3A_1207 = tpu.memref_squeeze %dma_start3A_1206 : memref<1x1x128xi32, #tpu.memory_space<vmem>> -> memref<128xi32, #tpu.memory_space<vmem>>
      %dma_start3A_1208 = arith.constant 0 : i32
      %dma_start3A_1209 = arith.constant 0 : i32
      %dma_start3A_1210 = tpu.memref_slice %arg3[%dma_start3A_1208, %dma_start3A_1209] : memref<10000x128xf32, #tpu.memory_space<hbm>> -> memref<10000x128xf32, #tpu.memory_space<hbm>>
      tpu.enqueue_indirect_dma source(%dma_start3A_1210 : memref<10000x128xf32, #tpu.memory_space<hbm>>) target(%dma_start3A_1204 : memref<128x128xf32, #tpu.memory_space<vmem>>) offsets(%dma_start3A_1207 : memref<128xi32, #tpu.memory_space<vmem>>) semaphore(%arg11 : memref<!tpu.dma_semaphore, #tpu.memory_space<semaphore_mem>>)
      %dma_start3A_1211 = arith.constant 0 : i32
      %dma_start3A_1212 = arith.constant 1 : i32
      %dma_start3A_1213 = arith.constant 0 : i32
      %dma_start3A_1214 = arith.constant 0 : i32
      %dma_start3A_1215 = arith.constant 0 : i32
      %dma_start3A_1216 = tpu.memref_slice %arg7[%dma_start3A_1213, %dma_start3A_1214, %dma_start3A_1215] : memref<3x128x128xf32, #tpu.memory_space<vmem>> -> memref<1x128x128xf32, #tpu.memory_space<vmem>>
      %dma_start3A_1217 = tpu.memref_squeeze %dma_start3A_1216 : memref<1x128x128xf32, #tpu.memory_space<vmem>> -> memref<128x128xf32, #tpu.memory_space<vmem>>
      %dma_start3A_1218 = arith.constant 0 : i32
      %dma_start3A_1219 = tpu.memref_slice %arg5[%dma_start3A_1211, %dma_start3A_1212, %dma_start3A_1218] : memref<3x2x128xi32, #tpu.memory_space<vmem>> -> memref<1x1x128xi32, #tpu.memory_space<vmem>>
      %dma_start3A_1220 = tpu.memref_squeeze %dma_start3A_1219 : memref<1x1x128xi32, #tpu.memory_space<vmem>> -> memref<128xi32, #tpu.memory_space<vmem>>
      %dma_start3A_1221 = arith.constant 0 : i32
      %dma_start3A_1222 = arith.constant 0 : i32
      %dma_start3A_1223 = tpu.memref_slice %arg3[%dma_start3A_1221, %dma_start3A_1222] : memref<10000x128xf32, #tpu.memory_space<hbm>> -> memref<10000x128xf32, #tpu.memory_space<hbm>>
      tpu.enqueue_indirect_dma source(%dma_start3A_1223 : memref<10000x128xf32, #tpu.memory_space<hbm>>) target(%dma_start3A_1217 : memref<128x128xf32, #tpu.memory_space<vmem>>) offsets(%dma_start3A_1220 : memref<128xi32, #tpu.memory_space<vmem>>) semaphore(%arg11 : memref<!tpu.dma_semaphore, #tpu.memory_space<semaphore_mem>>)
      %scan3A_1224 = arith.constant 0 : i32
      %scan3A_1225 = arith.constant 128 : i32
      %scan3A_1226 = arith.addi %scan3A_1224, %scan3A_1225 : i32
      %scan3A_1227 = arith.constant 2 : i32
      scf.for %scan3A_1257 = %scan3A_1224 to %scan3A_1226 step %scan3A_1227  : i32 {
        %get3A = arith.constant 1 : i32
        %get3A_1258 = arith.index_cast %get3A : i32 to index
        %get3A_1259 = arith.index_cast %scan3A_1257 : i32 to index
        %get3A_1260 = arith.constant 0 : index
        %get3A_1261 = tpu.vector_load %arg7[%get3A_1258, %get3A_1259, %get3A_1260] {strides = array<i32>} : memref<3x128x128xf32, #tpu.memory_space<vmem>>, vector<1x1x16xf32>,
        %get3A_1262 = vector.shape_cast %get3A_1261 : vector<1x1x16xf32> to vector<16xf32>
        %swap3A = arith.constant 1 : i32
        %swap3A_1263 = arith.index_cast %swap3A : i32 to index
        %swap3A_1264 = arith.index_cast %scan3A_1257 : i32 to index
        %swap3A_1265 = arith.constant 0 : index
        %swap3A_1266 = tpu.vector_load %arg6[%swap3A_1263, %swap3A_1264, %swap3A_1265] {strides = array<i32>} : memref<3x128x128xf32, #tpu.memory_space<vmem>>, vector<1x1x16xf32>,
        %swap3A_1267 = vector.shape_cast %swap3A_1266 : vector<1x1x16xf32> to vector<16xf32>
        %swap3A_1268 = vector.shape_cast %get3A_1262 : vector<16xf32> to vector<1x1x16xf32>
        tpu.vector_store %arg6[%swap3A_1263, %swap3A_1264, %swap3A_1265], %swap3A_1268 {add = true, strides = array<i32>} : memref<3x128x128xf32, #tpu.memory_space<vmem>>, vector<1x1x16xf32>,
        %get3A_1269 = arith.constant 1 : i32
        %get3A_1270 = arith.index_cast %get3A_1269 : i32 to index
        %get3A_1271 = arith.index_cast %scan3A_1257 : i32 to index
        %get3A_1272 = arith.constant 16 : index
        %get3A_1273 = tpu.vector_load %arg7[%get3A_1270, %get3A_1271, %get3A_1272] {strides = array<i32>} : memref<3x128x128xf32, #tpu.memory_space<vmem>>, vector<1x1x16xf32>,
        %get3A_1274 = vector.shape_cast %get3A_1273 : vector<1x1x16xf32> to vector<16xf32>
        %swap3A_1275 = arith.constant 1 : i32
        %swap3A_1276 = arith.index_cast %swap3A_1275 : i32 to index
        %swap3A_1277 = arith.index_cast %scan3A_1257 : i32 to index
        %swap3A_1278 = arith.constant 16 : index
        %swap3A_1279 = tpu.vector_load %arg6[%swap3A_1276, %swap3A_1277, %swap3A_1278] {strides = array<i32>} : memref<3x128x128xf32, #tpu.memory_space<vmem>>, vector<1x1x16xf32>,
        %swap3A_1280 = vector.shape_cast %swap3A_1279 : vector<1x1x16xf32> to vector<16xf32>
        %swap3A_1281 = vector.shape_cast %get3A_1274 : vector<16xf32> to vector<1x1x16xf32>
        tpu.vector_store %arg6[%swap3A_1276, %swap3A_1277, %swap3A_1278], %swap3A_1281 {add = true, strides = array<i32>} : memref<3x128x128xf32, #tpu.memory_space<vmem>>, vector<1x1x16xf32>,
        %get3A_1282 = arith.constant 1 : i32
        %get3A_1283 = arith.index_cast %get3A_1282 : i32 to index
        %get3A_1284 = arith.index_cast %scan3A_1257 : i32 to index
        %get3A_1285 = arith.constant 32 : index
        %get3A_1286 = tpu.vector_load %arg7[%get3A_1283, %get3A_1284, %get3A_1285] {strides = array<i32>} : memref<3x128x128xf32, #tpu.memory_space<vmem>>, vector<1x1x16xf32>,
        %get3A_1287 = vector.shape_cast %get3A_1286 : vector<1x1x16xf32> to vector<16xf32>
        %swap3A_1288 = arith.constant 1 : i32
        %swap3A_1289 = arith.index_cast %swap3A_1288 : i32 to index
        %swap3A_1290 = arith.index_cast %scan3A_1257 : i32 to index
        %swap3A_1291 = arith.constant 32 : index
        %swap3A_1292 = tpu.vector_load %arg6[%swap3A_1289, %swap3A_1290, %swap3A_1291] {strides = array<i32>} : memref<3x128x128xf32, #tpu.memory_space<vmem>>, vector<1x1x16xf32>,
        %swap3A_1293 = vector.shape_cast %swap3A_1292 : vector<1x1x16xf32> to vector<16xf32>
        %swap3A_1294 = vector.shape_cast %get3A_1287 : vector<16xf32> to vector<1x1x16xf32>
        tpu.vector_store %arg6[%swap3A_1289, %swap3A_1290, %swap3A_1291], %swap3A_1294 {add = true, strides = array<i32>} : memref<3x128x128xf32, #tpu.memory_space<vmem>>, vector<1x1x16xf32>,
        %get3A_1295 = arith.constant 1 : i32
        %get3A_1296 = arith.index_cast %get3A_1295 : i32 to index
        %get3A_1297 = arith.index_cast %scan3A_1257 : i32 to index
        %get3A_1298 = arith.constant 48 : index
        %get3A_1299 = tpu.vector_load %arg7[%get3A_1296, %get3A_1297, %get3A_1298] {strides = array<i32>} : memref<3x128x128xf32, #tpu.memory_space<vmem>>, vector<1x1x16xf32>,
        %get3A_1300 = vector.shape_cast %get3A_1299 : vector<1x1x16xf32> to vector<16xf32>
        %swap3A_1301 = arith.constant 1 : i32
        %swap3A_1302 = arith.index_cast %swap3A_1301 : i32 to index
        %swap3A_1303 = arith.index_cast %scan3A_1257 : i32 to index
        %swap3A_1304 = arith.constant 48 : index
        %swap3A_1305 = tpu.vector_load %arg6[%swap3A_1302, %swap3A_1303, %swap3A_1304] {strides = array<i32>} : memref<3x128x128xf32, #tpu.memory_space<vmem>>, vector<1x1x16xf32>,
        %swap3A_1306 = vector.shape_cast %swap3A_1305 : vector<1x1x16xf32> to vector<16xf32>
        %swap3A_1307 = vector.shape_cast %get3A_1300 : vector<16xf32> to vector<1x1x16xf32>
        tpu.vector_store %arg6[%swap3A_1302, %swap3A_1303, %swap3A_1304], %swap3A_1307 {add = true, strides = array<i32>} : memref<3x128x128xf32, #tpu.memory_space<vmem>>, vector<1x1x16xf32>,
        %get3A_1308 = arith.constant 1 : i32
        %get3A_1309 = arith.index_cast %get3A_1308 : i32 to index
        %get3A_1310 = arith.index_cast %scan3A_1257 : i32 to index
        %get3A_1311 = arith.constant 64 : index
        %get3A_1312 = tpu.vector_load %arg7[%get3A_1309, %get3A_1310, %get3A_1311] {strides = array<i32>} : memref<3x128x128xf32, #tpu.memory_space<vmem>>, vector<1x1x16xf32>,
        %get3A_1313 = vector.shape_cast %get3A_1312 : vector<1x1x16xf32> to vector<16xf32>
        %swap3A_1314 = arith.constant 1 : i32
        %swap3A_1315 = arith.index_cast %swap3A_1314 : i32 to index
        %swap3A_1316 = arith.index_cast %scan3A_1257 : i32 to index
        %swap3A_1317 = arith.constant 64 : index
        %swap3A_1318 = tpu.vector_load %arg6[%swap3A_1315, %swap3A_1316, %swap3A_1317] {strides = array<i32>} : memref<3x128x128xf32, #tpu.memory_space<vmem>>, vector<1x1x16xf32>,
        %swap3A_1319 = vector.shape_cast %swap3A_1318 : vector<1x1x16xf32> to vector<16xf32>
        %swap3A_1320 = vector.shape_cast %get3A_1313 : vector<16xf32> to vector<1x1x16xf32>
        tpu.vector_store %arg6[%swap3A_1315, %swap3A_1316, %swap3A_1317], %swap3A_1320 {add = true, strides = array<i32>} : memref<3x128x128xf32, #tpu.memory_space<vmem>>, vector<1x1x16xf32>,
        %get3A_1321 = arith.constant 1 : i32
        %get3A_1322 = arith.index_cast %get3A_1321 : i32 to index
        %get3A_1323 = arith.index_cast %scan3A_1257 : i32 to index
        %get3A_1324 = arith.constant 80 : index
        %get3A_1325 = tpu.vector_load %arg7[%get3A_1322, %get3A_1323, %get3A_1324] {strides = array<i32>} : memref<3x128x128xf32, #tpu.memory_space<vmem>>, vector<1x1x16xf32>,
        %get3A_1326 = vector.shape_cast %get3A_1325 : vector<1x1x16xf32> to vector<16xf32>
        %swap3A_1327 = arith.constant 1 : i32
        %swap3A_1328 = arith.index_cast %swap3A_1327 : i32 to index
        %swap3A_1329 = arith.index_cast %scan3A_1257 : i32 to index
        %swap3A_1330 = arith.constant 80 : index
        %swap3A_1331 = tpu.vector_load %arg6[%swap3A_1328, %swap3A_1329, %swap3A_1330] {strides = array<i32>} : memref<3x128x128xf32, #tpu.memory_space<vmem>>, vector<1x1x16xf32>,
        %swap3A_1332 = vector.shape_cast %swap3A_1331 : vector<1x1x16xf32> to vector<16xf32>
        %swap3A_1333 = vector.shape_cast %get3A_1326 : vector<16xf32> to vector<1x1x16xf32>
        tpu.vector_store %arg6[%swap3A_1328, %swap3A_1329, %swap3A_1330], %swap3A_1333 {add = true, strides = array<i32>} : memref<3x128x128xf32, #tpu.memory_space<vmem>>, vector<1x1x16xf32>,
        %get3A_1334 = arith.constant 1 : i32
        %get3A_1335 = arith.index_cast %get3A_1334 : i32 to index
        %get3A_1336 = arith.index_cast %scan3A_1257 : i32 to index
        %get3A_1337 = arith.constant 96 : index
        %get3A_1338 = tpu.vector_load %arg7[%get3A_1335, %get3A_1336, %get3A_1337] {strides = array<i32>} : memref<3x128x128xf32, #tpu.memory_space<vmem>>, vector<1x1x16xf32>,
        %get3A_1339 = vector.shape_cast %get3A_1338 : vector<1x1x16xf32> to vector<16xf32>
        %swap3A_1340 = arith.constant 1 : i32
        %swap3A_1341 = arith.index_cast %swap3A_1340 : i32 to index
        %swap3A_1342 = arith.index_cast %scan3A_1257 : i32 to index
        %swap3A_1343 = arith.constant 96 : index
        %swap3A_1344 = tpu.vector_load %arg6[%swap3A_1341, %swap3A_1342, %swap3A_1343] {strides = array<i32>} : memref<3x128x128xf32, #tpu.memory_space<vmem>>, vector<1x1x16xf32>,
        %swap3A_1345 = vector.shape_cast %swap3A_1344 : vector<1x1x16xf32> to vector<16xf32>
        %swap3A_1346 = vector.shape_cast %get3A_1339 : vector<16xf32> to vector<1x1x16xf32>
        tpu.vector_store %arg6[%swap3A_1341, %swap3A_1342, %swap3A_1343], %swap3A_1346 {add = true, strides = array<i32>} : memref<3x128x128xf32, #tpu.memory_space<vmem>>, vector<1x1x16xf32>,
        %get3A_1347 = arith.constant 1 : i32
        %get3A_1348 = arith.index_cast %get3A_1347 : i32 to index
        %get3A_1349 = arith.index_cast %scan3A_1257 : i32 to index
        %get3A_1350 = arith.constant 112 : index
        %get3A_1351 = tpu.vector_load %arg7[%get3A_1348, %get3A_1349, %get3A_1350] {strides = array<i32>} : memref<3x128x128xf32, #tpu.memory_space<vmem>>, vector<1x1x16xf32>,
        %get3A_1352 = vector.shape_cast %get3A_1351 : vector<1x1x16xf32> to vector<16xf32>
        %swap3A_1353 = arith.constant 1 : i32
        %swap3A_1354 = arith.index_cast %swap3A_1353 : i32 to index
        %swap3A_1355 = arith.index_cast %scan3A_1257 : i32 to index
        %swap3A_1356 = arith.constant 112 : index
        %swap3A_1357 = tpu.vector_load %arg6[%swap3A_1354, %swap3A_1355, %swap3A_1356] {strides = array<i32>} : memref<3x128x128xf32, #tpu.memory_space<vmem>>, vector<1x1x16xf32>,
        %swap3A_1358 = vector.shape_cast %swap3A_1357 : vector<1x1x16xf32> to vector<16xf32>
        %swap3A_1359 = vector.shape_cast %get3A_1352 : vector<16xf32> to vector<1x1x16xf32>
        tpu.vector_store %arg6[%swap3A_1354, %swap3A_1355, %swap3A_1356], %swap3A_1359 {add = true, strides = array<i32>} : memref<3x128x128xf32, #tpu.memory_space<vmem>>, vector<1x1x16xf32>,
        %scan3A_1360 = arith.constant 1 : i32
        %scan3A_1361 = arith.addi %scan3A_1257, %scan3A_1360 : i32
        %get3A_1362 = arith.constant 1 : i32
        %get3A_1363 = arith.index_cast %get3A_1362 : i32 to index
        %get3A_1364 = arith.index_cast %scan3A_1361 : i32 to index
        %get3A_1365 = arith.constant 0 : index
        %get3A_1366 = tpu.vector_load %arg7[%get3A_1363, %get3A_1364, %get3A_1365] {strides = array<i32>} : memref<3x128x128xf32, #tpu.memory_space<vmem>>, vector<1x1x16xf32>,
        %get3A_1367 = vector.shape_cast %get3A_1366 : vector<1x1x16xf32> to vector<16xf32>
        %swap3A_1368 = arith.constant 1 : i32
        %swap3A_1369 = arith.index_cast %swap3A_1368 : i32 to index
        %swap3A_1370 = arith.index_cast %scan3A_1361 : i32 to index
        %swap3A_1371 = arith.constant 0 : index
        %swap3A_1372 = tpu.vector_load %arg6[%swap3A_1369, %swap3A_1370, %swap3A_1371] {strides = array<i32>} : memref<3x128x128xf32, #tpu.memory_space<vmem>>, vector<1x1x16xf32>,
        %swap3A_1373 = vector.shape_cast %swap3A_1372 : vector<1x1x16xf32> to vector<16xf32>
        %swap3A_1374 = vector.shape_cast %get3A_1367 : vector<16xf32> to vector<1x1x16xf32>
        tpu.vector_store %arg6[%swap3A_1369, %swap3A_1370, %swap3A_1371], %swap3A_1374 {add = true, strides = array<i32>} : memref<3x128x128xf32, #tpu.memory_space<vmem>>, vector<1x1x16xf32>,
        %get3A_1375 = arith.constant 1 : i32
        %get3A_1376 = arith.index_cast %get3A_1375 : i32 to index
        %get3A_1377 = arith.index_cast %scan3A_1361 : i32 to index
        %get3A_1378 = arith.constant 16 : index
        %get3A_1379 = tpu.vector_load %arg7[%get3A_1376, %get3A_1377, %get3A_1378] {strides = array<i32>} : memref<3x128x128xf32, #tpu.memory_space<vmem>>, vector<1x1x16xf32>,
        %get3A_1380 = vector.shape_cast %get3A_1379 : vector<1x1x16xf32> to vector<16xf32>
        %swap3A_1381 = arith.constant 1 : i32
        %swap3A_1382 = arith.index_cast %swap3A_1381 : i32 to index
        %swap3A_1383 = arith.index_cast %scan3A_1361 : i32 to index
        %swap3A_1384 = arith.constant 16 : index
        %swap3A_1385 = tpu.vector_load %arg6[%swap3A_1382, %swap3A_1383, %swap3A_1384] {strides = array<i32>} : memref<3x128x128xf32, #tpu.memory_space<vmem>>, vector<1x1x16xf32>,
        %swap3A_1386 = vector.shape_cast %swap3A_1385 : vector<1x1x16xf32> to vector<16xf32>
        %swap3A_1387 = vector.shape_cast %get3A_1380 : vector<16xf32> to vector<1x1x16xf32>
        tpu.vector_store %arg6[%swap3A_1382, %swap3A_1383, %swap3A_1384], %swap3A_1387 {add = true, strides = array<i32>} : memref<3x128x128xf32, #tpu.memory_space<vmem>>, vector<1x1x16xf32>,
        %get3A_1388 = arith.constant 1 : i32
        %get3A_1389 = arith.index_cast %get3A_1388 : i32 to index
        %get3A_1390 = arith.index_cast %scan3A_1361 : i32 to index
        %get3A_1391 = arith.constant 32 : index
        %get3A_1392 = tpu.vector_load %arg7[%get3A_1389, %get3A_1390, %get3A_1391] {strides = array<i32>} : memref<3x128x128xf32, #tpu.memory_space<vmem>>, vector<1x1x16xf32>,
        %get3A_1393 = vector.shape_cast %get3A_1392 : vector<1x1x16xf32> to vector<16xf32>
        %swap3A_1394 = arith.constant 1 : i32
        %swap3A_1395 = arith.index_cast %swap3A_1394 : i32 to index
        %swap3A_1396 = arith.index_cast %scan3A_1361 : i32 to index
        %swap3A_1397 = arith.constant 32 : index
        %swap3A_1398 = tpu.vector_load %arg6[%swap3A_1395, %swap3A_1396, %swap3A_1397] {strides = array<i32>} : memref<3x128x128xf32, #tpu.memory_space<vmem>>, vector<1x1x16xf32>,
        %swap3A_1399 = vector.shape_cast %swap3A_1398 : vector<1x1x16xf32> to vector<16xf32>
        %swap3A_1400 = vector.shape_cast %get3A_1393 : vector<16xf32> to vector<1x1x16xf32>
        tpu.vector_store %arg6[%swap3A_1395, %swap3A_1396, %swap3A_1397], %swap3A_1400 {add = true, strides = array<i32>} : memref<3x128x128xf32, #tpu.memory_space<vmem>>, vector<1x1x16xf32>,
        %get3A_1401 = arith.constant 1 : i32
        %get3A_1402 = arith.index_cast %get3A_1401 : i32 to index
        %get3A_1403 = arith.index_cast %scan3A_1361 : i32 to index
        %get3A_1404 = arith.constant 48 : index
        %get3A_1405 = tpu.vector_load %arg7[%get3A_1402, %get3A_1403, %get3A_1404] {strides = array<i32>} : memref<3x128x128xf32, #tpu.memory_space<vmem>>, vector<1x1x16xf32>,
        %get3A_1406 = vector.shape_cast %get3A_1405 : vector<1x1x16xf32> to vector<16xf32>
        %swap3A_1407 = arith.constant 1 : i32
        %swap3A_1408 = arith.index_cast %swap3A_1407 : i32 to index
        %swap3A_1409 = arith.index_cast %scan3A_1361 : i32 to index
        %swap3A_1410 = arith.constant 48 : index
        %swap3A_1411 = tpu.vector_load %arg6[%swap3A_1408, %swap3A_1409, %swap3A_1410] {strides = array<i32>} : memref<3x128x128xf32, #tpu.memory_space<vmem>>, vector<1x1x16xf32>,
        %swap3A_1412 = vector.shape_cast %swap3A_1411 : vector<1x1x16xf32> to vector<16xf32>
        %swap3A_1413 = vector.shape_cast %get3A_1406 : vector<16xf32> to vector<1x1x16xf32>
        tpu.vector_store %arg6[%swap3A_1408, %swap3A_1409, %swap3A_1410], %swap3A_1413 {add = true, strides = array<i32>} : memref<3x128x128xf32, #tpu.memory_space<vmem>>, vector<1x1x16xf32>,
        %get3A_1414 = arith.constant 1 : i32
        %get3A_1415 = arith.index_cast %get3A_1414 : i32 to index
        %get3A_1416 = arith.index_cast %scan3A_1361 : i32 to index
        %get3A_1417 = arith.constant 64 : index
        %get3A_1418 = tpu.vector_load %arg7[%get3A_1415, %get3A_1416, %get3A_1417] {strides = array<i32>} : memref<3x128x128xf32, #tpu.memory_space<vmem>>, vector<1x1x16xf32>,
        %get3A_1419 = vector.shape_cast %get3A_1418 : vector<1x1x16xf32> to vector<16xf32>
        %swap3A_1420 = arith.constant 1 : i32
        %swap3A_1421 = arith.index_cast %swap3A_1420 : i32 to index
        %swap3A_1422 = arith.index_cast %scan3A_1361 : i32 to index
        %swap3A_1423 = arith.constant 64 : index
        %swap3A_1424 = tpu.vector_load %arg6[%swap3A_1421, %swap3A_1422, %swap3A_1423] {strides = array<i32>} : memref<3x128x128xf32, #tpu.memory_space<vmem>>, vector<1x1x16xf32>,
        %swap3A_1425 = vector.shape_cast %swap3A_1424 : vector<1x1x16xf32> to vector<16xf32>
        %swap3A_1426 = vector.shape_cast %get3A_1419 : vector<16xf32> to vector<1x1x16xf32>
        tpu.vector_store %arg6[%swap3A_1421, %swap3A_1422, %swap3A_1423], %swap3A_1426 {add = true, strides = array<i32>} : memref<3x128x128xf32, #tpu.memory_space<vmem>>, vector<1x1x16xf32>,
        %get3A_1427 = arith.constant 1 : i32
        %get3A_1428 = arith.index_cast %get3A_1427 : i32 to index
        %get3A_1429 = arith.index_cast %scan3A_1361 : i32 to index
        %get3A_1430 = arith.constant 80 : index
        %get3A_1431 = tpu.vector_load %arg7[%get3A_1428, %get3A_1429, %get3A_1430] {strides = array<i32>} : memref<3x128x128xf32, #tpu.memory_space<vmem>>, vector<1x1x16xf32>,
        %get3A_1432 = vector.shape_cast %get3A_1431 : vector<1x1x16xf32> to vector<16xf32>
        %swap3A_1433 = arith.constant 1 : i32
        %swap3A_1434 = arith.index_cast %swap3A_1433 : i32 to index
        %swap3A_1435 = arith.index_cast %scan3A_1361 : i32 to index
        %swap3A_1436 = arith.constant 80 : index
        %swap3A_1437 = tpu.vector_load %arg6[%swap3A_1434, %swap3A_1435, %swap3A_1436] {strides = array<i32>} : memref<3x128x128xf32, #tpu.memory_space<vmem>>, vector<1x1x16xf32>,
        %swap3A_1438 = vector.shape_cast %swap3A_1437 : vector<1x1x16xf32> to vector<16xf32>
        %swap3A_1439 = vector.shape_cast %get3A_1432 : vector<16xf32> to vector<1x1x16xf32>
        tpu.vector_store %arg6[%swap3A_1434, %swap3A_1435, %swap3A_1436], %swap3A_1439 {add = true, strides = array<i32>} : memref<3x128x128xf32, #tpu.memory_space<vmem>>, vector<1x1x16xf32>,
        %get3A_1440 = arith.constant 1 : i32
        %get3A_1441 = arith.index_cast %get3A_1440 : i32 to index
        %get3A_1442 = arith.index_cast %scan3A_1361 : i32 to index
        %get3A_1443 = arith.constant 96 : index
        %get3A_1444 = tpu.vector_load %arg7[%get3A_1441, %get3A_1442, %get3A_1443] {strides = array<i32>} : memref<3x128x128xf32, #tpu.memory_space<vmem>>, vector<1x1x16xf32>,
        %get3A_1445 = vector.shape_cast %get3A_1444 : vector<1x1x16xf32> to vector<16xf32>
        %swap3A_1446 = arith.constant 1 : i32
        %swap3A_1447 = arith.index_cast %swap3A_1446 : i32 to index
        %swap3A_1448 = arith.index_cast %scan3A_1361 : i32 to index
        %swap3A_1449 = arith.constant 96 : index
        %swap3A_1450 = tpu.vector_load %arg6[%swap3A_1447, %swap3A_1448, %swap3A_1449] {strides = array<i32>} : memref<3x128x128xf32, #tpu.memory_space<vmem>>, vector<1x1x16xf32>,
        %swap3A_1451 = vector.shape_cast %swap3A_1450 : vector<1x1x16xf32> to vector<16xf32>
        %swap3A_1452 = vector.shape_cast %get3A_1445 : vector<16xf32> to vector<1x1x16xf32>
        tpu.vector_store %arg6[%swap3A_1447, %swap3A_1448, %swap3A_1449], %swap3A_1452 {add = true, strides = array<i32>} : memref<3x128x128xf32, #tpu.memory_space<vmem>>, vector<1x1x16xf32>,
        %get3A_1453 = arith.constant 1 : i32
        %get3A_1454 = arith.index_cast %get3A_1453 : i32 to index
        %get3A_1455 = arith.index_cast %scan3A_1361 : i32 to index
        %get3A_1456 = arith.constant 112 : index
        %get3A_1457 = tpu.vector_load %arg7[%get3A_1454, %get3A_1455, %get3A_1456] {strides = array<i32>} : memref<3x128x128xf32, #tpu.memory_space<vmem>>, vector<1x1x16xf32>,
        %get3A_1458 = vector.shape_cast %get3A_1457 : vector<1x1x16xf32> to vector<16xf32>
        %swap3A_1459 = arith.constant 1 : i32
        %swap3A_1460 = arith.index_cast %swap3A_1459 : i32 to index
        %swap3A_1461 = arith.index_cast %scan3A_1361 : i32 to index
        %swap3A_1462 = arith.constant 112 : index
        %swap3A_1463 = tpu.vector_load %arg6[%swap3A_1460, %swap3A_1461, %swap3A_1462] {strides = array<i32>} : memref<3x128x128xf32, #tpu.memory_space<vmem>>, vector<1x1x16xf32>,
        %swap3A_1464 = vector.shape_cast %swap3A_1463 : vector<1x1x16xf32> to vector<16xf32>
        %swap3A_1465 = vector.shape_cast %get3A_1458 : vector<16xf32> to vector<1x1x16xf32>
        tpu.vector_store %arg6[%swap3A_1460, %swap3A_1461, %swap3A_1462], %swap3A_1465 {add = true, strides = array<i32>} : memref<3x128x128xf32, #tpu.memory_space<vmem>>, vector<1x1x16xf32>,
      }
      %scan3A_1228 = arith.constant 128 : i32
      %min3A_1229 = arith.constant 38 : i32
      %min3A_1230 = arith.minsi %add3A_1111, %min3A_1229 : i32
      %mul3A_1231 = arith.constant 32 : i32
      %mul3A_1232 = arith.muli %mul3A_1231, %min3A_1230 : i32
      %add3A_1233 = arith.addi %add3A, %mul3A_1232 : i32
      %lt3A_1234 = arith.constant 2 : i32
      %lt3A_1235 = arith.cmpi slt, %add3A, %lt3A_1234 : i32
      %add3A_1236 = arith.constant 1248 : i32
      %add3A_1237 = arith.addi %add3A_1236, %add3A : i32
      %select_n3A_1238 = arith.select %lt3A_1235, %add3A_1237, %add3A_1233 : i32
      %ge3A_1239 = arith.constant 39 : i32
      %ge3A_1240 = arith.cmpi sge, %add3A_1111, %ge3A_1239 : i32
      %select_n3A_1241 = arith.select %ge3A_1240, %select_n3A_1238, %add3A_1233 : i32
      %mul3A_1242 = arith.constant 128 : i32
      %mul3A_1243 = arith.muli %select_n3A_1241, %mul3A_1242 : i32
      %dma_start3A_1244 = arith.constant 1 : i32
      %dma_start3A_1245 = arith.constant 0 : i32
      %dma_start3A_1246 = arith.constant 0 : i32
      %dma_start3A_1247 = tpu.memref_slice %arg6[%dma_start3A_1244, %dma_start3A_1245, %dma_start3A_1246] : memref<3x128x128xf32, #tpu.memory_space<vmem>> -> memref<1x128x128xf32, #tpu.memory_space<vmem>>
      %dma_start3A_1248 = tpu.memref_squeeze %dma_start3A_1247 : memref<1x128x128xf32, #tpu.memory_space<vmem>> -> memref<128x128xf32, #tpu.memory_space<vmem>>
      %dma_start3A_1249 = arith.constant 0 : i32
      %dma_start3A_1250 = tpu.memref_slice %arg4[%mul3A_1243, %dma_start3A_1249] : memref<160000x128xf32, #tpu.memory_space<hbm>> -> memref<128x128xf32, #tpu.memory_space<hbm>>
      %dma_start3A_1251 = arith.constant 0 : i32
      %dma_start3A_1252 = tpu.memref_slice %arg4[%mul3A_1243, %dma_start3A_1251] : memref<160000x128xf32, #tpu.memory_space<hbm>> -> memref<128x128xf32, #tpu.memory_space<hbm>>
      %dma_start3A_1253 = arith.constant 0 : i32
      %dma_start3A_1254 = arith.constant 0 : i32
      %dma_start3A_1255 = tpu.memref_slice %arg6[%dma_start3A_1244, %dma_start3A_1253, %dma_start3A_1254] : memref<3x128x128xf32, #tpu.memory_space<vmem>> -> memref<1x128x128xf32, #tpu.memory_space<vmem>>
      %dma_start3A_1256 = tpu.memref_squeeze %dma_start3A_1255 : memref<1x128x128xf32, #tpu.memory_space<vmem>> -> memref<128x128xf32, #tpu.memory_space<vmem>>
      tpu.enqueue_dma source(%dma_start3A_1256 : memref<128x128xf32, #tpu.memory_space<vmem>>) target(%dma_start3A_1252 : memref<128x128xf32, #tpu.memory_space<hbm>>) target_semaphore(%arg15 : memref<!tpu.dma_semaphore, #tpu.memory_space<semaphore_mem>>)
    }
    %scan3A_435 = arith.constant 12 : i32
    %dma_wait3A_436 = arith.constant 2 : i32
    %dma_wait3A_437 = arith.constant 0 : i32
    %dma_wait3A_438 = arith.constant 2 : i32
    %dma_wait3A_439 = arith.constant 0 : i32
    %dma_wait3A_440 = arith.constant 0 : i32
    %dma_wait3A_441 = tpu.memref_slice %arg6[%dma_wait3A_438, %dma_wait3A_439, %dma_wait3A_440] : memref<3x128x128xf32, #tpu.memory_space<vmem>> -> memref<1x128x128xf32, #tpu.memory_space<vmem>>
    %dma_wait3A_442 = tpu.memref_squeeze %dma_wait3A_441 : memref<1x128x128xf32, #tpu.memory_space<vmem>> -> memref<128x128xf32, #tpu.memory_space<vmem>>
    %dma_wait3A_443 = arith.constant 0 : i32
    %dma_wait3A_444 = tpu.memref_slice %arg5[%dma_wait3A_436, %dma_wait3A_437, %dma_wait3A_443] : memref<3x2x128xi32, #tpu.memory_space<vmem>> -> memref<1x1x128xi32, #tpu.memory_space<vmem>>
    %dma_wait3A_445 = tpu.memref_squeeze %dma_wait3A_444 : memref<1x1x128xi32, #tpu.memory_space<vmem>> -> memref<128xi32, #tpu.memory_space<vmem>>
    %dma_wait3A_446 = arith.constant 0 : i32
    %dma_wait3A_447 = arith.constant 0 : i32
    %dma_wait3A_448 = tpu.memref_slice %arg3[%dma_wait3A_446, %dma_wait3A_447] : memref<10000x128xf32, #tpu.memory_space<hbm>> -> memref<10000x128xf32, #tpu.memory_space<hbm>>
    tpu.wait_indirect_dma semaphore(%arg13 : memref<!tpu.dma_semaphore, #tpu.memory_space<semaphore_mem>>) src(%dma_wait3A_448 : memref<10000x128xf32, #tpu.memory_space<hbm>>) dst(%dma_wait3A_442 : memref<128x128xf32, #tpu.memory_space<vmem>>)
    %dma_wait3A_449 = arith.constant 2 : i32
    %dma_wait3A_450 = arith.constant 1 : i32
    %dma_wait3A_451 = arith.constant 2 : i32
    %dma_wait3A_452 = arith.constant 0 : i32
    %dma_wait3A_453 = arith.constant 0 : i32
    %dma_wait3A_454 = tpu.memref_slice %arg7[%dma_wait3A_451, %dma_wait3A_452, %dma_wait3A_453] : memref<3x128x128xf32, #tpu.memory_space<vmem>> -> memref<1x128x128xf32, #tpu.memory_space<vmem>>
    %dma_wait3A_455 = tpu.memref_squeeze %dma_wait3A_454 : memref<1x128x128xf32, #tpu.memory_space<vmem>> -> memref<128x128xf32, #tpu.memory_space<vmem>>
    %dma_wait3A_456 = arith.constant 0 : i32
    %dma_wait3A_457 = tpu.memref_slice %arg5[%dma_wait3A_449, %dma_wait3A_450, %dma_wait3A_456] : memref<3x2x128xi32, #tpu.memory_space<vmem>> -> memref<1x1x128xi32, #tpu.memory_space<vmem>>
    %dma_wait3A_458 = tpu.memref_squeeze %dma_wait3A_457 : memref<1x1x128xi32, #tpu.memory_space<vmem>> -> memref<128xi32, #tpu.memory_space<vmem>>
    %dma_wait3A_459 = arith.constant 0 : i32
    %dma_wait3A_460 = arith.constant 0 : i32
    %dma_wait3A_461 = tpu.memref_slice %arg3[%dma_wait3A_459, %dma_wait3A_460] : memref<10000x128xf32, #tpu.memory_space<hbm>> -> memref<10000x128xf32, #tpu.memory_space<hbm>>
    tpu.wait_indirect_dma semaphore(%arg13 : memref<!tpu.dma_semaphore, #tpu.memory_space<semaphore_mem>>) src(%dma_wait3A_461 : memref<10000x128xf32, #tpu.memory_space<hbm>>) dst(%dma_wait3A_455 : memref<128x128xf32, #tpu.memory_space<vmem>>)
    %min3A_462 = arith.constant 41 : i32
    %min3A_463 = arith.constant 38 : i32
    %min3A_464 = arith.minsi %min3A_462, %min3A_463 : i32
    %mul3A_465 = arith.constant 32 : i32
    %mul3A_466 = arith.muli %mul3A_465, %min3A_464 : i32
    %add3A_467 = arith.addi %add3A, %mul3A_466 : i32
    %lt3A_468 = arith.constant 2 : i32
    %lt3A_469 = arith.cmpi slt, %add3A, %lt3A_468 : i32
    %add3A_470 = arith.constant 1248 : i32
    %add3A_471 = arith.addi %add3A_470, %add3A : i32
    %select_n3A_472 = arith.select %lt3A_469, %add3A_471, %add3A_467 : i32
    %jit3A_473 = arith.constant true
    %select_n3A_474 = arith.select %jit3A_473, %select_n3A_472, %add3A_467 : i32
    %mul3A_475 = arith.constant 128 : i32
    %mul3A_476 = arith.muli %select_n3A_474, %mul3A_475 : i32
    %dma_start3A_477 = arith.constant 2 : i32
    %dma_start3A_478 = arith.constant 0 : i32
    %dma_start3A_479 = arith.constant 0 : i32
    %dma_start3A_480 = tpu.memref_slice %arg5[%dma_start3A_477, %dma_start3A_478, %dma_start3A_479] : memref<3x2x128xi32, #tpu.memory_space<vmem>> -> memref<1x2x128xi32, #tpu.memory_space<vmem>>
    %dma_start3A_481 = tpu.memref_squeeze %dma_start3A_480 : memref<1x2x128xi32, #tpu.memory_space<vmem>> -> memref<2x128xi32, #tpu.memory_space<vmem>>
    %dma_start3A_482 = arith.constant 0 : i32
    %dma_start3A_483 = tpu.memref_slice %arg2[%dma_start3A_482, %mul3A_476] : memref<2x160000xi32, #tpu.memory_space<hbm>> -> memref<2x128xi32, #tpu.memory_space<hbm>>
    %dma_start3A_484 = arith.constant 0 : i32
    %dma_start3A_485 = arith.constant 0 : i32
    %dma_start3A_486 = tpu.memref_slice %arg5[%dma_start3A_477, %dma_start3A_484, %dma_start3A_485] : memref<3x2x128xi32, #tpu.memory_space<vmem>> -> memref<1x2x128xi32, #tpu.memory_space<vmem>>
    %dma_start3A_487 = tpu.memref_squeeze %dma_start3A_486 : memref<1x2x128xi32, #tpu.memory_space<vmem>> -> memref<2x128xi32, #tpu.memory_space<vmem>>
    %dma_start3A_488 = arith.constant 0 : i32
    %dma_start3A_489 = tpu.memref_slice %arg2[%dma_start3A_488, %mul3A_476] : memref<2x160000xi32, #tpu.memory_space<hbm>> -> memref<2x128xi32, #tpu.memory_space<hbm>>
    tpu.enqueue_dma source(%dma_start3A_489 : memref<2x128xi32, #tpu.memory_space<hbm>>) target(%dma_start3A_487 : memref<2x128xi32, #tpu.memory_space<vmem>>) target_semaphore(%arg10 : memref<!tpu.dma_semaphore, #tpu.memory_space<semaphore_mem>>)
    %dma_wait3A_490 = arith.constant 1 : i32
    %dma_wait3A_491 = arith.constant 0 : i32
    %dma_wait3A_492 = arith.constant 0 : i32
    %dma_wait3A_493 = tpu.memref_slice %arg6[%dma_wait3A_490, %dma_wait3A_491, %dma_wait3A_492] : memref<3x128x128xf32, #tpu.memory_space<vmem>> -> memref<1x128x128xf32, #tpu.memory_space<vmem>>
    %dma_wait3A_494 = tpu.memref_squeeze %dma_wait3A_493 : memref<1x128x128xf32, #tpu.memory_space<vmem>> -> memref<128x128xf32, #tpu.memory_space<vmem>>
    %dma_wait3A_495 = arith.constant 0 : i32
    %dma_wait3A_496 = arith.constant 0 : i32
    %dma_wait3A_497 = tpu.memref_slice %arg4[%dma_wait3A_495, %dma_wait3A_496] : memref<160000x128xf32, #tpu.memory_space<hbm>> -> memref<128x128xf32, #tpu.memory_space<hbm>>
    %dma_wait3A_498 = arith.constant 0 : i32
    %dma_wait3A_499 = arith.constant 0 : i32
    %dma_wait3A_500 = tpu.memref_slice %arg4[%dma_wait3A_498, %dma_wait3A_499] : memref<160000x128xf32, #tpu.memory_space<hbm>> -> memref<128x128xf32, #tpu.memory_space<hbm>>
    %dma_wait3A_501 = arith.constant 0 : i32
    %dma_wait3A_502 = arith.constant 0 : i32
    %dma_wait3A_503 = tpu.memref_slice %arg6[%dma_wait3A_490, %dma_wait3A_501, %dma_wait3A_502] : memref<3x128x128xf32, #tpu.memory_space<vmem>> -> memref<1x128x128xf32, #tpu.memory_space<vmem>>
    %dma_wait3A_504 = tpu.memref_squeeze %dma_wait3A_503 : memref<1x128x128xf32, #tpu.memory_space<vmem>> -> memref<128x128xf32, #tpu.memory_space<vmem>>
    tpu.wait_dma2 semaphore(%arg15 : memref<!tpu.dma_semaphore, #tpu.memory_space<semaphore_mem>>) src(%dma_wait3A_504 : memref<128x128xf32, #tpu.memory_space<vmem>>) dst(%dma_wait3A_500 : memref<128x128xf32, #tpu.memory_space<hbm>>)
    %dma_wait3A_505 = arith.constant 1 : i32
    %dma_wait3A_506 = arith.constant 0 : i32
    %dma_wait3A_507 = arith.constant 0 : i32
    %dma_wait3A_508 = tpu.memref_slice %arg5[%dma_wait3A_505, %dma_wait3A_506, %dma_wait3A_507] : memref<3x2x128xi32, #tpu.memory_space<vmem>> -> memref<1x2x128xi32, #tpu.memory_space<vmem>>
    %dma_wait3A_509 = tpu.memref_squeeze %dma_wait3A_508 : memref<1x2x128xi32, #tpu.memory_space<vmem>> -> memref<2x128xi32, #tpu.memory_space<vmem>>
    %dma_wait3A_510 = arith.constant 0 : i32
    %dma_wait3A_511 = arith.constant 0 : i32
    %dma_wait3A_512 = tpu.memref_slice %arg2[%dma_wait3A_510, %dma_wait3A_511] : memref<2x160000xi32, #tpu.memory_space<hbm>> -> memref<2x128xi32, #tpu.memory_space<hbm>>
    %dma_wait3A_513 = arith.constant 0 : i32
    %dma_wait3A_514 = arith.constant 0 : i32
    %dma_wait3A_515 = tpu.memref_slice %arg5[%dma_wait3A_505, %dma_wait3A_513, %dma_wait3A_514] : memref<3x2x128xi32, #tpu.memory_space<vmem>> -> memref<1x2x128xi32, #tpu.memory_space<vmem>>
    %dma_wait3A_516 = tpu.memref_squeeze %dma_wait3A_515 : memref<1x2x128xi32, #tpu.memory_space<vmem>> -> memref<2x128xi32, #tpu.memory_space<vmem>>
    %dma_wait3A_517 = arith.constant 0 : i32
    %dma_wait3A_518 = arith.constant 0 : i32
    %dma_wait3A_519 = tpu.memref_slice %arg2[%dma_wait3A_517, %dma_wait3A_518] : memref<2x160000xi32, #tpu.memory_space<hbm>> -> memref<2x128xi32, #tpu.memory_space<hbm>>
    tpu.wait_dma2 semaphore(%arg9 : memref<!tpu.dma_semaphore, #tpu.memory_space<semaphore_mem>>) src(%dma_wait3A_519 : memref<2x128xi32, #tpu.memory_space<hbm>>) dst(%dma_wait3A_516 : memref<2x128xi32, #tpu.memory_space<vmem>>)
    %dma_start3A_520 = arith.constant 1 : i32
    %dma_start3A_521 = arith.constant 0 : i32
    %dma_start3A_522 = arith.constant 1 : i32
    %dma_start3A_523 = arith.constant 0 : i32
    %dma_start3A_524 = arith.constant 0 : i32
    %dma_start3A_525 = tpu.memref_slice %arg6[%dma_start3A_522, %dma_start3A_523, %dma_start3A_524] : memref<3x128x128xf32, #tpu.memory_space<vmem>> -> memref<1x128x128xf32, #tpu.memory_space<vmem>>
    %dma_start3A_526 = tpu.memref_squeeze %dma_start3A_525 : memref<1x128x128xf32, #tpu.memory_space<vmem>> -> memref<128x128xf32, #tpu.memory_space<vmem>>
    %dma_start3A_527 = arith.constant 0 : i32
    %dma_start3A_528 = tpu.memref_slice %arg5[%dma_start3A_520, %dma_start3A_521, %dma_start3A_527] : memref<3x2x128xi32, #tpu.memory_space<vmem>> -> memref<1x1x128xi32, #tpu.memory_space<vmem>>
    %dma_start3A_529 = tpu.memref_squeeze %dma_start3A_528 : memref<1x1x128xi32, #tpu.memory_space<vmem>> -> memref<128xi32, #tpu.memory_space<vmem>>
    %dma_start3A_530 = arith.constant 0 : i32
    %dma_start3A_531 = arith.constant 0 : i32
    %dma_start3A_532 = tpu.memref_slice %arg3[%dma_start3A_530, %dma_start3A_531] : memref<10000x128xf32, #tpu.memory_space<hbm>> -> memref<10000x128xf32, #tpu.memory_space<hbm>>
    tpu.enqueue_indirect_dma source(%dma_start3A_532 : memref<10000x128xf32, #tpu.memory_space<hbm>>) target(%dma_start3A_526 : memref<128x128xf32, #tpu.memory_space<vmem>>) offsets(%dma_start3A_529 : memref<128xi32, #tpu.memory_space<vmem>>) semaphore(%arg12 : memref<!tpu.dma_semaphore, #tpu.memory_space<semaphore_mem>>)
    %dma_start3A_533 = arith.constant 1 : i32
    %dma_start3A_534 = arith.constant 1 : i32
    %dma_start3A_535 = arith.constant 1 : i32
    %dma_start3A_536 = arith.constant 0 : i32
    %dma_start3A_537 = arith.constant 0 : i32
    %dma_start3A_538 = tpu.memref_slice %arg7[%dma_start3A_535, %dma_start3A_536, %dma_start3A_537] : memref<3x128x128xf32, #tpu.memory_space<vmem>> -> memref<1x128x128xf32, #tpu.memory_space<vmem>>
    %dma_start3A_539 = tpu.memref_squeeze %dma_start3A_538 : memref<1x128x128xf32, #tpu.memory_space<vmem>> -> memref<128x128xf32, #tpu.memory_space<vmem>>
    %dma_start3A_540 = arith.constant 0 : i32
    %dma_start3A_541 = tpu.memref_slice %arg5[%dma_start3A_533, %dma_start3A_534, %dma_start3A_540] : memref<3x2x128xi32, #tpu.memory_space<vmem>> -> memref<1x1x128xi32, #tpu.memory_space<vmem>>
    %dma_start3A_542 = tpu.memref_squeeze %dma_start3A_541 : memref<1x1x128xi32, #tpu.memory_space<vmem>> -> memref<128xi32, #tpu.memory_space<vmem>>
    %dma_start3A_543 = arith.constant 0 : i32
    %dma_start3A_544 = arith.constant 0 : i32
    %dma_start3A_545 = tpu.memref_slice %arg3[%dma_start3A_543, %dma_start3A_544] : memref<10000x128xf32, #tpu.memory_space<hbm>> -> memref<10000x128xf32, #tpu.memory_space<hbm>>
    tpu.enqueue_indirect_dma source(%dma_start3A_545 : memref<10000x128xf32, #tpu.memory_space<hbm>>) target(%dma_start3A_539 : memref<128x128xf32, #tpu.memory_space<vmem>>) offsets(%dma_start3A_542 : memref<128xi32, #tpu.memory_space<vmem>>) semaphore(%arg12 : memref<!tpu.dma_semaphore, #tpu.memory_space<semaphore_mem>>)
    %scan3A_546 = arith.constant 0 : i32
    %scan3A_547 = arith.constant 128 : i32
    %scan3A_548 = arith.addi %scan3A_546, %scan3A_547 : i32
    %scan3A_549 = arith.constant 2 : i32
    scf.for %scan3A_804 = %scan3A_546 to %scan3A_548 step %scan3A_549  : i32 {
      %get3A = arith.constant 2 : i32
      %get3A_805 = arith.index_cast %get3A : i32 to index
      %get3A_806 = arith.index_cast %scan3A_804 : i32 to index
      %get3A_807 = arith.constant 0 : index
      %get3A_808 = tpu.vector_load %arg7[%get3A_805, %get3A_806, %get3A_807] {strides = array<i32>} : memref<3x128x128xf32, #tpu.memory_space<vmem>>, vector<1x1x16xf32>,
      %get3A_809 = vector.shape_cast %get3A_808 : vector<1x1x16xf32> to vector<16xf32>
      %swap3A = arith.constant 2 : i32
      %swap3A_810 = arith.index_cast %swap3A : i32 to index
      %swap3A_811 = arith.index_cast %scan3A_804 : i32 to index
      %swap3A_812 = arith.constant 0 : index
      %swap3A_813 = tpu.vector_load %arg6[%swap3A_810, %swap3A_811, %swap3A_812] {strides = array<i32>} : memref<3x128x128xf32, #tpu.memory_space<vmem>>, vector<1x1x16xf32>,
      %swap3A_814 = vector.shape_cast %swap3A_813 : vector<1x1x16xf32> to vector<16xf32>
      %swap3A_815 = vector.shape_cast %get3A_809 : vector<16xf32> to vector<1x1x16xf32>
      tpu.vector_store %arg6[%swap3A_810, %swap3A_811, %swap3A_812], %swap3A_815 {add = true, strides = array<i32>} : memref<3x128x128xf32, #tpu.memory_space<vmem>>, vector<1x1x16xf32>,
      %get3A_816 = arith.constant 2 : i32
      %get3A_817 = arith.index_cast %get3A_816 : i32 to index
      %get3A_818 = arith.index_cast %scan3A_804 : i32 to index
      %get3A_819 = arith.constant 16 : index
      %get3A_820 = tpu.vector_load %arg7[%get3A_817, %get3A_818, %get3A_819] {strides = array<i32>} : memref<3x128x128xf32, #tpu.memory_space<vmem>>, vector<1x1x16xf32>,
      %get3A_821 = vector.shape_cast %get3A_820 : vector<1x1x16xf32> to vector<16xf32>
      %swap3A_822 = arith.constant 2 : i32
      %swap3A_823 = arith.index_cast %swap3A_822 : i32 to index
      %swap3A_824 = arith.index_cast %scan3A_804 : i32 to index
      %swap3A_825 = arith.constant 16 : index
      %swap3A_826 = tpu.vector_load %arg6[%swap3A_823, %swap3A_824, %swap3A_825] {strides = array<i32>} : memref<3x128x128xf32, #tpu.memory_space<vmem>>, vector<1x1x16xf32>,
      %swap3A_827 = vector.shape_cast %swap3A_826 : vector<1x1x16xf32> to vector<16xf32>
      %swap3A_828 = vector.shape_cast %get3A_821 : vector<16xf32> to vector<1x1x16xf32>
      tpu.vector_store %arg6[%swap3A_823, %swap3A_824, %swap3A_825], %swap3A_828 {add = true, strides = array<i32>} : memref<3x128x128xf32, #tpu.memory_space<vmem>>, vector<1x1x16xf32>,
      %get3A_829 = arith.constant 2 : i32
      %get3A_830 = arith.index_cast %get3A_829 : i32 to index
      %get3A_831 = arith.index_cast %scan3A_804 : i32 to index
      %get3A_832 = arith.constant 32 : index
      %get3A_833 = tpu.vector_load %arg7[%get3A_830, %get3A_831, %get3A_832] {strides = array<i32>} : memref<3x128x128xf32, #tpu.memory_space<vmem>>, vector<1x1x16xf32>,
      %get3A_834 = vector.shape_cast %get3A_833 : vector<1x1x16xf32> to vector<16xf32>
      %swap3A_835 = arith.constant 2 : i32
      %swap3A_836 = arith.index_cast %swap3A_835 : i32 to index
      %swap3A_837 = arith.index_cast %scan3A_804 : i32 to index
      %swap3A_838 = arith.constant 32 : index
      %swap3A_839 = tpu.vector_load %arg6[%swap3A_836, %swap3A_837, %swap3A_838] {strides = array<i32>} : memref<3x128x128xf32, #tpu.memory_space<vmem>>, vector<1x1x16xf32>,
      %swap3A_840 = vector.shape_cast %swap3A_839 : vector<1x1x16xf32> to vector<16xf32>
      %swap3A_841 = vector.shape_cast %get3A_834 : vector<16xf32> to vector<1x1x16xf32>
      tpu.vector_store %arg6[%swap3A_836, %swap3A_837, %swap3A_838], %swap3A_841 {add = true, strides = array<i32>} : memref<3x128x128xf32, #tpu.memory_space<vmem>>, vector<1x1x16xf32>,
      %get3A_842 = arith.constant 2 : i32
      %get3A_843 = arith.index_cast %get3A_842 : i32 to index
      %get3A_844 = arith.index_cast %scan3A_804 : i32 to index
      %get3A_845 = arith.constant 48 : index
      %get3A_846 = tpu.vector_load %arg7[%get3A_843, %get3A_844, %get3A_845] {strides = array<i32>} : memref<3x128x128xf32, #tpu.memory_space<vmem>>, vector<1x1x16xf32>,
      %get3A_847 = vector.shape_cast %get3A_846 : vector<1x1x16xf32> to vector<16xf32>
      %swap3A_848 = arith.constant 2 : i32
      %swap3A_849 = arith.index_cast %swap3A_848 : i32 to index
      %swap3A_850 = arith.index_cast %scan3A_804 : i32 to index
      %swap3A_851 = arith.constant 48 : index
      %swap3A_852 = tpu.vector_load %arg6[%swap3A_849, %swap3A_850, %swap3A_851] {strides = array<i32>} : memref<3x128x128xf32, #tpu.memory_space<vmem>>, vector<1x1x16xf32>,
      %swap3A_853 = vector.shape_cast %swap3A_852 : vector<1x1x16xf32> to vector<16xf32>
      %swap3A_854 = vector.shape_cast %get3A_847 : vector<16xf32> to vector<1x1x16xf32>
      tpu.vector_store %arg6[%swap3A_849, %swap3A_850, %swap3A_851], %swap3A_854 {add = true, strides = array<i32>} : memref<3x128x128xf32, #tpu.memory_space<vmem>>, vector<1x1x16xf32>,
      %get3A_855 = arith.constant 2 : i32
      %get3A_856 = arith.index_cast %get3A_855 : i32 to index
      %get3A_857 = arith.index_cast %scan3A_804 : i32 to index
      %get3A_858 = arith.constant 64 : index
      %get3A_859 = tpu.vector_load %arg7[%get3A_856, %get3A_857, %get3A_858] {strides = array<i32>} : memref<3x128x128xf32, #tpu.memory_space<vmem>>, vector<1x1x16xf32>,
      %get3A_860 = vector.shape_cast %get3A_859 : vector<1x1x16xf32> to vector<16xf32>
      %swap3A_861 = arith.constant 2 : i32
      %swap3A_862 = arith.index_cast %swap3A_861 : i32 to index
      %swap3A_863 = arith.index_cast %scan3A_804 : i32 to index
      %swap3A_864 = arith.constant 64 : index
      %swap3A_865 = tpu.vector_load %arg6[%swap3A_862, %swap3A_863, %swap3A_864] {strides = array<i32>} : memref<3x128x128xf32, #tpu.memory_space<vmem>>, vector<1x1x16xf32>,
      %swap3A_866 = vector.shape_cast %swap3A_865 : vector<1x1x16xf32> to vector<16xf32>
      %swap3A_867 = vector.shape_cast %get3A_860 : vector<16xf32> to vector<1x1x16xf32>
      tpu.vector_store %arg6[%swap3A_862, %swap3A_863, %swap3A_864], %swap3A_867 {add = true, strides = array<i32>} : memref<3x128x128xf32, #tpu.memory_space<vmem>>, vector<1x1x16xf32>,
      %get3A_868 = arith.constant 2 : i32
      %get3A_869 = arith.index_cast %get3A_868 : i32 to index
      %get3A_870 = arith.index_cast %scan3A_804 : i32 to index
      %get3A_871 = arith.constant 80 : index
      %get3A_872 = tpu.vector_load %arg7[%get3A_869, %get3A_870, %get3A_871] {strides = array<i32>} : memref<3x128x128xf32, #tpu.memory_space<vmem>>, vector<1x1x16xf32>,
      %get3A_873 = vector.shape_cast %get3A_872 : vector<1x1x16xf32> to vector<16xf32>
      %swap3A_874 = arith.constant 2 : i32
      %swap3A_875 = arith.index_cast %swap3A_874 : i32 to index
      %swap3A_876 = arith.index_cast %scan3A_804 : i32 to index
      %swap3A_877 = arith.constant 80 : index
      %swap3A_878 = tpu.vector_load %arg6[%swap3A_875, %swap3A_876, %swap3A_877] {strides = array<i32>} : memref<3x128x128xf32, #tpu.memory_space<vmem>>, vector<1x1x16xf32>,
      %swap3A_879 = vector.shape_cast %swap3A_878 : vector<1x1x16xf32> to vector<16xf32>
      %swap3A_880 = vector.shape_cast %get3A_873 : vector<16xf32> to vector<1x1x16xf32>
      tpu.vector_store %arg6[%swap3A_875, %swap3A_876, %swap3A_877], %swap3A_880 {add = true, strides = array<i32>} : memref<3x128x128xf32, #tpu.memory_space<vmem>>, vector<1x1x16xf32>,
      %get3A_881 = arith.constant 2 : i32
      %get3A_882 = arith.index_cast %get3A_881 : i32 to index
      %get3A_883 = arith.index_cast %scan3A_804 : i32 to index
      %get3A_884 = arith.constant 96 : index
      %get3A_885 = tpu.vector_load %arg7[%get3A_882, %get3A_883, %get3A_884] {strides = array<i32>} : memref<3x128x128xf32, #tpu.memory_space<vmem>>, vector<1x1x16xf32>,
      %get3A_886 = vector.shape_cast %get3A_885 : vector<1x1x16xf32> to vector<16xf32>
      %swap3A_887 = arith.constant 2 : i32
      %swap3A_888 = arith.index_cast %swap3A_887 : i32 to index
      %swap3A_889 = arith.index_cast %scan3A_804 : i32 to index
      %swap3A_890 = arith.constant 96 : index
      %swap3A_891 = tpu.vector_load %arg6[%swap3A_888, %swap3A_889, %swap3A_890] {strides = array<i32>} : memref<3x128x128xf32, #tpu.memory_space<vmem>>, vector<1x1x16xf32>,
      %swap3A_892 = vector.shape_cast %swap3A_891 : vector<1x1x16xf32> to vector<16xf32>
      %swap3A_893 = vector.shape_cast %get3A_886 : vector<16xf32> to vector<1x1x16xf32>
      tpu.vector_store %arg6[%swap3A_888, %swap3A_889, %swap3A_890], %swap3A_893 {add = true, strides = array<i32>} : memref<3x128x128xf32, #tpu.memory_space<vmem>>, vector<1x1x16xf32>,
      %get3A_894 = arith.constant 2 : i32
      %get3A_895 = arith.index_cast %get3A_894 : i32 to index
      %get3A_896 = arith.index_cast %scan3A_804 : i32 to index
      %get3A_897 = arith.constant 112 : index
      %get3A_898 = tpu.vector_load %arg7[%get3A_895, %get3A_896, %get3A_897] {strides = array<i32>} : memref<3x128x128xf32, #tpu.memory_space<vmem>>, vector<1x1x16xf32>,
      %get3A_899 = vector.shape_cast %get3A_898 : vector<1x1x16xf32> to vector<16xf32>
      %swap3A_900 = arith.constant 2 : i32
      %swap3A_901 = arith.index_cast %swap3A_900 : i32 to index
      %swap3A_902 = arith.index_cast %scan3A_804 : i32 to index
      %swap3A_903 = arith.constant 112 : index
      %swap3A_904 = tpu.vector_load %arg6[%swap3A_901, %swap3A_902, %swap3A_903] {strides = array<i32>} : memref<3x128x128xf32, #tpu.memory_space<vmem>>, vector<1x1x16xf32>,
      %swap3A_905 = vector.shape_cast %swap3A_904 : vector<1x1x16xf32> to vector<16xf32>
      %swap3A_906 = vector.shape_cast %get3A_899 : vector<16xf32> to vector<1x1x16xf32>
      tpu.vector_store %arg6[%swap3A_901, %swap3A_902, %swap3A_903], %swap3A_906 {add = true, strides = array<i32>} : memref<3x128x128xf32, #tpu.memory_space<vmem>>, vector<1x1x16xf32>,
      %scan3A_907 = arith.constant 1 : i32
      %scan3A_908 = arith.addi %scan3A_804, %scan3A_907 : i32
      %get3A_909 = arith.constant 2 : i32
      %get3A_910 = arith.index_cast %get3A_909 : i32 to index
      %get3A_911 = arith.index_cast %scan3A_908 : i32 to index
      %get3A_912 = arith.constant 0 : index
      %get3A_913 = tpu.vector_load %arg7[%get3A_910, %get3A_911, %get3A_912] {strides = array<i32>} : memref<3x128x128xf32, #tpu.memory_space<vmem>>, vector<1x1x16xf32>,
      %get3A_914 = vector.shape_cast %get3A_913 : vector<1x1x16xf32> to vector<16xf32>
      %swap3A_915 = arith.constant 2 : i32
      %swap3A_916 = arith.index_cast %swap3A_915 : i32 to index
      %swap3A_917 = arith.index_cast %scan3A_908 : i32 to index
      %swap3A_918 = arith.constant 0 : index
      %swap3A_919 = tpu.vector_load %arg6[%swap3A_916, %swap3A_917, %swap3A_918] {strides = array<i32>} : memref<3x128x128xf32, #tpu.memory_space<vmem>>, vector<1x1x16xf32>,
      %swap3A_920 = vector.shape_cast %swap3A_919 : vector<1x1x16xf32> to vector<16xf32>
      %swap3A_921 = vector.shape_cast %get3A_914 : vector<16xf32> to vector<1x1x16xf32>
      tpu.vector_store %arg6[%swap3A_916, %swap3A_917, %swap3A_918], %swap3A_921 {add = true, strides = array<i32>} : memref<3x128x128xf32, #tpu.memory_space<vmem>>, vector<1x1x16xf32>,
      %get3A_922 = arith.constant 2 : i32
      %get3A_923 = arith.index_cast %get3A_922 : i32 to index
      %get3A_924 = arith.index_cast %scan3A_908 : i32 to index
      %get3A_925 = arith.constant 16 : index
      %get3A_926 = tpu.vector_load %arg7[%get3A_923, %get3A_924, %get3A_925] {strides = array<i32>} : memref<3x128x128xf32, #tpu.memory_space<vmem>>, vector<1x1x16xf32>,
      %get3A_927 = vector.shape_cast %get3A_926 : vector<1x1x16xf32> to vector<16xf32>
      %swap3A_928 = arith.constant 2 : i32
      %swap3A_929 = arith.index_cast %swap3A_928 : i32 to index
      %swap3A_930 = arith.index_cast %scan3A_908 : i32 to index
      %swap3A_931 = arith.constant 16 : index
      %swap3A_932 = tpu.vector_load %arg6[%swap3A_929, %swap3A_930, %swap3A_931] {strides = array<i32>} : memref<3x128x128xf32, #tpu.memory_space<vmem>>, vector<1x1x16xf32>,
      %swap3A_933 = vector.shape_cast %swap3A_932 : vector<1x1x16xf32> to vector<16xf32>
      %swap3A_934 = vector.shape_cast %get3A_927 : vector<16xf32> to vector<1x1x16xf32>
      tpu.vector_store %arg6[%swap3A_929, %swap3A_930, %swap3A_931], %swap3A_934 {add = true, strides = array<i32>} : memref<3x128x128xf32, #tpu.memory_space<vmem>>, vector<1x1x16xf32>,
      %get3A_935 = arith.constant 2 : i32
      %get3A_936 = arith.index_cast %get3A_935 : i32 to index
      %get3A_937 = arith.index_cast %scan3A_908 : i32 to index
      %get3A_938 = arith.constant 32 : index
      %get3A_939 = tpu.vector_load %arg7[%get3A_936, %get3A_937, %get3A_938] {strides = array<i32>} : memref<3x128x128xf32, #tpu.memory_space<vmem>>, vector<1x1x16xf32>,
      %get3A_940 = vector.shape_cast %get3A_939 : vector<1x1x16xf32> to vector<16xf32>
      %swap3A_941 = arith.constant 2 : i32
      %swap3A_942 = arith.index_cast %swap3A_941 : i32 to index
      %swap3A_943 = arith.index_cast %scan3A_908 : i32 to index
      %swap3A_944 = arith.constant 32 : index
      %swap3A_945 = tpu.vector_load %arg6[%swap3A_942, %swap3A_943, %swap3A_944] {strides = array<i32>} : memref<3x128x128xf32, #tpu.memory_space<vmem>>, vector<1x1x16xf32>,
      %swap3A_946 = vector.shape_cast %swap3A_945 : vector<1x1x16xf32> to vector<16xf32>
      %swap3A_947 = vector.shape_cast %get3A_940 : vector<16xf32> to vector<1x1x16xf32>
      tpu.vector_store %arg6[%swap3A_942, %swap3A_943, %swap3A_944], %swap3A_947 {add = true, strides = array<i32>} : memref<3x128x128xf32, #tpu.memory_space<vmem>>, vector<1x1x16xf32>,
      %get3A_948 = arith.constant 2 : i32
      %get3A_949 = arith.index_cast %get3A_948 : i32 to index
      %get3A_950 = arith.index_cast %scan3A_908 : i32 to index
      %get3A_951 = arith.constant 48 : index
      %get3A_952 = tpu.vector_load %arg7[%get3A_949, %get3A_950, %get3A_951] {strides = array<i32>} : memref<3x128x128xf32, #tpu.memory_space<vmem>>, vector<1x1x16xf32>,
      %get3A_953 = vector.shape_cast %get3A_952 : vector<1x1x16xf32> to vector<16xf32>
      %swap3A_954 = arith.constant 2 : i32
      %swap3A_955 = arith.index_cast %swap3A_954 : i32 to index
      %swap3A_956 = arith.index_cast %scan3A_908 : i32 to index
      %swap3A_957 = arith.constant 48 : index
      %swap3A_958 = tpu.vector_load %arg6[%swap3A_955, %swap3A_956, %swap3A_957] {strides = array<i32>} : memref<3x128x128xf32, #tpu.memory_space<vmem>>, vector<1x1x16xf32>,
      %swap3A_959 = vector.shape_cast %swap3A_958 : vector<1x1x16xf32> to vector<16xf32>
      %swap3A_960 = vector.shape_cast %get3A_953 : vector<16xf32> to vector<1x1x16xf32>
      tpu.vector_store %arg6[%swap3A_955, %swap3A_956, %swap3A_957], %swap3A_960 {add = true, strides = array<i32>} : memref<3x128x128xf32, #tpu.memory_space<vmem>>, vector<1x1x16xf32>,
      %get3A_961 = arith.constant 2 : i32
      %get3A_962 = arith.index_cast %get3A_961 : i32 to index
      %get3A_963 = arith.index_cast %scan3A_908 : i32 to index
      %get3A_964 = arith.constant 64 : index
      %get3A_965 = tpu.vector_load %arg7[%get3A_962, %get3A_963, %get3A_964] {strides = array<i32>} : memref<3x128x128xf32, #tpu.memory_space<vmem>>, vector<1x1x16xf32>,
      %get3A_966 = vector.shape_cast %get3A_965 : vector<1x1x16xf32> to vector<16xf32>
      %swap3A_967 = arith.constant 2 : i32
      %swap3A_968 = arith.index_cast %swap3A_967 : i32 to index
      %swap3A_969 = arith.index_cast %scan3A_908 : i32 to index
      %swap3A_970 = arith.constant 64 : index
      %swap3A_971 = tpu.vector_load %arg6[%swap3A_968, %swap3A_969, %swap3A_970] {strides = array<i32>} : memref<3x128x128xf32, #tpu.memory_space<vmem>>, vector<1x1x16xf32>,
      %swap3A_972 = vector.shape_cast %swap3A_971 : vector<1x1x16xf32> to vector<16xf32>
      %swap3A_973 = vector.shape_cast %get3A_966 : vector<16xf32> to vector<1x1x16xf32>
      tpu.vector_store %arg6[%swap3A_968, %swap3A_969, %swap3A_970], %swap3A_973 {add = true, strides = array<i32>} : memref<3x128x128xf32, #tpu.memory_space<vmem>>, vector<1x1x16xf32>,
      %get3A_974 = arith.constant 2 : i32
      %get3A_975 = arith.index_cast %get3A_974 : i32 to index
      %get3A_976 = arith.index_cast %scan3A_908 : i32 to index
      %get3A_977 = arith.constant 80 : index
      %get3A_978 = tpu.vector_load %arg7[%get3A_975, %get3A_976, %get3A_977] {strides = array<i32>} : memref<3x128x128xf32, #tpu.memory_space<vmem>>, vector<1x1x16xf32>,
      %get3A_979 = vector.shape_cast %get3A_978 : vector<1x1x16xf32> to vector<16xf32>
      %swap3A_980 = arith.constant 2 : i32
      %swap3A_981 = arith.index_cast %swap3A_980 : i32 to index
      %swap3A_982 = arith.index_cast %scan3A_908 : i32 to index
      %swap3A_983 = arith.constant 80 : index
      %swap3A_984 = tpu.vector_load %arg6[%swap3A_981, %swap3A_982, %swap3A_983] {strides = array<i32>} : memref<3x128x128xf32, #tpu.memory_space<vmem>>, vector<1x1x16xf32>,
      %swap3A_985 = vector.shape_cast %swap3A_984 : vector<1x1x16xf32> to vector<16xf32>
      %swap3A_986 = vector.shape_cast %get3A_979 : vector<16xf32> to vector<1x1x16xf32>
      tpu.vector_store %arg6[%swap3A_981, %swap3A_982, %swap3A_983], %swap3A_986 {add = true, strides = array<i32>} : memref<3x128x128xf32, #tpu.memory_space<vmem>>, vector<1x1x16xf32>,
      %get3A_987 = arith.constant 2 : i32
      %get3A_988 = arith.index_cast %get3A_987 : i32 to index
      %get3A_989 = arith.index_cast %scan3A_908 : i32 to index
      %get3A_990 = arith.constant 96 : index
      %get3A_991 = tpu.vector_load %arg7[%get3A_988, %get3A_989, %get3A_990] {strides = array<i32>} : memref<3x128x128xf32, #tpu.memory_space<vmem>>, vector<1x1x16xf32>,
      %get3A_992 = vector.shape_cast %get3A_991 : vector<1x1x16xf32> to vector<16xf32>
      %swap3A_993 = arith.constant 2 : i32
      %swap3A_994 = arith.index_cast %swap3A_993 : i32 to index
      %swap3A_995 = arith.index_cast %scan3A_908 : i32 to index
      %swap3A_996 = arith.constant 96 : index
      %swap3A_997 = tpu.vector_load %arg6[%swap3A_994, %swap3A_995, %swap3A_996] {strides = array<i32>} : memref<3x128x128xf32, #tpu.memory_space<vmem>>, vector<1x1x16xf32>,
      %swap3A_998 = vector.shape_cast %swap3A_997 : vector<1x1x16xf32> to vector<16xf32>
      %swap3A_999 = vector.shape_cast %get3A_992 : vector<16xf32> to vector<1x1x16xf32>
      tpu.vector_store %arg6[%swap3A_994, %swap3A_995, %swap3A_996], %swap3A_999 {add = true, strides = array<i32>} : memref<3x128x128xf32, #tpu.memory_space<vmem>>, vector<1x1x16xf32>,
      %get3A_1000 = arith.constant 2 : i32
      %get3A_1001 = arith.index_cast %get3A_1000 : i32 to index
      %get3A_1002 = arith.index_cast %scan3A_908 : i32 to index
      %get3A_1003 = arith.constant 112 : index
      %get3A_1004 = tpu.vector_load %arg7[%get3A_1001, %get3A_1002, %get3A_1003] {strides = array<i32>} : memref<3x128x128xf32, #tpu.memory_space<vmem>>, vector<1x1x16xf32>,
      %get3A_1005 = vector.shape_cast %get3A_1004 : vector<1x1x16xf32> to vector<16xf32>
      %swap3A_1006 = arith.constant 2 : i32
      %swap3A_1007 = arith.index_cast %swap3A_1006 : i32 to index
      %swap3A_1008 = arith.index_cast %scan3A_908 : i32 to index
      %swap3A_1009 = arith.constant 112 : index
      %swap3A_1010 = tpu.vector_load %arg6[%swap3A_1007, %swap3A_1008, %swap3A_1009] {strides = array<i32>} : memref<3x128x128xf32, #tpu.memory_space<vmem>>, vector<1x1x16xf32>,
      %swap3A_1011 = vector.shape_cast %swap3A_1010 : vector<1x1x16xf32> to vector<16xf32>
      %swap3A_1012 = vector.shape_cast %get3A_1005 : vector<16xf32> to vector<1x1x16xf32>
      tpu.vector_store %arg6[%swap3A_1007, %swap3A_1008, %swap3A_1009], %swap3A_1012 {add = true, strides = array<i32>} : memref<3x128x128xf32, #tpu.memory_space<vmem>>, vector<1x1x16xf32>,
    }
    %scan3A_550 = arith.constant 128 : i32
    %min3A_551 = arith.constant 38 : i32
    %min3A_552 = arith.constant 38 : i32
    %min3A_553 = arith.minsi %min3A_551, %min3A_552 : i32
    %mul3A_554 = arith.constant 32 : i32
    %mul3A_555 = arith.muli %mul3A_554, %min3A_553 : i32
    %add3A_556 = arith.addi %add3A, %mul3A_555 : i32
    %lt3A_557 = arith.constant 2 : i32
    %lt3A_558 = arith.cmpi slt, %add3A, %lt3A_557 : i32
    %add3A_559 = arith.constant 1248 : i32
    %add3A_560 = arith.addi %add3A_559, %add3A : i32
    %select_n3A_561 = arith.select %lt3A_558, %add3A_560, %add3A_556 : i32
    %jit3A_562 = arith.constant false
    %select_n3A_563 = arith.select %jit3A_562, %select_n3A_561, %add3A_556 : i32
    %mul3A_564 = arith.constant 128 : i32
    %mul3A_565 = arith.muli %select_n3A_563, %mul3A_564 : i32
    %dma_start3A_566 = arith.constant 2 : i32
    %dma_start3A_567 = arith.constant 0 : i32
    %dma_start3A_568 = arith.constant 0 : i32
    %dma_start3A_569 = tpu.memref_slice %arg6[%dma_start3A_566, %dma_start3A_567, %dma_start3A_568] : memref<3x128x128xf32, #tpu.memory_space<vmem>> -> memref<1x128x128xf32, #tpu.memory_space<vmem>>
    %dma_start3A_570 = tpu.memref_squeeze %dma_start3A_569 : memref<1x128x128xf32, #tpu.memory_space<vmem>> -> memref<128x128xf32, #tpu.memory_space<vmem>>
    %dma_start3A_571 = arith.constant 0 : i32
    %dma_start3A_572 = tpu.memref_slice %arg4[%mul3A_565, %dma_start3A_571] : memref<160000x128xf32, #tpu.memory_space<hbm>> -> memref<128x128xf32, #tpu.memory_space<hbm>>
    %dma_start3A_573 = arith.constant 0 : i32
    %dma_start3A_574 = tpu.memref_slice %arg4[%mul3A_565, %dma_start3A_573] : memref<160000x128xf32, #tpu.memory_space<hbm>> -> memref<128x128xf32, #tpu.memory_space<hbm>>
    %dma_start3A_575 = arith.constant 0 : i32
    %dma_start3A_576 = arith.constant 0 : i32
    %dma_start3A_577 = tpu.memref_slice %arg6[%dma_start3A_566, %dma_start3A_575, %dma_start3A_576] : memref<3x128x128xf32, #tpu.memory_space<vmem>> -> memref<1x128x128xf32, #tpu.memory_space<vmem>>
    %dma_start3A_578 = tpu.memref_squeeze %dma_start3A_577 : memref<1x128x128xf32, #tpu.memory_space<vmem>> -> memref<128x128xf32, #tpu.memory_space<vmem>>
    tpu.enqueue_dma source(%dma_start3A_578 : memref<128x128xf32, #tpu.memory_space<vmem>>) target(%dma_start3A_574 : memref<128x128xf32, #tpu.memory_space<hbm>>) target_semaphore(%arg16 : memref<!tpu.dma_semaphore, #tpu.memory_space<semaphore_mem>>)
    %dma_wait3A_579 = arith.constant 0 : i32
    %dma_wait3A_580 = arith.constant 0 : i32
    %dma_wait3A_581 = arith.constant 0 : i32
    %dma_wait3A_582 = arith.constant 0 : i32
    %dma_wait3A_583 = arith.constant 0 : i32
    %dma_wait3A_584 = tpu.memref_slice %arg6[%dma_wait3A_581, %dma_wait3A_582, %dma_wait3A_583] : memref<3x128x128xf32, #tpu.memory_space<vmem>> -> memref<1x128x128xf32, #tpu.memory_space<vmem>>
    %dma_wait3A_585 = tpu.memref_squeeze %dma_wait3A_584 : memref<1x128x128xf32, #tpu.memory_space<vmem>> -> memref<128x128xf32, #tpu.memory_space<vmem>>
    %dma_wait3A_586 = arith.constant 0 : i32
    %dma_wait3A_587 = tpu.memref_slice %arg5[%dma_wait3A_579, %dma_wait3A_580, %dma_wait3A_586] : memref<3x2x128xi32, #tpu.memory_space<vmem>> -> memref<1x1x128xi32, #tpu.memory_space<vmem>>
    %dma_wait3A_588 = tpu.memref_squeeze %dma_wait3A_587 : memref<1x1x128xi32, #tpu.memory_space<vmem>> -> memref<128xi32, #tpu.memory_space<vmem>>
    %dma_wait3A_589 = arith.constant 0 : i32
    %dma_wait3A_590 = arith.constant 0 : i32
    %dma_wait3A_591 = tpu.memref_slice %arg3[%dma_wait3A_589, %dma_wait3A_590] : memref<10000x128xf32, #tpu.memory_space<hbm>> -> memref<10000x128xf32, #tpu.memory_space<hbm>>
    tpu.wait_indirect_dma semaphore(%arg11 : memref<!tpu.dma_semaphore, #tpu.memory_space<semaphore_mem>>) src(%dma_wait3A_591 : memref<10000x128xf32, #tpu.memory_space<hbm>>) dst(%dma_wait3A_585 : memref<128x128xf32, #tpu.memory_space<vmem>>)
    %dma_wait3A_592 = arith.constant 0 : i32
    %dma_wait3A_593 = arith.constant 1 : i32
    %dma_wait3A_594 = arith.constant 0 : i32
    %dma_wait3A_595 = arith.constant 0 : i32
    %dma_wait3A_596 = arith.constant 0 : i32
    %dma_wait3A_597 = tpu.memref_slice %arg7[%dma_wait3A_594, %dma_wait3A_595, %dma_wait3A_596] : memref<3x128x128xf32, #tpu.memory_space<vmem>> -> memref<1x128x128xf32, #tpu.memory_space<vmem>>
    %dma_wait3A_598 = tpu.memref_squeeze %dma_wait3A_597 : memref<1x128x128xf32, #tpu.memory_space<vmem>> -> memref<128x128xf32, #tpu.memory_space<vmem>>
    %dma_wait3A_599 = arith.constant 0 : i32
    %dma_wait3A_600 = tpu.memref_slice %arg5[%dma_wait3A_592, %dma_wait3A_593, %dma_wait3A_599] : memref<3x2x128xi32, #tpu.memory_space<vmem>> -> memref<1x1x128xi32, #tpu.memory_space<vmem>>
    %dma_wait3A_601 = tpu.memref_squeeze %dma_wait3A_600 : memref<1x1x128xi32, #tpu.memory_space<vmem>> -> memref<128xi32, #tpu.memory_space<vmem>>
    %dma_wait3A_602 = arith.constant 0 : i32
    %dma_wait3A_603 = arith.constant 0 : i32
    %dma_wait3A_604 = tpu.memref_slice %arg3[%dma_wait3A_602, %dma_wait3A_603] : memref<10000x128xf32, #tpu.memory_space<hbm>> -> memref<10000x128xf32, #tpu.memory_space<hbm>>
    tpu.wait_indirect_dma semaphore(%arg11 : memref<!tpu.dma_semaphore, #tpu.memory_space<semaphore_mem>>) src(%dma_wait3A_604 : memref<10000x128xf32, #tpu.memory_space<hbm>>) dst(%dma_wait3A_598 : memref<128x128xf32, #tpu.memory_space<vmem>>)
    %min3A_605 = arith.constant 42 : i32
    %min3A_606 = arith.constant 38 : i32
    %min3A_607 = arith.minsi %min3A_605, %min3A_606 : i32
    %mul3A_608 = arith.constant 32 : i32
    %mul3A_609 = arith.muli %mul3A_608, %min3A_607 : i32
    %add3A_610 = arith.addi %add3A, %mul3A_609 : i32
    %lt3A_611 = arith.constant 2 : i32
    %lt3A_612 = arith.cmpi slt, %add3A, %lt3A_611 : i32
    %add3A_613 = arith.constant 1248 : i32
    %add3A_614 = arith.addi %add3A_613, %add3A : i32
    %select_n3A_615 = arith.select %lt3A_612, %add3A_614, %add3A_610 : i32
    %jit3A_616 = arith.constant true
    %select_n3A_617 = arith.select %jit3A_616, %select_n3A_615, %add3A_610 : i32
    %mul3A_618 = arith.constant 128 : i32
    %mul3A_619 = arith.muli %select_n3A_617, %mul3A_618 : i32
    %dma_start3A_620 = arith.constant 0 : i32
    %dma_start3A_621 = arith.constant 0 : i32
    %dma_start3A_622 = arith.constant 0 : i32
    %dma_start3A_623 = tpu.memref_slice %arg5[%dma_start3A_620, %dma_start3A_621, %dma_start3A_622] : memref<3x2x128xi32, #tpu.memory_space<vmem>> -> memref<1x2x128xi32, #tpu.memory_space<vmem>>
    %dma_start3A_624 = tpu.memref_squeeze %dma_start3A_623 : memref<1x2x128xi32, #tpu.memory_space<vmem>> -> memref<2x128xi32, #tpu.memory_space<vmem>>
    %dma_start3A_625 = arith.constant 0 : i32
    %dma_start3A_626 = tpu.memref_slice %arg2[%dma_start3A_625, %mul3A_619] : memref<2x160000xi32, #tpu.memory_space<hbm>> -> memref<2x128xi32, #tpu.memory_space<hbm>>
    %dma_start3A_627 = arith.constant 0 : i32
    %dma_start3A_628 = arith.constant 0 : i32
    %dma_start3A_629 = tpu.memref_slice %arg5[%dma_start3A_620, %dma_start3A_627, %dma_start3A_628] : memref<3x2x128xi32, #tpu.memory_space<vmem>> -> memref<1x2x128xi32, #tpu.memory_space<vmem>>
    %dma_start3A_630 = tpu.memref_squeeze %dma_start3A_629 : memref<1x2x128xi32, #tpu.memory_space<vmem>> -> memref<2x128xi32, #tpu.memory_space<vmem>>
    %dma_start3A_631 = arith.constant 0 : i32
    %dma_start3A_632 = tpu.memref_slice %arg2[%dma_start3A_631, %mul3A_619] : memref<2x160000xi32, #tpu.memory_space<hbm>> -> memref<2x128xi32, #tpu.memory_space<hbm>>
    tpu.enqueue_dma source(%dma_start3A_632 : memref<2x128xi32, #tpu.memory_space<hbm>>) target(%dma_start3A_630 : memref<2x128xi32, #tpu.memory_space<vmem>>) target_semaphore(%arg8 : memref<!tpu.dma_semaphore, #tpu.memory_space<semaphore_mem>>)
    %dma_wait3A_633 = arith.constant 2 : i32
    %dma_wait3A_634 = arith.constant 0 : i32
    %dma_wait3A_635 = arith.constant 0 : i32
    %dma_wait3A_636 = tpu.memref_slice %arg6[%dma_wait3A_633, %dma_wait3A_634, %dma_wait3A_635] : memref<3x128x128xf32, #tpu.memory_space<vmem>> -> memref<1x128x128xf32, #tpu.memory_space<vmem>>
    %dma_wait3A_637 = tpu.memref_squeeze %dma_wait3A_636 : memref<1x128x128xf32, #tpu.memory_space<vmem>> -> memref<128x128xf32, #tpu.memory_space<vmem>>
    %dma_wait3A_638 = arith.constant 0 : i32
    %dma_wait3A_639 = arith.constant 0 : i32
    %dma_wait3A_640 = tpu.memref_slice %arg4[%dma_wait3A_638, %dma_wait3A_639] : memref<160000x128xf32, #tpu.memory_space<hbm>> -> memref<128x128xf32, #tpu.memory_space<hbm>>
    %dma_wait3A_641 = arith.constant 0 : i32
    %dma_wait3A_642 = arith.constant 0 : i32
    %dma_wait3A_643 = tpu.memref_slice %arg4[%dma_wait3A_641, %dma_wait3A_642] : memref<160000x128xf32, #tpu.memory_space<hbm>> -> memref<128x128xf32, #tpu.memory_space<hbm>>
    %dma_wait3A_644 = arith.constant 0 : i32
    %dma_wait3A_645 = arith.constant 0 : i32
    %dma_wait3A_646 = tpu.memref_slice %arg6[%dma_wait3A_633, %dma_wait3A_644, %dma_wait3A_645] : memref<3x128x128xf32, #tpu.memory_space<vmem>> -> memref<1x128x128xf32, #tpu.memory_space<vmem>>
    %dma_wait3A_647 = tpu.memref_squeeze %dma_wait3A_646 : memref<1x128x128xf32, #tpu.memory_space<vmem>> -> memref<128x128xf32, #tpu.memory_space<vmem>>
    tpu.wait_dma2 semaphore(%arg16 : memref<!tpu.dma_semaphore, #tpu.memory_space<semaphore_mem>>) src(%dma_wait3A_647 : memref<128x128xf32, #tpu.memory_space<vmem>>) dst(%dma_wait3A_643 : memref<128x128xf32, #tpu.memory_space<hbm>>)
    %dma_wait3A_648 = arith.constant 2 : i32
    %dma_wait3A_649 = arith.constant 0 : i32
    %dma_wait3A_650 = arith.constant 0 : i32
    %dma_wait3A_651 = tpu.memref_slice %arg5[%dma_wait3A_648, %dma_wait3A_649, %dma_wait3A_650] : memref<3x2x128xi32, #tpu.memory_space<vmem>> -> memref<1x2x128xi32, #tpu.memory_space<vmem>>
    %dma_wait3A_652 = tpu.memref_squeeze %dma_wait3A_651 : memref<1x2x128xi32, #tpu.memory_space<vmem>> -> memref<2x128xi32, #tpu.memory_space<vmem>>
    %dma_wait3A_653 = arith.constant 0 : i32
    %dma_wait3A_654 = arith.constant 0 : i32
    %dma_wait3A_655 = tpu.memref_slice %arg2[%dma_wait3A_653, %dma_wait3A_654] : memref<2x160000xi32, #tpu.memory_space<hbm>> -> memref<2x128xi32, #tpu.memory_space<hbm>>
    %dma_wait3A_656 = arith.constant 0 : i32
    %dma_wait3A_657 = arith.constant 0 : i32
    %dma_wait3A_658 = tpu.memref_slice %arg5[%dma_wait3A_648, %dma_wait3A_656, %dma_wait3A_657] : memref<3x2x128xi32, #tpu.memory_space<vmem>> -> memref<1x2x128xi32, #tpu.memory_space<vmem>>
    %dma_wait3A_659 = tpu.memref_squeeze %dma_wait3A_658 : memref<1x2x128xi32, #tpu.memory_space<vmem>> -> memref<2x128xi32, #tpu.memory_space<vmem>>
    %dma_wait3A_660 = arith.constant 0 : i32
    %dma_wait3A_661 = arith.constant 0 : i32
    %dma_wait3A_662 = tpu.memref_slice %arg2[%dma_wait3A_660, %dma_wait3A_661] : memref<2x160000xi32, #tpu.memory_space<hbm>> -> memref<2x128xi32, #tpu.memory_space<hbm>>
    tpu.wait_dma2 semaphore(%arg10 : memref<!tpu.dma_semaphore, #tpu.memory_space<semaphore_mem>>) src(%dma_wait3A_662 : memref<2x128xi32, #tpu.memory_space<hbm>>) dst(%dma_wait3A_659 : memref<2x128xi32, #tpu.memory_space<vmem>>)
    %dma_start3A_663 = arith.constant 2 : i32
    %dma_start3A_664 = arith.constant 0 : i32
    %dma_start3A_665 = arith.constant 2 : i32
    %dma_start3A_666 = arith.constant 0 : i32
    %dma_start3A_667 = arith.constant 0 : i32
    %dma_start3A_668 = tpu.memref_slice %arg6[%dma_start3A_665, %dma_start3A_666, %dma_start3A_667] : memref<3x128x128xf32, #tpu.memory_space<vmem>> -> memref<1x128x128xf32, #tpu.memory_space<vmem>>
    %dma_start3A_669 = tpu.memref_squeeze %dma_start3A_668 : memref<1x128x128xf32, #tpu.memory_space<vmem>> -> memref<128x128xf32, #tpu.memory_space<vmem>>
    %dma_start3A_670 = arith.constant 0 : i32
    %dma_start3A_671 = tpu.memref_slice %arg5[%dma_start3A_663, %dma_start3A_664, %dma_start3A_670] : memref<3x2x128xi32, #tpu.memory_space<vmem>> -> memref<1x1x128xi32, #tpu.memory_space<vmem>>
    %dma_start3A_672 = tpu.memref_squeeze %dma_start3A_671 : memref<1x1x128xi32, #tpu.memory_space<vmem>> -> memref<128xi32, #tpu.memory_space<vmem>>
    %dma_start3A_673 = arith.constant 0 : i32
    %dma_start3A_674 = arith.constant 0 : i32
    %dma_start3A_675 = tpu.memref_slice %arg3[%dma_start3A_673, %dma_start3A_674] : memref<10000x128xf32, #tpu.memory_space<hbm>> -> memref<10000x128xf32, #tpu.memory_space<hbm>>
    tpu.enqueue_indirect_dma source(%dma_start3A_675 : memref<10000x128xf32, #tpu.memory_space<hbm>>) target(%dma_start3A_669 : memref<128x128xf32, #tpu.memory_space<vmem>>) offsets(%dma_start3A_672 : memref<128xi32, #tpu.memory_space<vmem>>) semaphore(%arg13 : memref<!tpu.dma_semaphore, #tpu.memory_space<semaphore_mem>>)
    %dma_start3A_676 = arith.constant 2 : i32
    %dma_start3A_677 = arith.constant 1 : i32
    %dma_start3A_678 = arith.constant 2 : i32
    %dma_start3A_679 = arith.constant 0 : i32
    %dma_start3A_680 = arith.constant 0 : i32
    %dma_start3A_681 = tpu.memref_slice %arg7[%dma_start3A_678, %dma_start3A_679, %dma_start3A_680] : memref<3x128x128xf32, #tpu.memory_space<vmem>> -> memref<1x128x128xf32, #tpu.memory_space<vmem>>
    %dma_start3A_682 = tpu.memref_squeeze %dma_start3A_681 : memref<1x128x128xf32, #tpu.memory_space<vmem>> -> memref<128x128xf32, #tpu.memory_space<vmem>>
    %dma_start3A_683 = arith.constant 0 : i32
    %dma_start3A_684 = tpu.memref_slice %arg5[%dma_start3A_676, %dma_start3A_677, %dma_start3A_683] : memref<3x2x128xi32, #tpu.memory_space<vmem>> -> memref<1x1x128xi32, #tpu.memory_space<vmem>>
    %dma_start3A_685 = tpu.memref_squeeze %dma_start3A_684 : memref<1x1x128xi32, #tpu.memory_space<vmem>> -> memref<128xi32, #tpu.memory_space<vmem>>
    %dma_start3A_686 = arith.constant 0 : i32
    %dma_start3A_687 = arith.constant 0 : i32
    %dma_start3A_688 = tpu.memref_slice %arg3[%dma_start3A_686, %dma_start3A_687] : memref<10000x128xf32, #tpu.memory_space<hbm>> -> memref<10000x128xf32, #tpu.memory_space<hbm>>
    tpu.enqueue_indirect_dma source(%dma_start3A_688 : memref<10000x128xf32, #tpu.memory_space<hbm>>) target(%dma_start3A_682 : memref<128x128xf32, #tpu.memory_space<vmem>>) offsets(%dma_start3A_685 : memref<128xi32, #tpu.memory_space<vmem>>) semaphore(%arg13 : memref<!tpu.dma_semaphore, #tpu.memory_space<semaphore_mem>>)
    %scan3A_689 = arith.constant 0 : i32
    %scan3A_690 = arith.constant 128 : i32
    %scan3A_691 = arith.addi %scan3A_689, %scan3A_690 : i32
    %scan3A_692 = arith.constant 2 : i32
    scf.for %scan3A_804 = %scan3A_689 to %scan3A_691 step %scan3A_692  : i32 {
      %get3A = arith.constant 0 : i32
      %get3A_805 = arith.index_cast %get3A : i32 to index
      %get3A_806 = arith.index_cast %scan3A_804 : i32 to index
      %get3A_807 = arith.constant 0 : index
      %get3A_808 = tpu.vector_load %arg7[%get3A_805, %get3A_806, %get3A_807] {strides = array<i32>} : memref<3x128x128xf32, #tpu.memory_space<vmem>>, vector<1x1x16xf32>,
      %get3A_809 = vector.shape_cast %get3A_808 : vector<1x1x16xf32> to vector<16xf32>
      %swap3A = arith.constant 0 : i32
      %swap3A_810 = arith.index_cast %swap3A : i32 to index
      %swap3A_811 = arith.index_cast %scan3A_804 : i32 to index
      %swap3A_812 = arith.constant 0 : index
      %swap3A_813 = tpu.vector_load %arg6[%swap3A_810, %swap3A_811, %swap3A_812] {strides = array<i32>} : memref<3x128x128xf32, #tpu.memory_space<vmem>>, vector<1x1x16xf32>,
      %swap3A_814 = vector.shape_cast %swap3A_813 : vector<1x1x16xf32> to vector<16xf32>
      %swap3A_815 = vector.shape_cast %get3A_809 : vector<16xf32> to vector<1x1x16xf32>
      tpu.vector_store %arg6[%swap3A_810, %swap3A_811, %swap3A_812], %swap3A_815 {add = true, strides = array<i32>} : memref<3x128x128xf32, #tpu.memory_space<vmem>>, vector<1x1x16xf32>,
      %get3A_816 = arith.constant 0 : i32
      %get3A_817 = arith.index_cast %get3A_816 : i32 to index
      %get3A_818 = arith.index_cast %scan3A_804 : i32 to index
      %get3A_819 = arith.constant 16 : index
      %get3A_820 = tpu.vector_load %arg7[%get3A_817, %get3A_818, %get3A_819] {strides = array<i32>} : memref<3x128x128xf32, #tpu.memory_space<vmem>>, vector<1x1x16xf32>,
      %get3A_821 = vector.shape_cast %get3A_820 : vector<1x1x16xf32> to vector<16xf32>
      %swap3A_822 = arith.constant 0 : i32
      %swap3A_823 = arith.index_cast %swap3A_822 : i32 to index
      %swap3A_824 = arith.index_cast %scan3A_804 : i32 to index
      %swap3A_825 = arith.constant 16 : index
      %swap3A_826 = tpu.vector_load %arg6[%swap3A_823, %swap3A_824, %swap3A_825] {strides = array<i32>} : memref<3x128x128xf32, #tpu.memory_space<vmem>>, vector<1x1x16xf32>,
      %swap3A_827 = vector.shape_cast %swap3A_826 : vector<1x1x16xf32> to vector<16xf32>
      %swap3A_828 = vector.shape_cast %get3A_821 : vector<16xf32> to vector<1x1x16xf32>
      tpu.vector_store %arg6[%swap3A_823, %swap3A_824, %swap3A_825], %swap3A_828 {add = true, strides = array<i32>} : memref<3x128x128xf32, #tpu.memory_space<vmem>>, vector<1x1x16xf32>,
      %get3A_829 = arith.constant 0 : i32
      %get3A_830 = arith.index_cast %get3A_829 : i32 to index
      %get3A_831 = arith.index_cast %scan3A_804 : i32 to index
      %get3A_832 = arith.constant 32 : index
      %get3A_833 = tpu.vector_load %arg7[%get3A_830, %get3A_831, %get3A_832] {strides = array<i32>} : memref<3x128x128xf32, #tpu.memory_space<vmem>>, vector<1x1x16xf32>,
      %get3A_834 = vector.shape_cast %get3A_833 : vector<1x1x16xf32> to vector<16xf32>
      %swap3A_835 = arith.constant 0 : i32
      %swap3A_836 = arith.index_cast %swap3A_835 : i32 to index
      %swap3A_837 = arith.index_cast %scan3A_804 : i32 to index
      %swap3A_838 = arith.constant 32 : index
      %swap3A_839 = tpu.vector_load %arg6[%swap3A_836, %swap3A_837, %swap3A_838] {strides = array<i32>} : memref<3x128x128xf32, #tpu.memory_space<vmem>>, vector<1x1x16xf32>,
      %swap3A_840 = vector.shape_cast %swap3A_839 : vector<1x1x16xf32> to vector<16xf32>
      %swap3A_841 = vector.shape_cast %get3A_834 : vector<16xf32> to vector<1x1x16xf32>
      tpu.vector_store %arg6[%swap3A_836, %swap3A_837, %swap3A_838], %swap3A_841 {add = true, strides = array<i32>} : memref<3x128x128xf32, #tpu.memory_space<vmem>>, vector<1x1x16xf32>,
      %get3A_842 = arith.constant 0 : i32
      %get3A_843 = arith.index_cast %get3A_842 : i32 to index
      %get3A_844 = arith.index_cast %scan3A_804 : i32 to index
      %get3A_845 = arith.constant 48 : index
      %get3A_846 = tpu.vector_load %arg7[%get3A_843, %get3A_844, %get3A_845] {strides = array<i32>} : memref<3x128x128xf32, #tpu.memory_space<vmem>>, vector<1x1x16xf32>,
      %get3A_847 = vector.shape_cast %get3A_846 : vector<1x1x16xf32> to vector<16xf32>
      %swap3A_848 = arith.constant 0 : i32
      %swap3A_849 = arith.index_cast %swap3A_848 : i32 to index
      %swap3A_850 = arith.index_cast %scan3A_804 : i32 to index
      %swap3A_851 = arith.constant 48 : index
      %swap3A_852 = tpu.vector_load %arg6[%swap3A_849, %swap3A_850, %swap3A_851] {strides = array<i32>} : memref<3x128x128xf32, #tpu.memory_space<vmem>>, vector<1x1x16xf32>,
      %swap3A_853 = vector.shape_cast %swap3A_852 : vector<1x1x16xf32> to vector<16xf32>
      %swap3A_854 = vector.shape_cast %get3A_847 : vector<16xf32> to vector<1x1x16xf32>
      tpu.vector_store %arg6[%swap3A_849, %swap3A_850, %swap3A_851], %swap3A_854 {add = true, strides = array<i32>} : memref<3x128x128xf32, #tpu.memory_space<vmem>>, vector<1x1x16xf32>,
      %get3A_855 = arith.constant 0 : i32
      %get3A_856 = arith.index_cast %get3A_855 : i32 to index
      %get3A_857 = arith.index_cast %scan3A_804 : i32 to index
      %get3A_858 = arith.constant 64 : index
      %get3A_859 = tpu.vector_load %arg7[%get3A_856, %get3A_857, %get3A_858] {strides = array<i32>} : memref<3x128x128xf32, #tpu.memory_space<vmem>>, vector<1x1x16xf32>,
      %get3A_860 = vector.shape_cast %get3A_859 : vector<1x1x16xf32> to vector<16xf32>
      %swap3A_861 = arith.constant 0 : i32
      %swap3A_862 = arith.index_cast %swap3A_861 : i32 to index
      %swap3A_863 = arith.index_cast %scan3A_804 : i32 to index
      %swap3A_864 = arith.constant 64 : index
      %swap3A_865 = tpu.vector_load %arg6[%swap3A_862, %swap3A_863, %swap3A_864] {strides = array<i32>} : memref<3x128x128xf32, #tpu.memory_space<vmem>>, vector<1x1x16xf32>,
      %swap3A_866 = vector.shape_cast %swap3A_865 : vector<1x1x16xf32> to vector<16xf32>
      %swap3A_867 = vector.shape_cast %get3A_860 : vector<16xf32> to vector<1x1x16xf32>
      tpu.vector_store %arg6[%swap3A_862, %swap3A_863, %swap3A_864], %swap3A_867 {add = true, strides = array<i32>} : memref<3x128x128xf32, #tpu.memory_space<vmem>>, vector<1x1x16xf32>,
      %get3A_868 = arith.constant 0 : i32
      %get3A_869 = arith.index_cast %get3A_868 : i32 to index
      %get3A_870 = arith.index_cast %scan3A_804 : i32 to index
      %get3A_871 = arith.constant 80 : index
      %get3A_872 = tpu.vector_load %arg7[%get3A_869, %get3A_870, %get3A_871] {strides = array<i32>} : memref<3x128x128xf32, #tpu.memory_space<vmem>>, vector<1x1x16xf32>,
      %get3A_873 = vector.shape_cast %get3A_872 : vector<1x1x16xf32> to vector<16xf32>
      %swap3A_874 = arith.constant 0 : i32
      %swap3A_875 = arith.index_cast %swap3A_874 : i32 to index
      %swap3A_876 = arith.index_cast %scan3A_804 : i32 to index
      %swap3A_877 = arith.constant 80 : index
      %swap3A_878 = tpu.vector_load %arg6[%swap3A_875, %swap3A_876, %swap3A_877] {strides = array<i32>} : memref<3x128x128xf32, #tpu.memory_space<vmem>>, vector<1x1x16xf32>,
      %swap3A_879 = vector.shape_cast %swap3A_878 : vector<1x1x16xf32> to vector<16xf32>
      %swap3A_880 = vector.shape_cast %get3A_873 : vector<16xf32> to vector<1x1x16xf32>
      tpu.vector_store %arg6[%swap3A_875, %swap3A_876, %swap3A_877], %swap3A_880 {add = true, strides = array<i32>} : memref<3x128x128xf32, #tpu.memory_space<vmem>>, vector<1x1x16xf32>,
      %get3A_881 = arith.constant 0 : i32
      %get3A_882 = arith.index_cast %get3A_881 : i32 to index
      %get3A_883 = arith.index_cast %scan3A_804 : i32 to index
      %get3A_884 = arith.constant 96 : index
      %get3A_885 = tpu.vector_load %arg7[%get3A_882, %get3A_883, %get3A_884] {strides = array<i32>} : memref<3x128x128xf32, #tpu.memory_space<vmem>>, vector<1x1x16xf32>,
      %get3A_886 = vector.shape_cast %get3A_885 : vector<1x1x16xf32> to vector<16xf32>
      %swap3A_887 = arith.constant 0 : i32
      %swap3A_888 = arith.index_cast %swap3A_887 : i32 to index
      %swap3A_889 = arith.index_cast %scan3A_804 : i32 to index
      %swap3A_890 = arith.constant 96 : index
      %swap3A_891 = tpu.vector_load %arg6[%swap3A_888, %swap3A_889, %swap3A_890] {strides = array<i32>} : memref<3x128x128xf32, #tpu.memory_space<vmem>>, vector<1x1x16xf32>,
      %swap3A_892 = vector.shape_cast %swap3A_891 : vector<1x1x16xf32> to vector<16xf32>
      %swap3A_893 = vector.shape_cast %get3A_886 : vector<16xf32> to vector<1x1x16xf32>
      tpu.vector_store %arg6[%swap3A_888, %swap3A_889, %swap3A_890], %swap3A_893 {add = true, strides = array<i32>} : memref<3x128x128xf32, #tpu.memory_space<vmem>>, vector<1x1x16xf32>,
      %get3A_894 = arith.constant 0 : i32
      %get3A_895 = arith.index_cast %get3A_894 : i32 to index
      %get3A_896 = arith.index_cast %scan3A_804 : i32 to index
      %get3A_897 = arith.constant 112 : index
      %get3A_898 = tpu.vector_load %arg7[%get3A_895, %get3A_896, %get3A_897] {strides = array<i32>} : memref<3x128x128xf32, #tpu.memory_space<vmem>>, vector<1x1x16xf32>,
      %get3A_899 = vector.shape_cast %get3A_898 : vector<1x1x16xf32> to vector<16xf32>
      %swap3A_900 = arith.constant 0 : i32
      %swap3A_901 = arith.index_cast %swap3A_900 : i32 to index
      %swap3A_902 = arith.index_cast %scan3A_804 : i32 to index
      %swap3A_903 = arith.constant 112 : index
      %swap3A_904 = tpu.vector_load %arg6[%swap3A_901, %swap3A_902, %swap3A_903] {strides = array<i32>} : memref<3x128x128xf32, #tpu.memory_space<vmem>>, vector<1x1x16xf32>,
      %swap3A_905 = vector.shape_cast %swap3A_904 : vector<1x1x16xf32> to vector<16xf32>
      %swap3A_906 = vector.shape_cast %get3A_899 : vector<16xf32> to vector<1x1x16xf32>
      tpu.vector_store %arg6[%swap3A_901, %swap3A_902, %swap3A_903], %swap3A_906 {add = true, strides = array<i32>} : memref<3x128x128xf32, #tpu.memory_space<vmem>>, vector<1x1x16xf32>,
      %scan3A_907 = arith.constant 1 : i32
      %scan3A_908 = arith.addi %scan3A_804, %scan3A_907 : i32
      %get3A_909 = arith.constant 0 : i32
      %get3A_910 = arith.index_cast %get3A_909 : i32 to index
      %get3A_911 = arith.index_cast %scan3A_908 : i32 to index
      %get3A_912 = arith.constant 0 : index
      %get3A_913 = tpu.vector_load %arg7[%get3A_910, %get3A_911, %get3A_912] {strides = array<i32>} : memref<3x128x128xf32, #tpu.memory_space<vmem>>, vector<1x1x16xf32>,
      %get3A_914 = vector.shape_cast %get3A_913 : vector<1x1x16xf32> to vector<16xf32>
      %swap3A_915 = arith.constant 0 : i32
      %swap3A_916 = arith.index_cast %swap3A_915 : i32 to index
      %swap3A_917 = arith.index_cast %scan3A_908 : i32 to index
      %swap3A_918 = arith.constant 0 : index
      %swap3A_919 = tpu.vector_load %arg6[%swap3A_916, %swap3A_917, %swap3A_918] {strides = array<i32>} : memref<3x128x128xf32, #tpu.memory_space<vmem>>, vector<1x1x16xf32>,
      %swap3A_920 = vector.shape_cast %swap3A_919 : vector<1x1x16xf32> to vector<16xf32>
      %swap3A_921 = vector.shape_cast %get3A_914 : vector<16xf32> to vector<1x1x16xf32>
      tpu.vector_store %arg6[%swap3A_916, %swap3A_917, %swap3A_918], %swap3A_921 {add = true, strides = array<i32>} : memref<3x128x128xf32, #tpu.memory_space<vmem>>, vector<1x1x16xf32>,
      %get3A_922 = arith.constant 0 : i32
      %get3A_923 = arith.index_cast %get3A_922 : i32 to index
      %get3A_924 = arith.index_cast %scan3A_908 : i32 to index
      %get3A_925 = arith.constant 16 : index
      %get3A_926 = tpu.vector_load %arg7[%get3A_923, %get3A_924, %get3A_925] {strides = array<i32>} : memref<3x128x128xf32, #tpu.memory_space<vmem>>, vector<1x1x16xf32>,
      %get3A_927 = vector.shape_cast %get3A_926 : vector<1x1x16xf32> to vector<16xf32>
      %swap3A_928 = arith.constant 0 : i32
      %swap3A_929 = arith.index_cast %swap3A_928 : i32 to index
      %swap3A_930 = arith.index_cast %scan3A_908 : i32 to index
      %swap3A_931 = arith.constant 16 : index
      %swap3A_932 = tpu.vector_load %arg6[%swap3A_929, %swap3A_930, %swap3A_931] {strides = array<i32>} : memref<3x128x128xf32, #tpu.memory_space<vmem>>, vector<1x1x16xf32>,
      %swap3A_933 = vector.shape_cast %swap3A_932 : vector<1x1x16xf32> to vector<16xf32>
      %swap3A_934 = vector.shape_cast %get3A_927 : vector<16xf32> to vector<1x1x16xf32>
      tpu.vector_store %arg6[%swap3A_929, %swap3A_930, %swap3A_931], %swap3A_934 {add = true, strides = array<i32>} : memref<3x128x128xf32, #tpu.memory_space<vmem>>, vector<1x1x16xf32>,
      %get3A_935 = arith.constant 0 : i32
      %get3A_936 = arith.index_cast %get3A_935 : i32 to index
      %get3A_937 = arith.index_cast %scan3A_908 : i32 to index
      %get3A_938 = arith.constant 32 : index
      %get3A_939 = tpu.vector_load %arg7[%get3A_936, %get3A_937, %get3A_938] {strides = array<i32>} : memref<3x128x128xf32, #tpu.memory_space<vmem>>, vector<1x1x16xf32>,
      %get3A_940 = vector.shape_cast %get3A_939 : vector<1x1x16xf32> to vector<16xf32>
      %swap3A_941 = arith.constant 0 : i32
      %swap3A_942 = arith.index_cast %swap3A_941 : i32 to index
      %swap3A_943 = arith.index_cast %scan3A_908 : i32 to index
      %swap3A_944 = arith.constant 32 : index
      %swap3A_945 = tpu.vector_load %arg6[%swap3A_942, %swap3A_943, %swap3A_944] {strides = array<i32>} : memref<3x128x128xf32, #tpu.memory_space<vmem>>, vector<1x1x16xf32>,
      %swap3A_946 = vector.shape_cast %swap3A_945 : vector<1x1x16xf32> to vector<16xf32>
      %swap3A_947 = vector.shape_cast %get3A_940 : vector<16xf32> to vector<1x1x16xf32>
      tpu.vector_store %arg6[%swap3A_942, %swap3A_943, %swap3A_944], %swap3A_947 {add = true, strides = array<i32>} : memref<3x128x128xf32, #tpu.memory_space<vmem>>, vector<1x1x16xf32>,
      %get3A_948 = arith.constant 0 : i32
      %get3A_949 = arith.index_cast %get3A_948 : i32 to index
      %get3A_950 = arith.index_cast %scan3A_908 : i32 to index
      %get3A_951 = arith.constant 48 : index
      %get3A_952 = tpu.vector_load %arg7[%get3A_949, %get3A_950, %get3A_951] {strides = array<i32>} : memref<3x128x128xf32, #tpu.memory_space<vmem>>, vector<1x1x16xf32>,
      %get3A_953 = vector.shape_cast %get3A_952 : vector<1x1x16xf32> to vector<16xf32>
      %swap3A_954 = arith.constant 0 : i32
      %swap3A_955 = arith.index_cast %swap3A_954 : i32 to index
      %swap3A_956 = arith.index_cast %scan3A_908 : i32 to index
      %swap3A_957 = arith.constant 48 : index
      %swap3A_958 = tpu.vector_load %arg6[%swap3A_955, %swap3A_956, %swap3A_957] {strides = array<i32>} : memref<3x128x128xf32, #tpu.memory_space<vmem>>, vector<1x1x16xf32>,
      %swap3A_959 = vector.shape_cast %swap3A_958 : vector<1x1x16xf32> to vector<16xf32>
      %swap3A_960 = vector.shape_cast %get3A_953 : vector<16xf32> to vector<1x1x16xf32>
      tpu.vector_store %arg6[%swap3A_955, %swap3A_956, %swap3A_957], %swap3A_960 {add = true, strides = array<i32>} : memref<3x128x128xf32, #tpu.memory_space<vmem>>, vector<1x1x16xf32>,
      %get3A_961 = arith.constant 0 : i32
      %get3A_962 = arith.index_cast %get3A_961 : i32 to index
      %get3A_963 = arith.index_cast %scan3A_908 : i32 to index
      %get3A_964 = arith.constant 64 : index
      %get3A_965 = tpu.vector_load %arg7[%get3A_962, %get3A_963, %get3A_964] {strides = array<i32>} : memref<3x128x128xf32, #tpu.memory_space<vmem>>, vector<1x1x16xf32>,
      %get3A_966 = vector.shape_cast %get3A_965 : vector<1x1x16xf32> to vector<16xf32>
      %swap3A_967 = arith.constant 0 : i32
      %swap3A_968 = arith.index_cast %swap3A_967 : i32 to index
      %swap3A_969 = arith.index_cast %scan3A_908 : i32 to index
      %swap3A_970 = arith.constant 64 : index
      %swap3A_971 = tpu.vector_load %arg6[%swap3A_968, %swap3A_969, %swap3A_970] {strides = array<i32>} : memref<3x128x128xf32, #tpu.memory_space<vmem>>, vector<1x1x16xf32>,
      %swap3A_972 = vector.shape_cast %swap3A_971 : vector<1x1x16xf32> to vector<16xf32>
      %swap3A_973 = vector.shape_cast %get3A_966 : vector<16xf32> to vector<1x1x16xf32>
      tpu.vector_store %arg6[%swap3A_968, %swap3A_969, %swap3A_970], %swap3A_973 {add = true, strides = array<i32>} : memref<3x128x128xf32, #tpu.memory_space<vmem>>, vector<1x1x16xf32>,
      %get3A_974 = arith.constant 0 : i32
      %get3A_975 = arith.index_cast %get3A_974 : i32 to index
      %get3A_976 = arith.index_cast %scan3A_908 : i32 to index
      %get3A_977 = arith.constant 80 : index
      %get3A_978 = tpu.vector_load %arg7[%get3A_975, %get3A_976, %get3A_977] {strides = array<i32>} : memref<3x128x128xf32, #tpu.memory_space<vmem>>, vector<1x1x16xf32>,
      %get3A_979 = vector.shape_cast %get3A_978 : vector<1x1x16xf32> to vector<16xf32>
      %swap3A_980 = arith.constant 0 : i32
      %swap3A_981 = arith.index_cast %swap3A_980 : i32 to index
      %swap3A_982 = arith.index_cast %scan3A_908 : i32 to index
      %swap3A_983 = arith.constant 80 : index
      %swap3A_984 = tpu.vector_load %arg6[%swap3A_981, %swap3A_982, %swap3A_983] {strides = array<i32>} : memref<3x128x128xf32, #tpu.memory_space<vmem>>, vector<1x1x16xf32>,
      %swap3A_985 = vector.shape_cast %swap3A_984 : vector<1x1x16xf32> to vector<16xf32>
      %swap3A_986 = vector.shape_cast %get3A_979 : vector<16xf32> to vector<1x1x16xf32>
      tpu.vector_store %arg6[%swap3A_981, %swap3A_982, %swap3A_983], %swap3A_986 {add = true, strides = array<i32>} : memref<3x128x128xf32, #tpu.memory_space<vmem>>, vector<1x1x16xf32>,
      %get3A_987 = arith.constant 0 : i32
      %get3A_988 = arith.index_cast %get3A_987 : i32 to index
      %get3A_989 = arith.index_cast %scan3A_908 : i32 to index
      %get3A_990 = arith.constant 96 : index
      %get3A_991 = tpu.vector_load %arg7[%get3A_988, %get3A_989, %get3A_990] {strides = array<i32>} : memref<3x128x128xf32, #tpu.memory_space<vmem>>, vector<1x1x16xf32>,
      %get3A_992 = vector.shape_cast %get3A_991 : vector<1x1x16xf32> to vector<16xf32>
      %swap3A_993 = arith.constant 0 : i32
      %swap3A_994 = arith.index_cast %swap3A_993 : i32 to index
      %swap3A_995 = arith.index_cast %scan3A_908 : i32 to index
      %swap3A_996 = arith.constant 96 : index
      %swap3A_997 = tpu.vector_load %arg6[%swap3A_994, %swap3A_995, %swap3A_996] {strides = array<i32>} : memref<3x128x128xf32, #tpu.memory_space<vmem>>, vector<1x1x16xf32>,
      %swap3A_998 = vector.shape_cast %swap3A_997 : vector<1x1x16xf32> to vector<16xf32>
      %swap3A_999 = vector.shape_cast %get3A_992 : vector<16xf32> to vector<1x1x16xf32>
      tpu.vector_store %arg6[%swap3A_994, %swap3A_995, %swap3A_996], %swap3A_999 {add = true, strides = array<i32>} : memref<3x128x128xf32, #tpu.memory_space<vmem>>, vector<1x1x16xf32>,
      %get3A_1000 = arith.constant 0 : i32
      %get3A_1001 = arith.index_cast %get3A_1000 : i32 to index
      %get3A_1002 = arith.index_cast %scan3A_908 : i32 to index
      %get3A_1003 = arith.constant 112 : index
      %get3A_1004 = tpu.vector_load %arg7[%get3A_1001, %get3A_1002, %get3A_1003] {strides = array<i32>} : memref<3x128x128xf32, #tpu.memory_space<vmem>>, vector<1x1x16xf32>,
      %get3A_1005 = vector.shape_cast %get3A_1004 : vector<1x1x16xf32> to vector<16xf32>
      %swap3A_1006 = arith.constant 0 : i32
      %swap3A_1007 = arith.index_cast %swap3A_1006 : i32 to index
      %swap3A_1008 = arith.index_cast %scan3A_908 : i32 to index
      %swap3A_1009 = arith.constant 112 : index
      %swap3A_1010 = tpu.vector_load %arg6[%swap3A_1007, %swap3A_1008, %swap3A_1009] {strides = array<i32>} : memref<3x128x128xf32, #tpu.memory_space<vmem>>, vector<1x1x16xf32>,
      %swap3A_1011 = vector.shape_cast %swap3A_1010 : vector<1x1x16xf32> to vector<16xf32>
      %swap3A_1012 = vector.shape_cast %get3A_1005 : vector<16xf32> to vector<1x1x16xf32>
      tpu.vector_store %arg6[%swap3A_1007, %swap3A_1008, %swap3A_1009], %swap3A_1012 {add = true, strides = array<i32>} : memref<3x128x128xf32, #tpu.memory_space<vmem>>, vector<1x1x16xf32>,
    }
    %scan3A_693 = arith.constant 128 : i32
    %min3A_694 = arith.constant 39 : i32
    %min3A_695 = arith.constant 38 : i32
    %min3A_696 = arith.minsi %min3A_694, %min3A_695 : i32
    %mul3A_697 = arith.constant 32 : i32
    %mul3A_698 = arith.muli %mul3A_697, %min3A_696 : i32
    %add3A_699 = arith.addi %add3A, %mul3A_698 : i32
    %lt3A_700 = arith.constant 2 : i32
    %lt3A_701 = arith.cmpi slt, %add3A, %lt3A_700 : i32
    %add3A_702 = arith.constant 1248 : i32
    %add3A_703 = arith.addi %add3A_702, %add3A : i32
    %select_n3A_704 = arith.select %lt3A_701, %add3A_703, %add3A_699 : i32
    %jit3A_705 = arith.constant true
    %select_n3A_706 = arith.select %jit3A_705, %select_n3A_704, %add3A_699 : i32
    %mul3A_707 = arith.constant 128 : i32
    %mul3A_708 = arith.muli %select_n3A_706, %mul3A_707 : i32
    %dma_start3A_709 = arith.constant 0 : i32
    %dma_start3A_710 = arith.constant 0 : i32
    %dma_start3A_711 = arith.constant 0 : i32
    %dma_start3A_712 = tpu.memref_slice %arg6[%dma_start3A_709, %dma_start3A_710, %dma_start3A_711] : memref<3x128x128xf32, #tpu.memory_space<vmem>> -> memref<1x128x128xf32, #tpu.memory_space<vmem>>
    %dma_start3A_713 = tpu.memref_squeeze %dma_start3A_712 : memref<1x128x128xf32, #tpu.memory_space<vmem>> -> memref<128x128xf32, #tpu.memory_space<vmem>>
    %dma_start3A_714 = arith.constant 0 : i32
    %dma_start3A_715 = tpu.memref_slice %arg4[%mul3A_708, %dma_start3A_714] : memref<160000x128xf32, #tpu.memory_space<hbm>> -> memref<128x128xf32, #tpu.memory_space<hbm>>
    %dma_start3A_716 = arith.constant 0 : i32
    %dma_start3A_717 = tpu.memref_slice %arg4[%mul3A_708, %dma_start3A_716] : memref<160000x128xf32, #tpu.memory_space<hbm>> -> memref<128x128xf32, #tpu.memory_space<hbm>>
    %dma_start3A_718 = arith.constant 0 : i32
    %dma_start3A_719 = arith.constant 0 : i32
    %dma_start3A_720 = tpu.memref_slice %arg6[%dma_start3A_709, %dma_start3A_718, %dma_start3A_719] : memref<3x128x128xf32, #tpu.memory_space<vmem>> -> memref<1x128x128xf32, #tpu.memory_space<vmem>>
    %dma_start3A_721 = tpu.memref_squeeze %dma_start3A_720 : memref<1x128x128xf32, #tpu.memory_space<vmem>> -> memref<128x128xf32, #tpu.memory_space<vmem>>
    tpu.enqueue_dma source(%dma_start3A_721 : memref<128x128xf32, #tpu.memory_space<vmem>>) target(%dma_start3A_717 : memref<128x128xf32, #tpu.memory_space<hbm>>) target_semaphore(%arg14 : memref<!tpu.dma_semaphore, #tpu.memory_space<semaphore_mem>>)
    %dma_wait3A_722 = arith.constant 1 : i32
    %dma_wait3A_723 = arith.constant 0 : i32
    %dma_wait3A_724 = arith.constant 1 : i32
    %dma_wait3A_725 = arith.constant 0 : i32
    %dma_wait3A_726 = arith.constant 0 : i32
    %dma_wait3A_727 = tpu.memref_slice %arg6[%dma_wait3A_724, %dma_wait3A_725, %dma_wait3A_726] : memref<3x128x128xf32, #tpu.memory_space<vmem>> -> memref<1x128x128xf32, #tpu.memory_space<vmem>>
    %dma_wait3A_728 = tpu.memref_squeeze %dma_wait3A_727 : memref<1x128x128xf32, #tpu.memory_space<vmem>> -> memref<128x128xf32, #tpu.memory_space<vmem>>
    %dma_wait3A_729 = arith.constant 0 : i32
    %dma_wait3A_730 = tpu.memref_slice %arg5[%dma_wait3A_722, %dma_wait3A_723, %dma_wait3A_729] : memref<3x2x128xi32, #tpu.memory_space<vmem>> -> memref<1x1x128xi32, #tpu.memory_space<vmem>>
    %dma_wait3A_731 = tpu.memref_squeeze %dma_wait3A_730 : memref<1x1x128xi32, #tpu.memory_space<vmem>> -> memref<128xi32, #tpu.memory_space<vmem>>
    %dma_wait3A_732 = arith.constant 0 : i32
    %dma_wait3A_733 = arith.constant 0 : i32
    %dma_wait3A_734 = tpu.memref_slice %arg3[%dma_wait3A_732, %dma_wait3A_733] : memref<10000x128xf32, #tpu.memory_space<hbm>> -> memref<10000x128xf32, #tpu.memory_space<hbm>>
    tpu.wait_indirect_dma semaphore(%arg12 : memref<!tpu.dma_semaphore, #tpu.memory_space<semaphore_mem>>) src(%dma_wait3A_734 : memref<10000x128xf32, #tpu.memory_space<hbm>>) dst(%dma_wait3A_728 : memref<128x128xf32, #tpu.memory_space<vmem>>)
    %dma_wait3A_735 = arith.constant 1 : i32
    %dma_wait3A_736 = arith.constant 1 : i32
    %dma_wait3A_737 = arith.constant 1 : i32
    %dma_wait3A_738 = arith.constant 0 : i32
    %dma_wait3A_739 = arith.constant 0 : i32
    %dma_wait3A_740 = tpu.memref_slice %arg7[%dma_wait3A_737, %dma_wait3A_738, %dma_wait3A_739] : memref<3x128x128xf32, #tpu.memory_space<vmem>> -> memref<1x128x128xf32, #tpu.memory_space<vmem>>
    %dma_wait3A_741 = tpu.memref_squeeze %dma_wait3A_740 : memref<1x128x128xf32, #tpu.memory_space<vmem>> -> memref<128x128xf32, #tpu.memory_space<vmem>>
    %dma_wait3A_742 = arith.constant 0 : i32
    %dma_wait3A_743 = tpu.memref_slice %arg5[%dma_wait3A_735, %dma_wait3A_736, %dma_wait3A_742] : memref<3x2x128xi32, #tpu.memory_space<vmem>> -> memref<1x1x128xi32, #tpu.memory_space<vmem>>
    %dma_wait3A_744 = tpu.memref_squeeze %dma_wait3A_743 : memref<1x1x128xi32, #tpu.memory_space<vmem>> -> memref<128xi32, #tpu.memory_space<vmem>>
    %dma_wait3A_745 = arith.constant 0 : i32
    %dma_wait3A_746 = arith.constant 0 : i32
    %dma_wait3A_747 = tpu.memref_slice %arg3[%dma_wait3A_745, %dma_wait3A_746] : memref<10000x128xf32, #tpu.memory_space<hbm>> -> memref<10000x128xf32, #tpu.memory_space<hbm>>
    tpu.wait_indirect_dma semaphore(%arg12 : memref<!tpu.dma_semaphore, #tpu.memory_space<semaphore_mem>>) src(%dma_wait3A_747 : memref<10000x128xf32, #tpu.memory_space<hbm>>) dst(%dma_wait3A_741 : memref<128x128xf32, #tpu.memory_space<vmem>>)
    %dma_wait3A_748 = arith.constant 2 : i32
    %dma_wait3A_749 = arith.constant 0 : i32
    %dma_wait3A_750 = arith.constant 2 : i32
    %dma_wait3A_751 = arith.constant 0 : i32
    %dma_wait3A_752 = arith.constant 0 : i32
    %dma_wait3A_753 = tpu.memref_slice %arg6[%dma_wait3A_750, %dma_wait3A_751, %dma_wait3A_752] : memref<3x128x128xf32, #tpu.memory_space<vmem>> -> memref<1x128x128xf32, #tpu.memory_space<vmem>>
    %dma_wait3A_754 = tpu.memref_squeeze %dma_wait3A_753 : memref<1x128x128xf32, #tpu.memory_space<vmem>> -> memref<128x128xf32, #tpu.memory_space<vmem>>
    %dma_wait3A_755 = arith.constant 0 : i32
    %dma_wait3A_756 = tpu.memref_slice %arg5[%dma_wait3A_748, %dma_wait3A_749, %dma_wait3A_755] : memref<3x2x128xi32, #tpu.memory_space<vmem>> -> memref<1x1x128xi32, #tpu.memory_space<vmem>>
    %dma_wait3A_757 = tpu.memref_squeeze %dma_wait3A_756 : memref<1x1x128xi32, #tpu.memory_space<vmem>> -> memref<128xi32, #tpu.memory_space<vmem>>
    %dma_wait3A_758 = arith.constant 0 : i32
    %dma_wait3A_759 = arith.constant 0 : i32
    %dma_wait3A_760 = tpu.memref_slice %arg3[%dma_wait3A_758, %dma_wait3A_759] : memref<10000x128xf32, #tpu.memory_space<hbm>> -> memref<10000x128xf32, #tpu.memory_space<hbm>>
    tpu.wait_indirect_dma semaphore(%arg13 : memref<!tpu.dma_semaphore, #tpu.memory_space<semaphore_mem>>) src(%dma_wait3A_760 : memref<10000x128xf32, #tpu.memory_space<hbm>>) dst(%dma_wait3A_754 : memref<128x128xf32, #tpu.memory_space<vmem>>)
    %dma_wait3A_761 = arith.constant 2 : i32
    %dma_wait3A_762 = arith.constant 1 : i32
    %dma_wait3A_763 = arith.constant 2 : i32
    %dma_wait3A_764 = arith.constant 0 : i32
    %dma_wait3A_765 = arith.constant 0 : i32
    %dma_wait3A_766 = tpu.memref_slice %arg7[%dma_wait3A_763, %dma_wait3A_764, %dma_wait3A_765] : memref<3x128x128xf32, #tpu.memory_space<vmem>> -> memref<1x128x128xf32, #tpu.memory_space<vmem>>
    %dma_wait3A_767 = tpu.memref_squeeze %dma_wait3A_766 : memref<1x128x128xf32, #tpu.memory_space<vmem>> -> memref<128x128xf32, #tpu.memory_space<vmem>>
    %dma_wait3A_768 = arith.constant 0 : i32
    %dma_wait3A_769 = tpu.memref_slice %arg5[%dma_wait3A_761, %dma_wait3A_762, %dma_wait3A_768] : memref<3x2x128xi32, #tpu.memory_space<vmem>> -> memref<1x1x128xi32, #tpu.memory_space<vmem>>
    %dma_wait3A_770 = tpu.memref_squeeze %dma_wait3A_769 : memref<1x1x128xi32, #tpu.memory_space<vmem>> -> memref<128xi32, #tpu.memory_space<vmem>>
    %dma_wait3A_771 = arith.constant 0 : i32
    %dma_wait3A_772 = arith.constant 0 : i32
    %dma_wait3A_773 = tpu.memref_slice %arg3[%dma_wait3A_771, %dma_wait3A_772] : memref<10000x128xf32, #tpu.memory_space<hbm>> -> memref<10000x128xf32, #tpu.memory_space<hbm>>
    tpu.wait_indirect_dma semaphore(%arg13 : memref<!tpu.dma_semaphore, #tpu.memory_space<semaphore_mem>>) src(%dma_wait3A_773 : memref<10000x128xf32, #tpu.memory_space<hbm>>) dst(%dma_wait3A_767 : memref<128x128xf32, #tpu.memory_space<vmem>>)
    %dma_wait3A_774 = arith.constant 0 : i32
    %dma_wait3A_775 = arith.constant 0 : i32
    %dma_wait3A_776 = arith.constant 0 : i32
    %dma_wait3A_777 = tpu.memref_slice %arg5[%dma_wait3A_774, %dma_wait3A_775, %dma_wait3A_776] : memref<3x2x128xi32, #tpu.memory_space<vmem>> -> memref<1x2x128xi32, #tpu.memory_space<vmem>>
    %dma_wait3A_778 = tpu.memref_squeeze %dma_wait3A_777 : memref<1x2x128xi32, #tpu.memory_space<vmem>> -> memref<2x128xi32, #tpu.memory_space<vmem>>
    %dma_wait3A_779 = arith.constant 0 : i32
    %dma_wait3A_780 = arith.constant 0 : i32
    %dma_wait3A_781 = tpu.memref_slice %arg2[%dma_wait3A_779, %dma_wait3A_780] : memref<2x160000xi32, #tpu.memory_space<hbm>> -> memref<2x128xi32, #tpu.memory_space<hbm>>
    %dma_wait3A_782 = arith.constant 0 : i32
    %dma_wait3A_783 = arith.constant 0 : i32
    %dma_wait3A_784 = tpu.memref_slice %arg5[%dma_wait3A_774, %dma_wait3A_782, %dma_wait3A_783] : memref<3x2x128xi32, #tpu.memory_space<vmem>> -> memref<1x2x128xi32, #tpu.memory_space<vmem>>
    %dma_wait3A_785 = tpu.memref_squeeze %dma_wait3A_784 : memref<1x2x128xi32, #tpu.memory_space<vmem>> -> memref<2x128xi32, #tpu.memory_space<vmem>>
    %dma_wait3A_786 = arith.constant 0 : i32
    %dma_wait3A_787 = arith.constant 0 : i32
    %dma_wait3A_788 = tpu.memref_slice %arg2[%dma_wait3A_786, %dma_wait3A_787] : memref<2x160000xi32, #tpu.memory_space<hbm>> -> memref<2x128xi32, #tpu.memory_space<hbm>>
    tpu.wait_dma2 semaphore(%arg8 : memref<!tpu.dma_semaphore, #tpu.memory_space<semaphore_mem>>) src(%dma_wait3A_788 : memref<2x128xi32, #tpu.memory_space<hbm>>) dst(%dma_wait3A_785 : memref<2x128xi32, #tpu.memory_space<vmem>>)
    %dma_wait3A_789 = arith.constant 0 : i32
    %dma_wait3A_790 = arith.constant 0 : i32
    %dma_wait3A_791 = arith.constant 0 : i32
    %dma_wait3A_792 = tpu.memref_slice %arg6[%dma_wait3A_789, %dma_wait3A_790, %dma_wait3A_791] : memref<3x128x128xf32, #tpu.memory_space<vmem>> -> memref<1x128x128xf32, #tpu.memory_space<vmem>>
    %dma_wait3A_793 = tpu.memref_squeeze %dma_wait3A_792 : memref<1x128x128xf32, #tpu.memory_space<vmem>> -> memref<128x128xf32, #tpu.memory_space<vmem>>
    %dma_wait3A_794 = arith.constant 0 : i32
    %dma_wait3A_795 = arith.constant 0 : i32
    %dma_wait3A_796 = tpu.memref_slice %arg4[%dma_wait3A_794, %dma_wait3A_795] : memref<160000x128xf32, #tpu.memory_space<hbm>> -> memref<128x128xf32, #tpu.memory_space<hbm>>
    %dma_wait3A_797 = arith.constant 0 : i32
    %dma_wait3A_798 = arith.constant 0 : i32
    %dma_wait3A_799 = tpu.memref_slice %arg4[%dma_wait3A_797, %dma_wait3A_798] : memref<160000x128xf32, #tpu.memory_space<hbm>> -> memref<128x128xf32, #tpu.memory_space<hbm>>
    %dma_wait3A_800 = arith.constant 0 : i32
    %dma_wait3A_801 = arith.constant 0 : i32
    %dma_wait3A_802 = tpu.memref_slice %arg6[%dma_wait3A_789, %dma_wait3A_800, %dma_wait3A_801] : memref<3x128x128xf32, #tpu.memory_space<vmem>> -> memref<1x128x128xf32, #tpu.memory_space<vmem>>
    %dma_wait3A_803 = tpu.memref_squeeze %dma_wait3A_802 : memref<1x128x128xf32, #tpu.memory_space<vmem>> -> memref<128x128xf32, #tpu.memory_space<vmem>>
    tpu.wait_dma2 semaphore(%arg14 : memref<!tpu.dma_semaphore, #tpu.memory_space<semaphore_mem>>) src(%dma_wait3A_803 : memref<128x128xf32, #tpu.memory_space<vmem>>) dst(%dma_wait3A_799 : memref<128x128xf32, #tpu.memory_space<hbm>>)
    return
  }
}

#map = affine_map<(d0, d1) -> (0)>
#map1 = affine_map<(d0, d1) -> (0, 0)>
#map2 = affine_map<(d0, d1) -> (0, 0, 0)>
module attributes {stable_mosaic.version = 14 : i64} {
  func.func @scatter_kernel(%arg0: i32, %arg1: i32, %arg2: memref<160000xi32, #tpu.memory_space<hbm>>, %arg3: memref<160000x128xf32, #tpu.memory_space<hbm>>, %arg4: memref<2x10000x128xf32, #tpu.memory_space<hbm>>, %arg5: memref<2x128xi32, #tpu.memory_space<vmem>>, %arg6: memref<2x128x128xf32, #tpu.memory_space<vmem>>, %arg7: memref<10000x128xf32, #tpu.memory_space<vmem_shared>>, %arg8: memref<!tpu.dma_semaphore, #tpu.memory_space<semaphore_mem>>, %arg9: memref<!tpu.dma_semaphore, #tpu.memory_space<semaphore_mem>>) attributes {dimension_semantics = [#tpu.dimension_semantics<core_parallel>, #tpu.dimension_semantics<subcore_parallel>], iteration_bounds = array<i64: 2, 16>, scalar_prefetch = 0 : i64, scratch_operands = 5 : i64, tpu.core_type = #tpu.core_type<sc_vector_subcore>, window_params = [{transform_indices = #map}, {transform_indices = #map1}, {transform_indices = #map2}]} {
    %mul3A = arith.constant 2 : i32
    %mul3A_0 = arith.muli %arg1, %mul3A : i32
    %add3A = arith.addi %mul3A_0, %arg0 : i32
    %scan3A = arith.constant 0 : i32
    %scan3A_1 = arith.constant 80 : i32
    %scan3A_2 = arith.addi %scan3A, %scan3A_1 : i32
    %scan3A_3 = arith.constant 1 : i32
    scf.for %scan3A_107 = %scan3A to %scan3A_2 step %scan3A_3  : i32 {
      %broadcast_in_dim3A = arith.constant 0.000000e+00 : f32
      %broadcast_in_dim3A_108 = vector.broadcast %broadcast_in_dim3A : f32 to vector<16xf32>
      %swap3A = arith.constant 0 : i32
      %swap3A_109 = arith.index_cast %swap3A : i32 to index
      %swap3A_110 = arith.index_cast %scan3A_107 : i32 to index
      %swap3A_111 = arith.constant 0 : index
      %swap3A_112 = tpu.vector_load %arg6[%swap3A_109, %swap3A_110, %swap3A_111] {strides = array<i32>} : memref<2x128x128xf32, #tpu.memory_space<vmem>>, vector<1x1x16xf32>,
      %swap3A_113 = vector.shape_cast %swap3A_112 : vector<1x1x16xf32> to vector<16xf32>
      %swap3A_114 = vector.shape_cast %broadcast_in_dim3A_108 : vector<16xf32> to vector<1x1x16xf32>
      tpu.vector_store %arg6[%swap3A_109, %swap3A_110, %swap3A_111], %swap3A_114 {strides = array<i32>} : memref<2x128x128xf32, #tpu.memory_space<vmem>>, vector<1x1x16xf32>,
      %broadcast_in_dim3A_115 = arith.constant 0.000000e+00 : f32
      %broadcast_in_dim3A_116 = vector.broadcast %broadcast_in_dim3A_115 : f32 to vector<16xf32>
      %swap3A_117 = arith.constant 0 : i32
      %swap3A_118 = arith.index_cast %swap3A_117 : i32 to index
      %swap3A_119 = arith.index_cast %scan3A_107 : i32 to index
      %swap3A_120 = arith.constant 16 : index
      %swap3A_121 = tpu.vector_load %arg6[%swap3A_118, %swap3A_119, %swap3A_120] {strides = array<i32>} : memref<2x128x128xf32, #tpu.memory_space<vmem>>, vector<1x1x16xf32>,
      %swap3A_122 = vector.shape_cast %swap3A_121 : vector<1x1x16xf32> to vector<16xf32>
      %swap3A_123 = vector.shape_cast %broadcast_in_dim3A_116 : vector<16xf32> to vector<1x1x16xf32>
      tpu.vector_store %arg6[%swap3A_118, %swap3A_119, %swap3A_120], %swap3A_123 {strides = array<i32>} : memref<2x128x128xf32, #tpu.memory_space<vmem>>, vector<1x1x16xf32>,
      %broadcast_in_dim3A_124 = arith.constant 0.000000e+00 : f32
      %broadcast_in_dim3A_125 = vector.broadcast %broadcast_in_dim3A_124 : f32 to vector<16xf32>
      %swap3A_126 = arith.constant 0 : i32
      %swap3A_127 = arith.index_cast %swap3A_126 : i32 to index
      %swap3A_128 = arith.index_cast %scan3A_107 : i32 to index
      %swap3A_129 = arith.constant 32 : index
      %swap3A_130 = tpu.vector_load %arg6[%swap3A_127, %swap3A_128, %swap3A_129] {strides = array<i32>} : memref<2x128x128xf32, #tpu.memory_space<vmem>>, vector<1x1x16xf32>,
      %swap3A_131 = vector.shape_cast %swap3A_130 : vector<1x1x16xf32> to vector<16xf32>
      %swap3A_132 = vector.shape_cast %broadcast_in_dim3A_125 : vector<16xf32> to vector<1x1x16xf32>
      tpu.vector_store %arg6[%swap3A_127, %swap3A_128, %swap3A_129], %swap3A_132 {strides = array<i32>} : memref<2x128x128xf32, #tpu.memory_space<vmem>>, vector<1x1x16xf32>,
      %broadcast_in_dim3A_133 = arith.constant 0.000000e+00 : f32
      %broadcast_in_dim3A_134 = vector.broadcast %broadcast_in_dim3A_133 : f32 to vector<16xf32>
      %swap3A_135 = arith.constant 0 : i32
      %swap3A_136 = arith.index_cast %swap3A_135 : i32 to index
      %swap3A_137 = arith.index_cast %scan3A_107 : i32 to index
      %swap3A_138 = arith.constant 48 : index
      %swap3A_139 = tpu.vector_load %arg6[%swap3A_136, %swap3A_137, %swap3A_138] {strides = array<i32>} : memref<2x128x128xf32, #tpu.memory_space<vmem>>, vector<1x1x16xf32>,
      %swap3A_140 = vector.shape_cast %swap3A_139 : vector<1x1x16xf32> to vector<16xf32>
      %swap3A_141 = vector.shape_cast %broadcast_in_dim3A_134 : vector<16xf32> to vector<1x1x16xf32>
      tpu.vector_store %arg6[%swap3A_136, %swap3A_137, %swap3A_138], %swap3A_141 {strides = array<i32>} : memref<2x128x128xf32, #tpu.memory_space<vmem>>, vector<1x1x16xf32>,
      %broadcast_in_dim3A_142 = arith.constant 0.000000e+00 : f32
      %broadcast_in_dim3A_143 = vector.broadcast %broadcast_in_dim3A_142 : f32 to vector<16xf32>
      %swap3A_144 = arith.constant 0 : i32
      %swap3A_145 = arith.index_cast %swap3A_144 : i32 to index
      %swap3A_146 = arith.index_cast %scan3A_107 : i32 to index
      %swap3A_147 = arith.constant 64 : index
      %swap3A_148 = tpu.vector_load %arg6[%swap3A_145, %swap3A_146, %swap3A_147] {strides = array<i32>} : memref<2x128x128xf32, #tpu.memory_space<vmem>>, vector<1x1x16xf32>,
      %swap3A_149 = vector.shape_cast %swap3A_148 : vector<1x1x16xf32> to vector<16xf32>
      %swap3A_150 = vector.shape_cast %broadcast_in_dim3A_143 : vector<16xf32> to vector<1x1x16xf32>
      tpu.vector_store %arg6[%swap3A_145, %swap3A_146, %swap3A_147], %swap3A_150 {strides = array<i32>} : memref<2x128x128xf32, #tpu.memory_space<vmem>>, vector<1x1x16xf32>,
      %broadcast_in_dim3A_151 = arith.constant 0.000000e+00 : f32
      %broadcast_in_dim3A_152 = vector.broadcast %broadcast_in_dim3A_151 : f32 to vector<16xf32>
      %swap3A_153 = arith.constant 0 : i32
      %swap3A_154 = arith.index_cast %swap3A_153 : i32 to index
      %swap3A_155 = arith.index_cast %scan3A_107 : i32 to index
      %swap3A_156 = arith.constant 80 : index
      %swap3A_157 = tpu.vector_load %arg6[%swap3A_154, %swap3A_155, %swap3A_156] {strides = array<i32>} : memref<2x128x128xf32, #tpu.memory_space<vmem>>, vector<1x1x16xf32>,
      %swap3A_158 = vector.shape_cast %swap3A_157 : vector<1x1x16xf32> to vector<16xf32>
      %swap3A_159 = vector.shape_cast %broadcast_in_dim3A_152 : vector<16xf32> to vector<1x1x16xf32>
      tpu.vector_store %arg6[%swap3A_154, %swap3A_155, %swap3A_156], %swap3A_159 {strides = array<i32>} : memref<2x128x128xf32, #tpu.memory_space<vmem>>, vector<1x1x16xf32>,
      %broadcast_in_dim3A_160 = arith.constant 0.000000e+00 : f32
      %broadcast_in_dim3A_161 = vector.broadcast %broadcast_in_dim3A_160 : f32 to vector<16xf32>
      %swap3A_162 = arith.constant 0 : i32
      %swap3A_163 = arith.index_cast %swap3A_162 : i32 to index
      %swap3A_164 = arith.index_cast %scan3A_107 : i32 to index
      %swap3A_165 = arith.constant 96 : index
      %swap3A_166 = tpu.vector_load %arg6[%swap3A_163, %swap3A_164, %swap3A_165] {strides = array<i32>} : memref<2x128x128xf32, #tpu.memory_space<vmem>>, vector<1x1x16xf32>,
      %swap3A_167 = vector.shape_cast %swap3A_166 : vector<1x1x16xf32> to vector<16xf32>
      %swap3A_168 = vector.shape_cast %broadcast_in_dim3A_161 : vector<16xf32> to vector<1x1x16xf32>
      tpu.vector_store %arg6[%swap3A_163, %swap3A_164, %swap3A_165], %swap3A_168 {strides = array<i32>} : memref<2x128x128xf32, #tpu.memory_space<vmem>>, vector<1x1x16xf32>,
      %broadcast_in_dim3A_169 = arith.constant 0.000000e+00 : f32
      %broadcast_in_dim3A_170 = vector.broadcast %broadcast_in_dim3A_169 : f32 to vector<16xf32>
      %swap3A_171 = arith.constant 0 : i32
      %swap3A_172 = arith.index_cast %swap3A_171 : i32 to index
      %swap3A_173 = arith.index_cast %scan3A_107 : i32 to index
      %swap3A_174 = arith.constant 112 : index
      %swap3A_175 = tpu.vector_load %arg6[%swap3A_172, %swap3A_173, %swap3A_174] {strides = array<i32>} : memref<2x128x128xf32, #tpu.memory_space<vmem>>, vector<1x1x16xf32>,
      %swap3A_176 = vector.shape_cast %swap3A_175 : vector<1x1x16xf32> to vector<16xf32>
      %swap3A_177 = vector.shape_cast %broadcast_in_dim3A_170 : vector<16xf32> to vector<1x1x16xf32>
      tpu.vector_store %arg6[%swap3A_172, %swap3A_173, %swap3A_174], %swap3A_177 {strides = array<i32>} : memref<2x128x128xf32, #tpu.memory_space<vmem>>, vector<1x1x16xf32>,
    }
    %scan3A_4 = arith.constant 80 : i32
    %sub3A = arith.constant 125 : i32
    %sub3A_5 = arith.subi %sub3A, %arg1 : i32
    %add3A_6 = arith.constant 16 : i32
    %add3A_7 = arith.addi %sub3A_5, %add3A_6 : i32
    %sub3A_8 = arith.constant 1 : i32
    %sub3A_9 = arith.subi %add3A_7, %sub3A_8 : i32
    %jit3A = arith.constant 16 : i32
    %div3A = arith.divsi %sub3A_9, %jit3A : i32
    %sign3A = arith.constant 0 : i32
    %sign3A_10 = arith.cmpi sgt, %sub3A_9, %sign3A : i32
    %sign3A_11 = arith.extui %sign3A_10 : i1 to i32
    %sign3A_12 = arith.constant 0 : i32
    %sign3A_13 = arith.cmpi slt, %sub3A_9, %sign3A_12 : i32
    %sign3A_14 = arith.extui %sign3A_13 : i1 to i32
    %sign3A_15 = arith.subi %sign3A_11, %sign3A_14 : i32
    %sign3A_16 = arith.constant 0 : i32
    %sign3A_17 = arith.cmpi sgt, %jit3A, %sign3A_16 : i32
    %sign3A_18 = arith.extui %sign3A_17 : i1 to i32
    %sign3A_19 = arith.constant 0 : i32
    %sign3A_20 = arith.cmpi slt, %jit3A, %sign3A_19 : i32
    %sign3A_21 = arith.extui %sign3A_20 : i1 to i32
    %sign3A_22 = arith.subi %sign3A_18, %sign3A_21 : i32
    %ne3A = arith.cmpi ne, %sign3A_15, %sign3A_22 : i32
    %rem3A = arith.remsi %sub3A_9, %jit3A : i32
    %ne3A_23 = arith.constant 0 : i32
    %ne3A_24 = arith.cmpi ne, %rem3A, %ne3A_23 : i32
    %and3A = arith.andi %ne3A, %ne3A_24 : i1
    %sub3A_25 = arith.constant 1 : i32
    %sub3A_26 = arith.subi %div3A, %sub3A_25 : i32
    %select_n3A = arith.select %and3A, %sub3A_26, %div3A : i32
    %while3A = arith.constant 0 : i32
    %while3A_27 = arith.subi %select_n3A, %while3A : i32
    %while3A_28 = arith.addi %while3A, %while3A_27 : i32
    %while3A_29 = arith.constant 1 : i32
    %while3A_30 = arith.divsi %while3A_27, %while3A_29 : i32
    %while3A_31 = arith.muli %while3A_30, %while3A_29 : i32
    %while3A_32 = arith.addi %while3A, %while3A_31 : i32
    %while3A_33 = arith.constant 1 : i32
    scf.for %while3A_107 = %while3A to %while3A_32 step %while3A_33  : i32 {
      %mul3A_108 = arith.constant 16 : i32
      %mul3A_109 = arith.muli %mul3A_108, %while3A_107 : i32
      %add3A_110 = arith.addi %arg1, %mul3A_109 : i32
      %mul3A_111 = arith.constant 80 : i32
      %mul3A_112 = arith.muli %add3A_110, %mul3A_111 : i32
      %run_scoped3A_113 = arith.constant 0 : i32
      "tpu.region"() ({
        %run_scoped3A_114 = tpu.sem_alloc : memref<!tpu.dma_semaphore, #tpu.memory_space<semaphore_mem>>
        %dma_start3A_115 = arith.constant 0 : i32
        %dma_start3A_116 = arith.constant 0 : i32
        %dma_start3A_117 = tpu.memref_slice %arg6[%run_scoped3A_113, %dma_start3A_115, %dma_start3A_116] : memref<2x128x128xf32, #tpu.memory_space<vmem>> -> memref<1x80x128xf32, #tpu.memory_space<vmem>>
        %dma_start3A_118 = tpu.memref_squeeze %dma_start3A_117 : memref<1x80x128xf32, #tpu.memory_space<vmem>> -> memref<80x128xf32, #tpu.memory_space<vmem>>
        %dma_start3A_119 = arith.constant 0 : i32
        %dma_start3A_120 = tpu.memref_slice %arg7[%mul3A_112, %dma_start3A_119] : memref<10000x128xf32, #tpu.memory_space<vmem_shared>> -> memref<80x128xf32, #tpu.memory_space<vmem_shared>>
        %dma_start3A_121 = arith.constant 0 : i32
        %dma_start3A_122 = tpu.memref_slice %arg7[%mul3A_112, %dma_start3A_121] : memref<10000x128xf32, #tpu.memory_space<vmem_shared>> -> memref<80x128xf32, #tpu.memory_space<vmem_shared>>
        %dma_start3A_123 = arith.constant 0 : i32
        %dma_start3A_124 = arith.constant 0 : i32
        %dma_start3A_125 = tpu.memref_slice %arg6[%run_scoped3A_113, %dma_start3A_123, %dma_start3A_124] : memref<2x128x128xf32, #tpu.memory_space<vmem>> -> memref<1x80x128xf32, #tpu.memory_space<vmem>>
        %dma_start3A_126 = tpu.memref_squeeze %dma_start3A_125 : memref<1x80x128xf32, #tpu.memory_space<vmem>> -> memref<80x128xf32, #tpu.memory_space<vmem>>
        tpu.enqueue_dma source(%dma_start3A_126 : memref<80x128xf32, #tpu.memory_space<vmem>>) target(%dma_start3A_122 : memref<80x128xf32, #tpu.memory_space<vmem_shared>>) target_semaphore(%run_scoped3A_114 : memref<!tpu.dma_semaphore, #tpu.memory_space<semaphore_mem>>)
        %dma_wait3A_127 = arith.constant 0 : i32
        %dma_wait3A_128 = arith.constant 0 : i32
        %dma_wait3A_129 = tpu.memref_slice %arg6[%run_scoped3A_113, %dma_wait3A_127, %dma_wait3A_128] : memref<2x128x128xf32, #tpu.memory_space<vmem>> -> memref<1x80x128xf32, #tpu.memory_space<vmem>>
        %dma_wait3A_130 = tpu.memref_squeeze %dma_wait3A_129 : memref<1x80x128xf32, #tpu.memory_space<vmem>> -> memref<80x128xf32, #tpu.memory_space<vmem>>
        %dma_wait3A_131 = arith.constant 0 : i32
        %dma_wait3A_132 = tpu.memref_slice %arg7[%mul3A_112, %dma_wait3A_131] : memref<10000x128xf32, #tpu.memory_space<vmem_shared>> -> memref<80x128xf32, #tpu.memory_space<vmem_shared>>
        %dma_wait3A_133 = arith.constant 0 : i32
        %dma_wait3A_134 = tpu.memref_slice %arg7[%mul3A_112, %dma_wait3A_133] : memref<10000x128xf32, #tpu.memory_space<vmem_shared>> -> memref<80x128xf32, #tpu.memory_space<vmem_shared>>
        %dma_wait3A_135 = arith.constant 0 : i32
        %dma_wait3A_136 = arith.constant 0 : i32
        %dma_wait3A_137 = tpu.memref_slice %arg6[%run_scoped3A_113, %dma_wait3A_135, %dma_wait3A_136] : memref<2x128x128xf32, #tpu.memory_space<vmem>> -> memref<1x80x128xf32, #tpu.memory_space<vmem>>
        %dma_wait3A_138 = tpu.memref_squeeze %dma_wait3A_137 : memref<1x80x128xf32, #tpu.memory_space<vmem>> -> memref<80x128xf32, #tpu.memory_space<vmem>>
        tpu.wait_dma2 semaphore(%run_scoped3A_114 : memref<!tpu.dma_semaphore, #tpu.memory_space<semaphore_mem>>) src(%dma_wait3A_138 : memref<80x128xf32, #tpu.memory_space<vmem>>) dst(%dma_wait3A_134 : memref<80x128xf32, #tpu.memory_space<vmem_shared>>)
        tpu.yield
      }) : () -> ()
    }
    %while3A_34 = arith.constant 1 : i32
    scf.for %while3A_107 = %while3A_32 to %while3A_28 step %while3A_34  : i32 {
      %mul3A_108 = arith.constant 16 : i32
      %mul3A_109 = arith.muli %mul3A_108, %while3A_107 : i32
      %add3A_110 = arith.addi %arg1, %mul3A_109 : i32
      %mul3A_111 = arith.constant 80 : i32
      %mul3A_112 = arith.muli %add3A_110, %mul3A_111 : i32
      %run_scoped3A_113 = arith.constant 0 : i32
      "tpu.region"() ({
        %run_scoped3A_114 = tpu.sem_alloc : memref<!tpu.dma_semaphore, #tpu.memory_space<semaphore_mem>>
        %dma_start3A_115 = arith.constant 0 : i32
        %dma_start3A_116 = arith.constant 0 : i32
        %dma_start3A_117 = tpu.memref_slice %arg6[%run_scoped3A_113, %dma_start3A_115, %dma_start3A_116] : memref<2x128x128xf32, #tpu.memory_space<vmem>> -> memref<1x80x128xf32, #tpu.memory_space<vmem>>
        %dma_start3A_118 = tpu.memref_squeeze %dma_start3A_117 : memref<1x80x128xf32, #tpu.memory_space<vmem>> -> memref<80x128xf32, #tpu.memory_space<vmem>>
        %dma_start3A_119 = arith.constant 0 : i32
        %dma_start3A_120 = tpu.memref_slice %arg7[%mul3A_112, %dma_start3A_119] : memref<10000x128xf32, #tpu.memory_space<vmem_shared>> -> memref<80x128xf32, #tpu.memory_space<vmem_shared>>
        %dma_start3A_121 = arith.constant 0 : i32
        %dma_start3A_122 = tpu.memref_slice %arg7[%mul3A_112, %dma_start3A_121] : memref<10000x128xf32, #tpu.memory_space<vmem_shared>> -> memref<80x128xf32, #tpu.memory_space<vmem_shared>>
        %dma_start3A_123 = arith.constant 0 : i32
        %dma_start3A_124 = arith.constant 0 : i32
        %dma_start3A_125 = tpu.memref_slice %arg6[%run_scoped3A_113, %dma_start3A_123, %dma_start3A_124] : memref<2x128x128xf32, #tpu.memory_space<vmem>> -> memref<1x80x128xf32, #tpu.memory_space<vmem>>
        %dma_start3A_126 = tpu.memref_squeeze %dma_start3A_125 : memref<1x80x128xf32, #tpu.memory_space<vmem>> -> memref<80x128xf32, #tpu.memory_space<vmem>>
        tpu.enqueue_dma source(%dma_start3A_126 : memref<80x128xf32, #tpu.memory_space<vmem>>) target(%dma_start3A_122 : memref<80x128xf32, #tpu.memory_space<vmem_shared>>) target_semaphore(%run_scoped3A_114 : memref<!tpu.dma_semaphore, #tpu.memory_space<semaphore_mem>>)
        %dma_wait3A_127 = arith.constant 0 : i32
        %dma_wait3A_128 = arith.constant 0 : i32
        %dma_wait3A_129 = tpu.memref_slice %arg6[%run_scoped3A_113, %dma_wait3A_127, %dma_wait3A_128] : memref<2x128x128xf32, #tpu.memory_space<vmem>> -> memref<1x80x128xf32, #tpu.memory_space<vmem>>
        %dma_wait3A_130 = tpu.memref_squeeze %dma_wait3A_129 : memref<1x80x128xf32, #tpu.memory_space<vmem>> -> memref<80x128xf32, #tpu.memory_space<vmem>>
        %dma_wait3A_131 = arith.constant 0 : i32
        %dma_wait3A_132 = tpu.memref_slice %arg7[%mul3A_112, %dma_wait3A_131] : memref<10000x128xf32, #tpu.memory_space<vmem_shared>> -> memref<80x128xf32, #tpu.memory_space<vmem_shared>>
        %dma_wait3A_133 = arith.constant 0 : i32
        %dma_wait3A_134 = tpu.memref_slice %arg7[%mul3A_112, %dma_wait3A_133] : memref<10000x128xf32, #tpu.memory_space<vmem_shared>> -> memref<80x128xf32, #tpu.memory_space<vmem_shared>>
        %dma_wait3A_135 = arith.constant 0 : i32
        %dma_wait3A_136 = arith.constant 0 : i32
        %dma_wait3A_137 = tpu.memref_slice %arg6[%run_scoped3A_113, %dma_wait3A_135, %dma_wait3A_136] : memref<2x128x128xf32, #tpu.memory_space<vmem>> -> memref<1x80x128xf32, #tpu.memory_space<vmem>>
        %dma_wait3A_138 = tpu.memref_squeeze %dma_wait3A_137 : memref<1x80x128xf32, #tpu.memory_space<vmem>> -> memref<80x128xf32, #tpu.memory_space<vmem>>
        tpu.wait_dma2 semaphore(%run_scoped3A_114 : memref<!tpu.dma_semaphore, #tpu.memory_space<semaphore_mem>>) src(%dma_wait3A_138 : memref<80x128xf32, #tpu.memory_space<vmem>>) dst(%dma_wait3A_134 : memref<80x128xf32, #tpu.memory_space<vmem_shared>>)
        tpu.yield
      }) : () -> ()
    }
    %barrier3A = arith.constant 0 : index
    tpu.barrier barrier_id(%barrier3A)
    %add3A_35 = arith.constant 0 : i32
    %add3A_36 = arith.addi %add3A, %add3A_35 : i32
    %mul3A_37 = arith.constant 128 : i32
    %mul3A_38 = arith.muli %add3A_36, %mul3A_37 : i32
    %dma_start3A = arith.constant 0 : i32
    %dma_start3A_39 = arith.constant 0 : i32
    %dma_start3A_40 = tpu.memref_slice %arg5[%dma_start3A, %dma_start3A_39] : memref<2x128xi32, #tpu.memory_space<vmem>> -> memref<1x128xi32, #tpu.memory_space<vmem>>
    %dma_start3A_41 = tpu.memref_squeeze %dma_start3A_40 : memref<1x128xi32, #tpu.memory_space<vmem>> -> memref<128xi32, #tpu.memory_space<vmem>>
    %dma_start3A_42 = tpu.memref_slice %arg2[%mul3A_38] : memref<160000xi32, #tpu.memory_space<hbm>> -> memref<128xi32, #tpu.memory_space<hbm>>
    %dma_start3A_43 = arith.constant 0 : i32
    %dma_start3A_44 = tpu.memref_slice %arg5[%dma_start3A, %dma_start3A_43] : memref<2x128xi32, #tpu.memory_space<vmem>> -> memref<1x128xi32, #tpu.memory_space<vmem>>
    %dma_start3A_45 = tpu.memref_squeeze %dma_start3A_44 : memref<1x128xi32, #tpu.memory_space<vmem>> -> memref<128xi32, #tpu.memory_space<vmem>>
    %dma_start3A_46 = tpu.memref_slice %arg2[%mul3A_38] : memref<160000xi32, #tpu.memory_space<hbm>> -> memref<128xi32, #tpu.memory_space<hbm>>
    tpu.enqueue_dma source(%dma_start3A_46 : memref<128xi32, #tpu.memory_space<hbm>>) target(%dma_start3A_45 : memref<128xi32, #tpu.memory_space<vmem>>) target_semaphore(%arg8 : memref<!tpu.dma_semaphore, #tpu.memory_space<semaphore_mem>>)
    %add3A_47 = arith.constant 0 : i32
    %add3A_48 = arith.addi %add3A, %add3A_47 : i32
    %mul3A_49 = arith.constant 128 : i32
    %mul3A_50 = arith.muli %add3A_48, %mul3A_49 : i32
    %dma_start3A_51 = arith.constant 0 : i32
    %dma_start3A_52 = arith.constant 0 : i32
    %dma_start3A_53 = arith.constant 0 : i32
    %dma_start3A_54 = tpu.memref_slice %arg6[%dma_start3A_51, %dma_start3A_52, %dma_start3A_53] : memref<2x128x128xf32, #tpu.memory_space<vmem>> -> memref<1x128x128xf32, #tpu.memory_space<vmem>>
    %dma_start3A_55 = tpu.memref_squeeze %dma_start3A_54 : memref<1x128x128xf32, #tpu.memory_space<vmem>> -> memref<128x128xf32, #tpu.memory_space<vmem>>
    %dma_start3A_56 = arith.constant 0 : i32
    %dma_start3A_57 = tpu.memref_slice %arg3[%mul3A_50, %dma_start3A_56] : memref<160000x128xf32, #tpu.memory_space<hbm>> -> memref<128x128xf32, #tpu.memory_space<hbm>>
    %dma_start3A_58 = arith.constant 0 : i32
    %dma_start3A_59 = arith.constant 0 : i32
    %dma_start3A_60 = tpu.memref_slice %arg6[%dma_start3A_51, %dma_start3A_58, %dma_start3A_59] : memref<2x128x128xf32, #tpu.memory_space<vmem>> -> memref<1x128x128xf32, #tpu.memory_space<vmem>>
    %dma_start3A_61 = tpu.memref_squeeze %dma_start3A_60 : memref<1x128x128xf32, #tpu.memory_space<vmem>> -> memref<128x128xf32, #tpu.memory_space<vmem>>
    %dma_start3A_62 = arith.constant 0 : i32
    %dma_start3A_63 = tpu.memref_slice %arg3[%mul3A_50, %dma_start3A_62] : memref<160000x128xf32, #tpu.memory_space<hbm>> -> memref<128x128xf32, #tpu.memory_space<hbm>>
    tpu.enqueue_dma source(%dma_start3A_63 : memref<128x128xf32, #tpu.memory_space<hbm>>) target(%dma_start3A_61 : memref<128x128xf32, #tpu.memory_space<vmem>>) target_semaphore(%arg8 : memref<!tpu.dma_semaphore, #tpu.memory_space<semaphore_mem>>)
    %scan3A_64 = arith.constant 0 : i32
    %scan3A_65 = arith.constant 19 : i32
    %scan3A_66 = arith.addi %scan3A_64, %scan3A_65 : i32
    %scan3A_67 = arith.constant 1 : i32
    scf.for %scan3A_107 = %scan3A_64 to %scan3A_66 step %scan3A_67  : i32 {
      %mul3A_108 = arith.constant 2 : i32
      %mul3A_109 = arith.muli %mul3A_108, %scan3A_107 : i32
      %add3A_110 = arith.constant 0 : i32
      %add3A_111 = arith.addi %mul3A_109, %add3A_110 : i32
      %dma_wait3A_112 = arith.constant 0 : i32
      %dma_wait3A_113 = arith.constant 0 : i32
      %dma_wait3A_114 = tpu.memref_slice %arg5[%dma_wait3A_112, %dma_wait3A_113] : memref<2x128xi32, #tpu.memory_space<vmem>> -> memref<1x128xi32, #tpu.memory_space<vmem>>
      %dma_wait3A_115 = tpu.memref_squeeze %dma_wait3A_114 : memref<1x128xi32, #tpu.memory_space<vmem>> -> memref<128xi32, #tpu.memory_space<vmem>>
      %dma_wait3A_116 = arith.constant 0 : i32
      %dma_wait3A_117 = tpu.memref_slice %arg2[%dma_wait3A_116] : memref<160000xi32, #tpu.memory_space<hbm>> -> memref<128xi32, #tpu.memory_space<hbm>>
      %dma_wait3A_118 = arith.constant 0 : i32
      %dma_wait3A_119 = tpu.memref_slice %arg5[%dma_wait3A_112, %dma_wait3A_118] : memref<2x128xi32, #tpu.memory_space<vmem>> -> memref<1x128xi32, #tpu.memory_space<vmem>>
      %dma_wait3A_120 = tpu.memref_squeeze %dma_wait3A_119 : memref<1x128xi32, #tpu.memory_space<vmem>> -> memref<128xi32, #tpu.memory_space<vmem>>
      %dma_wait3A_121 = arith.constant 0 : i32
      %dma_wait3A_122 = tpu.memref_slice %arg2[%dma_wait3A_121] : memref<160000xi32, #tpu.memory_space<hbm>> -> memref<128xi32, #tpu.memory_space<hbm>>
      tpu.wait_dma2 semaphore(%arg8 : memref<!tpu.dma_semaphore, #tpu.memory_space<semaphore_mem>>) src(%dma_wait3A_122 : memref<128xi32, #tpu.memory_space<hbm>>) dst(%dma_wait3A_120 : memref<128xi32, #tpu.memory_space<vmem>>)
      %dma_wait3A_123 = arith.constant 0 : i32
      %dma_wait3A_124 = arith.constant 0 : i32
      %dma_wait3A_125 = arith.constant 0 : i32
      %dma_wait3A_126 = tpu.memref_slice %arg6[%dma_wait3A_123, %dma_wait3A_124, %dma_wait3A_125] : memref<2x128x128xf32, #tpu.memory_space<vmem>> -> memref<1x128x128xf32, #tpu.memory_space<vmem>>
      %dma_wait3A_127 = tpu.memref_squeeze %dma_wait3A_126 : memref<1x128x128xf32, #tpu.memory_space<vmem>> -> memref<128x128xf32, #tpu.memory_space<vmem>>
      %dma_wait3A_128 = arith.constant 0 : i32
      %dma_wait3A_129 = arith.constant 0 : i32
      %dma_wait3A_130 = tpu.memref_slice %arg3[%dma_wait3A_128, %dma_wait3A_129] : memref<160000x128xf32, #tpu.memory_space<hbm>> -> memref<128x128xf32, #tpu.memory_space<hbm>>
      %dma_wait3A_131 = arith.constant 0 : i32
      %dma_wait3A_132 = arith.constant 0 : i32
      %dma_wait3A_133 = tpu.memref_slice %arg6[%dma_wait3A_123, %dma_wait3A_131, %dma_wait3A_132] : memref<2x128x128xf32, #tpu.memory_space<vmem>> -> memref<1x128x128xf32, #tpu.memory_space<vmem>>
      %dma_wait3A_134 = tpu.memref_squeeze %dma_wait3A_133 : memref<1x128x128xf32, #tpu.memory_space<vmem>> -> memref<128x128xf32, #tpu.memory_space<vmem>>
      %dma_wait3A_135 = arith.constant 0 : i32
      %dma_wait3A_136 = arith.constant 0 : i32
      %dma_wait3A_137 = tpu.memref_slice %arg3[%dma_wait3A_135, %dma_wait3A_136] : memref<160000x128xf32, #tpu.memory_space<hbm>> -> memref<128x128xf32, #tpu.memory_space<hbm>>
      tpu.wait_dma2 semaphore(%arg8 : memref<!tpu.dma_semaphore, #tpu.memory_space<semaphore_mem>>) src(%dma_wait3A_137 : memref<128x128xf32, #tpu.memory_space<hbm>>) dst(%dma_wait3A_134 : memref<128x128xf32, #tpu.memory_space<vmem>>)
      %add3A_138 = arith.constant 1 : i32
      %add3A_139 = arith.addi %add3A_111, %add3A_138 : i32
      %mul3A_140 = arith.constant 32 : i32
      %mul3A_141 = arith.muli %mul3A_140, %add3A_139 : i32
      %add3A_142 = arith.addi %add3A, %mul3A_141 : i32
      %mul3A_143 = arith.constant 128 : i32
      %mul3A_144 = arith.muli %add3A_142, %mul3A_143 : i32
      %dma_start3A_145 = arith.constant 1 : i32
      %dma_start3A_146 = arith.constant 0 : i32
      %dma_start3A_147 = tpu.memref_slice %arg5[%dma_start3A_145, %dma_start3A_146] : memref<2x128xi32, #tpu.memory_space<vmem>> -> memref<1x128xi32, #tpu.memory_space<vmem>>
      %dma_start3A_148 = tpu.memref_squeeze %dma_start3A_147 : memref<1x128xi32, #tpu.memory_space<vmem>> -> memref<128xi32, #tpu.memory_space<vmem>>
      %dma_start3A_149 = tpu.memref_slice %arg2[%mul3A_144] : memref<160000xi32, #tpu.memory_space<hbm>> -> memref<128xi32, #tpu.memory_space<hbm>>
      %dma_start3A_150 = arith.constant 0 : i32
      %dma_start3A_151 = tpu.memref_slice %arg5[%dma_start3A_145, %dma_start3A_150] : memref<2x128xi32, #tpu.memory_space<vmem>> -> memref<1x128xi32, #tpu.memory_space<vmem>>
      %dma_start3A_152 = tpu.memref_squeeze %dma_start3A_151 : memref<1x128xi32, #tpu.memory_space<vmem>> -> memref<128xi32, #tpu.memory_space<vmem>>
      %dma_start3A_153 = tpu.memref_slice %arg2[%mul3A_144] : memref<160000xi32, #tpu.memory_space<hbm>> -> memref<128xi32, #tpu.memory_space<hbm>>
      tpu.enqueue_dma source(%dma_start3A_153 : memref<128xi32, #tpu.memory_space<hbm>>) target(%dma_start3A_152 : memref<128xi32, #tpu.memory_space<vmem>>) target_semaphore(%arg9 : memref<!tpu.dma_semaphore, #tpu.memory_space<semaphore_mem>>)
      %mul3A_154 = arith.constant 32 : i32
      %mul3A_155 = arith.muli %mul3A_154, %add3A_139 : i32
      %add3A_156 = arith.addi %add3A, %mul3A_155 : i32
      %mul3A_157 = arith.constant 128 : i32
      %mul3A_158 = arith.muli %add3A_156, %mul3A_157 : i32
      %dma_start3A_159 = arith.constant 1 : i32
      %dma_start3A_160 = arith.constant 0 : i32
      %dma_start3A_161 = arith.constant 0 : i32
      %dma_start3A_162 = tpu.memref_slice %arg6[%dma_start3A_159, %dma_start3A_160, %dma_start3A_161] : memref<2x128x128xf32, #tpu.memory_space<vmem>> -> memref<1x128x128xf32, #tpu.memory_space<vmem>>
      %dma_start3A_163 = tpu.memref_squeeze %dma_start3A_162 : memref<1x128x128xf32, #tpu.memory_space<vmem>> -> memref<128x128xf32, #tpu.memory_space<vmem>>
      %dma_start3A_164 = arith.constant 0 : i32
      %dma_start3A_165 = tpu.memref_slice %arg3[%mul3A_158, %dma_start3A_164] : memref<160000x128xf32, #tpu.memory_space<hbm>> -> memref<128x128xf32, #tpu.memory_space<hbm>>
      %dma_start3A_166 = arith.constant 0 : i32
      %dma_start3A_167 = arith.constant 0 : i32
      %dma_start3A_168 = tpu.memref_slice %arg6[%dma_start3A_159, %dma_start3A_166, %dma_start3A_167] : memref<2x128x128xf32, #tpu.memory_space<vmem>> -> memref<1x128x128xf32, #tpu.memory_space<vmem>>
      %dma_start3A_169 = tpu.memref_squeeze %dma_start3A_168 : memref<1x128x128xf32, #tpu.memory_space<vmem>> -> memref<128x128xf32, #tpu.memory_space<vmem>>
      %dma_start3A_170 = arith.constant 0 : i32
      %dma_start3A_171 = tpu.memref_slice %arg3[%mul3A_158, %dma_start3A_170] : memref<160000x128xf32, #tpu.memory_space<hbm>> -> memref<128x128xf32, #tpu.memory_space<hbm>>
      tpu.enqueue_dma source(%dma_start3A_171 : memref<128x128xf32, #tpu.memory_space<hbm>>) target(%dma_start3A_169 : memref<128x128xf32, #tpu.memory_space<vmem>>) target_semaphore(%arg9 : memref<!tpu.dma_semaphore, #tpu.memory_space<semaphore_mem>>)
      %run_scoped3A_172 = arith.constant 0 : i32
      %run_scoped3A_173 = arith.constant 0 : i32
      "tpu.region"() ({
        %run_scoped3A_240 = tpu.sem_alloc : memref<!tpu.dma_semaphore, #tpu.memory_space<semaphore_mem>>
        %dma_start3A_241 = arith.constant 0 : i32
        %dma_start3A_242 = arith.constant 0 : i32
        %dma_start3A_243 = tpu.memref_slice %arg6[%run_scoped3A_172, %dma_start3A_241, %dma_start3A_242] : memref<2x128x128xf32, #tpu.memory_space<vmem>> -> memref<1x128x128xf32, #tpu.memory_space<vmem>>
        %dma_start3A_244 = tpu.memref_squeeze %dma_start3A_243 : memref<1x128x128xf32, #tpu.memory_space<vmem>> -> memref<128x128xf32, #tpu.memory_space<vmem>>
        %dma_start3A_245 = arith.constant 0 : i32
        %dma_start3A_246 = tpu.memref_slice %arg5[%run_scoped3A_173, %dma_start3A_245] : memref<2x128xi32, #tpu.memory_space<vmem>> -> memref<1x128xi32, #tpu.memory_space<vmem>>
        %dma_start3A_247 = tpu.memref_squeeze %dma_start3A_246 : memref<1x128xi32, #tpu.memory_space<vmem>> -> memref<128xi32, #tpu.memory_space<vmem>>
        %dma_start3A_248 = arith.constant 0 : i32
        %dma_start3A_249 = arith.constant 0 : i32
        %dma_start3A_250 = tpu.memref_slice %arg7[%dma_start3A_248, %dma_start3A_249] : memref<10000x128xf32, #tpu.memory_space<vmem_shared>> -> memref<10000x128xf32, #tpu.memory_space<vmem_shared>>
        tpu.enqueue_indirect_dma source(%dma_start3A_244 : memref<128x128xf32, #tpu.memory_space<vmem>>) target(%dma_start3A_250 : memref<10000x128xf32, #tpu.memory_space<vmem_shared>>) offsets(%dma_start3A_247 : memref<128xi32, #tpu.memory_space<vmem>>) semaphore(%run_scoped3A_240 : memref<!tpu.dma_semaphore, #tpu.memory_space<semaphore_mem>>) {add = true}
        %dma_wait3A_251 = arith.constant 0 : i32
        %dma_wait3A_252 = arith.constant 0 : i32
        %dma_wait3A_253 = tpu.memref_slice %arg6[%run_scoped3A_172, %dma_wait3A_251, %dma_wait3A_252] : memref<2x128x128xf32, #tpu.memory_space<vmem>> -> memref<1x128x128xf32, #tpu.memory_space<vmem>>
        %dma_wait3A_254 = tpu.memref_squeeze %dma_wait3A_253 : memref<1x128x128xf32, #tpu.memory_space<vmem>> -> memref<128x128xf32, #tpu.memory_space<vmem>>
        %dma_wait3A_255 = arith.constant 0 : i32
        %dma_wait3A_256 = tpu.memref_slice %arg5[%run_scoped3A_173, %dma_wait3A_255] : memref<2x128xi32, #tpu.memory_space<vmem>> -> memref<1x128xi32, #tpu.memory_space<vmem>>
        %dma_wait3A_257 = tpu.memref_squeeze %dma_wait3A_256 : memref<1x128xi32, #tpu.memory_space<vmem>> -> memref<128xi32, #tpu.memory_space<vmem>>
        %dma_wait3A_258 = arith.constant 0 : i32
        %dma_wait3A_259 = arith.constant 0 : i32
        %dma_wait3A_260 = tpu.memref_slice %arg7[%dma_wait3A_258, %dma_wait3A_259] : memref<10000x128xf32, #tpu.memory_space<vmem_shared>> -> memref<10000x128xf32, #tpu.memory_space<vmem_shared>>
        tpu.wait_indirect_dma semaphore(%run_scoped3A_240 : memref<!tpu.dma_semaphore, #tpu.memory_space<semaphore_mem>>) src(%dma_wait3A_254 : memref<128x128xf32, #tpu.memory_space<vmem>>) dst(%dma_wait3A_260 : memref<10000x128xf32, #tpu.memory_space<vmem_shared>>)
        tpu.yield
      }) : () -> ()
      %mul3A_174 = arith.constant 2 : i32
      %mul3A_175 = arith.muli %mul3A_174, %scan3A_107 : i32
      %add3A_176 = arith.constant 1 : i32
      %add3A_177 = arith.addi %mul3A_175, %add3A_176 : i32
      %dma_wait3A_178 = arith.constant 1 : i32
      %dma_wait3A_179 = arith.constant 0 : i32
      %dma_wait3A_180 = tpu.memref_slice %arg5[%dma_wait3A_178, %dma_wait3A_179] : memref<2x128xi32, #tpu.memory_space<vmem>> -> memref<1x128xi32, #tpu.memory_space<vmem>>
      %dma_wait3A_181 = tpu.memref_squeeze %dma_wait3A_180 : memref<1x128xi32, #tpu.memory_space<vmem>> -> memref<128xi32, #tpu.memory_space<vmem>>
      %dma_wait3A_182 = arith.constant 0 : i32
      %dma_wait3A_183 = tpu.memref_slice %arg2[%dma_wait3A_182] : memref<160000xi32, #tpu.memory_space<hbm>> -> memref<128xi32, #tpu.memory_space<hbm>>
      %dma_wait3A_184 = arith.constant 0 : i32
      %dma_wait3A_185 = tpu.memref_slice %arg5[%dma_wait3A_178, %dma_wait3A_184] : memref<2x128xi32, #tpu.memory_space<vmem>> -> memref<1x128xi32, #tpu.memory_space<vmem>>
      %dma_wait3A_186 = tpu.memref_squeeze %dma_wait3A_185 : memref<1x128xi32, #tpu.memory_space<vmem>> -> memref<128xi32, #tpu.memory_space<vmem>>
      %dma_wait3A_187 = arith.constant 0 : i32
      %dma_wait3A_188 = tpu.memref_slice %arg2[%dma_wait3A_187] : memref<160000xi32, #tpu.memory_space<hbm>> -> memref<128xi32, #tpu.memory_space<hbm>>
      tpu.wait_dma2 semaphore(%arg9 : memref<!tpu.dma_semaphore, #tpu.memory_space<semaphore_mem>>) src(%dma_wait3A_188 : memref<128xi32, #tpu.memory_space<hbm>>) dst(%dma_wait3A_186 : memref<128xi32, #tpu.memory_space<vmem>>)
      %dma_wait3A_189 = arith.constant 1 : i32
      %dma_wait3A_190 = arith.constant 0 : i32
      %dma_wait3A_191 = arith.constant 0 : i32
      %dma_wait3A_192 = tpu.memref_slice %arg6[%dma_wait3A_189, %dma_wait3A_190, %dma_wait3A_191] : memref<2x128x128xf32, #tpu.memory_space<vmem>> -> memref<1x128x128xf32, #tpu.memory_space<vmem>>
      %dma_wait3A_193 = tpu.memref_squeeze %dma_wait3A_192 : memref<1x128x128xf32, #tpu.memory_space<vmem>> -> memref<128x128xf32, #tpu.memory_space<vmem>>
      %dma_wait3A_194 = arith.constant 0 : i32
      %dma_wait3A_195 = arith.constant 0 : i32
      %dma_wait3A_196 = tpu.memref_slice %arg3[%dma_wait3A_194, %dma_wait3A_195] : memref<160000x128xf32, #tpu.memory_space<hbm>> -> memref<128x128xf32, #tpu.memory_space<hbm>>
      %dma_wait3A_197 = arith.constant 0 : i32
      %dma_wait3A_198 = arith.constant 0 : i32
      %dma_wait3A_199 = tpu.memref_slice %arg6[%dma_wait3A_189, %dma_wait3A_197, %dma_wait3A_198] : memref<2x128x128xf32, #tpu.memory_space<vmem>> -> memref<1x128x128xf32, #tpu.memory_space<vmem>>
      %dma_wait3A_200 = tpu.memref_squeeze %dma_wait3A_199 : memref<1x128x128xf32, #tpu.memory_space<vmem>> -> memref<128x128xf32, #tpu.memory_space<vmem>>
      %dma_wait3A_201 = arith.constant 0 : i32
      %dma_wait3A_202 = arith.constant 0 : i32
      %dma_wait3A_203 = tpu.memref_slice %arg3[%dma_wait3A_201, %dma_wait3A_202] : memref<160000x128xf32, #tpu.memory_space<hbm>> -> memref<128x128xf32, #tpu.memory_space<hbm>>
      tpu.wait_dma2 semaphore(%arg9 : memref<!tpu.dma_semaphore, #tpu.memory_space<semaphore_mem>>) src(%dma_wait3A_203 : memref<128x128xf32, #tpu.memory_space<hbm>>) dst(%dma_wait3A_200 : memref<128x128xf32, #tpu.memory_space<vmem>>)
      %add3A_204 = arith.constant 1 : i32
      %add3A_205 = arith.addi %add3A_177, %add3A_204 : i32
      %mul3A_206 = arith.constant 32 : i32
      %mul3A_207 = arith.muli %mul3A_206, %add3A_205 : i32
      %add3A_208 = arith.addi %add3A, %mul3A_207 : i32
      %mul3A_209 = arith.constant 128 : i32
      %mul3A_210 = arith.muli %add3A_208, %mul3A_209 : i32
      %dma_start3A_211 = arith.constant 0 : i32
      %dma_start3A_212 = arith.constant 0 : i32
      %dma_start3A_213 = tpu.memref_slice %arg5[%dma_start3A_211, %dma_start3A_212] : memref<2x128xi32, #tpu.memory_space<vmem>> -> memref<1x128xi32, #tpu.memory_space<vmem>>
      %dma_start3A_214 = tpu.memref_squeeze %dma_start3A_213 : memref<1x128xi32, #tpu.memory_space<vmem>> -> memref<128xi32, #tpu.memory_space<vmem>>
      %dma_start3A_215 = tpu.memref_slice %arg2[%mul3A_210] : memref<160000xi32, #tpu.memory_space<hbm>> -> memref<128xi32, #tpu.memory_space<hbm>>
      %dma_start3A_216 = arith.constant 0 : i32
      %dma_start3A_217 = tpu.memref_slice %arg5[%dma_start3A_211, %dma_start3A_216] : memref<2x128xi32, #tpu.memory_space<vmem>> -> memref<1x128xi32, #tpu.memory_space<vmem>>
      %dma_start3A_218 = tpu.memref_squeeze %dma_start3A_217 : memref<1x128xi32, #tpu.memory_space<vmem>> -> memref<128xi32, #tpu.memory_space<vmem>>
      %dma_start3A_219 = tpu.memref_slice %arg2[%mul3A_210] : memref<160000xi32, #tpu.memory_space<hbm>> -> memref<128xi32, #tpu.memory_space<hbm>>
      tpu.enqueue_dma source(%dma_start3A_219 : memref<128xi32, #tpu.memory_space<hbm>>) target(%dma_start3A_218 : memref<128xi32, #tpu.memory_space<vmem>>) target_semaphore(%arg8 : memref<!tpu.dma_semaphore, #tpu.memory_space<semaphore_mem>>)
      %mul3A_220 = arith.constant 32 : i32
      %mul3A_221 = arith.muli %mul3A_220, %add3A_205 : i32
      %add3A_222 = arith.addi %add3A, %mul3A_221 : i32
      %mul3A_223 = arith.constant 128 : i32
      %mul3A_224 = arith.muli %add3A_222, %mul3A_223 : i32
      %dma_start3A_225 = arith.constant 0 : i32
      %dma_start3A_226 = arith.constant 0 : i32
      %dma_start3A_227 = arith.constant 0 : i32
      %dma_start3A_228 = tpu.memref_slice %arg6[%dma_start3A_225, %dma_start3A_226, %dma_start3A_227] : memref<2x128x128xf32, #tpu.memory_space<vmem>> -> memref<1x128x128xf32, #tpu.memory_space<vmem>>
      %dma_start3A_229 = tpu.memref_squeeze %dma_start3A_228 : memref<1x128x128xf32, #tpu.memory_space<vmem>> -> memref<128x128xf32, #tpu.memory_space<vmem>>
      %dma_start3A_230 = arith.constant 0 : i32
      %dma_start3A_231 = tpu.memref_slice %arg3[%mul3A_224, %dma_start3A_230] : memref<160000x128xf32, #tpu.memory_space<hbm>> -> memref<128x128xf32, #tpu.memory_space<hbm>>
      %dma_start3A_232 = arith.constant 0 : i32
      %dma_start3A_233 = arith.constant 0 : i32
      %dma_start3A_234 = tpu.memref_slice %arg6[%dma_start3A_225, %dma_start3A_232, %dma_start3A_233] : memref<2x128x128xf32, #tpu.memory_space<vmem>> -> memref<1x128x128xf32, #tpu.memory_space<vmem>>
      %dma_start3A_235 = tpu.memref_squeeze %dma_start3A_234 : memref<1x128x128xf32, #tpu.memory_space<vmem>> -> memref<128x128xf32, #tpu.memory_space<vmem>>
      %dma_start3A_236 = arith.constant 0 : i32
      %dma_start3A_237 = tpu.memref_slice %arg3[%mul3A_224, %dma_start3A_236] : memref<160000x128xf32, #tpu.memory_space<hbm>> -> memref<128x128xf32, #tpu.memory_space<hbm>>
      tpu.enqueue_dma source(%dma_start3A_237 : memref<128x128xf32, #tpu.memory_space<hbm>>) target(%dma_start3A_235 : memref<128x128xf32, #tpu.memory_space<vmem>>) target_semaphore(%arg8 : memref<!tpu.dma_semaphore, #tpu.memory_space<semaphore_mem>>)
      %run_scoped3A_238 = arith.constant 1 : i32
      %run_scoped3A_239 = arith.constant 1 : i32
      "tpu.region"() ({
        %run_scoped3A_240 = tpu.sem_alloc : memref<!tpu.dma_semaphore, #tpu.memory_space<semaphore_mem>>
        %dma_start3A_241 = arith.constant 0 : i32
        %dma_start3A_242 = arith.constant 0 : i32
        %dma_start3A_243 = tpu.memref_slice %arg6[%run_scoped3A_238, %dma_start3A_241, %dma_start3A_242] : memref<2x128x128xf32, #tpu.memory_space<vmem>> -> memref<1x128x128xf32, #tpu.memory_space<vmem>>
        %dma_start3A_244 = tpu.memref_squeeze %dma_start3A_243 : memref<1x128x128xf32, #tpu.memory_space<vmem>> -> memref<128x128xf32, #tpu.memory_space<vmem>>
        %dma_start3A_245 = arith.constant 0 : i32
        %dma_start3A_246 = tpu.memref_slice %arg5[%run_scoped3A_239, %dma_start3A_245] : memref<2x128xi32, #tpu.memory_space<vmem>> -> memref<1x128xi32, #tpu.memory_space<vmem>>
        %dma_start3A_247 = tpu.memref_squeeze %dma_start3A_246 : memref<1x128xi32, #tpu.memory_space<vmem>> -> memref<128xi32, #tpu.memory_space<vmem>>
        %dma_start3A_248 = arith.constant 0 : i32
        %dma_start3A_249 = arith.constant 0 : i32
        %dma_start3A_250 = tpu.memref_slice %arg7[%dma_start3A_248, %dma_start3A_249] : memref<10000x128xf32, #tpu.memory_space<vmem_shared>> -> memref<10000x128xf32, #tpu.memory_space<vmem_shared>>
        tpu.enqueue_indirect_dma source(%dma_start3A_244 : memref<128x128xf32, #tpu.memory_space<vmem>>) target(%dma_start3A_250 : memref<10000x128xf32, #tpu.memory_space<vmem_shared>>) offsets(%dma_start3A_247 : memref<128xi32, #tpu.memory_space<vmem>>) semaphore(%run_scoped3A_240 : memref<!tpu.dma_semaphore, #tpu.memory_space<semaphore_mem>>) {add = true}
        %dma_wait3A_251 = arith.constant 0 : i32
        %dma_wait3A_252 = arith.constant 0 : i32
        %dma_wait3A_253 = tpu.memref_slice %arg6[%run_scoped3A_238, %dma_wait3A_251, %dma_wait3A_252] : memref<2x128x128xf32, #tpu.memory_space<vmem>> -> memref<1x128x128xf32, #tpu.memory_space<vmem>>
        %dma_wait3A_254 = tpu.memref_squeeze %dma_wait3A_253 : memref<1x128x128xf32, #tpu.memory_space<vmem>> -> memref<128x128xf32, #tpu.memory_space<vmem>>
        %dma_wait3A_255 = arith.constant 0 : i32
        %dma_wait3A_256 = tpu.memref_slice %arg5[%run_scoped3A_239, %dma_wait3A_255] : memref<2x128xi32, #tpu.memory_space<vmem>> -> memref<1x128xi32, #tpu.memory_space<vmem>>
        %dma_wait3A_257 = tpu.memref_squeeze %dma_wait3A_256 : memref<1x128xi32, #tpu.memory_space<vmem>> -> memref<128xi32, #tpu.memory_space<vmem>>
        %dma_wait3A_258 = arith.constant 0 : i32
        %dma_wait3A_259 = arith.constant 0 : i32
        %dma_wait3A_260 = tpu.memref_slice %arg7[%dma_wait3A_258, %dma_wait3A_259] : memref<10000x128xf32, #tpu.memory_space<vmem_shared>> -> memref<10000x128xf32, #tpu.memory_space<vmem_shared>>
        tpu.wait_indirect_dma semaphore(%run_scoped3A_240 : memref<!tpu.dma_semaphore, #tpu.memory_space<semaphore_mem>>) src(%dma_wait3A_254 : memref<128x128xf32, #tpu.memory_space<vmem>>) dst(%dma_wait3A_260 : memref<10000x128xf32, #tpu.memory_space<vmem_shared>>)
        tpu.yield
      }) : () -> ()
    }
    %scan3A_68 = arith.constant 19 : i32
    %dma_wait3A = arith.constant 0 : i32
    %dma_wait3A_69 = arith.constant 0 : i32
    %dma_wait3A_70 = tpu.memref_slice %arg5[%dma_wait3A, %dma_wait3A_69] : memref<2x128xi32, #tpu.memory_space<vmem>> -> memref<1x128xi32, #tpu.memory_space<vmem>>
    %dma_wait3A_71 = tpu.memref_squeeze %dma_wait3A_70 : memref<1x128xi32, #tpu.memory_space<vmem>> -> memref<128xi32, #tpu.memory_space<vmem>>
    %dma_wait3A_72 = arith.constant 0 : i32
    %dma_wait3A_73 = tpu.memref_slice %arg2[%dma_wait3A_72] : memref<160000xi32, #tpu.memory_space<hbm>> -> memref<128xi32, #tpu.memory_space<hbm>>
    %dma_wait3A_74 = arith.constant 0 : i32
    %dma_wait3A_75 = tpu.memref_slice %arg5[%dma_wait3A, %dma_wait3A_74] : memref<2x128xi32, #tpu.memory_space<vmem>> -> memref<1x128xi32, #tpu.memory_space<vmem>>
    %dma_wait3A_76 = tpu.memref_squeeze %dma_wait3A_75 : memref<1x128xi32, #tpu.memory_space<vmem>> -> memref<128xi32, #tpu.memory_space<vmem>>
    %dma_wait3A_77 = arith.constant 0 : i32
    %dma_wait3A_78 = tpu.memref_slice %arg2[%dma_wait3A_77] : memref<160000xi32, #tpu.memory_space<hbm>> -> memref<128xi32, #tpu.memory_space<hbm>>
    tpu.wait_dma2 semaphore(%arg8 : memref<!tpu.dma_semaphore, #tpu.memory_space<semaphore_mem>>) src(%dma_wait3A_78 : memref<128xi32, #tpu.memory_space<hbm>>) dst(%dma_wait3A_76 : memref<128xi32, #tpu.memory_space<vmem>>)
    %dma_wait3A_79 = arith.constant 0 : i32
    %dma_wait3A_80 = arith.constant 0 : i32
    %dma_wait3A_81 = arith.constant 0 : i32
    %dma_wait3A_82 = tpu.memref_slice %arg6[%dma_wait3A_79, %dma_wait3A_80, %dma_wait3A_81] : memref<2x128x128xf32, #tpu.memory_space<vmem>> -> memref<1x128x128xf32, #tpu.memory_space<vmem>>
    %dma_wait3A_83 = tpu.memref_squeeze %dma_wait3A_82 : memref<1x128x128xf32, #tpu.memory_space<vmem>> -> memref<128x128xf32, #tpu.memory_space<vmem>>
    %dma_wait3A_84 = arith.constant 0 : i32
    %dma_wait3A_85 = arith.constant 0 : i32
    %dma_wait3A_86 = tpu.memref_slice %arg3[%dma_wait3A_84, %dma_wait3A_85] : memref<160000x128xf32, #tpu.memory_space<hbm>> -> memref<128x128xf32, #tpu.memory_space<hbm>>
    %dma_wait3A_87 = arith.constant 0 : i32
    %dma_wait3A_88 = arith.constant 0 : i32
    %dma_wait3A_89 = tpu.memref_slice %arg6[%dma_wait3A_79, %dma_wait3A_87, %dma_wait3A_88] : memref<2x128x128xf32, #tpu.memory_space<vmem>> -> memref<1x128x128xf32, #tpu.memory_space<vmem>>
    %dma_wait3A_90 = tpu.memref_squeeze %dma_wait3A_89 : memref<1x128x128xf32, #tpu.memory_space<vmem>> -> memref<128x128xf32, #tpu.memory_space<vmem>>
    %dma_wait3A_91 = arith.constant 0 : i32
    %dma_wait3A_92 = arith.constant 0 : i32
    %dma_wait3A_93 = tpu.memref_slice %arg3[%dma_wait3A_91, %dma_wait3A_92] : memref<160000x128xf32, #tpu.memory_space<hbm>> -> memref<128x128xf32, #tpu.memory_space<hbm>>
    tpu.wait_dma2 semaphore(%arg8 : memref<!tpu.dma_semaphore, #tpu.memory_space<semaphore_mem>>) src(%dma_wait3A_93 : memref<128x128xf32, #tpu.memory_space<hbm>>) dst(%dma_wait3A_90 : memref<128x128xf32, #tpu.memory_space<vmem>>)
    %run_scoped3A = arith.constant 0 : i32
    %run_scoped3A_94 = arith.constant 0 : i32
    "tpu.region"() ({
      %run_scoped3A_107 = tpu.sem_alloc : memref<!tpu.dma_semaphore, #tpu.memory_space<semaphore_mem>>
      %dma_start3A_108 = arith.constant 0 : i32
      %dma_start3A_109 = arith.constant 0 : i32
      %dma_start3A_110 = tpu.memref_slice %arg6[%run_scoped3A, %dma_start3A_108, %dma_start3A_109] : memref<2x128x128xf32, #tpu.memory_space<vmem>> -> memref<1x128x128xf32, #tpu.memory_space<vmem>>
      %dma_start3A_111 = tpu.memref_squeeze %dma_start3A_110 : memref<1x128x128xf32, #tpu.memory_space<vmem>> -> memref<128x128xf32, #tpu.memory_space<vmem>>
      %dma_start3A_112 = arith.constant 0 : i32
      %dma_start3A_113 = tpu.memref_slice %arg5[%run_scoped3A_94, %dma_start3A_112] : memref<2x128xi32, #tpu.memory_space<vmem>> -> memref<1x128xi32, #tpu.memory_space<vmem>>
      %dma_start3A_114 = tpu.memref_squeeze %dma_start3A_113 : memref<1x128xi32, #tpu.memory_space<vmem>> -> memref<128xi32, #tpu.memory_space<vmem>>
      %dma_start3A_115 = arith.constant 0 : i32
      %dma_start3A_116 = arith.constant 0 : i32
      %dma_start3A_117 = tpu.memref_slice %arg7[%dma_start3A_115, %dma_start3A_116] : memref<10000x128xf32, #tpu.memory_space<vmem_shared>> -> memref<10000x128xf32, #tpu.memory_space<vmem_shared>>
      tpu.enqueue_indirect_dma source(%dma_start3A_111 : memref<128x128xf32, #tpu.memory_space<vmem>>) target(%dma_start3A_117 : memref<10000x128xf32, #tpu.memory_space<vmem_shared>>) offsets(%dma_start3A_114 : memref<128xi32, #tpu.memory_space<vmem>>) semaphore(%run_scoped3A_107 : memref<!tpu.dma_semaphore, #tpu.memory_space<semaphore_mem>>) {add = true}
      %dma_wait3A_118 = arith.constant 0 : i32
      %dma_wait3A_119 = arith.constant 0 : i32
      %dma_wait3A_120 = tpu.memref_slice %arg6[%run_scoped3A, %dma_wait3A_118, %dma_wait3A_119] : memref<2x128x128xf32, #tpu.memory_space<vmem>> -> memref<1x128x128xf32, #tpu.memory_space<vmem>>
      %dma_wait3A_121 = tpu.memref_squeeze %dma_wait3A_120 : memref<1x128x128xf32, #tpu.memory_space<vmem>> -> memref<128x128xf32, #tpu.memory_space<vmem>>
      %dma_wait3A_122 = arith.constant 0 : i32
      %dma_wait3A_123 = tpu.memref_slice %arg5[%run_scoped3A_94, %dma_wait3A_122] : memref<2x128xi32, #tpu.memory_space<vmem>> -> memref<1x128xi32, #tpu.memory_space<vmem>>
      %dma_wait3A_124 = tpu.memref_squeeze %dma_wait3A_123 : memref<1x128xi32, #tpu.memory_space<vmem>> -> memref<128xi32, #tpu.memory_space<vmem>>
      %dma_wait3A_125 = arith.constant 0 : i32
      %dma_wait3A_126 = arith.constant 0 : i32
      %dma_wait3A_127 = tpu.memref_slice %arg7[%dma_wait3A_125, %dma_wait3A_126] : memref<10000x128xf32, #tpu.memory_space<vmem_shared>> -> memref<10000x128xf32, #tpu.memory_space<vmem_shared>>
      tpu.wait_indirect_dma semaphore(%run_scoped3A_107 : memref<!tpu.dma_semaphore, #tpu.memory_space<semaphore_mem>>) src(%dma_wait3A_121 : memref<128x128xf32, #tpu.memory_space<vmem>>) dst(%dma_wait3A_127 : memref<10000x128xf32, #tpu.memory_space<vmem_shared>>)
      tpu.yield
    }) : () -> ()
    %lt3A = arith.constant 2 : i32
    %lt3A_95 = arith.cmpi slt, %add3A, %lt3A : i32
    %convert_element_type3A = arith.extui %lt3A_95 : i1 to i32
    %cond3A = arith.constant 0 : i32
    %cond3A_96 = arith.cmpi ne, %convert_element_type3A, %cond3A : i32
    scf.if %cond3A_96 {
      %add3A_107 = arith.constant 1248 : i32
      %add3A_108 = arith.addi %add3A_107, %add3A : i32
      %mul3A_109 = arith.constant 128 : i32
      %mul3A_110 = arith.muli %add3A_108, %mul3A_109 : i32
      %run_scoped3A_111 = arith.constant 0 : i32
      "tpu.region"() ({
        %run_scoped3A_140 = tpu.sem_alloc : memref<!tpu.dma_semaphore, #tpu.memory_space<semaphore_mem>>
        %dma_start3A_141 = arith.constant 0 : i32
        %dma_start3A_142 = tpu.memref_slice %arg5[%run_scoped3A_111, %dma_start3A_141] : memref<2x128xi32, #tpu.memory_space<vmem>> -> memref<1x128xi32, #tpu.memory_space<vmem>>
        %dma_start3A_143 = tpu.memref_squeeze %dma_start3A_142 : memref<1x128xi32, #tpu.memory_space<vmem>> -> memref<128xi32, #tpu.memory_space<vmem>>
        %dma_start3A_144 = tpu.memref_slice %arg2[%mul3A_110] : memref<160000xi32, #tpu.memory_space<hbm>> -> memref<128xi32, #tpu.memory_space<hbm>>
        %dma_start3A_145 = arith.constant 0 : i32
        %dma_start3A_146 = tpu.memref_slice %arg5[%run_scoped3A_111, %dma_start3A_145] : memref<2x128xi32, #tpu.memory_space<vmem>> -> memref<1x128xi32, #tpu.memory_space<vmem>>
        %dma_start3A_147 = tpu.memref_squeeze %dma_start3A_146 : memref<1x128xi32, #tpu.memory_space<vmem>> -> memref<128xi32, #tpu.memory_space<vmem>>
        %dma_start3A_148 = tpu.memref_slice %arg2[%mul3A_110] : memref<160000xi32, #tpu.memory_space<hbm>> -> memref<128xi32, #tpu.memory_space<hbm>>
        tpu.enqueue_dma source(%dma_start3A_148 : memref<128xi32, #tpu.memory_space<hbm>>) target(%dma_start3A_147 : memref<128xi32, #tpu.memory_space<vmem>>) target_semaphore(%run_scoped3A_140 : memref<!tpu.dma_semaphore, #tpu.memory_space<semaphore_mem>>)
        %dma_wait3A_149 = arith.constant 0 : i32
        %dma_wait3A_150 = tpu.memref_slice %arg5[%run_scoped3A_111, %dma_wait3A_149] : memref<2x128xi32, #tpu.memory_space<vmem>> -> memref<1x128xi32, #tpu.memory_space<vmem>>
        %dma_wait3A_151 = tpu.memref_squeeze %dma_wait3A_150 : memref<1x128xi32, #tpu.memory_space<vmem>> -> memref<128xi32, #tpu.memory_space<vmem>>
        %dma_wait3A_152 = tpu.memref_slice %arg2[%mul3A_110] : memref<160000xi32, #tpu.memory_space<hbm>> -> memref<128xi32, #tpu.memory_space<hbm>>
        %dma_wait3A_153 = arith.constant 0 : i32
        %dma_wait3A_154 = tpu.memref_slice %arg5[%run_scoped3A_111, %dma_wait3A_153] : memref<2x128xi32, #tpu.memory_space<vmem>> -> memref<1x128xi32, #tpu.memory_space<vmem>>
        %dma_wait3A_155 = tpu.memref_squeeze %dma_wait3A_154 : memref<1x128xi32, #tpu.memory_space<vmem>> -> memref<128xi32, #tpu.memory_space<vmem>>
        %dma_wait3A_156 = tpu.memref_slice %arg2[%mul3A_110] : memref<160000xi32, #tpu.memory_space<hbm>> -> memref<128xi32, #tpu.memory_space<hbm>>
        tpu.wait_dma2 semaphore(%run_scoped3A_140 : memref<!tpu.dma_semaphore, #tpu.memory_space<semaphore_mem>>) src(%dma_wait3A_156 : memref<128xi32, #tpu.memory_space<hbm>>) dst(%dma_wait3A_155 : memref<128xi32, #tpu.memory_space<vmem>>)
        tpu.yield
      }) : () -> ()
      %dma_start3A_112 = arith.constant 0 : i32
      %dma_start3A_113 = arith.constant 0 : i32
      %dma_start3A_114 = arith.constant 0 : i32
      %dma_start3A_115 = tpu.memref_slice %arg6[%dma_start3A_112, %dma_start3A_113, %dma_start3A_114] : memref<2x128x128xf32, #tpu.memory_space<vmem>> -> memref<1x128x128xf32, #tpu.memory_space<vmem>>
      %dma_start3A_116 = tpu.memref_squeeze %dma_start3A_115 : memref<1x128x128xf32, #tpu.memory_space<vmem>> -> memref<128x128xf32, #tpu.memory_space<vmem>>
      %dma_start3A_117 = arith.constant 0 : i32
      %dma_start3A_118 = tpu.memref_slice %arg3[%mul3A_110, %dma_start3A_117] : memref<160000x128xf32, #tpu.memory_space<hbm>> -> memref<128x128xf32, #tpu.memory_space<hbm>>
      %dma_start3A_119 = arith.constant 0 : i32
      %dma_start3A_120 = arith.constant 0 : i32
      %dma_start3A_121 = tpu.memref_slice %arg6[%dma_start3A_112, %dma_start3A_119, %dma_start3A_120] : memref<2x128x128xf32, #tpu.memory_space<vmem>> -> memref<1x128x128xf32, #tpu.memory_space<vmem>>
      %dma_start3A_122 = tpu.memref_squeeze %dma_start3A_121 : memref<1x128x128xf32, #tpu.memory_space<vmem>> -> memref<128x128xf32, #tpu.memory_space<vmem>>
      %dma_start3A_123 = arith.constant 0 : i32
      %dma_start3A_124 = tpu.memref_slice %arg3[%mul3A_110, %dma_start3A_123] : memref<160000x128xf32, #tpu.memory_space<hbm>> -> memref<128x128xf32, #tpu.memory_space<hbm>>
      tpu.enqueue_dma source(%dma_start3A_124 : memref<128x128xf32, #tpu.memory_space<hbm>>) target(%dma_start3A_122 : memref<128x128xf32, #tpu.memory_space<vmem>>) target_semaphore(%arg8 : memref<!tpu.dma_semaphore, #tpu.memory_space<semaphore_mem>>)
      %dma_wait3A_125 = arith.constant 0 : i32
      %dma_wait3A_126 = arith.constant 0 : i32
      %dma_wait3A_127 = arith.constant 0 : i32
      %dma_wait3A_128 = tpu.memref_slice %arg6[%dma_wait3A_125, %dma_wait3A_126, %dma_wait3A_127] : memref<2x128x128xf32, #tpu.memory_space<vmem>> -> memref<1x128x128xf32, #tpu.memory_space<vmem>>
      %dma_wait3A_129 = tpu.memref_squeeze %dma_wait3A_128 : memref<1x128x128xf32, #tpu.memory_space<vmem>> -> memref<128x128xf32, #tpu.memory_space<vmem>>
      %dma_wait3A_130 = arith.constant 0 : i32
      %dma_wait3A_131 = tpu.memref_slice %arg3[%mul3A_110, %dma_wait3A_130] : memref<160000x128xf32, #tpu.memory_space<hbm>> -> memref<128x128xf32, #tpu.memory_space<hbm>>
      %dma_wait3A_132 = arith.constant 0 : i32
      %dma_wait3A_133 = arith.constant 0 : i32
      %dma_wait3A_134 = tpu.memref_slice %arg6[%dma_wait3A_125, %dma_wait3A_132, %dma_wait3A_133] : memref<2x128x128xf32, #tpu.memory_space<vmem>> -> memref<1x128x128xf32, #tpu.memory_space<vmem>>
      %dma_wait3A_135 = tpu.memref_squeeze %dma_wait3A_134 : memref<1x128x128xf32, #tpu.memory_space<vmem>> -> memref<128x128xf32, #tpu.memory_space<vmem>>
      %dma_wait3A_136 = arith.constant 0 : i32
      %dma_wait3A_137 = tpu.memref_slice %arg3[%mul3A_110, %dma_wait3A_136] : memref<160000x128xf32, #tpu.memory_space<hbm>> -> memref<128x128xf32, #tpu.memory_space<hbm>>
      tpu.wait_dma2 semaphore(%arg8 : memref<!tpu.dma_semaphore, #tpu.memory_space<semaphore_mem>>) src(%dma_wait3A_137 : memref<128x128xf32, #tpu.memory_space<hbm>>) dst(%dma_wait3A_135 : memref<128x128xf32, #tpu.memory_space<vmem>>)
      %run_scoped3A_138 = arith.constant 0 : i32
      %run_scoped3A_139 = arith.constant 0 : i32
      "tpu.region"() ({
        %run_scoped3A_140 = tpu.sem_alloc : memref<!tpu.dma_semaphore, #tpu.memory_space<semaphore_mem>>
        %dma_start3A_141 = arith.constant 0 : i32
        %dma_start3A_142 = arith.constant 0 : i32
        %dma_start3A_143 = tpu.memref_slice %arg6[%run_scoped3A_138, %dma_start3A_141, %dma_start3A_142] : memref<2x128x128xf32, #tpu.memory_space<vmem>> -> memref<1x128x128xf32, #tpu.memory_space<vmem>>
        %dma_start3A_144 = tpu.memref_squeeze %dma_start3A_143 : memref<1x128x128xf32, #tpu.memory_space<vmem>> -> memref<128x128xf32, #tpu.memory_space<vmem>>
        %dma_start3A_145 = arith.constant 0 : i32
        %dma_start3A_146 = tpu.memref_slice %arg5[%run_scoped3A_139, %dma_start3A_145] : memref<2x128xi32, #tpu.memory_space<vmem>> -> memref<1x128xi32, #tpu.memory_space<vmem>>
        %dma_start3A_147 = tpu.memref_squeeze %dma_start3A_146 : memref<1x128xi32, #tpu.memory_space<vmem>> -> memref<128xi32, #tpu.memory_space<vmem>>
        %dma_start3A_148 = arith.constant 0 : i32
        %dma_start3A_149 = arith.constant 0 : i32
        %dma_start3A_150 = tpu.memref_slice %arg7[%dma_start3A_148, %dma_start3A_149] : memref<10000x128xf32, #tpu.memory_space<vmem_shared>> -> memref<10000x128xf32, #tpu.memory_space<vmem_shared>>
        tpu.enqueue_indirect_dma source(%dma_start3A_144 : memref<128x128xf32, #tpu.memory_space<vmem>>) target(%dma_start3A_150 : memref<10000x128xf32, #tpu.memory_space<vmem_shared>>) offsets(%dma_start3A_147 : memref<128xi32, #tpu.memory_space<vmem>>) semaphore(%run_scoped3A_140 : memref<!tpu.dma_semaphore, #tpu.memory_space<semaphore_mem>>) {add = true}
        %dma_wait3A_151 = arith.constant 0 : i32
        %dma_wait3A_152 = arith.constant 0 : i32
        %dma_wait3A_153 = tpu.memref_slice %arg6[%run_scoped3A_138, %dma_wait3A_151, %dma_wait3A_152] : memref<2x128x128xf32, #tpu.memory_space<vmem>> -> memref<1x128x128xf32, #tpu.memory_space<vmem>>
        %dma_wait3A_154 = tpu.memref_squeeze %dma_wait3A_153 : memref<1x128x128xf32, #tpu.memory_space<vmem>> -> memref<128x128xf32, #tpu.memory_space<vmem>>
        %dma_wait3A_155 = arith.constant 0 : i32
        %dma_wait3A_156 = tpu.memref_slice %arg5[%run_scoped3A_139, %dma_wait3A_155] : memref<2x128xi32, #tpu.memory_space<vmem>> -> memref<1x128xi32, #tpu.memory_space<vmem>>
        %dma_wait3A_157 = tpu.memref_squeeze %dma_wait3A_156 : memref<1x128xi32, #tpu.memory_space<vmem>> -> memref<128xi32, #tpu.memory_space<vmem>>
        %dma_wait3A_158 = arith.constant 0 : i32
        %dma_wait3A_159 = arith.constant 0 : i32
        %dma_wait3A_160 = tpu.memref_slice %arg7[%dma_wait3A_158, %dma_wait3A_159] : memref<10000x128xf32, #tpu.memory_space<vmem_shared>> -> memref<10000x128xf32, #tpu.memory_space<vmem_shared>>
        tpu.wait_indirect_dma semaphore(%run_scoped3A_140 : memref<!tpu.dma_semaphore, #tpu.memory_space<semaphore_mem>>) src(%dma_wait3A_154 : memref<128x128xf32, #tpu.memory_space<vmem>>) dst(%dma_wait3A_160 : memref<10000x128xf32, #tpu.memory_space<vmem_shared>>)
        tpu.yield
      }) : () -> ()
    } else {
    }
    %barrier3A_97 = arith.constant 0 : index
    tpu.barrier barrier_id(%barrier3A_97)
    %while3A_98 = arith.constant 0 : i32
    %while3A_99 = arith.subi %select_n3A, %while3A_98 : i32
    %while3A_100 = arith.addi %while3A_98, %while3A_99 : i32
    %while3A_101 = arith.constant 1 : i32
    %while3A_102 = arith.divsi %while3A_99, %while3A_101 : i32
    %while3A_103 = arith.muli %while3A_102, %while3A_101 : i32
    %while3A_104 = arith.addi %while3A_98, %while3A_103 : i32
    %while3A_105 = arith.constant 1 : i32
    scf.for %while3A_107 = %while3A_98 to %while3A_104 step %while3A_105  : i32 {
      %mul3A_108 = arith.constant 16 : i32
      %mul3A_109 = arith.muli %mul3A_108, %while3A_107 : i32
      %add3A_110 = arith.addi %arg1, %mul3A_109 : i32
      %mul3A_111 = arith.constant 80 : i32
      %mul3A_112 = arith.muli %add3A_110, %mul3A_111 : i32
      "tpu.region"() ({
        %run_scoped3A_113 = tpu.sem_alloc : memref<!tpu.dma_semaphore, #tpu.memory_space<semaphore_mem>>
        %dma_start3A_114 = arith.constant 0 : i32
        %dma_start3A_115 = tpu.memref_slice %arg4[%arg0, %mul3A_112, %dma_start3A_114] : memref<2x10000x128xf32, #tpu.memory_space<hbm>> -> memref<1x80x128xf32, #tpu.memory_space<hbm>>
        %dma_start3A_116 = tpu.memref_squeeze %dma_start3A_115 : memref<1x80x128xf32, #tpu.memory_space<hbm>> -> memref<80x128xf32, #tpu.memory_space<hbm>>
        %dma_start3A_117 = arith.constant 0 : i32
        %dma_start3A_118 = tpu.memref_slice %arg7[%mul3A_112, %dma_start3A_117] : memref<10000x128xf32, #tpu.memory_space<vmem_shared>> -> memref<80x128xf32, #tpu.memory_space<vmem_shared>>
        tpu.enqueue_dma source(%dma_start3A_118 : memref<80x128xf32, #tpu.memory_space<vmem_shared>>) target(%dma_start3A_116 : memref<80x128xf32, #tpu.memory_space<hbm>>) target_semaphore(%run_scoped3A_113 : memref<!tpu.dma_semaphore, #tpu.memory_space<semaphore_mem>>)
        %dma_wait3A_119 = arith.constant 0 : i32
        %dma_wait3A_120 = tpu.memref_slice %arg4[%arg0, %mul3A_112, %dma_wait3A_119] : memref<2x10000x128xf32, #tpu.memory_space<hbm>> -> memref<1x80x128xf32, #tpu.memory_space<hbm>>
        %dma_wait3A_121 = tpu.memref_squeeze %dma_wait3A_120 : memref<1x80x128xf32, #tpu.memory_space<hbm>> -> memref<80x128xf32, #tpu.memory_space<hbm>>
        %dma_wait3A_122 = arith.constant 0 : i32
        %dma_wait3A_123 = tpu.memref_slice %arg7[%mul3A_112, %dma_wait3A_122] : memref<10000x128xf32, #tpu.memory_space<vmem_shared>> -> memref<80x128xf32, #tpu.memory_space<vmem_shared>>
        tpu.wait_dma2 semaphore(%run_scoped3A_113 : memref<!tpu.dma_semaphore, #tpu.memory_space<semaphore_mem>>) src(%dma_wait3A_123 : memref<80x128xf32, #tpu.memory_space<vmem_shared>>) dst(%dma_wait3A_121 : memref<80x128xf32, #tpu.memory_space<hbm>>)
        tpu.yield
      }) : () -> ()
    }
    %while3A_106 = arith.constant 1 : i32
    scf.for %while3A_107 = %while3A_104 to %while3A_100 step %while3A_106  : i32 {
      %mul3A_108 = arith.constant 16 : i32
      %mul3A_109 = arith.muli %mul3A_108, %while3A_107 : i32
      %add3A_110 = arith.addi %arg1, %mul3A_109 : i32
      %mul3A_111 = arith.constant 80 : i32
      %mul3A_112 = arith.muli %add3A_110, %mul3A_111 : i32
      "tpu.region"() ({
        %run_scoped3A_113 = tpu.sem_alloc : memref<!tpu.dma_semaphore, #tpu.memory_space<semaphore_mem>>
        %dma_start3A_114 = arith.constant 0 : i32
        %dma_start3A_115 = tpu.memref_slice %arg4[%arg0, %mul3A_112, %dma_start3A_114] : memref<2x10000x128xf32, #tpu.memory_space<hbm>> -> memref<1x80x128xf32, #tpu.memory_space<hbm>>
        %dma_start3A_116 = tpu.memref_squeeze %dma_start3A_115 : memref<1x80x128xf32, #tpu.memory_space<hbm>> -> memref<80x128xf32, #tpu.memory_space<hbm>>
        %dma_start3A_117 = arith.constant 0 : i32
        %dma_start3A_118 = tpu.memref_slice %arg7[%mul3A_112, %dma_start3A_117] : memref<10000x128xf32, #tpu.memory_space<vmem_shared>> -> memref<80x128xf32, #tpu.memory_space<vmem_shared>>
        tpu.enqueue_dma source(%dma_start3A_118 : memref<80x128xf32, #tpu.memory_space<vmem_shared>>) target(%dma_start3A_116 : memref<80x128xf32, #tpu.memory_space<hbm>>) target_semaphore(%run_scoped3A_113 : memref<!tpu.dma_semaphore, #tpu.memory_space<semaphore_mem>>)
        %dma_wait3A_119 = arith.constant 0 : i32
        %dma_wait3A_120 = tpu.memref_slice %arg4[%arg0, %mul3A_112, %dma_wait3A_119] : memref<2x10000x128xf32, #tpu.memory_space<hbm>> -> memref<1x80x128xf32, #tpu.memory_space<hbm>>
        %dma_wait3A_121 = tpu.memref_squeeze %dma_wait3A_120 : memref<1x80x128xf32, #tpu.memory_space<hbm>> -> memref<80x128xf32, #tpu.memory_space<hbm>>
        %dma_wait3A_122 = arith.constant 0 : i32
        %dma_wait3A_123 = tpu.memref_slice %arg7[%mul3A_112, %dma_wait3A_122] : memref<10000x128xf32, #tpu.memory_space<vmem_shared>> -> memref<80x128xf32, #tpu.memory_space<vmem_shared>>
        tpu.wait_dma2 semaphore(%run_scoped3A_113 : memref<!tpu.dma_semaphore, #tpu.memory_space<semaphore_mem>>) src(%dma_wait3A_123 : memref<80x128xf32, #tpu.memory_space<vmem_shared>>) dst(%dma_wait3A_121 : memref<80x128xf32, #tpu.memory_space<hbm>>)
        tpu.yield
      }) : () -> ()
    }
    return
  }
}

module attributes {stable_mosaic.version = 14 : i64} {
  func.func @_node_mlp_body(%arg0: i32, %arg1: memref<2000x128xf32, #tpu.memory_space<vmem>>, %arg2: memref<128x128xf32, #tpu.memory_space<vmem>>, %arg3: memref<2000x128xf32, #tpu.memory_space<vmem>>) attributes {dimension_semantics = [#tpu.dimension_semantics<arbitrary>], iteration_bounds = array<i64: 5>, scalar_prefetch = 0 : i64, scratch_operands = 0 : i64, tpu.core_type = #tpu.core_type<tc>, window_params = [{transform_indices = @transform_0, window_bounds = array<i64: 2000, 128>}, {pipeline_mode = #tpu.pipeline_mode<synchronous>, transform_indices = @transform_1, window_bounds = array<i64: 128, 128>}, {transform_indices = @transform_2, window_bounds = array<i64: 2000, 128>}]} {
    %get3A = arith.constant 0 : index
    %get3A_0 = arith.constant 0 : index
    %get3A_1 = vector.load %arg1[%get3A, %get3A_0] : memref<2000x128xf32, #tpu.memory_space<vmem>>, vector<2000x128xf32>
    %get3A_2 = arith.constant 0 : index
    %get3A_3 = arith.constant 0 : index
    %get3A_4 = vector.load %arg2[%get3A_2, %get3A_3] : memref<128x128xf32, #tpu.memory_space<vmem>>, vector<128x128xf32>
    %dot_general3A = arith.constant dense<0.000000e+00> : vector<2000x128xf32>
    %dot_general3A_5 = tpu.matmul %get3A_1, %get3A_4, %dot_general3A {dimension_numbers = #tpu.dot_dimension_numbers<[1], [0], [0], [1], [0, 0, 1, 1], [], []>, transpose_lhs_hint = false} : vector<2000x128xf32>, vector<128x128xf32>, vector<2000x128xf32> -> vector<2000x128xf32>
    %swap3A = arith.constant 0 : index
    %swap3A_6 = arith.constant 0 : index
    %swap3A_7 = vector.load %arg3[%swap3A, %swap3A_6] : memref<2000x128xf32, #tpu.memory_space<vmem>>, vector<2000x128xf32>
    tpu.vector_store %arg3[%swap3A, %swap3A_6], %dot_general3A_5 {strides = array<i32>} : memref<2000x128xf32, #tpu.memory_space<vmem>>, vector<2000x128xf32>,
    return
  }
  func.func @transform_0(%arg0: i32) -> (i32, i32) {
    %c0_i32 = arith.constant 0 : i32
    %c0_i32_0 = arith.constant 0 : i32
    return %arg0, %c0_i32 : i32, i32
  }
  func.func @transform_1(%arg0: i32) -> (i32, i32) {
    %c0_i32 = arith.constant 0 : i32
    %c0_i32_0 = arith.constant 0 : i32
    %c0_i32_1 = arith.constant 0 : i32
    return %c0_i32, %c0_i32_0 : i32, i32
  }
  func.func @transform_2(%arg0: i32) -> (i32, i32) {
    %c0_i32 = arith.constant 0 : i32
    %c0_i32_0 = arith.constant 0 : i32
    return %arg0, %c0_i32 : i32, i32
  }
}

module attributes {stable_mosaic.version = 14 : i64} {
  func.func @_wcomb_body(%arg0: i32, %arg1: memref<1x128x128xf32, #tpu.memory_space<vmem>>, %arg2: memref<128x128xf32, #tpu.memory_space<vmem>>, %arg3: memref<128x128xbf16, #tpu.memory_space<vmem>>) attributes {dimension_semantics = [#tpu.dimension_semantics<arbitrary>], iteration_bounds = array<i64: 4>, scalar_prefetch = 0 : i64, scratch_operands = 0 : i64, tpu.core_type = #tpu.core_type<tc>, window_params = [{transform_indices = @transform_0, window_bounds = array<i64: 1, 128, 128>}, {pipeline_mode = #tpu.pipeline_mode<synchronous>, transform_indices = @transform_1, window_bounds = array<i64: 128, 128>}, {transform_indices = @transform_2, window_bounds = array<i64: 128, 128>}]} {
    %get3A = arith.constant 0 : index
    %get3A_0 = arith.constant 0 : index
    %get3A_1 = arith.constant 0 : index
    %get3A_2 = vector.load %arg1[%get3A, %get3A_0, %get3A_1] : memref<1x128x128xf32, #tpu.memory_space<vmem>>, vector<1x128x128xf32>
    %get3A_3 = vector.shape_cast %get3A_2 : vector<1x128x128xf32> to vector<128x128xf32>
    %get3A_4 = arith.constant 0 : index
    %get3A_5 = arith.constant 0 : index
    %get3A_6 = vector.load %arg2[%get3A_4, %get3A_5] : memref<128x128xf32, #tpu.memory_space<vmem>>, vector<128x128xf32>
    %dot_general3A = arith.constant dense<0.000000e+00> : vector<128x128xf32>
    %dot_general3A_7 = tpu.matmul %get3A_3, %get3A_6, %dot_general3A {dimension_numbers = #tpu.dot_dimension_numbers<[1], [0], [0], [1], [0, 0, 1, 1], [], []>, transpose_lhs_hint = false} : vector<128x128xf32>, vector<128x128xf32>, vector<128x128xf32> -> vector<128x128xf32>
    %convert_element_type3A = arith.truncf %dot_general3A_7 : vector<128x128xf32> to vector<128x128xbf16>
    %swap3A = arith.constant 0 : index
    %swap3A_8 = arith.constant 0 : index
    %swap3A_9 = vector.load %arg3[%swap3A, %swap3A_8] : memref<128x128xbf16, #tpu.memory_space<vmem>>, vector<128x128xbf16>
    tpu.vector_store %arg3[%swap3A, %swap3A_8], %convert_element_type3A {strides = array<i32>} : memref<128x128xbf16, #tpu.memory_space<vmem>>, vector<128x128xbf16>,
    return
  }
  func.func @transform_0(%arg0: i32) -> (i32, i32, i32) {
    %c0_i32 = arith.constant 0 : i32
    %c0_i32_0 = arith.constant 0 : i32
    %c0_i32_1 = arith.constant 0 : i32
    return %arg0, %c0_i32, %c0_i32_0 : i32, i32, i32
  }
  func.func @transform_1(%arg0: i32) -> (i32, i32) {
    %c0_i32 = arith.constant 0 : i32
    %c0_i32_0 = arith.constant 0 : i32
    %c0_i32_1 = arith.constant 0 : i32
    return %c0_i32, %c0_i32_0 : i32, i32
  }
  func.func @transform_2(%arg0: i32) -> (i32, i32) {
    %c0_i32 = arith.constant 0 : i32
    %c0_i32_0 = arith.constant 0 : i32
    return %c0_i32, %arg0 : i32, i32
  }
}

module attributes {stable_mosaic.version = 14 : i64} {
  func.func @_combine_body(%arg0: i32, %arg1: memref<2x2000x128xf32, #tpu.memory_space<vmem>>, %arg2: memref<2000x128xf32, #tpu.memory_space<vmem>>) attributes {dimension_semantics = [#tpu.dimension_semantics<arbitrary>], iteration_bounds = array<i64: 5>, scalar_prefetch = 0 : i64, scratch_operands = 0 : i64, tpu.core_type = #tpu.core_type<tc>, window_params = [{transform_indices = @transform_0, window_bounds = array<i64: 2, 2000, 128>}, {transform_indices = @transform_1, window_bounds = array<i64: 2000, 128>}]} {
    %get3A = arith.constant 0 : index
    %get3A_0 = arith.constant 0 : index
    %get3A_1 = arith.constant 0 : index
    %get3A_2 = vector.load %arg1[%get3A, %get3A_0, %get3A_1] : memref<2x2000x128xf32, #tpu.memory_space<vmem>>, vector<1x2000x128xf32>
    %get3A_3 = vector.shape_cast %get3A_2 : vector<1x2000x128xf32> to vector<2000x128xf32>
    %get3A_4 = arith.constant 1 : index
    %get3A_5 = arith.constant 0 : index
    %get3A_6 = arith.constant 0 : index
    %get3A_7 = vector.load %arg1[%get3A_4, %get3A_5, %get3A_6] : memref<2x2000x128xf32, #tpu.memory_space<vmem>>, vector<1x2000x128xf32>
    %get3A_8 = vector.shape_cast %get3A_7 : vector<1x2000x128xf32> to vector<2000x128xf32>
    %add3A = arith.addf %get3A_3, %get3A_8 : vector<2000x128xf32>
    %swap3A = arith.constant 0 : index
    %swap3A_9 = arith.constant 0 : index
    %swap3A_10 = vector.load %arg2[%swap3A, %swap3A_9] : memref<2000x128xf32, #tpu.memory_space<vmem>>, vector<2000x128xf32>
    tpu.vector_store %arg2[%swap3A, %swap3A_9], %add3A {strides = array<i32>} : memref<2000x128xf32, #tpu.memory_space<vmem>>, vector<2000x128xf32>,
    return
  }
  func.func @transform_0(%arg0: i32) -> (i32, i32, i32) {
    %c0_i32 = arith.constant 0 : i32
    %c0_i32_0 = arith.constant 0 : i32
    %c0_i32_1 = arith.constant 0 : i32
    return %c0_i32, %arg0, %c0_i32_0 : i32, i32, i32
  }
  func.func @transform_1(%arg0: i32) -> (i32, i32) {
    %c0_i32 = arith.constant 0 : i32
    %c0_i32_0 = arith.constant 0 : i32
    return %arg0, %c0_i32 : i32, i32
  }
}

module attributes {stable_mosaic.version = 14 : i64} {
  func.func @_edge_mlp_body(%arg0: i32, %arg1: memref<8000x128xf32, #tpu.memory_space<vmem>>, %arg2: memref<8000x4xf32, #tpu.memory_space<vmem>>, %arg3: memref<128x512xbf16, #tpu.memory_space<vmem>>, %arg4: memref<8000x128xf32, #tpu.memory_space<vmem>>) attributes {dimension_semantics = [#tpu.dimension_semantics<arbitrary>], iteration_bounds = array<i64: 20>, scalar_prefetch = 0 : i64, scratch_operands = 0 : i64, tpu.core_type = #tpu.core_type<tc>, window_params = [{transform_indices = @transform_0, window_bounds = array<i64: 8000, 128>}, {transform_indices = @transform_1, window_bounds = array<i64: 8000, 4>}, {pipeline_mode = #tpu.pipeline_mode<synchronous>, transform_indices = @transform_2, window_bounds = array<i64: 128, 512>}, {transform_indices = @transform_3, window_bounds = array<i64: 8000, 128>}]} {
    %get3A = arith.constant 0 : index
    %get3A_0 = arith.constant 0 : index
    %get3A_1 = vector.load %arg1[%get3A, %get3A_0] : memref<8000x128xf32, #tpu.memory_space<vmem>>, vector<8000x128xf32>
    %convert_element_type3A = arith.truncf %get3A_1 : vector<8000x128xf32> to vector<8000x128xbf16>
    %get3A_2 = arith.constant 0 : index
    %get3A_3 = arith.constant 0 : index
    %get3A_4 = vector.load %arg3[%get3A_2, %get3A_3] : memref<128x512xbf16, #tpu.memory_space<vmem>>, vector<128x512xbf16>
    %dot_general3A = arith.constant dense<0.000000e+00> : vector<8000x512xf32>
    %dot_general3A_5 = tpu.matmul %convert_element_type3A, %get3A_4, %dot_general3A {dimension_numbers = #tpu.dot_dimension_numbers<[1], [0], [0], [1], [0, 0, 1, 1], [], []>, transpose_lhs_hint = false} : vector<8000x128xbf16>, vector<128x512xbf16>, vector<8000x512xf32> -> vector<8000x512xf32>
    %slice3A = vector.extract_strided_slice %dot_general3A_5 {offsets = [0, 0], sizes = [8000, 128], strides = [1, 1]} : vector<8000x512xf32> to vector<8000x128xf32>
    %get3A_6 = arith.constant 0 : index
    %get3A_7 = arith.constant 0 : index
    %get3A_8 = vector.load %arg2[%get3A_6, %get3A_7] : memref<8000x4xf32, #tpu.memory_space<vmem>>, vector<8000x1xf32>
    %mul3A = vector.broadcast %get3A_8 : vector<8000x1xf32> to vector<8000x128xf32>
    %mul3A_9 = arith.mulf %slice3A, %mul3A : vector<8000x128xf32>
    %slice3A_10 = vector.extract_strided_slice %dot_general3A_5 {offsets = [0, 128], sizes = [8000, 128], strides = [1, 1]} : vector<8000x512xf32> to vector<8000x128xf32>
    %get3A_11 = arith.constant 0 : index
    %get3A_12 = arith.constant 1 : index
    %get3A_13 = vector.load %arg2[%get3A_11, %get3A_12] : memref<8000x4xf32, #tpu.memory_space<vmem>>, vector<8000x1xf32>
    %mul3A_14 = vector.broadcast %get3A_13 : vector<8000x1xf32> to vector<8000x128xf32>
    %mul3A_15 = arith.mulf %slice3A_10, %mul3A_14 : vector<8000x128xf32>
    %add3A = arith.addf %mul3A_9, %mul3A_15 : vector<8000x128xf32>
    %slice3A_16 = vector.extract_strided_slice %dot_general3A_5 {offsets = [0, 256], sizes = [8000, 128], strides = [1, 1]} : vector<8000x512xf32> to vector<8000x128xf32>
    %get3A_17 = arith.constant 0 : index
    %get3A_18 = arith.constant 2 : index
    %get3A_19 = vector.load %arg2[%get3A_17, %get3A_18] : memref<8000x4xf32, #tpu.memory_space<vmem>>, vector<8000x1xf32>
    %mul3A_20 = vector.broadcast %get3A_19 : vector<8000x1xf32> to vector<8000x128xf32>
    %mul3A_21 = arith.mulf %slice3A_16, %mul3A_20 : vector<8000x128xf32>
    %add3A_22 = arith.addf %add3A, %mul3A_21 : vector<8000x128xf32>
    %slice3A_23 = vector.extract_strided_slice %dot_general3A_5 {offsets = [0, 384], sizes = [8000, 128], strides = [1, 1]} : vector<8000x512xf32> to vector<8000x128xf32>
    %get3A_24 = arith.constant 0 : index
    %get3A_25 = arith.constant 3 : index
    %get3A_26 = vector.load %arg2[%get3A_24, %get3A_25] : memref<8000x4xf32, #tpu.memory_space<vmem>>, vector<8000x1xf32>
    %mul3A_27 = vector.broadcast %get3A_26 : vector<8000x1xf32> to vector<8000x128xf32>
    %mul3A_28 = arith.mulf %slice3A_23, %mul3A_27 : vector<8000x128xf32>
    %add3A_29 = arith.addf %add3A_22, %mul3A_28 : vector<8000x128xf32>
    %swap3A = arith.constant 0 : index
    %swap3A_30 = arith.constant 0 : index
    %swap3A_31 = vector.load %arg4[%swap3A, %swap3A_30] : memref<8000x128xf32, #tpu.memory_space<vmem>>, vector<8000x128xf32>
    tpu.vector_store %arg4[%swap3A, %swap3A_30], %add3A_29 {strides = array<i32>} : memref<8000x128xf32, #tpu.memory_space<vmem>>, vector<8000x128xf32>,
    return
  }
  func.func @transform_0(%arg0: i32) -> (i32, i32) {
    %c0_i32 = arith.constant 0 : i32
    %c0_i32_0 = arith.constant 0 : i32
    return %arg0, %c0_i32 : i32, i32
  }
  func.func @transform_1(%arg0: i32) -> (i32, i32) {
    %c0_i32 = arith.constant 0 : i32
    %c0_i32_0 = arith.constant 0 : i32
    return %arg0, %c0_i32 : i32, i32
  }
  func.func @transform_2(%arg0: i32) -> (i32, i32) {
    %c0_i32 = arith.constant 0 : i32
    %c0_i32_0 = arith.constant 0 : i32
    %c0_i32_1 = arith.constant 0 : i32
    return %c0_i32, %c0_i32_0 : i32, i32
  }
  func.func @transform_3(%arg0: i32) -> (i32, i32) {
    %c0_i32 = arith.constant 0 : i32
    %c0_i32_0 = arith.constant 0 : i32
    return %arg0, %c0_i32 : i32, i32
  }
}

</mosaic_0001>

<sc_bundles>
// kernel: kernel.11.cloned.1.call-start
scs
__scs_entry_jumppad:
0x0: {  	(pc) =	sbr.rel $0x88, $3  }
0x1: {  	(tag) =	ssettag $0x0;
	lr =	simm.s32 $0x1  }
0x2: {  	[smem:$0x3F9A] =	sst lr;
	_ =	strace $0xD0000000  }
0x3: {  	_ = 	snop  }
0x4: {  	_ = 	snop  }
0x5: {  	_ = 	snop  }
0x6: {  	_ = 	snop  }
0x7: {  	_ = 	snop  }
__scs_overlays_trampoline_lowered:
0x8: {  	[smem:$0x3FA9] =	sst s0  }
0x9: {  	[smem:$0x3FAA] =	sst s1  }
0xa: {  	[smem:$0x3FAB] =	sst s2  }
0xb: {  	[smem:$0x3FAC] =	sst s3  }
0xc: {  	[smem:$0x3FAD] =	sst s4  }
0xd: {  	[smem:$0x3FAE] =	sst s5  }
0xe: {  	[smem:$0x3FAF] =	sst s6  }
0xf: {  	[smem:$0x3FB0] =	sst s7  }
0x10: {  	[smem:$0x3FB1] =	sst s8  }
0x11: {  	[smem:$0x3FB2] =	sst s9;
	s0 =	simm.s32 @!p0 $0x0  }
0x12: {  	s1 =	sld [smem:$0x3F98];
	s0 =	simm.s32 @p0 $0x1  }
0x13: {  	[smem:$0x3FB3] =	sst s0;
	s0 =	simm.s32 @!p1 $0x0  }
0x14: {  	s2 =	sld [smem:$0x3F97];
	s0 =	simm.s32 @p1 $0x1  }
0x15: {  	[smem:$0x3FB4] =	sst s0;
	s0 =	simm.s32 @!p2 $0x0  }
0x16: {  	s3 =	sld [smem:$0x3FDB];
	s0 =	simm.s32 @p2 $0x1  }
0x17: {  	s4 =	simm.s32 $0x1BF5;
	[smem:$0x3FB6] =	sst s0  }
0x18: {  	s0 =	sld [smem:$0x3F99];
	_ =	swait.ge [sflag:s4], $0x0  }
0x19: {  	s7 =	sld [smem:$0x3F9A]  }
0x1a: {  	s8 =	sadd.s32 $0xFFFFE003, lr  }
0x1b: {  	s9 =	sadd.s32 $0xFFFFFEF7, lr;
	s5 =	simm.s32 $0xFFFFFFFF;
	p2 =	slt.u32 s8, $0xFFFFF086  }
0x1c: {  	p1 =	slt.u32 s9, $0xF7A;
	s5 =	simm.s32 @!p2 $0x0  }
0x1d: {  	s5 =	simm.s32 @p1 $0x1;
	p0 =	seq.s32 s7, s2  }
0x1e: {  	s7 =	smul.u32 @!p0 $0xF7A, s2;
	p2 =	seq.s32 @!p0 s5, $0x0  }
0x1f: {  	s9 =	smul.u32 $0xF7A, s1;
	s8 =	simm.s32 @!p0 $0x1BF5;
	p2 =	por !p2, p0  }
0x20: {  	[sflag:s8] =	ssyncset.s32 @!p0 $0xFFFFF086;
	s6 =	sadd.s32 @!p0 s3, s7;
	s7 =	simm.s32 @!p0 $0x108  }
0x21: {  	s3 =	sadd.s32 s3, s9;
	s6 =	sadd.s32 @!p0 $0x88, s6;
	s7 =	simm.s32 @p2 $0x1082  }
0x22: {  	[simem:s7], [sflag:s8] =	dma.local @!p0 [hbm:s6], $0xF7A  }
0x23: {  	s9 =	sor.u32 $0xD0000000, s2;
	s6 =	simm.s32 $0x108;
	_ =	swait.ge @!p0 [sflag:s8], $0x0  }
0x24: {  	s3 =	sadd.s32 $0x88, s3;
	s6 =	simm.s32 @!p1 $0x1082;
	[sflag:s4] =	ssyncset.s32 $0xFFFFF086  }
0x25: {  	[simem:s6], [sflag:s4] =	dma.local [hbm:s3], $0xF7A  }
0x26: {  	[smem:$0x3F9A] =	sst s1;
	(tag) =	ssettag s2;
	_ =	strace s9  }
0x27: {  	s1 =	sld [smem:$0x3FAA]  }
0x28: {  	s2 =	sld [smem:$0x3FAB]  }
0x29: {  	s4 =	sld [smem:$0x3FAD]  }
0x2a: {  	p0 =	seq.s32 s5, $0x0;
	s5 =	sld [smem:$0x3FAE]  }
0x2b: {  	s6 =	sld [smem:$0x3FAF]  }
0x2c: {  	s7 =	sld [smem:$0x3FB0]  }
0x2d: {  	s3 =	simm.s32 $0x108;
	s8 =	sld [smem:$0x3FB1]  }
0x2e: {  	s3 =	simm.s32 @!p0 $0x1082;
	s9 =	sld [smem:$0x3FB2]  }
0x2f: {  	lr =	sadd.s32 s0, s3;
	s0 =	sld [smem:$0x3FA9]  }
0x30: {  	s3 =	sld [smem:$0x3FAC]  }
0x31: {  	[smem:$0x3FB5] =	sst s10  }
0x32: {  	s10 =	sld [smem:$0x3FB3];
	_ =	sdelay $0x3  }
0x33: {  	p0 =	seq.s32 s10, $0x1;
	s10 =	sld [smem:$0x3FB5];
	_ =	sdelay $0x3  }
0x34: {  	[smem:$0x3FB5] =	sst s10  }
0x35: {  	s10 =	sld [smem:$0x3FB4];
	_ =	sdelay $0x3  }
0x36: {  	p1 =	seq.s32 s10, $0x1;
	s10 =	sld [smem:$0x3FB5];
	_ =	sdelay $0x3  }
0x37: {  	[smem:$0x3FB5] =	sst s10  }
0x38: {  	s10 =	sld [smem:$0x3FB6]  }
0x39: {  	_ = 	snop;
	(pc) =	sbr.ind lr, $3  }
0x3a: {  	_ = 	snop  }
0x3b: {  	_ = 	snop  }
0x3c: {  	p2 =	seq.s32 s10, $0x1;
	s10 =	sld [smem:$0x3FB5]  }
0x3d: {  	_ =	shalt  }
0x3e: {  	_ =	shalt  }
0x3f: {  	_ =	shalt  }
0x40: {  	_ =	shalt  }
0x41: {  	_ =	shalt  }
0x42: {  	_ =	shalt  }
0x43: {  	_ =	shalt  }
0x44: {  	_ =	shalt  }
0x45: {  	_ =	shalt  }
0x46: {  	_ =	shalt  }
0x47: {  	_ =	shalt  }
0x48: {  	_ =	shalt  }
0x49: {  	_ =	shalt  }
0x4a: {  	_ =	shalt  }
0x4b: {  	_ =	shalt  }
0x4c: {  	_ =	shalt  }
0x4d: {  	_ =	shalt  }
0x4e: {  	_ =	shalt  }
0x4f: {  	_ =	shalt  }
0x50: {  	_ =	shalt  }
0x51: {  	_ =	shalt  }
0x52: {  	_ =	shalt  }
0x53: {  	_ =	shalt  }
0x54: {  	_ =	shalt  }
0x55: {  	_ =	shalt  }
0x56: {  	_ =	shalt  }
0x57: {  	_ =	shalt  }
0x58: {  	_ =	shalt  }
0x59: {  	_ =	shalt  }
0x5a: {  	_ =	shalt  }
0x5b: {  	_ =	shalt  }
0x5c: {  	_ =	shalt  }
0x5d: {  	_ =	shalt  }
0x5e: {  	_ =	shalt  }
0x5f: {  	_ =	shalt  }
0x60: {  	_ =	shalt  }
0x61: {  	_ =	shalt  }
0x62: {  	_ =	shalt  }
0x63: {  	_ =	shalt  }
0x64: {  	_ =	shalt  }
0x65: {  	_ =	shalt  }
0x66: {  	_ =	shalt  }
0x67: {  	_ =	shalt  }
0x68: {  	_ =	shalt  }
0x69: {  	_ =	shalt  }
0x6a: {  	_ =	shalt  }
0x6b: {  	_ =	shalt  }
0x6c: {  	_ =	shalt  }
0x6d: {  	_ =	shalt  }
0x6e: {  	_ =	shalt  }
0x6f: {  	_ =	shalt  }
0x70: {  	_ =	shalt  }
0x71: {  	_ =	shalt  }
0x72: {  	_ =	shalt  }
0x73: {  	_ =	shalt  }
0x74: {  	_ =	shalt  }
0x75: {  	_ =	shalt  }
0x76: {  	_ =	shalt  }
0x77: {  	_ =	shalt  }
0x78: {  	_ =	shalt  }
0x79: {  	_ =	shalt  }
0x7a: {  	_ =	shalt  }
0x7b: {  	_ =	shalt  }
0x7c: {  	_ =	shalt  }
0x7d: {  	_ =	shalt  }
0x7e: {  	_ =	shalt  }
0x7f: {  	_ =	shalt  }
0x80: {  	_ =	shalt  }
0x81: {  	_ =	shalt  }
0x82: {  	_ =	shalt  }
0x83: {  	_ =	shalt  }
0x84: {  	_ =	shalt  }
0x85: {  	_ =	shalt  }
0x86: {  	_ =	shalt  }
0x87: {  	_ =	shalt  }
.Lfunc_end0:
.L_simem_size_0:
called_computation.1_lowered:
.L_overlay_start_0:
0x88: {  	s2 =	sld [smem:$0x3FD9]  }
0x89: {  	s3 =	sld [smem:$0x3FFE];
	_ =	sdelay $0x1  }
0x8a: {  	s1 =	srdreg.scid  }
0x8b: {  	s0 =	sand.u32 $0x1, s1  }
0x8c: {  	s14 =	sshll.u32 s0, $0xA;
	s2 =	sadd.s32 s3, s2  }
0x8d: {  	s2 =	sadd.s32 s2, s14  }
0x8e: {  	[smem:$0x3FC1] =	sst s2  }
0x8f: {  	_ = 	snop  }
0x90: {  	s2 =	sld [smem:$0x3FD0];
	_ =	sdelay $0x2  }
0x91: {  	s4 =	simm.s32 $0xA;
	s5 =	simm.s32 $0x10;
	s15 =	sld [smem:$0x3FC9]  }
0x92: {  	[smem:s5], [sflag:s4] =	dma.local [hbm:s2], $0x1  }
0x93: {  	_ =	swait.eq [sflag:s4], $0x1  }
0x94: {  	[sflag:s4] =	ssyncset.done $0x0  }
0x95: {  	[sflag:s4] =	ssyncadd.s32 $0xFFFFFFFF  }
0x96: {  	s16 =	sld [smem:$0x11];
	(tm) =	ssettm $0x1  }
0x97: {  	s17 =	sld [smem:$0x3FFB];
	_ =	sdelay $0x3  }
0x98: {  	_ =	strace s17  }
0x99: {  	s4 =	sld [smem:$0x3FFC];
	_ =	sdelay $0x3  }
0x9a: {  	_ =	strace s4  }
0x9b: {  	s4 =	sld [smem:$0x3FFD];
	_ =	sdelay $0x3  }
0x9c: {  	_ =	strace s4  }
0x9d: {  	_ =	strace $0x8FFFFFFF  }
0x9e: {  	s18 =	sld [smem:$0x3FDB];
	_ =	sdelay $0x1  }
0x9f: {  	s19 =	simm.s32 $_scs_section_size  }
0xa0: {  	s6 =	simm.s32 $_size__tile_overlayer_lowered;
	s7 =	simm.s32 $_tile_overlayer_lowered  }
0xa1: {  	s22 =	simm.s32 $0x1BFF;
	s21 =	sshll.u32 s7, $0x1;
	s4 =	sadd.s32 s19, s18  }
0xa2: {  	s8 =	simm.s32 $0x0;
	s20 =	sshll.u32 s6, $0x1;
	s6 =	sadd.s32 s21, s4  }
0xa3: {  	[timem:s8], [sflag:s22] =	dma.local [hbm:s6], s20  }
0xa4: {  	_ =	swait.ge [sflag:s22], s20  }
0xa5: {  	s5 =	ssub.s32 $0x0, s20;
	[sflag:s22] =	ssyncset.done $0x0  }
0xa6: {  	[sflag:s22] =	ssyncadd.s32 s5;
	_ =	sdelay $0x1  }
0xa7: {  	s23 =	simm.s32 $0x1B8B  }
0xa8: {  	_ =	swait.ge [sflag:s23], $0x1  }
0xa9: {  	[sflag:s23] =	ssyncset.done $0x0  }
0xaa: {  	s25 =	simm.s32 $0x1B8E;
	s24 =	sld [smem:$0x3FFE];
	[sflag:s23] =	ssyncadd.s32 $0xFFFFFFFF  }
0xab: {  	s26 =	simm.s32 $execute0_lowered;
	[smem:$0x3FD2] =	sst s25  }
0xac: {  	s6 =	sshll.u32 s26, $0x1;
	_ =	strace $0x80000049;
	[dreg:$0x1] =	wrdreg $0xFFFFFFFF  }
0xad: {  	s28 =	simm.s32 $_size_execute0_lowered;
	s4 =	sadd.s32 s4, s6;
	[dreg:$0x0] =	wrdreg $0x0  }
0xae: {  	s6 =	sshll.u32 s28, $0x1;
	[dreg:$0x2] =	wrdreg s4  }
0xaf: {  	[dreg:$0x3] =	wrdreg s6  }
0xb0: {  	[dreg:$0x4] =	wrdreg $0xC0  }
0xb1: {  	_ =	task [dreg:s8], $0x5FFFF  }
0xb2: {  	[dreg:$0x1] =	wrdreg $0xFFFFFFFF  }
0xb3: {  	[dreg:$0x0] =	wrdreg $0x60  }
0xb4: {  	[dreg:$0x2] =	wrdreg s15  }
0xb5: {  	[dreg:$0x3] =	wrdreg s16  }
0xb6: {  	[dreg:$0x4] =	wrdreg s24  }
0xb7: {  	[dreg:$0x5] =	wrdreg $0x81000  }
0xb8: {  	[dreg:$0x6] =	wrdreg $0x9  }
0xb9: {  	_ =	task.clear_ibuf [dreg:s8], $0x7FFFF;
	_ =	strace $0x90000049  }
0xba: {  	s29 =	simm.s32 $0x9;
	_ =	strace $0x8000004B  }
0xbb: {  	_ =	swait.ge [sflag:s29], $0x1  }
0xbc: {  	[sflag:s29] =	ssyncadd.s32 $0xFFFFFFFF  }
0xbd: {  	_ =	strace $0x9000004B  }
0xbe: {  	_ =	sfence  }
0xbf: {  	s30 =	sld [smem:$0x0];
	_ =	sdelay $0x2  }
0xc0: {  	s31 =	sshll.u32 s1, $0xD;
	s1 =	sshrl.u32 s1, $0x2  }
0xc1: {  	s3 =	sand.u32 $0x4000, s31;
	s1 =	sadd.s32 s1, s30  }
0xc2: {  	s0 =	sor.u32 s3, s0;
	s1 =	sshll.u32 s1, $0x11  }
0xc3: {  	s0 =	sor.u32 s1, s0  }
0xc4: {  	s0 =	sadd.s32 $0x8F2B, s0  }
0xc5: {  	[sflag:s0] =	ssyncadd.remote.s32 $0x1  }
0xc6: {  	_ =	sfence.sel $0xFFFF  }
0xc7: {  	[dreg:$0x0] =	wrdreg $0xFFFFFFFF;
	(pc) =	sbr.abs _section_cstart, $3  }
0xc8: {  	[dreg:$0x1] =	wrdreg $0xFFFFFFFF  }
0xc9: {  	_ =	task.clear_ibuf [dreg:s8], $0x2FFFF;
	_ =	strace $0x9FFFFFFF  }
0xca: {  	(tm) =	ssettm $0x7FFFFFFF  }
0xcb: {  	_ =	shalt  }
tec
execute0_lowered:
.L_overlay_start_1:
0x0: {  	(tag) =	ssettag $0x1  }
0x1: {  	s10 =	rddreg [dreg:$0x0]  }
0x2: {  	s11 =	rddreg [dreg:$0x1]  }
0x3: {  	s0 =	srdreg.scid;
	s4 =	rddreg [dreg:$0x2]  }
0x4: {  	s1 =	stileid.u32;
	s2 =	rddreg [dreg:$0x3];
	s3 =	simm.s32 $0x0  }
0x5: {  	s17 =	simm.s32 $0x80;
	s18 =	simm.s32 $0x4100;
	s19 =	simm.s32 $0x2  }
0x6: {  	s20 =	simm.s32 $0x0;
	s12 =	sand.u32 $0x1, s0;
	s0 =	rddreg [dreg:$0x4]  }
0x7: {  	s6 =	smul.u32 $0x2800, s1;
	[smem:$0x7FF] =	sst s3;
	s25 =	sshll.u32 s1, $0x1  }
0x8: {  	s28 =	ssub.s32 $0x8C, s1;
	s15 =	smul.u32 $0xA000, s1;
	s30 =	sshll.u32 s1, $0xC  }
0x9: {  	s16 =	sshll.u32 s1, $0x5;
	p0 =	sne.s32 s1, $0x0;
	s5 =	smul.u32 $0x138800, s12  }
0xa: {  	_ =	strace $0x8000004A;
	s23 =	ssub.s32 $0x2, s12;
	s26 =	sor.u32 s12, s25  }
0xb: {  	s7 =	sshll.u32 s12, $0x7;
	s31 =	sshll.u32 s12, $0xB;
	s16 =	sadd.s32 s16, s10  }
0xc: {  	s12 =	sshll.u32 s12, $0x4;
	s24 =	sshrl.u32 s23, $0x1;
	s7 =	sor.u32 $0x27000, s7  }
0xd: {  	s29 =	sshrl.u32 s15, $0x2;
	s5 =	sadd.s32 s6, s5;
	s9 =	ssub.s32 s23, s24  }
0xe: {  	s6 =	sshll.u32 s26, $0xB;
	s8 =	sshrl.u32 s7, $0x3;
	s14 =	sshll.u32 s7, $0x4  }
0xf: {  	s5 =	sshrl.u32 s5, $0x3;
	s6 =	sadd.s32 s11, s6;
	s7 =	sadd.s32 s10, s8  }
0x10: {  	s8 =	sadd.s32 s11, s14;
	s9 =	smax.u32 s9, $0x1;
	s11 =	sadd.s32 s30, s11  }
0x11: {  	s14 =	simm.s32 $0x100;
	s13 =	sadd.s32 s5, s4;
	s4 =	sshrl.u32 s28, $0x4  }
0x12: {  	s5 =	sshll.u32 s26, $0x4;
	s15 =	sadd.s32 s31, s11;
	s11 =	sadd.s32 s12, s16  }
0x13: {  	s16 =	simm.s32 $0x1;
	s5 =	sadd.s32 s10, s5;
	s10 =	sadd.s32 s29, s2  }
0x14: {  	v0 =	vimm.f32 $0.0e+00;
	s12 =	sadd.s32 $0x10000, s15;
	s13 =	sadd.s32 $0x1600, s13;
	s15 =	simm.s32 $0x3  }
.LBB2_1:
0x15: {  	s21 =	simm.s32 $0x0;
	s22 =	simm.s32 $0x200  }
.LBB2_2:
0x16: {  	p1 =	sne.s32 s22, $0x9E00;
	[tilespmem:s21+$0x170] =	vst v0  }
0x17: {  	[tilespmem:s21+$0x100] =	vst v0  }
0x18: {  	[tilespmem:s21+$0x110] =	vst v0  }
.Ltmp0:
0x19: {  	[tilespmem:s21+$0x120] =	vst v0;
	(pc) =	sbr.rel @p1 .LBB2_2-.Ltmp0, $4  }
0x1a: {  	[tilespmem:s21+$0x130] =	vst v0  }
0x1b: {  	[tilespmem:s21+$0x140] =	vst v0  }
0x1c: {  	[tilespmem:s21+$0x150] =	vst v0  }
0x1d: {  	[tilespmem:s21+$0x160] =	vst v0;
	s21 =	sshra.s32 s22, $0x2;
	s22 =	sadd.s32 $0x200, s22  }
0x1e: {  	[tilespmem:s21+$0x170] =	vst v0  }
0x1f: {  	[tilespmem:s21+$0x100] =	vst v0  }
0x20: {  	[tilespmem:s21+$0x110] =	vst v0  }
0x21: {  	[tilespmem:s21+$0x120] =	vst v0  }
0x22: {  	[tilespmem:s21+$0x130] =	vst v0  }
0x23: {  	[tilespmem:s21+$0x140] =	vst v0;
	p1 =	sne.s32 s4, $0x1  }
.Ltmp1:
0x24: {  	[tilespmem:s21+$0x150] =	vst v0;
	(pc) =	sbr.rel @!p1 .LBB2_5-.Ltmp1, $4  }
0x25: {  	[tilespmem:s21+$0x160] =	vst v0  }
0x26: {  	[spmem:s10] =	stream.linear.scatter [tilespmem:s14], [sflag:$0x3], $0x2800, $0x38;
	[tilespmem:$0x1B980] =	vst v63  }
0x27: {  	_ =	swait.ge [sflag:s15], $0x2800  }
0x28: {  	s21 =	sadd.s32 $0xFFFFFFFF, s4;
	s22 =	smov.u32 s10;
	[sflag:s15] =	ssyncset.done $0x0  }
.LBB2_4:
0x29: {  	p2 =	sne.s32 s21, $0x1;
	[sflag:s15] =	ssyncadd.s32 $0xFFFFD800;
	s22 =	sadd.s32 $0x28000, s22  }
.Ltmp2:
0x2a: {  	s21 =	sadd.s32 $0xFFFFFFFF, s21;
	(pc) =	sbr.rel @p2 .LBB2_4-.Ltmp2, $4  }
0x2b: {  	_ = 	snop  }
0x2c: {  	[spmem:s22] =	stream.linear.scatter [tilespmem:s14], [sflag:$0x3], $0x2800, $0x38;
	[tilespmem:$0x1B980] =	vst v63  }
0x2d: {  	_ =	swait.ge [sflag:s15], $0x2800  }
0x2e: {  	[sflag:s15] =	ssyncset.done $0x0  }
.LBB2_5:
0x2f: {  	[sflag:s15] =	ssyncadd.s32 $0xFFFFD800  }
0x30: {  	s21 =	simm.s32 $0x0;
	[bflag:$0x0] =	sbarrier.arrive $0xFFFF  }
0x31: {  	[tilespmem:s21], [sflag:$0x1] =	stream.linear.gather [hbm4b:s5+s21], $0x80, $0x38;
	[tilespmem:$0x1B980] =	vst v63  }
0x32: {  	_ = 	snop  }
0x33: {  	[tilespmem:s14], [sflag:$0x1] =	stream.linear.gather [hbm4b:s6+s21], $0x4000, $0x38;
	[tilespmem:$0x1B980] =	vst v63  }
0x34: {  	_ =	swait.ge [sflag:s16], $0x80  }
0x35: {  	[sflag:s16] =	ssyncset.done $0x0  }
0x36: {  	[sflag:s16] =	ssyncadd.s32 $0xFFFFFF80  }
0x37: {  	_ =	swait.ge [sflag:s16], $0x4000  }
0x38: {  	s30 =	sadd.s32 $0x0, s11;
	[sflag:s16] =	ssyncset.done $0x0  }
0x39: {  	s22 =	sadd.s32 $0x200, s30;
	[sflag:s16] =	ssyncadd.s32 $0xFFFFC000  }
0x3a: {  	[tilespmem:s17], [sflag:$0x2] =	stream.linear.gather [hbm4b:s22+s3], $0x80, $0x38;
	[tilespmem:$0x1B980] =	vst v63  }
0x3b: {  	_ = 	snop  }
0x3c: {  	[tilespmem:s18], [sflag:$0x2] =	stream.linear.gather [hbm4b:s12+s3], $0x4000, $0x38;
	[tilespmem:$0x1B980] =	vst v63  }
0x3d: {  	_ = 	snop  }
0x3e: {  	[spmem:s2] =	stream.indirect.scatter.add.f32 [tilespmem:s14], [sflag:$0x3], $0x80, s3, s17, $0xb8;
	[tilespmem:$0x1B980] =	vst v63  }
0x3f: {  	_ =	swait.ge [sflag:s15], $0x4000  }
0x40: {  	[sflag:s15] =	ssyncset.done $0x0  }
0x41: {  	[sflag:s15] =	ssyncadd.s32 $0xFFFFC000  }
0x42: {  	_ =	swait.ge [sflag:s19], $0x80  }
0x43: {  	[sflag:s19] =	ssyncset.done $0x0  }
0x44: {  	[sflag:s19] =	ssyncadd.s32 $0xFFFFFF80  }
0x45: {  	_ =	swait.ge [sflag:s19], $0x4000  }
0x46: {  	[sflag:s19] =	ssyncset.done $0x0  }
0x47: {  	s21 =	sadd.s32 $0x400, s30;
	[sflag:s19] =	ssyncadd.s32 $0xFFFFC000  }
0x48: {  	[tilespmem:s3], [sflag:$0x1] =	stream.linear.gather [hbm4b:s21+s3], $0x80, $0x38;
	[tilespmem:$0x1B980] =	vst v63  }
0x49: {  	s31 =	sadd.s32 $0x10000, s12  }
0x4a: {  	[tilespmem:s14], [sflag:$0x1] =	stream.linear.gather [hbm4b:s31+s3], $0x4000, $0x38;
	[tilespmem:$0x1B980] =	vst v63  }
0x4b: {  	_ = 	snop  }
0x4c: {  	[spmem:s2] =	stream.indirect.scatter.add.f32 [tilespmem:s18], [sflag:$0x3], $0x80, s17, s17, $0xb8;
	[tilespmem:$0x1B980] =	vst v63  }
0x4d: {  	_ =	swait.ge [sflag:s15], $0x4000  }
0x4e: {  	s22 =	smov.u32 s12;
	s21 =	simm.s32 $0x400;
	[sflag:s15] =	ssyncset.done $0x0  }
.LBB2_6:
0x4f: {  	p2 =	sne.s32 s21, $0x4800;
	[sflag:s15] =	ssyncadd.s32 $0xFFFFC000;
	s22 =	sadd.s32 $0x20000, s22  }
0x50: {  	s23 =	smov.u32 s21;
	s21 =	sadd.s32 $0x400, s21  }
0x51: {  	_ =	swait.ge [sflag:s16], $0x80  }
0x52: {  	[sflag:s16] =	ssyncset.done $0x0  }
0x53: {  	[sflag:s16] =	ssyncadd.s32 $0xFFFFFF80  }
0x54: {  	_ =	swait.ge [sflag:s16], $0x4000  }
0x55: {  	s23 =	sadd.s32 s23, s11;
	[sflag:s16] =	ssyncset.done $0x0  }
0x56: {  	s24 =	sadd.s32 $0x200, s23;
	[sflag:s16] =	ssyncadd.s32 $0xFFFFC000  }
0x57: {  	[tilespmem:s17], [sflag:$0x2] =	stream.linear.gather [hbm4b:s24+s3], $0x80, $0x38;
	[tilespmem:$0x1B980] =	vst v63  }
0x58: {  	_ = 	snop  }
0x59: {  	[tilespmem:s18], [sflag:$0x2] =	stream.linear.gather [hbm4b:s22+s3], $0x4000, $0x38;
	[tilespmem:$0x1B980] =	vst v63  }
0x5a: {  	_ = 	snop  }
0x5b: {  	[spmem:s2] =	stream.indirect.scatter.add.f32 [tilespmem:s14], [sflag:$0x3], $0x80, s3, s17, $0xb8;
	[tilespmem:$0x1B980] =	vst v63  }
0x5c: {  	_ =	swait.ge [sflag:s15], $0x4000  }
0x5d: {  	[sflag:s15] =	ssyncset.done $0x0  }
0x5e: {  	[sflag:s15] =	ssyncadd.s32 $0xFFFFC000  }
0x5f: {  	_ =	swait.ge [sflag:s19], $0x80  }
0x60: {  	[sflag:s19] =	ssyncset.done $0x0  }
0x61: {  	[sflag:s19] =	ssyncadd.s32 $0xFFFFFF80  }
0x62: {  	_ =	swait.ge [sflag:s19], $0x4000  }
0x63: {  	[sflag:s19] =	ssyncset.done $0x0  }
0x64: {  	s23 =	sadd.s32 $0x400, s23;
	[sflag:s19] =	ssyncadd.s32 $0xFFFFC000  }
0x65: {  	[tilespmem:s3], [sflag:$0x1] =	stream.linear.gather [hbm4b:s23+s3], $0x80, $0x38;
	[tilespmem:$0x1B980] =	vst v63  }
0x66: {  	s23 =	sadd.s32 $0x10000, s22  }
0x67: {  	[tilespmem:s14], [sflag:$0x1] =	stream.linear.gather [hbm4b:s23+s3], $0x4000, $0x38;
	[tilespmem:$0x1B980] =	vst v63  }
.Ltmp3:
0x68: {  	_ = 	snop;
	(pc) =	sbr.rel @p2 .LBB2_6-.Ltmp3, $4  }
0x69: {  	_ = 	snop  }
0x6a: {  	[spmem:s2] =	stream.indirect.scatter.add.f32 [tilespmem:s18], [sflag:$0x3], $0x80, s17, s17, $0xb8;
	[tilespmem:$0x1B980] =	vst v63  }
0x6b: {  	_ =	swait.ge [sflag:s15], $0x4000  }
0x6c: {  	[sflag:s15] =	ssyncset.done $0x0  }
0x6d: {  	[sflag:s15] =	ssyncadd.s32 $0xFFFFC000  }
0x6e: {  	_ =	swait.ge [sflag:s16], $0x80  }
0x6f: {  	[sflag:s16] =	ssyncset.done $0x0  }
0x70: {  	[sflag:s16] =	ssyncadd.s32 $0xFFFFFF80  }
0x71: {  	_ =	swait.ge [sflag:s16], $0x4000  }
0x72: {  	[sflag:s16] =	ssyncset.done $0x0  }
0x73: {  	[sflag:s16] =	ssyncadd.s32 $0xFFFFC000  }
0x74: {  	[spmem:s2] =	stream.indirect.scatter.add.f32 [tilespmem:s14], [sflag:$0x3], $0x80, s3, s17, $0xb8;
	[tilespmem:$0x1B980] =	vst v63  }
0x75: {  	_ =	swait.ge [sflag:s15], $0x4000  }
0x76: {  	[sflag:s15] =	ssyncset.done $0x0  }
0x77: {  	s21 =	simm.s32 @!p0 $0x0;
	s22 =	simm.s32 @!p0 $0x3;
	[sflag:s15] =	ssyncadd.s32 $0xFFFFC000  }
0x78: {  	[tilespmem:s21], [sflag:$0x3] =	stream.linear.gather @!p0 [hbm4b:s7+s21], $0x80, $0x38;
	[tilespmem:$0x1B980] =	vst v63  }
0x79: {  	_ =	swait.ge @!p0 [sflag:s22], $0x80  }
0x7a: {  	[sflag:s22] =	ssyncset.done @!p0 $0x0  }
0x7b: {  	s23 =	simm.s32 @!p0 $0x100;
	s24 =	simm.s32 @!p0 $0x1;
	[sflag:s22] =	ssyncadd.s32 @!p0 $0xFFFFFF80  }
0x7c: {  	[tilespmem:s23], [sflag:$0x1] =	stream.linear.gather @!p0 [hbm4b:s8+s21], $0x4000, $0x38;
	[tilespmem:$0x1B980] =	vst v63  }
0x7d: {  	_ =	swait.ge @!p0 [sflag:s24], $0x4000  }
0x7e: {  	[sflag:s24] =	ssyncset.done @!p0 $0x0  }
0x7f: {  	[sflag:s24] =	ssyncadd.s32 @!p0 $0xFFFFC000;
	s24 =	simm.s32 @!p0 $0x80  }
0x80: {  	[spmem:s2] =	stream.indirect.scatter.add.f32 @!p0 [tilespmem:s23], [sflag:$0x3], $0x80, s21, s24, $0xb8;
	[tilespmem:$0x1B980] =	vst v63  }
0x81: {  	_ =	swait.ge @!p0 [sflag:s22], $0x4000  }
.Ltmp4:
0x82: {  	[sflag:s22] =	ssyncset.done @!p0 $0x0;
	(pc) =	sbr.rel @!p1 .LBB2_9-.Ltmp4, $4  }
0x83: {  	s30 =	sshll.u32 s1, $0x6;
	s31 =	sshrl.u32 s10, $0x3;
	[sflag:s22] =	ssyncadd.s32 @!p0 $0xFFFFC000  }
0x84: {  	s21 =	sor.u32 $0x1C03, s30;
	s23 =	sadd.s32 $0x5000, s13;
	[bflag:$0x0] =	sbarrier.arrive $0xFFFF  }
0x85: {  	[hbm:s13], [sflag:s21] =	dma.local [spmem:s31], $0x500  }
0x86: {  	s24 =	smov.u32 s10;
	s22 =	sadd.s32 $0xFFFFFFFF, s4;
	_ =	swait.ge [sflag:s15], $0x500  }
.LBB2_8:
0x87: {  	[sflag:s15] =	ssyncset.done $0x0;
	s24 =	sadd.s32 $0x28000, s24;
	p1 =	sne.s32 s22, $0x1  }
.Ltmp5:
0x88: {  	s25 =	sshrl.u32 s24, $0x3;
	[sflag:s15] =	ssyncadd.s32 $0xFFFFFB00;
	(pc) =	sbr.rel @p1 .LBB2_8-.Ltmp5, $3  }
0x89: {  	[hbm:s23], [sflag:s21] =	dma.local [spmem:s25], $0x500  }
0x8a: {  	s22 =	sadd.s32 $0xFFFFFFFF, s22;
	_ =	sdelay $0x1  }
0x8b: {  	s23 =	sadd.s32 $0x5000, s23;
	_ =	swait.ge [sflag:s15], $0x500  }
.LBB2_9:
0x8c: {  	s20 =	sadd.s32 $0x1, s20  }
0x8d: {  	p1 =	sne.s32 s20, s9  }
.Ltmp6:
0x8e: {  	_ = 	snop;
	(pc) =	sbr.rel @p1 .LBB2_1-.Ltmp6, $3  }
0x8f: {  	_ =	sdelay $0x1  }
0x90: {  	[sflag:s15] =	ssyncset.done $0x0  }
0x91: {  	[sflag:s15] =	ssyncadd.s32 $0xFFFFFB00  }
0x92: {  	_ =	sfence.sel $0x180000  }
0x93: {  	[bflag:$0x0] =	sbarrier.arrive $0xFFFF  }
0x94: {  	_ =	strace $0x9000004A  }
0x95: {  	s0 =	sadd.s32 @!p0 $0x100000, s0;
	[bflag:$0x2] =	sbarrier.arrive $0xFFFF  }
0x96: {  	[sflag:s0] =	ssyncadd.tile.s32 @!p0 $0x1;
	_ =	shalt  }
.Lfunc_end2:
_tile_overlayer_lowered:
.L_overlay_start_2:
0x97: {  	(tag) =	ssettag $0x2  }
0x98: {  	s0 =	rddreg [dreg:$0x0];
	s2 =	stileid.u32  }
0x99: {  	s1 =	rddreg [dreg:$0x1];
	p0 =	sne.s32 s2, $0x0  }
0x9a: {  	s3 =	rddreg [dreg:$0x2];
	[bflag:$0x3] =	sbarrier.arrive $0xFFFF;
	s2 =	simm.s32 @!p0 $0x1C03  }
0x9b: {  	[timem:s3], [sflag:s2] =	dma.local @!p0 [hbm:s0], s1  }
0x9c: {  	s0 =	simm.s32 @!p0 $0x3  }
0x9d: {  	_ =	swait.ge @!p0 [sflag:s0], s1  }
0x9e: {  	s1 =	ssub.s32 @!p0 $0x0, s1;
	[sflag:s0] =	ssyncset.done @!p0 $0x0  }
0x9f: {  	[sflag:s0] =	ssyncadd.s32 @!p0 s1  }
0xa0: {  	[bflag:$0x3] =	sbarrier.arrive $0xFFFF  }
0xa1: {  	_ =	shalt  }

// kernel: kernel.8.cloned.1.call-start
scs
__scs_entry_jumppad:
0x0: {  	(pc) =	sbr.rel $0x88, $3  }
0x1: {  	(tag) =	ssettag $0x0;
	lr =	simm.s32 $0x1  }
0x2: {  	[smem:$0x3F9A] =	sst lr;
	_ =	strace $0xD0000000  }
0x3: {  	_ = 	snop  }
0x4: {  	_ = 	snop  }
0x5: {  	_ = 	snop  }
0x6: {  	_ = 	snop  }
0x7: {  	_ = 	snop  }
__scs_overlays_trampoline_lowered:
0x8: {  	[smem:$0x3FA9] =	sst s0  }
0x9: {  	[smem:$0x3FAA] =	sst s1  }
0xa: {  	[smem:$0x3FAB] =	sst s2  }
0xb: {  	[smem:$0x3FAC] =	sst s3  }
0xc: {  	[smem:$0x3FAD] =	sst s4  }
0xd: {  	[smem:$0x3FAE] =	sst s5  }
0xe: {  	[smem:$0x3FAF] =	sst s6  }
0xf: {  	[smem:$0x3FB0] =	sst s7  }
0x10: {  	[smem:$0x3FB1] =	sst s8  }
0x11: {  	[smem:$0x3FB2] =	sst s9;
	s0 =	simm.s32 @!p0 $0x0  }
0x12: {  	s1 =	sld [smem:$0x3F98];
	s0 =	simm.s32 @p0 $0x1  }
0x13: {  	[smem:$0x3FB3] =	sst s0;
	s0 =	simm.s32 @!p1 $0x0  }
0x14: {  	s2 =	sld [smem:$0x3F97];
	s0 =	simm.s32 @p1 $0x1  }
0x15: {  	[smem:$0x3FB4] =	sst s0;
	s0 =	simm.s32 @!p2 $0x0  }
0x16: {  	s3 =	sld [smem:$0x3FDB];
	s0 =	simm.s32 @p2 $0x1  }
0x17: {  	s4 =	simm.s32 $0x1BF5;
	[smem:$0x3FB6] =	sst s0  }
0x18: {  	s0 =	sld [smem:$0x3F99];
	_ =	swait.ge [sflag:s4], $0x0  }
0x19: {  	s7 =	sld [smem:$0x3F9A]  }
0x1a: {  	s8 =	sadd.s32 $0xFFFFE003, lr  }
0x1b: {  	s9 =	sadd.s32 $0xFFFFFEF7, lr;
	s5 =	simm.s32 $0xFFFFFFFF;
	p2 =	slt.u32 s8, $0xFFFFF086  }
0x1c: {  	p1 =	slt.u32 s9, $0xF7A;
	s5 =	simm.s32 @!p2 $0x0  }
0x1d: {  	s5 =	simm.s32 @p1 $0x1;
	p0 =	seq.s32 s7, s2  }
0x1e: {  	s7 =	smul.u32 @!p0 $0xF7A, s2;
	p2 =	seq.s32 @!p0 s5, $0x0  }
0x1f: {  	s9 =	smul.u32 $0xF7A, s1;
	s8 =	simm.s32 @!p0 $0x1BF5;
	p2 =	por !p2, p0  }
0x20: {  	[sflag:s8] =	ssyncset.s32 @!p0 $0xFFFFF086;
	s6 =	sadd.s32 @!p0 s3, s7;
	s7 =	simm.s32 @!p0 $0x108  }
0x21: {  	s3 =	sadd.s32 s3, s9;
	s6 =	sadd.s32 @!p0 $0x88, s6;
	s7 =	simm.s32 @p2 $0x1082  }
0x22: {  	[simem:s7], [sflag:s8] =	dma.local @!p0 [hbm:s6], $0xF7A  }
0x23: {  	s9 =	sor.u32 $0xD0000000, s2;
	s6 =	simm.s32 $0x108;
	_ =	swait.ge @!p0 [sflag:s8], $0x0  }
0x24: {  	s3 =	sadd.s32 $0x88, s3;
	s6 =	simm.s32 @!p1 $0x1082;
	[sflag:s4] =	ssyncset.s32 $0xFFFFF086  }
0x25: {  	[simem:s6], [sflag:s4] =	dma.local [hbm:s3], $0xF7A  }
0x26: {  	[smem:$0x3F9A] =	sst s1;
	(tag) =	ssettag s2;
	_ =	strace s9  }
0x27: {  	s1 =	sld [smem:$0x3FAA]  }
0x28: {  	s2 =	sld [smem:$0x3FAB]  }
0x29: {  	s4 =	sld [smem:$0x3FAD]  }
0x2a: {  	p0 =	seq.s32 s5, $0x0;
	s5 =	sld [smem:$0x3FAE]  }
0x2b: {  	s6 =	sld [smem:$0x3FAF]  }
0x2c: {  	s7 =	sld [smem:$0x3FB0]  }
0x2d: {  	s3 =	simm.s32 $0x108;
	s8 =	sld [smem:$0x3FB1]  }
0x2e: {  	s3 =	simm.s32 @!p0 $0x1082;
	s9 =	sld [smem:$0x3FB2]  }
0x2f: {  	lr =	sadd.s32 s0, s3;
	s0 =	sld [smem:$0x3FA9]  }
0x30: {  	s3 =	sld [smem:$0x3FAC]  }
0x31: {  	[smem:$0x3FB5] =	sst s10  }
0x32: {  	s10 =	sld [smem:$0x3FB3];
	_ =	sdelay $0x3  }
0x33: {  	p0 =	seq.s32 s10, $0x1;
	s10 =	sld [smem:$0x3FB5];
	_ =	sdelay $0x3  }
0x34: {  	[smem:$0x3FB5] =	sst s10  }
0x35: {  	s10 =	sld [smem:$0x3FB4];
	_ =	sdelay $0x3  }
0x36: {  	p1 =	seq.s32 s10, $0x1;
	s10 =	sld [smem:$0x3FB5];
	_ =	sdelay $0x3  }
0x37: {  	[smem:$0x3FB5] =	sst s10  }
0x38: {  	s10 =	sld [smem:$0x3FB6]  }
0x39: {  	_ = 	snop;
	(pc) =	sbr.ind lr, $3  }
0x3a: {  	_ = 	snop  }
0x3b: {  	_ = 	snop  }
0x3c: {  	p2 =	seq.s32 s10, $0x1;
	s10 =	sld [smem:$0x3FB5]  }
0x3d: {  	_ =	shalt  }
0x3e: {  	_ =	shalt  }
0x3f: {  	_ =	shalt  }
0x40: {  	_ =	shalt  }
0x41: {  	_ =	shalt  }
0x42: {  	_ =	shalt  }
0x43: {  	_ =	shalt  }
0x44: {  	_ =	shalt  }
0x45: {  	_ =	shalt  }
0x46: {  	_ =	shalt  }
0x47: {  	_ =	shalt  }
0x48: {  	_ =	shalt  }
0x49: {  	_ =	shalt  }
0x4a: {  	_ =	shalt  }
0x4b: {  	_ =	shalt  }
0x4c: {  	_ =	shalt  }
0x4d: {  	_ =	shalt  }
0x4e: {  	_ =	shalt  }
0x4f: {  	_ =	shalt  }
0x50: {  	_ =	shalt  }
0x51: {  	_ =	shalt  }
0x52: {  	_ =	shalt  }
0x53: {  	_ =	shalt  }
0x54: {  	_ =	shalt  }
0x55: {  	_ =	shalt  }
0x56: {  	_ =	shalt  }
0x57: {  	_ =	shalt  }
0x58: {  	_ =	shalt  }
0x59: {  	_ =	shalt  }
0x5a: {  	_ =	shalt  }
0x5b: {  	_ =	shalt  }
0x5c: {  	_ =	shalt  }
0x5d: {  	_ =	shalt  }
0x5e: {  	_ =	shalt  }
0x5f: {  	_ =	shalt  }
0x60: {  	_ =	shalt  }
0x61: {  	_ =	shalt  }
0x62: {  	_ =	shalt  }
0x63: {  	_ =	shalt  }
0x64: {  	_ =	shalt  }
0x65: {  	_ =	shalt  }
0x66: {  	_ =	shalt  }
0x67: {  	_ =	shalt  }
0x68: {  	_ =	shalt  }
0x69: {  	_ =	shalt  }
0x6a: {  	_ =	shalt  }
0x6b: {  	_ =	shalt  }
0x6c: {  	_ =	shalt  }
0x6d: {  	_ =	shalt  }
0x6e: {  	_ =	shalt  }
0x6f: {  	_ =	shalt  }
0x70: {  	_ =	shalt  }
0x71: {  	_ =	shalt  }
0x72: {  	_ =	shalt  }
0x73: {  	_ =	shalt  }
0x74: {  	_ =	shalt  }
0x75: {  	_ =	shalt  }
0x76: {  	_ =	shalt  }
0x77: {  	_ =	shalt  }
0x78: {  	_ =	shalt  }
0x79: {  	_ =	shalt  }
0x7a: {  	_ =	shalt  }
0x7b: {  	_ =	shalt  }
0x7c: {  	_ =	shalt  }
0x7d: {  	_ =	shalt  }
0x7e: {  	_ =	shalt  }
0x7f: {  	_ =	shalt  }
0x80: {  	_ =	shalt  }
0x81: {  	_ =	shalt  }
0x82: {  	_ =	shalt  }
0x83: {  	_ =	shalt  }
0x84: {  	_ =	shalt  }
0x85: {  	_ =	shalt  }
0x86: {  	_ =	shalt  }
0x87: {  	_ =	shalt  }
.Lfunc_end0:
.L_simem_size_0:
called_computation_lowered:
.L_overlay_start_0:
0x88: {  	s2 =	sld [smem:$0x3FD9]  }
0x89: {  	s3 =	sld [smem:$0x3FFE];
	_ =	sdelay $0x1  }
0x8a: {  	s1 =	srdreg.scid  }
0x8b: {  	s0 =	sand.u32 $0x1, s1  }
0x8c: {  	s14 =	sshll.u32 s0, $0xA;
	s2 =	sadd.s32 s3, s2  }
0x8d: {  	s2 =	sadd.s32 s2, s14  }
0x8e: {  	[smem:$0x3FC1] =	sst s2  }
0x8f: {  	_ = 	snop  }
0x90: {  	s2 =	sld [smem:$0x3FD0];
	_ =	sdelay $0x2  }
0x91: {  	s15 =	simm.s32 $0xA;
	s4 =	simm.s32 $0x10  }
0x92: {  	[smem:s4], [sflag:s15] =	dma.local [hbm:s2], $0x1  }
0x93: {  	_ =	swait.eq [sflag:s15], $0x1  }
0x94: {  	[sflag:s15] =	ssyncset.done $0x0  }
0x95: {  	s16 =	sld [smem:$0x10];
	[sflag:s15] =	ssyncadd.s32 $0xFFFFFFFF  }
0x96: {  	s17 =	sld [smem:$0x11];
	(tm) =	ssettm $0x1  }
0x97: {  	s18 =	sld [smem:$0x3FFB];
	_ =	sdelay $0x3  }
0x98: {  	_ =	strace s18  }
0x99: {  	s4 =	sld [smem:$0x3FFC];
	_ =	sdelay $0x3  }
0x9a: {  	_ =	strace s4  }
0x9b: {  	s4 =	sld [smem:$0x3FFD];
	_ =	sdelay $0x3  }
0x9c: {  	_ =	strace s4  }
0x9d: {  	_ =	strace $0x8FFFFFFF  }
0x9e: {  	s19 =	sld [smem:$0x3FDB];
	_ =	sdelay $0x1  }
0x9f: {  	s5 =	simm.s32 $_scs_section_size  }
0xa0: {  	s6 =	simm.s32 $_size__tile_overlayer_lowered;
	s7 =	simm.s32 $_tile_overlayer_lowered  }
0xa1: {  	s22 =	simm.s32 $0x1BFF;
	s21 =	sshll.u32 s7, $0x1;
	s4 =	sadd.s32 s5, s19  }
0xa2: {  	s8 =	simm.s32 $0x0;
	s20 =	sshll.u32 s6, $0x1;
	s6 =	sadd.s32 s21, s4  }
0xa3: {  	[timem:s8], [sflag:s22] =	dma.local [hbm:s6], s20  }
0xa4: {  	_ =	swait.ge [sflag:s22], s20  }
0xa5: {  	s5 =	ssub.s32 $0x0, s20;
	[sflag:s22] =	ssyncset.done $0x0  }
0xa6: {  	[sflag:s22] =	ssyncadd.s32 s5;
	_ =	sdelay $0x1  }
0xa7: {  	s23 =	simm.s32 $0x1B8B  }
0xa8: {  	_ =	swait.ge [sflag:s23], $0x1  }
0xa9: {  	[sflag:s23] =	ssyncset.done $0x0  }
0xaa: {  	s25 =	simm.s32 $0x1B8E;
	s24 =	sld [smem:$0x3FFE];
	[sflag:s23] =	ssyncadd.s32 $0xFFFFFFFF  }
0xab: {  	s26 =	simm.s32 $execute0_lowered;
	[smem:$0x3FD2] =	sst s25  }
0xac: {  	s6 =	sshll.u32 s26, $0x1;
	_ =	strace $0x80000046;
	[dreg:$0x1] =	wrdreg $0xFFFFFFFF  }
0xad: {  	s28 =	simm.s32 $_size_execute0_lowered;
	s4 =	sadd.s32 s4, s6;
	[dreg:$0x0] =	wrdreg $0x0  }
0xae: {  	s6 =	sshll.u32 s28, $0x1;
	[dreg:$0x2] =	wrdreg s4  }
0xaf: {  	[dreg:$0x3] =	wrdreg s6  }
0xb0: {  	[dreg:$0x4] =	wrdreg $0xC0  }
0xb1: {  	_ =	task [dreg:s8], $0x5FFFF  }
0xb2: {  	[dreg:$0x1] =	wrdreg $0xFFFFFFFF  }
0xb3: {  	[dreg:$0x0] =	wrdreg $0x60  }
0xb4: {  	[dreg:$0x2] =	wrdreg s17  }
0xb5: {  	[dreg:$0x3] =	wrdreg s16  }
0xb6: {  	[dreg:$0x4] =	wrdreg s24  }
0xb7: {  	[dreg:$0x5] =	wrdreg $0x9  }
0xb8: {  	_ =	task.clear_ibuf [dreg:s8], $0x6FFFF;
	_ =	strace $0x90000046  }
0xb9: {  	s29 =	simm.s32 $0x9;
	_ =	strace $0x80000048  }
0xba: {  	_ =	swait.ge [sflag:s29], $0x1  }
0xbb: {  	[sflag:s29] =	ssyncadd.s32 $0xFFFFFFFF  }
0xbc: {  	_ =	strace $0x90000048  }
0xbd: {  	_ =	sfence  }
0xbe: {  	s30 =	sld [smem:$0x0];
	_ =	sdelay $0x2  }
0xbf: {  	s31 =	sshll.u32 s1, $0xD;
	s1 =	sshrl.u32 s1, $0x2  }
0xc0: {  	s3 =	sand.u32 $0x4000, s31;
	s1 =	sadd.s32 s1, s30  }
0xc1: {  	s0 =	sor.u32 s3, s0;
	s1 =	sshll.u32 s1, $0x11  }
0xc2: {  	s0 =	sor.u32 s1, s0  }
0xc3: {  	s0 =	sadd.s32 $0x8F2B, s0  }
0xc4: {  	[sflag:s0] =	ssyncadd.remote.s32 $0x1  }
0xc5: {  	_ =	sfence.sel $0xFFFF  }
0xc6: {  	[dreg:$0x0] =	wrdreg $0xFFFFFFFF;
	(pc) =	sbr.abs _section_cstart, $3  }
0xc7: {  	[dreg:$0x1] =	wrdreg $0xFFFFFFFF  }
0xc8: {  	_ =	task.clear_ibuf [dreg:s8], $0x2FFFF;
	_ =	strace $0x9FFFFFFF  }
0xc9: {  	(tm) =	ssettm $0x7FFFFFFF  }
tec
execute0_lowered:
.L_overlay_start_1:
0x0: {  	(tag) =	ssettag $0x1  }
0x1: {  	s1 =	rddreg [dreg:$0x0]  }
0x2: {  	s2 =	rddreg [dreg:$0x1]  }
0x3: {  	s0 =	rddreg [dreg:$0x2]  }
0x4: {  	s3 =	srdreg.scid;
	s9 =	stileid.u32  }
0x5: {  	s11 =	simm.s32 $0x0;
	s28 =	simm.s32 $0x80;
	s29 =	simm.s32 $0x300  }
0x6: {  	s31 =	simm.s32 $0x2;
	s10 =	simm.s32 $0x8300;
	s30 =	simm.s32 $0x0  }
0x7: {  	s3 =	sand.u32 $0x1, s3;
	s4 =	sshll.u32 s9, $0x1;
	[smem:$0x7FF] =	sst s11  }
0x8: {  	s5 =	sadd.s32 $0x1600, s0;
	p0 =	seq.s32 s9, $0x0;
	s9 =	simm.s32 $0x3  }
0x9: {  	s4 =	sor.u32 s3, s4;
	_ =	strace $0x80000047;
	s15 =	ssub.s32 $0x2, s3  }
0xa: {  	s6 =	sshll.u32 s4, $0x7;
	s17 =	sshrl.u32 s15, $0x1;
	s7 =	sshll.u32 s4, $0x5  }
0xb: {  	s21 =	sshll.u32 s4, $0xB;
	s23 =	sor.u32 $0xA0, s4;
	s14 =	sor.u32 $0x4E0, s4  }
0xc: {  	s16 =	sor.u32 $0x1000, s6;
	s0 =	ssub.s32 s15, s17;
	s7 =	sadd.s32 s1, s7  }
0xd: {  	s6 =	sadd.s32 s5, s21;
	[dreg:$0xb] =	wrdreg s23;
	s15 =	sor.u32 $0x40, s4  }
0xe: {  	s17 =	sor.u32 $0x60, s4;
	s21 =	simm.s32 $0x5;
	s23 =	simm.s32 $0x6  }
0xf: {  	s8 =	sshrl.u32 s16, $0x2;
	s19 =	sadd.s32 $0x800, s7;
	[dreg:$0x8] =	wrdreg s6  }
0x10: {  	s20 =	sadd.s32 $0xC00, s7;
	[dreg:$0x4] =	wrdreg s7;
	s22 =	sadd.s32 $0x1000, s7  }
0x11: {  	s3 =	sshll.u32 s16, $0x4;
	s16 =	sor.u32 $0xC0, s4;
	[dreg:$0x6] =	wrdreg s19  }
0x12: {  	s0 =	smax.u32 s0, $0x1;
	s6 =	simm.s32 $0x8;
	[dreg:$0x7] =	wrdreg s20  }
0x13: {  	s18 =	sadd.s32 s1, s8;
	[dreg:$0x9] =	wrdreg s22;
	s3 =	sadd.s32 s5, s3  }
0x14: {  	s19 =	sor.u32 $0x80, s4;
	[dreg:$0xf] =	wrdreg s0;
	s0 =	simm.s32 $0x4300  }
0x15: {  	s8 =	simm.s32 $0x4;
	s22 =	simm.s32 $0x7;
	[dreg:$0x5] =	wrdreg s18  }
0x16: {  	s20 =	simm.s32 $0x9;
	[dreg:$0xa] =	wrdreg s3;
	s3 =	sor.u32 $0x4C0, s4  }
0x17: {  	s18 =	sor.u32 $0xE0, s4;
	s24 =	sshll.u32 s3, $0xB;
	s3 =	smov.u32 @p0 s14  }
0x18: {  	s25 =	sshll.u32 s3, $0x5;
	s3 =	sshll.u32 s3, $0xB;
	s26 =	sadd.s32 s5, s24  }
0x19: {  	s4 =	simm.s32 $0x0;
	[dreg:$0xd] =	wrdreg s26;
	s3 =	sadd.s32 s5, s3  }
0x1a: {  	s24 =	simm.s32 $0x100;
	s12 =	sadd.s32 s1, s25;
	[dreg:$0xe] =	wrdreg s3  }
0x1b: {  	s25 =	simm.s32 $0x200;
	s26 =	simm.s32 $0x1;
	[dreg:$0xc] =	wrdreg s12  }
.LBB2_1:
0x1c: {  	[dreg:$0x10] =	wrdreg s4  }
0x1d: {  	s3 =	rddreg [dreg:$0x4]  }
0x1e: {  	[tilespmem:s11], [sflag:$0x1] =	stream.linear.gather [hbm4b:s3+s11], $0x100, $0x38;
	[tilespmem:$0x18300] =	vst v63  }
0x1f: {  	s13 =	rddreg [dreg:$0x5]  }
0x20: {  	[tilespmem:s24], [sflag:$0x2] =	stream.linear.gather [hbm4b:s13+s11], $0x100, $0x38;
	[tilespmem:$0x18300] =	vst v63  }
0x21: {  	s4 =	rddreg [dreg:$0x6]  }
0x22: {  	[tilespmem:s25], [sflag:$0x3] =	stream.linear.gather [hbm4b:s4+s11], $0x100, $0x38;
	[tilespmem:$0x18300] =	vst v63  }
0x23: {  	_ =	swait.ge [sflag:s26], $0x100  }
0x24: {  	[sflag:s26] =	ssyncset.done $0x0  }
0x25: {  	[sflag:s26] =	ssyncadd.s32 $0xFFFFFF00  }
0x26: {  	[tilespmem:s29], [sflag:$0x4] =	stream.indirect.gather [hbm4b:s2+s28], $0x80, s11, s28, $0xb8;
	[tilespmem:$0x18300] =	vst v63  }
0x27: {  	s7 =	simm.s32 $0xC300  }
0x28: {  	[tilespmem:s7], [sflag:$0x4] =	stream.indirect.gather [hbm4b:s2+s28], $0x80, s28, s28, $0xb8;
	[tilespmem:$0x18300] =	vst v63  }
0x29: {  	_ =	swait.ge [sflag:s31], $0x100  }
0x2a: {  	[sflag:s31] =	ssyncset.done $0x0  }
0x2b: {  	[sflag:s31] =	ssyncadd.s32 $0xFFFFFF00  }
0x2c: {  	[tilespmem:s0], [sflag:$0x5] =	stream.indirect.gather [hbm4b:s2+s28], $0x80, s24, s28, $0xb8;
	[tilespmem:$0x18300] =	vst v63  }
0x2d: {  	s12 =	simm.s32 $0x180;
	s13 =	simm.s32 $0x10300  }
0x2e: {  	[tilespmem:s13], [sflag:$0x5] =	stream.indirect.gather [hbm4b:s2+s28], $0x80, s12, s28, $0xb8;
	[tilespmem:$0x18300] =	vst v63  }
0x2f: {  	_ =	swait.ge [sflag:s8], $0x4000  }
0x30: {  	[sflag:s8] =	ssyncset.done $0x0  }
0x31: {  	[sflag:s8] =	ssyncadd.s32 $0xFFFFC000  }
0x32: {  	_ =	swait.ge [sflag:s8], $0x4000  }
0x33: {  	[sflag:s8] =	ssyncset.done $0x0  }
0x34: {  	s7 =	rddreg [dreg:$0x7];
	[sflag:s8] =	ssyncadd.s32 $0xFFFFC000  }
0x35: {  	[tilespmem:s11], [sflag:$0x1] =	stream.linear.gather [hbm4b:s7+s11], $0x100, $0x38;
	[tilespmem:$0x18300] =	vst v63  }
0x36: {  	_ =	swait.ge [sflag:s9], $0x100  }
0x37: {  	[sflag:s9] =	ssyncset.done $0x0  }
0x38: {  	[sflag:s9] =	ssyncadd.s32 $0xFFFFFF00  }
0x39: {  	[tilespmem:s10], [sflag:$0x6] =	stream.indirect.gather [hbm4b:s2+s28], $0x80, s25, s28, $0xb8;
	[tilespmem:$0x18300] =	vst v63  }
0x3a: {  	s3 =	simm.s32 $0x0;
	s12 =	simm.s32 $0x280;
	s13 =	simm.s32 $0x14300  }
0x3b: {  	[tilespmem:s13], [sflag:$0x6] =	stream.indirect.gather [hbm4b:s2+s28], $0x80, s12, s28, $0xb8;
	[tilespmem:$0x18300] =	vst v63  }
0x3c: {  	v0 =	vld [tilespmem:s3+$0xC3F0]  }
0x3d: {  	v1 =	vld [tilespmem:s3+$0xC300]  }
0x3e: {  	v2 =	vld [tilespmem:s3+$0xC310]  }
0x3f: {  	v3 =	vld [tilespmem:s3+$0xC320]  }
0x40: {  	v4 =	vld [tilespmem:s3+$0xC330]  }
0x41: {  	v5 =	vld [tilespmem:s3+$0xC340]  }
0x42: {  	v6 =	vld [tilespmem:s3+$0xC350]  }
0x43: {  	v7 =	vld [tilespmem:s3+$0xC360]  }
0x44: {  	v8 =	vld [tilespmem:s3+$0xC370]  }
0x45: {  	v9 =	vld [tilespmem:s3+$0xC380]  }
0x46: {  	v10 =	vld [tilespmem:s3+$0xC390]  }
0x47: {  	v11 =	vld [tilespmem:s3+$0xC3A0]  }
0x48: {  	v12 =	vld [tilespmem:s3+$0xC3B0]  }
0x49: {  	v13 =	vld [tilespmem:s3+$0xC3C0]  }
0x4a: {  	v14 =	vld [tilespmem:s3+$0xC3D0]  }
0x4b: {  	[tilespmem:s3+$0x3F0] =	vst.add.f32.msk $0xffff, v0  }
0x4c: {  	v0 =	vld [tilespmem:s3+$0xC3E0]  }
0x4d: {  	[tilespmem:s3+$0x300] =	vst.add.f32.msk $0xffff, v1  }
0x4e: {  	[tilespmem:s3+$0x310] =	vst.add.f32.msk $0xffff, v2  }
0x4f: {  	[tilespmem:s3+$0x320] =	vst.add.f32.msk $0xffff, v3  }
0x50: {  	[tilespmem:s3+$0x330] =	vst.add.f32.msk $0xffff, v4  }
0x51: {  	[tilespmem:s3+$0x340] =	vst.add.f32.msk $0xffff, v5  }
0x52: {  	[tilespmem:s3+$0x350] =	vst.add.f32.msk $0xffff, v6  }
0x53: {  	[tilespmem:s3+$0x360] =	vst.add.f32.msk $0xffff, v7  }
0x54: {  	[tilespmem:s3+$0x370] =	vst.add.f32.msk $0xffff, v8  }
0x55: {  	[tilespmem:s3+$0x380] =	vst.add.f32.msk $0xffff, v9  }
0x56: {  	[tilespmem:s3+$0x390] =	vst.add.f32.msk $0xffff, v10  }
0x57: {  	[tilespmem:s3+$0x3A0] =	vst.add.f32.msk $0xffff, v11  }
0x58: {  	[tilespmem:s3+$0x3B0] =	vst.add.f32.msk $0xffff, v12  }
0x59: {  	[tilespmem:s3+$0x3C0] =	vst.add.f32.msk $0xffff, v13  }
0x5a: {  	s4 =	simm.s32 $0x400;
	s7 =	simm.s32 $0x0;
	[tilespmem:s3+$0x3D0] =	vst.add.f32.msk $0xffff, v14  }
.LBB2_2:
0x5b: {  	s7 =	sadd.s32 $0x2, s7;
	[tilespmem:s3+$0x3E0] =	vst.add.f32.msk $0xffff, v0;
	s3 =	sshra.s32 s4, $0x2  }
0x5c: {  	v0 =	vld [tilespmem:s3+$0xC3F0];
	p1 =	slt.u32 s7, $0x7E  }
0x5d: {  	v1 =	vld [tilespmem:s3+$0xC300]  }
0x5e: {  	v2 =	vld [tilespmem:s3+$0xC310]  }
0x5f: {  	v3 =	vld [tilespmem:s3+$0xC320]  }
0x60: {  	v4 =	vld [tilespmem:s3+$0xC330]  }
0x61: {  	[tilespmem:s3+$0x3F0] =	vst.add.f32.msk $0xffff, v0  }
0x62: {  	v5 =	vld [tilespmem:s3+$0xC340]  }
0x63: {  	v6 =	vld [tilespmem:s3+$0xC350]  }
0x64: {  	v7 =	vld [tilespmem:s3+$0xC360]  }
0x65: {  	v8 =	vld [tilespmem:s3+$0xC370]  }
0x66: {  	v9 =	vld [tilespmem:s3+$0xC380]  }
0x67: {  	v10 =	vld [tilespmem:s3+$0xC390]  }
0x68: {  	v11 =	vld [tilespmem:s3+$0xC3A0]  }
0x69: {  	v12 =	vld [tilespmem:s3+$0xC3B0]  }
0x6a: {  	v13 =	vld [tilespmem:s3+$0xC3C0]  }
0x6b: {  	v14 =	vld [tilespmem:s3+$0xC3D0]  }
0x6c: {  	v0 =	vld [tilespmem:s3+$0xC3E0]  }
0x6d: {  	[tilespmem:s3+$0x300] =	vst.add.f32.msk $0xffff, v1  }
0x6e: {  	[tilespmem:s3+$0x310] =	vst.add.f32.msk $0xffff, v2  }
0x6f: {  	[tilespmem:s3+$0x320] =	vst.add.f32.msk $0xffff, v3  }
0x70: {  	[tilespmem:s3+$0x330] =	vst.add.f32.msk $0xffff, v4  }
0x71: {  	[tilespmem:s3+$0x340] =	vst.add.f32.msk $0xffff, v5  }
0x72: {  	[tilespmem:s3+$0x350] =	vst.add.f32.msk $0xffff, v6  }
0x73: {  	[tilespmem:s3+$0x360] =	vst.add.f32.msk $0xffff, v7  }
0x74: {  	[tilespmem:s3+$0x370] =	vst.add.f32.msk $0xffff, v8  }
0x75: {  	[tilespmem:s3+$0x380] =	vst.add.f32.msk $0xffff, v9  }
.Ltmp0:
0x76: {  	[tilespmem:s3+$0x390] =	vst.add.f32.msk $0xffff, v10;
	(pc) =	sbr.rel @p1 .LBB2_2-.Ltmp0, $4  }
0x77: {  	[tilespmem:s3+$0x3A0] =	vst.add.f32.msk $0xffff, v11  }
0x78: {  	[tilespmem:s3+$0x3B0] =	vst.add.f32.msk $0xffff, v12  }
0x79: {  	[tilespmem:s3+$0x3C0] =	vst.add.f32.msk $0xffff, v13  }
0x7a: {  	s4 =	sadd.s32 $0x400, s4;
	[tilespmem:s3+$0x3D0] =	vst.add.f32.msk $0xffff, v14  }
0x7b: {  	[tilespmem:s3+$0x3E0] =	vst.add.f32.msk $0xffff, v0;
	s11 =	simm.s32 $0x0;
	s4 =	rddreg [dreg:$0x8]  }
0x7c: {  	[hbm4b:s4+s11] =	stream.linear.scatter [tilespmem:s29], [sflag:$0x7], $0x4000, $0x38;
	[tilespmem:$0x18300] =	vst v63  }
0x7d: {  	_ =	swait.ge [sflag:s21], $0x4000  }
0x7e: {  	[sflag:s21] =	ssyncset.done $0x0  }
0x7f: {  	[sflag:s21] =	ssyncadd.s32 $0xFFFFC000  }
0x80: {  	_ =	swait.ge [sflag:s21], $0x4000  }
0x81: {  	[sflag:s21] =	ssyncset.done $0x0  }
0x82: {  	s12 =	rddreg [dreg:$0x9];
	[sflag:s21] =	ssyncadd.s32 $0xFFFFC000  }
0x83: {  	[tilespmem:s24], [sflag:$0x2] =	stream.linear.gather [hbm4b:s12+s11], $0x100, $0x38;
	[tilespmem:$0x18300] =	vst v63  }
0x84: {  	_ =	swait.ge [sflag:s22], $0x4000  }
0x85: {  	[sflag:s22] =	ssyncset.done $0x0  }
0x86: {  	[sflag:s22] =	ssyncadd.s32 $0xFFFFC000  }
0x87: {  	_ =	swait.ge [sflag:s26], $0x100  }
0x88: {  	[sflag:s26] =	ssyncset.done $0x0  }
0x89: {  	[sflag:s26] =	ssyncadd.s32 $0xFFFFFF00  }
0x8a: {  	[tilespmem:s29], [sflag:$0x4] =	stream.indirect.gather [hbm4b:s2+s28], $0x80, s11, s28, $0xb8;
	[tilespmem:$0x18300] =	vst v63  }
0x8b: {  	s13 =	simm.s32 $0xC300;
	s3 =	simm.s32 $0x0  }
0x8c: {  	[tilespmem:s13], [sflag:$0x4] =	stream.indirect.gather [hbm4b:s2+s28], $0x80, s28, s28, $0xb8;
	[tilespmem:$0x18300] =	vst v63  }
0x8d: {  	v0 =	vld [tilespmem:s3+$0x103F0]  }
0x8e: {  	v1 =	vld [tilespmem:s3+$0x10300]  }
0x8f: {  	v2 =	vld [tilespmem:s3+$0x10310]  }
0x90: {  	v3 =	vld [tilespmem:s3+$0x10320]  }
0x91: {  	v4 =	vld [tilespmem:s3+$0x10330]  }
0x92: {  	v5 =	vld [tilespmem:s3+$0x10340]  }
0x93: {  	v6 =	vld [tilespmem:s3+$0x10350]  }
0x94: {  	v7 =	vld [tilespmem:s3+$0x10360]  }
0x95: {  	v8 =	vld [tilespmem:s3+$0x10370]  }
0x96: {  	v9 =	vld [tilespmem:s3+$0x10380]  }
0x97: {  	v10 =	vld [tilespmem:s3+$0x10390]  }
0x98: {  	v11 =	vld [tilespmem:s3+$0x103A0]  }
0x99: {  	v12 =	vld [tilespmem:s3+$0x103B0]  }
0x9a: {  	v13 =	vld [tilespmem:s3+$0x103C0]  }
0x9b: {  	v14 =	vld [tilespmem:s3+$0x103D0]  }
0x9c: {  	[tilespmem:s3+$0x43F0] =	vst.add.f32.msk $0xffff, v0  }
0x9d: {  	v0 =	vld [tilespmem:s3+$0x103E0]  }
0x9e: {  	[tilespmem:s3+$0x4300] =	vst.add.f32.msk $0xffff, v1  }
0x9f: {  	[tilespmem:s3+$0x4310] =	vst.add.f32.msk $0xffff, v2  }
0xa0: {  	[tilespmem:s3+$0x4320] =	vst.add.f32.msk $0xffff, v3  }
0xa1: {  	[tilespmem:s3+$0x4330] =	vst.add.f32.msk $0xffff, v4  }
0xa2: {  	[tilespmem:s3+$0x4340] =	vst.add.f32.msk $0xffff, v5  }
0xa3: {  	[tilespmem:s3+$0x4350] =	vst.add.f32.msk $0xffff, v6  }
0xa4: {  	[tilespmem:s3+$0x4360] =	vst.add.f32.msk $0xffff, v7  }
0xa5: {  	[tilespmem:s3+$0x4370] =	vst.add.f32.msk $0xffff, v8  }
0xa6: {  	[tilespmem:s3+$0x4380] =	vst.add.f32.msk $0xffff, v9  }
0xa7: {  	[tilespmem:s3+$0x4390] =	vst.add.f32.msk $0xffff, v10  }
0xa8: {  	[tilespmem:s3+$0x43A0] =	vst.add.f32.msk $0xffff, v11  }
0xa9: {  	[tilespmem:s3+$0x43B0] =	vst.add.f32.msk $0xffff, v12  }
0xaa: {  	[tilespmem:s3+$0x43C0] =	vst.add.f32.msk $0xffff, v13  }
0xab: {  	s7 =	simm.s32 $0x0;
	s4 =	simm.s32 $0x400;
	[tilespmem:s3+$0x43D0] =	vst.add.f32.msk $0xffff, v14  }
.LBB2_4:
0xac: {  	s7 =	sadd.s32 $0x2, s7;
	[tilespmem:s3+$0x43E0] =	vst.add.f32.msk $0xffff, v0;
	s3 =	sshra.s32 s4, $0x2  }
0xad: {  	v0 =	vld [tilespmem:s3+$0x103F0];
	p1 =	slt.u32 s7, $0x7E  }
0xae: {  	v1 =	vld [tilespmem:s3+$0x10300]  }
0xaf: {  	v2 =	vld [tilespmem:s3+$0x10310]  }
0xb0: {  	v3 =	vld [tilespmem:s3+$0x10320]  }
0xb1: {  	v4 =	vld [tilespmem:s3+$0x10330]  }
0xb2: {  	[tilespmem:s3+$0x43F0] =	vst.add.f32.msk $0xffff, v0  }
0xb3: {  	v5 =	vld [tilespmem:s3+$0x10340]  }
0xb4: {  	v6 =	vld [tilespmem:s3+$0x10350]  }
0xb5: {  	v7 =	vld [tilespmem:s3+$0x10360]  }
0xb6: {  	v8 =	vld [tilespmem:s3+$0x10370]  }
0xb7: {  	v9 =	vld [tilespmem:s3+$0x10380]  }
0xb8: {  	v10 =	vld [tilespmem:s3+$0x10390]  }
0xb9: {  	v11 =	vld [tilespmem:s3+$0x103A0]  }
0xba: {  	v12 =	vld [tilespmem:s3+$0x103B0]  }
0xbb: {  	v13 =	vld [tilespmem:s3+$0x103C0]  }
0xbc: {  	v14 =	vld [tilespmem:s3+$0x103D0]  }
0xbd: {  	v0 =	vld [tilespmem:s3+$0x103E0]  }
0xbe: {  	[tilespmem:s3+$0x4300] =	vst.add.f32.msk $0xffff, v1  }
0xbf: {  	[tilespmem:s3+$0x4310] =	vst.add.f32.msk $0xffff, v2  }
0xc0: {  	[tilespmem:s3+$0x4320] =	vst.add.f32.msk $0xffff, v3  }
0xc1: {  	[tilespmem:s3+$0x4330] =	vst.add.f32.msk $0xffff, v4  }
0xc2: {  	[tilespmem:s3+$0x4340] =	vst.add.f32.msk $0xffff, v5  }
0xc3: {  	[tilespmem:s3+$0x4350] =	vst.add.f32.msk $0xffff, v6  }
0xc4: {  	[tilespmem:s3+$0x4360] =	vst.add.f32.msk $0xffff, v7  }
0xc5: {  	[tilespmem:s3+$0x4370] =	vst.add.f32.msk $0xffff, v8  }
0xc6: {  	[tilespmem:s3+$0x4380] =	vst.add.f32.msk $0xffff, v9  }
.Ltmp1:
0xc7: {  	[tilespmem:s3+$0x4390] =	vst.add.f32.msk $0xffff, v10;
	(pc) =	sbr.rel @p1 .LBB2_4-.Ltmp1, $4  }
0xc8: {  	[tilespmem:s3+$0x43A0] =	vst.add.f32.msk $0xffff, v11  }
0xc9: {  	[tilespmem:s3+$0x43B0] =	vst.add.f32.msk $0xffff, v12  }
0xca: {  	[tilespmem:s3+$0x43C0] =	vst.add.f32.msk $0xffff, v13  }
0xcb: {  	s4 =	sadd.s32 $0x400, s4;
	[tilespmem:s3+$0x43D0] =	vst.add.f32.msk $0xffff, v14  }
0xcc: {  	[tilespmem:s3+$0x43E0] =	vst.add.f32.msk $0xffff, v0;
	s13 =	rddreg [dreg:$0xa];
	s3 =	simm.s32 $0x0  }
0xcd: {  	[hbm4b:s13+s30] =	stream.linear.scatter [tilespmem:s0], [sflag:$0x8], $0x4000, $0x38;
	[tilespmem:$0x18300] =	vst v63  }
.LBB2_6:
0xce: {  	_ =	swait.ge [sflag:s23], $0x4000  }
0xcf: {  	[sflag:s23] =	ssyncset.done $0x0  }
0xd0: {  	[sflag:s23] =	ssyncadd.s32 $0xFFFFC000  }
0xd1: {  	s7 =	smul.u32 $0x60, s3;
	_ =	swait.ge [sflag:s23], $0x4000  }
0xd2: {  	s4 =	rddreg [dreg:$0xb]  }
0xd3: {  	s4 =	sadd.s32 s4, s7  }
0xd4: {  	[sflag:s23] =	ssyncset.done $0x0;
	s4 =	sshll.u32 s4, $0x5  }
0xd5: {  	[sflag:s23] =	ssyncadd.s32 $0xFFFFC000;
	s4 =	sadd.s32 s1, s4  }
0xd6: {  	[tilespmem:s25], [sflag:$0x3] =	stream.linear.gather [hbm4b:s4+s30], $0x100, $0x38;
	[tilespmem:$0x18300] =	vst v63  }
0xd7: {  	_ =	swait.ge [sflag:s6], $0x4000  }
0xd8: {  	[sflag:s6] =	ssyncset.done $0x0  }
0xd9: {  	[sflag:s6] =	ssyncadd.s32 $0xFFFFC000  }
0xda: {  	_ =	swait.ge [sflag:s31], $0x100  }
0xdb: {  	[sflag:s31] =	ssyncset.done $0x0  }
0xdc: {  	[sflag:s31] =	ssyncadd.s32 $0xFFFFFF00  }
0xdd: {  	[tilespmem:s0], [sflag:$0x5] =	stream.indirect.gather [hbm4b:s2+s28], $0x80, s24, s28, $0xb8;
	[tilespmem:$0x18300] =	vst v63  }
0xde: {  	s13 =	simm.s32 $0x180;
	s11 =	simm.s32 $0x10300  }
0xdf: {  	[tilespmem:s11], [sflag:$0x5] =	stream.indirect.gather [hbm4b:s2+s28], $0x80, s13, s28, $0xb8;
	[tilespmem:$0x18300] =	vst v63  }
0xe0: {  	s11 =	simm.s32 $0x0  }
0xe1: {  	v0 =	vld [tilespmem:s11+$0x143F0]  }
0xe2: {  	v1 =	vld [tilespmem:s11+$0x14300]  }
0xe3: {  	v2 =	vld [tilespmem:s11+$0x14310]  }
0xe4: {  	v3 =	vld [tilespmem:s11+$0x14320]  }
0xe5: {  	v4 =	vld [tilespmem:s11+$0x14330]  }
0xe6: {  	v5 =	vld [tilespmem:s11+$0x14340]  }
0xe7: {  	v6 =	vld [tilespmem:s11+$0x14350]  }
0xe8: {  	v7 =	vld [tilespmem:s11+$0x14360]  }
0xe9: {  	v8 =	vld [tilespmem:s11+$0x14370]  }
0xea: {  	v9 =	vld [tilespmem:s11+$0x14380]  }
0xeb: {  	v10 =	vld [tilespmem:s11+$0x14390]  }
0xec: {  	v11 =	vld [tilespmem:s11+$0x143A0]  }
0xed: {  	v12 =	vld [tilespmem:s11+$0x143B0]  }
0xee: {  	v13 =	vld [tilespmem:s11+$0x143C0]  }
0xef: {  	v14 =	vld [tilespmem:s11+$0x143D0]  }
0xf0: {  	[tilespmem:s11+$0x83F0] =	vst.add.f32.msk $0xffff, v0  }
0xf1: {  	v0 =	vld [tilespmem:s11+$0x143E0]  }
0xf2: {  	[tilespmem:s11+$0x8300] =	vst.add.f32.msk $0xffff, v1  }
0xf3: {  	[tilespmem:s11+$0x8310] =	vst.add.f32.msk $0xffff, v2  }
0xf4: {  	[tilespmem:s11+$0x8320] =	vst.add.f32.msk $0xffff, v3  }
0xf5: {  	[tilespmem:s11+$0x8330] =	vst.add.f32.msk $0xffff, v4  }
0xf6: {  	[tilespmem:s11+$0x8340] =	vst.add.f32.msk $0xffff, v5  }
0xf7: {  	[tilespmem:s11+$0x8350] =	vst.add.f32.msk $0xffff, v6  }
0xf8: {  	[tilespmem:s11+$0x8360] =	vst.add.f32.msk $0xffff, v7  }
0xf9: {  	[tilespmem:s11+$0x8370] =	vst.add.f32.msk $0xffff, v8  }
0xfa: {  	[tilespmem:s11+$0x8380] =	vst.add.f32.msk $0xffff, v9  }
0xfb: {  	[tilespmem:s11+$0x8390] =	vst.add.f32.msk $0xffff, v10  }
0xfc: {  	[tilespmem:s11+$0x83A0] =	vst.add.f32.msk $0xffff, v11  }
0xfd: {  	[tilespmem:s11+$0x83B0] =	vst.add.f32.msk $0xffff, v12  }
0xfe: {  	[tilespmem:s11+$0x83C0] =	vst.add.f32.msk $0xffff, v13  }
0xff: {  	s12 =	simm.s32 $0x0;
	s4 =	simm.s32 $0x400;
	[tilespmem:s11+$0x83D0] =	vst.add.f32.msk $0xffff, v14  }
.LBB2_7:
0x100: {  	s12 =	sadd.s32 $0x2, s12;
	[tilespmem:s11+$0x83E0] =	vst.add.f32.msk $0xffff, v0;
	s11 =	sshra.s32 s4, $0x2  }
0x101: {  	v0 =	vld [tilespmem:s11+$0x143F0];
	p1 =	slt.u32 s12, $0x7E  }
0x102: {  	v1 =	vld [tilespmem:s11+$0x14300]  }
0x103: {  	v2 =	vld [tilespmem:s11+$0x14310]  }
0x104: {  	v3 =	vld [tilespmem:s11+$0x14320]  }
0x105: {  	v4 =	vld [tilespmem:s11+$0x14330]  }
0x106: {  	[tilespmem:s11+$0x83F0] =	vst.add.f32.msk $0xffff, v0  }
0x107: {  	v5 =	vld [tilespmem:s11+$0x14340]  }
0x108: {  	v6 =	vld [tilespmem:s11+$0x14350]  }
0x109: {  	v7 =	vld [tilespmem:s11+$0x14360]  }
0x10a: {  	v8 =	vld [tilespmem:s11+$0x14370]  }
0x10b: {  	v9 =	vld [tilespmem:s11+$0x14380]  }
0x10c: {  	v10 =	vld [tilespmem:s11+$0x14390]  }
0x10d: {  	v11 =	vld [tilespmem:s11+$0x143A0]  }
0x10e: {  	v12 =	vld [tilespmem:s11+$0x143B0]  }
0x10f: {  	v13 =	vld [tilespmem:s11+$0x143C0]  }
0x110: {  	v14 =	vld [tilespmem:s11+$0x143D0]  }
0x111: {  	v0 =	vld [tilespmem:s11+$0x143E0]  }
0x112: {  	[tilespmem:s11+$0x8300] =	vst.add.f32.msk $0xffff, v1  }
0x113: {  	[tilespmem:s11+$0x8310] =	vst.add.f32.msk $0xffff, v2  }
0x114: {  	[tilespmem:s11+$0x8320] =	vst.add.f32.msk $0xffff, v3  }
0x115: {  	[tilespmem:s11+$0x8330] =	vst.add.f32.msk $0xffff, v4  }
0x116: {  	[tilespmem:s11+$0x8340] =	vst.add.f32.msk $0xffff, v5  }
0x117: {  	[tilespmem:s11+$0x8350] =	vst.add.f32.msk $0xffff, v6  }
0x118: {  	[tilespmem:s11+$0x8360] =	vst.add.f32.msk $0xffff, v7  }
0x119: {  	[tilespmem:s11+$0x8370] =	vst.add.f32.msk $0xffff, v8  }
0x11a: {  	[tilespmem:s11+$0x8380] =	vst.add.f32.msk $0xffff, v9  }
.Ltmp2:
0x11b: {  	[tilespmem:s11+$0x8390] =	vst.add.f32.msk $0xffff, v10;
	(pc) =	sbr.rel @p1 .LBB2_7-.Ltmp2, $4  }
0x11c: {  	[tilespmem:s11+$0x83A0] =	vst.add.f32.msk $0xffff, v11  }
0x11d: {  	[tilespmem:s11+$0x83B0] =	vst.add.f32.msk $0xffff, v12  }
0x11e: {  	[tilespmem:s11+$0x83C0] =	vst.add.f32.msk $0xffff, v13  }
0x11f: {  	s4 =	sadd.s32 $0x400, s4;
	[tilespmem:s11+$0x83D0] =	vst.add.f32.msk $0xffff, v14  }
0x120: {  	s4 =	sadd.s32 s15, s7  }
0x121: {  	s4 =	sshll.u32 s4, $0xB  }
0x122: {  	s4 =	sand.u32 $0x1FFFF800, s4  }
0x123: {  	[tilespmem:s11+$0x83E0] =	vst.add.f32.msk $0xffff, v0;
	s11 =	smul.u32 $0x3, s3;
	s12 =	simm.s32 $0x0;
	s4 =	sadd.s32 s5, s4  }
0x124: {  	[hbm4b:s4+s12] =	stream.linear.scatter [tilespmem:s10], [sflag:$0x9], $0x4000, $0x38;
	[tilespmem:$0x18300] =	vst v63  }
0x125: {  	p1 =	seq.s32 s3, $0xB;
	s13 =	smin.u32 s11, $0x20;
	_ =	swait.ge [sflag:s8], $0x4000  }
0x126: {  	p1 =	por !p1, !p0;
	s4 =	sshll.u32 s13, $0x5;
	[sflag:s8] =	ssyncset.done $0x0  }
0x127: {  	p1 =	por !p1, !p1;
	s4 =	sadd.s32 s16, s4;
	[sflag:s8] =	ssyncadd.s32 $0xFFFFC000  }
0x128: {  	s4 =	smov.u32 @p1 s14;
	_ =	swait.ge [sflag:s8], $0x4000  }
0x129: {  	s4 =	sshll.u32 s4, $0x5;
	[sflag:s8] =	ssyncset.done $0x0  }
0x12a: {  	s4 =	sadd.s32 s1, s4;
	[sflag:s8] =	ssyncadd.s32 $0xFFFFC000  }
0x12b: {  	[tilespmem:s12], [sflag:$0x1] =	stream.linear.gather [hbm4b:s4+s12], $0x100, $0x38;
	[tilespmem:$0x18300] =	vst v63  }
0x12c: {  	_ =	swait.ge [sflag:s20], $0x4000  }
0x12d: {  	[sflag:s20] =	ssyncset.done $0x0  }
0x12e: {  	[sflag:s20] =	ssyncadd.s32 $0xFFFFC000  }
0x12f: {  	_ =	swait.ge [sflag:s9], $0x100  }
0x130: {  	[sflag:s9] =	ssyncset.done $0x0  }
0x131: {  	[sflag:s9] =	ssyncadd.s32 $0xFFFFFF00  }
0x132: {  	[tilespmem:s10], [sflag:$0x6] =	stream.indirect.gather [hbm4b:s2+s28], $0x80, s25, s28, $0xb8;
	[tilespmem:$0x18300] =	vst v63  }
0x133: {  	s13 =	simm.s32 $0x14300;
	s12 =	simm.s32 $0x280  }
0x134: {  	[tilespmem:s13], [sflag:$0x6] =	stream.indirect.gather [hbm4b:s2+s28], $0x80, s12, s28, $0xb8;
	[tilespmem:$0x18300] =	vst v63  }
0x135: {  	s12 =	simm.s32 $0x0  }
0x136: {  	v0 =	vld [tilespmem:s12+$0xC3F0]  }
0x137: {  	v1 =	vld [tilespmem:s12+$0xC300]  }
0x138: {  	v2 =	vld [tilespmem:s12+$0xC310]  }
0x139: {  	v3 =	vld [tilespmem:s12+$0xC320]  }
0x13a: {  	v4 =	vld [tilespmem:s12+$0xC330]  }
0x13b: {  	v5 =	vld [tilespmem:s12+$0xC340]  }
0x13c: {  	v6 =	vld [tilespmem:s12+$0xC350]  }
0x13d: {  	v7 =	vld [tilespmem:s12+$0xC360]  }
0x13e: {  	v8 =	vld [tilespmem:s12+$0xC370]  }
0x13f: {  	v9 =	vld [tilespmem:s12+$0xC380]  }
0x140: {  	v10 =	vld [tilespmem:s12+$0xC390]  }
0x141: {  	v11 =	vld [tilespmem:s12+$0xC3A0]  }
0x142: {  	v12 =	vld [tilespmem:s12+$0xC3B0]  }
0x143: {  	v13 =	vld [tilespmem:s12+$0xC3C0]  }
0x144: {  	v14 =	vld [tilespmem:s12+$0xC3D0]  }
0x145: {  	[tilespmem:s12+$0x3F0] =	vst.add.f32.msk $0xffff, v0  }
0x146: {  	v0 =	vld [tilespmem:s12+$0xC3E0]  }
0x147: {  	[tilespmem:s12+$0x300] =	vst.add.f32.msk $0xffff, v1  }
0x148: {  	[tilespmem:s12+$0x310] =	vst.add.f32.msk $0xffff, v2  }
0x149: {  	[tilespmem:s12+$0x320] =	vst.add.f32.msk $0xffff, v3  }
0x14a: {  	[tilespmem:s12+$0x330] =	vst.add.f32.msk $0xffff, v4  }
0x14b: {  	[tilespmem:s12+$0x340] =	vst.add.f32.msk $0xffff, v5  }
0x14c: {  	[tilespmem:s12+$0x350] =	vst.add.f32.msk $0xffff, v6  }
0x14d: {  	[tilespmem:s12+$0x360] =	vst.add.f32.msk $0xffff, v7  }
0x14e: {  	[tilespmem:s12+$0x370] =	vst.add.f32.msk $0xffff, v8  }
0x14f: {  	[tilespmem:s12+$0x380] =	vst.add.f32.msk $0xffff, v9  }
0x150: {  	[tilespmem:s12+$0x390] =	vst.add.f32.msk $0xffff, v10  }
0x151: {  	[tilespmem:s12+$0x3A0] =	vst.add.f32.msk $0xffff, v11  }
0x152: {  	[tilespmem:s12+$0x3B0] =	vst.add.f32.msk $0xffff, v12  }
0x153: {  	[tilespmem:s12+$0x3C0] =	vst.add.f32.msk $0xffff, v13  }
0x154: {  	s4 =	simm.s32 $0x0;
	s13 =	simm.s32 $0x400;
	[tilespmem:s12+$0x3D0] =	vst.add.f32.msk $0xffff, v14  }
.LBB2_9:
0x155: {  	s4 =	sadd.s32 $0x2, s4;
	[tilespmem:s12+$0x3E0] =	vst.add.f32.msk $0xffff, v0;
	s12 =	sshra.s32 s13, $0x2  }
0x156: {  	v0 =	vld [tilespmem:s12+$0xC3F0];
	p2 =	slt.u32 s4, $0x7E  }
0x157: {  	v1 =	vld [tilespmem:s12+$0xC300]  }
0x158: {  	v2 =	vld [tilespmem:s12+$0xC310]  }
0x159: {  	v3 =	vld [tilespmem:s12+$0xC320]  }
0x15a: {  	v4 =	vld [tilespmem:s12+$0xC330]  }
0x15b: {  	[tilespmem:s12+$0x3F0] =	vst.add.f32.msk $0xffff, v0  }
0x15c: {  	v5 =	vld [tilespmem:s12+$0xC340]  }
0x15d: {  	v6 =	vld [tilespmem:s12+$0xC350]  }
0x15e: {  	v7 =	vld [tilespmem:s12+$0xC360]  }
0x15f: {  	v8 =	vld [tilespmem:s12+$0xC370]  }
0x160: {  	v9 =	vld [tilespmem:s12+$0xC380]  }
0x161: {  	v10 =	vld [tilespmem:s12+$0xC390]  }
0x162: {  	v11 =	vld [tilespmem:s12+$0xC3A0]  }
0x163: {  	v12 =	vld [tilespmem:s12+$0xC3B0]  }
0x164: {  	v13 =	vld [tilespmem:s12+$0xC3C0]  }
0x165: {  	v14 =	vld [tilespmem:s12+$0xC3D0]  }
0x166: {  	v0 =	vld [tilespmem:s12+$0xC3E0]  }
0x167: {  	[tilespmem:s12+$0x300] =	vst.add.f32.msk $0xffff, v1  }
0x168: {  	[tilespmem:s12+$0x310] =	vst.add.f32.msk $0xffff, v2  }
0x169: {  	[tilespmem:s12+$0x320] =	vst.add.f32.msk $0xffff, v3  }
0x16a: {  	[tilespmem:s12+$0x330] =	vst.add.f32.msk $0xffff, v4  }
0x16b: {  	[tilespmem:s12+$0x340] =	vst.add.f32.msk $0xffff, v5  }
0x16c: {  	[tilespmem:s12+$0x350] =	vst.add.f32.msk $0xffff, v6  }
0x16d: {  	[tilespmem:s12+$0x360] =	vst.add.f32.msk $0xffff, v7  }
0x16e: {  	[tilespmem:s12+$0x370] =	vst.add.f32.msk $0xffff, v8  }
0x16f: {  	[tilespmem:s12+$0x380] =	vst.add.f32.msk $0xffff, v9  }
.Ltmp3:
0x170: {  	[tilespmem:s12+$0x390] =	vst.add.f32.msk $0xffff, v10;
	(pc) =	sbr.rel @p2 .LBB2_9-.Ltmp3, $4  }
0x171: {  	[tilespmem:s12+$0x3A0] =	vst.add.f32.msk $0xffff, v11  }
0x172: {  	[tilespmem:s12+$0x3B0] =	vst.add.f32.msk $0xffff, v12  }
0x173: {  	[tilespmem:s12+$0x3C0] =	vst.add.f32.msk $0xffff, v13  }
0x174: {  	s13 =	sadd.s32 $0x400, s13;
	[tilespmem:s12+$0x3D0] =	vst.add.f32.msk $0xffff, v14  }
0x175: {  	s4 =	sadd.s32 s17, s7  }
0x176: {  	s4 =	sshll.u32 s4, $0xB  }
0x177: {  	s4 =	sand.u32 $0x1FFFF800, s4  }
0x178: {  	[tilespmem:s12+$0x3E0] =	vst.add.f32.msk $0xffff, v0;
	s13 =	simm.s32 $0x0;
	s4 =	sadd.s32 s5, s4  }
0x179: {  	[hbm4b:s4+s13] =	stream.linear.scatter [tilespmem:s29], [sflag:$0x7], $0x4000, $0x38;
	[tilespmem:$0x18300] =	vst v63  }
0x17a: {  	s11 =	smin.u32 s11, $0x1F;
	_ =	swait.ge [sflag:s21], $0x4000  }
0x17b: {  	s4 =	sshll.u32 s11, $0x5;
	[sflag:s21] =	ssyncset.done $0x0  }
0x17c: {  	s4 =	sadd.s32 s18, s4;
	[sflag:s21] =	ssyncadd.s32 $0xFFFFC000  }
0x17d: {  	s4 =	smov.u32 @p1 s14;
	_ =	swait.ge [sflag:s21], $0x4000  }
0x17e: {  	s4 =	sshll.u32 s4, $0x5;
	[sflag:s21] =	ssyncset.done $0x0  }
0x17f: {  	s4 =	sadd.s32 s1, s4;
	[sflag:s21] =	ssyncadd.s32 $0xFFFFC000  }
0x180: {  	[tilespmem:s24], [sflag:$0x2] =	stream.linear.gather [hbm4b:s4+s13], $0x100, $0x38;
	[tilespmem:$0x18300] =	vst v63  }
0x181: {  	_ =	swait.ge [sflag:s22], $0x4000  }
0x182: {  	[sflag:s22] =	ssyncset.done $0x0  }
0x183: {  	[sflag:s22] =	ssyncadd.s32 $0xFFFFC000  }
0x184: {  	_ =	swait.ge [sflag:s26], $0x100  }
0x185: {  	[sflag:s26] =	ssyncset.done $0x0  }
0x186: {  	[sflag:s26] =	ssyncadd.s32 $0xFFFFFF00  }
0x187: {  	[tilespmem:s29], [sflag:$0x4] =	stream.indirect.gather [hbm4b:s2+s28], $0x80, s13, s28, $0xb8;
	[tilespmem:$0x18300] =	vst v63  }
0x188: {  	s11 =	simm.s32 $0x0;
	s13 =	simm.s32 $0xC300  }
0x189: {  	[tilespmem:s13], [sflag:$0x4] =	stream.indirect.gather [hbm4b:s2+s28], $0x80, s28, s28, $0xb8;
	[tilespmem:$0x18300] =	vst v63  }
0x18a: {  	v0 =	vld [tilespmem:s11+$0x103F0]  }
0x18b: {  	v1 =	vld [tilespmem:s11+$0x10300]  }
0x18c: {  	v2 =	vld [tilespmem:s11+$0x10310]  }
0x18d: {  	v3 =	vld [tilespmem:s11+$0x10320]  }
0x18e: {  	v4 =	vld [tilespmem:s11+$0x10330]  }
0x18f: {  	v5 =	vld [tilespmem:s11+$0x10340]  }
0x190: {  	v6 =	vld [tilespmem:s11+$0x10350]  }
0x191: {  	v7 =	vld [tilespmem:s11+$0x10360]  }
0x192: {  	v8 =	vld [tilespmem:s11+$0x10370]  }
0x193: {  	v9 =	vld [tilespmem:s11+$0x10380]  }
0x194: {  	v10 =	vld [tilespmem:s11+$0x10390]  }
0x195: {  	v11 =	vld [tilespmem:s11+$0x103A0]  }
0x196: {  	v12 =	vld [tilespmem:s11+$0x103B0]  }
0x197: {  	v13 =	vld [tilespmem:s11+$0x103C0]  }
0x198: {  	v14 =	vld [tilespmem:s11+$0x103D0]  }
0x199: {  	[tilespmem:s11+$0x43F0] =	vst.add.f32.msk $0xffff, v0  }
0x19a: {  	v0 =	vld [tilespmem:s11+$0x103E0]  }
0x19b: {  	[tilespmem:s11+$0x4300] =	vst.add.f32.msk $0xffff, v1  }
0x19c: {  	[tilespmem:s11+$0x4310] =	vst.add.f32.msk $0xffff, v2  }
0x19d: {  	[tilespmem:s11+$0x4320] =	vst.add.f32.msk $0xffff, v3  }
0x19e: {  	[tilespmem:s11+$0x4330] =	vst.add.f32.msk $0xffff, v4  }
0x19f: {  	[tilespmem:s11+$0x4340] =	vst.add.f32.msk $0xffff, v5  }
0x1a0: {  	[tilespmem:s11+$0x4350] =	vst.add.f32.msk $0xffff, v6  }
0x1a1: {  	[tilespmem:s11+$0x4360] =	vst.add.f32.msk $0xffff, v7  }
0x1a2: {  	[tilespmem:s11+$0x4370] =	vst.add.f32.msk $0xffff, v8  }
0x1a3: {  	[tilespmem:s11+$0x4380] =	vst.add.f32.msk $0xffff, v9  }
0x1a4: {  	[tilespmem:s11+$0x4390] =	vst.add.f32.msk $0xffff, v10  }
0x1a5: {  	[tilespmem:s11+$0x43A0] =	vst.add.f32.msk $0xffff, v11  }
0x1a6: {  	[tilespmem:s11+$0x43B0] =	vst.add.f32.msk $0xffff, v12  }
0x1a7: {  	[tilespmem:s11+$0x43C0] =	vst.add.f32.msk $0xffff, v13  }
0x1a8: {  	s12 =	simm.s32 $0x400;
	s4 =	simm.s32 $0x0;
	[tilespmem:s11+$0x43D0] =	vst.add.f32.msk $0xffff, v14  }
.LBB2_11:
0x1a9: {  	s4 =	sadd.s32 $0x2, s4;
	[tilespmem:s11+$0x43E0] =	vst.add.f32.msk $0xffff, v0;
	s11 =	sshra.s32 s12, $0x2  }
0x1aa: {  	v0 =	vld [tilespmem:s11+$0x103F0];
	p1 =	slt.u32 s4, $0x7E  }
0x1ab: {  	v1 =	vld [tilespmem:s11+$0x10300]  }
0x1ac: {  	v2 =	vld [tilespmem:s11+$0x10310]  }
0x1ad: {  	v3 =	vld [tilespmem:s11+$0x10320]  }
0x1ae: {  	v4 =	vld [tilespmem:s11+$0x10330]  }
0x1af: {  	[tilespmem:s11+$0x43F0] =	vst.add.f32.msk $0xffff, v0  }
0x1b0: {  	v5 =	vld [tilespmem:s11+$0x10340]  }
0x1b1: {  	v6 =	vld [tilespmem:s11+$0x10350]  }
0x1b2: {  	v7 =	vld [tilespmem:s11+$0x10360]  }
0x1b3: {  	v8 =	vld [tilespmem:s11+$0x10370]  }
0x1b4: {  	v9 =	vld [tilespmem:s11+$0x10380]  }
0x1b5: {  	v10 =	vld [tilespmem:s11+$0x10390]  }
0x1b6: {  	v11 =	vld [tilespmem:s11+$0x103A0]  }
0x1b7: {  	v12 =	vld [tilespmem:s11+$0x103B0]  }
0x1b8: {  	v13 =	vld [tilespmem:s11+$0x103C0]  }
0x1b9: {  	v14 =	vld [tilespmem:s11+$0x103D0]  }
0x1ba: {  	v0 =	vld [tilespmem:s11+$0x103E0]  }
0x1bb: {  	[tilespmem:s11+$0x4300] =	vst.add.f32.msk $0xffff, v1  }
0x1bc: {  	[tilespmem:s11+$0x4310] =	vst.add.f32.msk $0xffff, v2  }
0x1bd: {  	[tilespmem:s11+$0x4320] =	vst.add.f32.msk $0xffff, v3  }
0x1be: {  	[tilespmem:s11+$0x4330] =	vst.add.f32.msk $0xffff, v4  }
0x1bf: {  	[tilespmem:s11+$0x4340] =	vst.add.f32.msk $0xffff, v5  }
0x1c0: {  	[tilespmem:s11+$0x4350] =	vst.add.f32.msk $0xffff, v6  }
0x1c1: {  	[tilespmem:s11+$0x4360] =	vst.add.f32.msk $0xffff, v7  }
0x1c2: {  	[tilespmem:s11+$0x4370] =	vst.add.f32.msk $0xffff, v8  }
0x1c3: {  	[tilespmem:s11+$0x4380] =	vst.add.f32.msk $0xffff, v9  }
.Ltmp4:
0x1c4: {  	[tilespmem:s11+$0x4390] =	vst.add.f32.msk $0xffff, v10;
	(pc) =	sbr.rel @p1 .LBB2_11-.Ltmp4, $4  }
0x1c5: {  	[tilespmem:s11+$0x43A0] =	vst.add.f32.msk $0xffff, v11  }
0x1c6: {  	[tilespmem:s11+$0x43B0] =	vst.add.f32.msk $0xffff, v12  }
0x1c7: {  	[tilespmem:s11+$0x43C0] =	vst.add.f32.msk $0xffff, v13  }
0x1c8: {  	s12 =	sadd.s32 $0x400, s12;
	[tilespmem:s11+$0x43D0] =	vst.add.f32.msk $0xffff, v14  }
0x1c9: {  	s3 =	sadd.s32 $0x1, s3  }
0x1ca: {  	p1 =	sne.s32 s3, $0xC  }
.Ltmp5:
0x1cb: {  	s4 =	sadd.s32 s19, s7;
	(pc) =	sbr.rel @p1 .LBB2_6-.Ltmp5, $4  }
0x1cc: {  	s4 =	sshll.u32 s4, $0xB  }
0x1cd: {  	s4 =	sand.u32 $0x1FFFF800, s4  }
0x1ce: {  	[tilespmem:s11+$0x43E0] =	vst.add.f32.msk $0xffff, v0;
	s11 =	simm.s32 $0x0;
	s4 =	sadd.s32 s5, s4  }
0x1cf: {  	[hbm4b:s4+s11] =	stream.linear.scatter [tilespmem:s0], [sflag:$0x8], $0x4000, $0x38;
	[tilespmem:$0x18300] =	vst v63  }
0x1d0: {  	_ =	swait.ge [sflag:s23], $0x4000  }
0x1d1: {  	[sflag:s23] =	ssyncset.done $0x0  }
0x1d2: {  	[sflag:s23] =	ssyncadd.s32 $0xFFFFC000  }
0x1d3: {  	_ =	swait.ge [sflag:s23], $0x4000  }
0x1d4: {  	[sflag:s23] =	ssyncset.done $0x0  }
0x1d5: {  	s3 =	simm.s32 $0x0;
	s12 =	rddreg [dreg:$0xc];
	[sflag:s23] =	ssyncadd.s32 $0xFFFFC000  }
0x1d6: {  	[tilespmem:s25], [sflag:$0x3] =	stream.linear.gather [hbm4b:s12+s3], $0x100, $0x38;
	[tilespmem:$0x18300] =	vst v63  }
0x1d7: {  	_ =	swait.ge [sflag:s6], $0x4000  }
0x1d8: {  	[sflag:s6] =	ssyncset.done $0x0  }
0x1d9: {  	[sflag:s6] =	ssyncadd.s32 $0xFFFFC000  }
0x1da: {  	_ =	swait.ge [sflag:s31], $0x100  }
0x1db: {  	[sflag:s31] =	ssyncset.done $0x0  }
0x1dc: {  	[sflag:s31] =	ssyncadd.s32 $0xFFFFFF00  }
0x1dd: {  	[tilespmem:s0], [sflag:$0x5] =	stream.indirect.gather [hbm4b:s2+s28], $0x80, s24, s28, $0xb8;
	[tilespmem:$0x18300] =	vst v63  }
0x1de: {  	s13 =	simm.s32 $0x180;
	s4 =	simm.s32 $0x10300;
	s3 =	simm.s32 $0x0  }
0x1df: {  	[tilespmem:s4], [sflag:$0x5] =	stream.indirect.gather [hbm4b:s2+s28], $0x80, s13, s28, $0xb8;
	[tilespmem:$0x18300] =	vst v63  }
0x1e0: {  	v0 =	vld [tilespmem:s3+$0x143F0]  }
0x1e1: {  	v1 =	vld [tilespmem:s3+$0x14300]  }
0x1e2: {  	v2 =	vld [tilespmem:s3+$0x14310]  }
0x1e3: {  	v3 =	vld [tilespmem:s3+$0x14320]  }
0x1e4: {  	v4 =	vld [tilespmem:s3+$0x14330]  }
0x1e5: {  	v5 =	vld [tilespmem:s3+$0x14340]  }
0x1e6: {  	v6 =	vld [tilespmem:s3+$0x14350]  }
0x1e7: {  	v7 =	vld [tilespmem:s3+$0x14360]  }
0x1e8: {  	v8 =	vld [tilespmem:s3+$0x14370]  }
0x1e9: {  	v9 =	vld [tilespmem:s3+$0x14380]  }
0x1ea: {  	v10 =	vld [tilespmem:s3+$0x14390]  }
0x1eb: {  	v11 =	vld [tilespmem:s3+$0x143A0]  }
0x1ec: {  	v12 =	vld [tilespmem:s3+$0x143B0]  }
0x1ed: {  	v13 =	vld [tilespmem:s3+$0x143C0]  }
0x1ee: {  	v14 =	vld [tilespmem:s3+$0x143D0]  }
0x1ef: {  	[tilespmem:s3+$0x83F0] =	vst.add.f32.msk $0xffff, v0  }
0x1f0: {  	v0 =	vld [tilespmem:s3+$0x143E0]  }
0x1f1: {  	[tilespmem:s3+$0x8300] =	vst.add.f32.msk $0xffff, v1  }
0x1f2: {  	[tilespmem:s3+$0x8310] =	vst.add.f32.msk $0xffff, v2  }
0x1f3: {  	[tilespmem:s3+$0x8320] =	vst.add.f32.msk $0xffff, v3  }
0x1f4: {  	[tilespmem:s3+$0x8330] =	vst.add.f32.msk $0xffff, v4  }
0x1f5: {  	[tilespmem:s3+$0x8340] =	vst.add.f32.msk $0xffff, v5  }
0x1f6: {  	[tilespmem:s3+$0x8350] =	vst.add.f32.msk $0xffff, v6  }
0x1f7: {  	[tilespmem:s3+$0x8360] =	vst.add.f32.msk $0xffff, v7  }
0x1f8: {  	[tilespmem:s3+$0x8370] =	vst.add.f32.msk $0xffff, v8  }
0x1f9: {  	[tilespmem:s3+$0x8380] =	vst.add.f32.msk $0xffff, v9  }
0x1fa: {  	[tilespmem:s3+$0x8390] =	vst.add.f32.msk $0xffff, v10  }
0x1fb: {  	[tilespmem:s3+$0x83A0] =	vst.add.f32.msk $0xffff, v11  }
0x1fc: {  	[tilespmem:s3+$0x83B0] =	vst.add.f32.msk $0xffff, v12  }
0x1fd: {  	[tilespmem:s3+$0x83C0] =	vst.add.f32.msk $0xffff, v13  }
0x1fe: {  	s7 =	simm.s32 $0x400;
	s4 =	simm.s32 $0x0;
	[tilespmem:s3+$0x83D0] =	vst.add.f32.msk $0xffff, v14  }
.LBB2_14:
0x1ff: {  	s4 =	sadd.s32 $0x2, s4;
	[tilespmem:s3+$0x83E0] =	vst.add.f32.msk $0xffff, v0;
	s3 =	sshra.s32 s7, $0x2  }
0x200: {  	v0 =	vld [tilespmem:s3+$0x143F0];
	p1 =	slt.u32 s4, $0x7E  }
0x201: {  	v1 =	vld [tilespmem:s3+$0x14300]  }
0x202: {  	v2 =	vld [tilespmem:s3+$0x14310]  }
0x203: {  	v3 =	vld [tilespmem:s3+$0x14320]  }
0x204: {  	v4 =	vld [tilespmem:s3+$0x14330]  }
0x205: {  	[tilespmem:s3+$0x83F0] =	vst.add.f32.msk $0xffff, v0  }
0x206: {  	v5 =	vld [tilespmem:s3+$0x14340]  }
0x207: {  	v6 =	vld [tilespmem:s3+$0x14350]  }
0x208: {  	v7 =	vld [tilespmem:s3+$0x14360]  }
0x209: {  	v8 =	vld [tilespmem:s3+$0x14370]  }
0x20a: {  	v9 =	vld [tilespmem:s3+$0x14380]  }
0x20b: {  	v10 =	vld [tilespmem:s3+$0x14390]  }
0x20c: {  	v11 =	vld [tilespmem:s3+$0x143A0]  }
0x20d: {  	v12 =	vld [tilespmem:s3+$0x143B0]  }
0x20e: {  	v13 =	vld [tilespmem:s3+$0x143C0]  }
0x20f: {  	v14 =	vld [tilespmem:s3+$0x143D0]  }
0x210: {  	v0 =	vld [tilespmem:s3+$0x143E0]  }
0x211: {  	[tilespmem:s3+$0x8300] =	vst.add.f32.msk $0xffff, v1  }
0x212: {  	[tilespmem:s3+$0x8310] =	vst.add.f32.msk $0xffff, v2  }
0x213: {  	[tilespmem:s3+$0x8320] =	vst.add.f32.msk $0xffff, v3  }
0x214: {  	[tilespmem:s3+$0x8330] =	vst.add.f32.msk $0xffff, v4  }
0x215: {  	[tilespmem:s3+$0x8340] =	vst.add.f32.msk $0xffff, v5  }
0x216: {  	[tilespmem:s3+$0x8350] =	vst.add.f32.msk $0xffff, v6  }
0x217: {  	[tilespmem:s3+$0x8360] =	vst.add.f32.msk $0xffff, v7  }
0x218: {  	[tilespmem:s3+$0x8370] =	vst.add.f32.msk $0xffff, v8  }
0x219: {  	[tilespmem:s3+$0x8380] =	vst.add.f32.msk $0xffff, v9  }
.Ltmp6:
0x21a: {  	[tilespmem:s3+$0x8390] =	vst.add.f32.msk $0xffff, v10;
	(pc) =	sbr.rel @p1 .LBB2_14-.Ltmp6, $4  }
0x21b: {  	[tilespmem:s3+$0x83A0] =	vst.add.f32.msk $0xffff, v11  }
0x21c: {  	[tilespmem:s3+$0x83B0] =	vst.add.f32.msk $0xffff, v12  }
0x21d: {  	[tilespmem:s3+$0x83C0] =	vst.add.f32.msk $0xffff, v13  }
0x21e: {  	s7 =	sadd.s32 $0x400, s7;
	[tilespmem:s3+$0x83D0] =	vst.add.f32.msk $0xffff, v14  }
0x21f: {  	[tilespmem:s3+$0x83E0] =	vst.add.f32.msk $0xffff, v0;
	s7 =	simm.s32 $0x0;
	s4 =	rddreg [dreg:$0xd]  }
0x220: {  	[hbm4b:s4+s7] =	stream.linear.scatter [tilespmem:s10], [sflag:$0x9], $0x4000, $0x38;
	[tilespmem:$0x18300] =	vst v63  }
0x221: {  	_ =	swait.ge [sflag:s8], $0x4000  }
0x222: {  	[sflag:s8] =	ssyncset.done $0x0  }
0x223: {  	[sflag:s8] =	ssyncadd.s32 $0xFFFFC000  }
0x224: {  	_ =	swait.ge [sflag:s8], $0x4000  }
0x225: {  	[sflag:s8] =	ssyncset.done $0x0  }
0x226: {  	[sflag:s8] =	ssyncadd.s32 $0xFFFFC000  }
0x227: {  	[tilespmem:s7], [sflag:$0x1] =	stream.linear.gather [hbm4b:s12+s7], $0x100, $0x38;
	[tilespmem:$0x18300] =	vst v63  }
0x228: {  	_ =	swait.ge [sflag:s20], $0x4000  }
0x229: {  	[sflag:s20] =	ssyncset.done $0x0  }
0x22a: {  	[sflag:s20] =	ssyncadd.s32 $0xFFFFC000  }
0x22b: {  	_ =	swait.ge [sflag:s9], $0x100  }
0x22c: {  	[sflag:s9] =	ssyncset.done $0x0  }
0x22d: {  	[sflag:s9] =	ssyncadd.s32 $0xFFFFFF00  }
0x22e: {  	[tilespmem:s10], [sflag:$0x6] =	stream.indirect.gather [hbm4b:s2+s28], $0x80, s25, s28, $0xb8;
	[tilespmem:$0x18300] =	vst v63  }
0x22f: {  	s13 =	simm.s32 $0x14300;
	s3 =	simm.s32 $0x0;
	s12 =	simm.s32 $0x280  }
0x230: {  	[tilespmem:s13], [sflag:$0x6] =	stream.indirect.gather [hbm4b:s2+s28], $0x80, s12, s28, $0xb8;
	[tilespmem:$0x18300] =	vst v63  }
0x231: {  	v0 =	vld [tilespmem:s3+$0xC3F0]  }
0x232: {  	v1 =	vld [tilespmem:s3+$0xC300]  }
0x233: {  	v2 =	vld [tilespmem:s3+$0xC310]  }
0x234: {  	v3 =	vld [tilespmem:s3+$0xC320]  }
0x235: {  	v4 =	vld [tilespmem:s3+$0xC330]  }
0x236: {  	v5 =	vld [tilespmem:s3+$0xC340]  }
0x237: {  	v6 =	vld [tilespmem:s3+$0xC350]  }
0x238: {  	v7 =	vld [tilespmem:s3+$0xC360]  }
0x239: {  	v8 =	vld [tilespmem:s3+$0xC370]  }
0x23a: {  	v9 =	vld [tilespmem:s3+$0xC380]  }
0x23b: {  	v10 =	vld [tilespmem:s3+$0xC390]  }
0x23c: {  	v11 =	vld [tilespmem:s3+$0xC3A0]  }
0x23d: {  	v12 =	vld [tilespmem:s3+$0xC3B0]  }
0x23e: {  	v13 =	vld [tilespmem:s3+$0xC3C0]  }
0x23f: {  	v14 =	vld [tilespmem:s3+$0xC3D0]  }
0x240: {  	[tilespmem:s3+$0x3F0] =	vst.add.f32.msk $0xffff, v0  }
0x241: {  	v0 =	vld [tilespmem:s3+$0xC3E0]  }
0x242: {  	[tilespmem:s3+$0x300] =	vst.add.f32.msk $0xffff, v1  }
0x243: {  	[tilespmem:s3+$0x310] =	vst.add.f32.msk $0xffff, v2  }
0x244: {  	[tilespmem:s3+$0x320] =	vst.add.f32.msk $0xffff, v3  }
0x245: {  	[tilespmem:s3+$0x330] =	vst.add.f32.msk $0xffff, v4  }
0x246: {  	[tilespmem:s3+$0x340] =	vst.add.f32.msk $0xffff, v5  }
0x247: {  	[tilespmem:s3+$0x350] =	vst.add.f32.msk $0xffff, v6  }
0x248: {  	[tilespmem:s3+$0x360] =	vst.add.f32.msk $0xffff, v7  }
0x249: {  	[tilespmem:s3+$0x370] =	vst.add.f32.msk $0xffff, v8  }
0x24a: {  	[tilespmem:s3+$0x380] =	vst.add.f32.msk $0xffff, v9  }
0x24b: {  	[tilespmem:s3+$0x390] =	vst.add.f32.msk $0xffff, v10  }
0x24c: {  	[tilespmem:s3+$0x3A0] =	vst.add.f32.msk $0xffff, v11  }
0x24d: {  	[tilespmem:s3+$0x3B0] =	vst.add.f32.msk $0xffff, v12  }
0x24e: {  	[tilespmem:s3+$0x3C0] =	vst.add.f32.msk $0xffff, v13  }
0x24f: {  	s4 =	simm.s32 $0x0;
	s7 =	simm.s32 $0x400;
	[tilespmem:s3+$0x3D0] =	vst.add.f32.msk $0xffff, v14  }
.LBB2_16:
0x250: {  	s4 =	sadd.s32 $0x2, s4;
	[tilespmem:s3+$0x3E0] =	vst.add.f32.msk $0xffff, v0;
	s3 =	sshra.s32 s7, $0x2  }
0x251: {  	v0 =	vld [tilespmem:s3+$0xC3F0];
	p1 =	slt.u32 s4, $0x7E  }
0x252: {  	v1 =	vld [tilespmem:s3+$0xC300]  }
0x253: {  	v2 =	vld [tilespmem:s3+$0xC310]  }
0x254: {  	v3 =	vld [tilespmem:s3+$0xC320]  }
0x255: {  	v4 =	vld [tilespmem:s3+$0xC330]  }
0x256: {  	[tilespmem:s3+$0x3F0] =	vst.add.f32.msk $0xffff, v0  }
0x257: {  	v5 =	vld [tilespmem:s3+$0xC340]  }
0x258: {  	v6 =	vld [tilespmem:s3+$0xC350]  }
0x259: {  	v7 =	vld [tilespmem:s3+$0xC360]  }
0x25a: {  	v8 =	vld [tilespmem:s3+$0xC370]  }
0x25b: {  	v9 =	vld [tilespmem:s3+$0xC380]  }
0x25c: {  	v10 =	vld [tilespmem:s3+$0xC390]  }
0x25d: {  	v11 =	vld [tilespmem:s3+$0xC3A0]  }
0x25e: {  	v12 =	vld [tilespmem:s3+$0xC3B0]  }
0x25f: {  	v13 =	vld [tilespmem:s3+$0xC3C0]  }
0x260: {  	v14 =	vld [tilespmem:s3+$0xC3D0]  }
0x261: {  	v0 =	vld [tilespmem:s3+$0xC3E0]  }
0x262: {  	[tilespmem:s3+$0x300] =	vst.add.f32.msk $0xffff, v1  }
0x263: {  	[tilespmem:s3+$0x310] =	vst.add.f32.msk $0xffff, v2  }
0x264: {  	[tilespmem:s3+$0x320] =	vst.add.f32.msk $0xffff, v3  }
0x265: {  	[tilespmem:s3+$0x330] =	vst.add.f32.msk $0xffff, v4  }
0x266: {  	[tilespmem:s3+$0x340] =	vst.add.f32.msk $0xffff, v5  }
0x267: {  	[tilespmem:s3+$0x350] =	vst.add.f32.msk $0xffff, v6  }
0x268: {  	[tilespmem:s3+$0x360] =	vst.add.f32.msk $0xffff, v7  }
0x269: {  	[tilespmem:s3+$0x370] =	vst.add.f32.msk $0xffff, v8  }
0x26a: {  	[tilespmem:s3+$0x380] =	vst.add.f32.msk $0xffff, v9  }
.Ltmp7:
0x26b: {  	[tilespmem:s3+$0x390] =	vst.add.f32.msk $0xffff, v10;
	(pc) =	sbr.rel @p1 .LBB2_16-.Ltmp7, $4  }
0x26c: {  	[tilespmem:s3+$0x3A0] =	vst.add.f32.msk $0xffff, v11  }
0x26d: {  	[tilespmem:s3+$0x3B0] =	vst.add.f32.msk $0xffff, v12  }
0x26e: {  	[tilespmem:s3+$0x3C0] =	vst.add.f32.msk $0xffff, v13  }
0x26f: {  	s7 =	sadd.s32 $0x400, s7;
	[tilespmem:s3+$0x3D0] =	vst.add.f32.msk $0xffff, v14  }
0x270: {  	[tilespmem:s3+$0x3E0] =	vst.add.f32.msk $0xffff, v0;
	s12 =	rddreg [dreg:$0xe]  }
0x271: {  	[hbm4b:s12+s11] =	stream.linear.scatter [tilespmem:s29], [sflag:$0x7], $0x4000, $0x38;
	[tilespmem:$0x18300] =	vst v63  }
0x272: {  	_ =	swait.ge [sflag:s21], $0x4000  }
0x273: {  	[sflag:s21] =	ssyncset.done $0x0  }
0x274: {  	[sflag:s21] =	ssyncadd.s32 $0xFFFFC000  }
0x275: {  	_ =	swait.ge [sflag:s21], $0x4000  }
0x276: {  	[sflag:s21] =	ssyncset.done $0x0  }
0x277: {  	[sflag:s21] =	ssyncadd.s32 $0xFFFFC000  }
0x278: {  	_ =	swait.ge [sflag:s23], $0x4000  }
0x279: {  	[sflag:s23] =	ssyncset.done $0x0  }
0x27a: {  	[sflag:s23] =	ssyncadd.s32 $0xFFFFC000  }
0x27b: {  	_ =	swait.ge [sflag:s23], $0x4000  }
0x27c: {  	[sflag:s23] =	ssyncset.done $0x0  }
0x27d: {  	[sflag:s23] =	ssyncadd.s32 $0xFFFFC000  }
0x27e: {  	_ =	swait.ge [sflag:s26], $0x100  }
0x27f: {  	[sflag:s26] =	ssyncset.done $0x0  }
0x280: {  	[sflag:s26] =	ssyncadd.s32 $0xFFFFFF00  }
0x281: {  	_ =	swait.ge [sflag:s22], $0x4000  }
0x282: {  	s4 =	rddreg [dreg:$0x10]  }
0x283: {  	s13 =	rddreg [dreg:$0xf];
	s4 =	sadd.s32 $0x1, s4  }
0x284: {  	p1 =	sne.s32 s4, s13  }
.Ltmp8:
0x285: {  	_ = 	snop;
	(pc) =	sbr.rel @p1 .LBB2_1-.Ltmp8, $3  }
0x286: {  	_ =	sdelay $0x1  }
0x287: {  	[sflag:s22] =	ssyncset.done $0x0  }
0x288: {  	[sflag:s22] =	ssyncadd.s32 $0xFFFFC000  }
0x289: {  	_ =	sfence.sel $0x180000  }
0x28a: {  	[bflag:$0x0] =	sbarrier.arrive $0xFFFF  }
0x28b: {  	_ =	strace $0x90000047  }
0x28c: {  	s0 =	stileid.u32;
	[bflag:$0x2] =	sbarrier.arrive $0xFFFF  }
0x28d: {  	p0 =	sne.s32 s0, $0x0;
	s0 =	rddreg [dreg:$0x3]  }
0x28e: {  	s0 =	sadd.s32 @!p0 $0x100000, s0  }
0x28f: {  	[sflag:s0] =	ssyncadd.tile.s32 @!p0 $0x1;
	_ =	shalt  }
.Lfunc_end2:
_tile_overlayer_lowered:
.L_overlay_start_2:
0x290: {  	(tag) =	ssettag $0x2  }
0x291: {  	s0 =	rddreg [dreg:$0x0];
	s2 =	stileid.u32  }
0x292: {  	s1 =	rddreg [dreg:$0x1];
	p0 =	sne.s32 s2, $0x0  }
0x293: {  	s3 =	rddreg [dreg:$0x2];
	[bflag:$0x3] =	sbarrier.arrive $0xFFFF;
	s2 =	simm.s32 @!p0 $0x1C0A  }
0x294: {  	[timem:s3], [sflag:s2] =	dma.local @!p0 [hbm:s0], s1  }
0x295: {  	s0 =	simm.s32 @!p0 $0xA  }
0x296: {  	_ =	swait.ge @!p0 [sflag:s0], s1  }
0x297: {  	s1 =	ssub.s32 @!p0 $0x0, s1;
	[sflag:s0] =	ssyncset.done @!p0 $0x0  }
0x298: {  	[sflag:s0] =	ssyncadd.s32 @!p0 s1  }
0x299: {  	[bflag:$0x3] =	sbarrier.arrive $0xFFFF  }
0x29a: {  	_ =	shalt  }

</sc_bundles>
